<compile_context>
chip_gen: v7x
topology: tpu7x:2x2x1
jax: 0.10.2.dev20260603
libtpu: 0.0.44.dev20260713+nightly
codegen_flags: <defaults>
</compile_context>

<pallas_src>
import functools

import jax
import jax.numpy as jnp
from jax import lax
from jax.experimental import pallas as pl
from jax.experimental.pallas import tpu as pltpu
from jax.experimental.pallas import tpu_sc as plsc

_GRP = 16


@functools.cache
def _build(B, V, D):
    info = plsc.get_sparse_core_info()
    nw = info.num_cores * info.num_subcores
    b_per_w = B // nw
    n_grp = b_per_w // _GRP
    assert B % (nw * _GRP) == 0

    mesh = plsc.VectorSubcoreMesh(core_axis_name="c", subcore_axis_name="s")

    @functools.partial(
        pl.kernel,
        mesh=mesh,
        out_type=jax.ShapeDtypeStruct((D, B), jnp.float32),
        scratch_types=[
            pltpu.VMEM((b_per_w,), jnp.int32),
            pltpu.VMEM((2 * _GRP, D, 128), jnp.float32),
            pltpu.VMEM((D, b_per_w), jnp.float32),
            pltpu.SemaphoreType.DMA,
            pltpu.SemaphoreType.DMA,
        ],
        compiler_params=pltpu.CompilerParams(
            use_tc_tiling_on_sc=True, needs_layout_passes=False
        ),
    )
    def emb(labels_hbm, table_hbm, out_hbm, idx_v, slots, blk_v, sem0, sem1):
        wid = lax.axis_index("s") * info.num_cores + lax.axis_index("c")
        base = wid * b_per_w
        pltpu.sync_copy(labels_hbm.at[pl.ds(base, b_per_w)], idx_v)
        sems = [sem0, sem1]
        rows = lax.iota(jnp.int32, _GRP)

        def drain(parity):
            for t in range(_GRP):
                pltpu.make_async_copy(
                    table_hbm.at[:, pl.ds(0, 128)],
                    slots.at[parity * _GRP + t],
                    sems[parity],
                ).wait()

        def fire(g, parity):
            vec = idx_v[pl.ds(g * _GRP, _GRP)]
            for t in range(_GRP):
                c = vec[t]
                c0 = pl.multiple_of((c >> 7) * 128, 128)
                pltpu.async_copy(
                    table_hbm.at[:, pl.ds(c0, 128)],
                    slots.at[parity * _GRP + t],
                    sems[parity],
                )

        def pull(g, parity):
            vec = idx_v[pl.ds(g * _GRP, _GRP)]
            for t in range(_GRP):
                c = vec[t]
                lane = jnp.full((_GRP,), c & 127, jnp.int32)
                v = plsc.load_gather(slots.at[parity * _GRP + t], [rows, lane])
                col = jnp.full((_GRP,), g * _GRP + t, jnp.int32)
                plsc.store_scatter(blk_v, [rows, col], v)

        fire(0, 0)

        def body(g, carry):
            parity = lax.rem(g, 2)

            @pl.when(parity == 0)
            def _():
                fire(g, 0)
                drain(1)
                pull(g - 1, 1)

            @pl.when(parity == 1)
            def _():
                fire(g, 1)
                drain(0)
                pull(g - 1, 0)

            return carry

        lax.fori_loop(1, n_grp, body, 0)
        last = n_grp - 1
        drain(last % 2)
        pull(last, last % 2)
        pltpu.sync_copy(blk_v, out_hbm.at[:, pl.ds(base, b_per_w)])

    return emb


def kernel(labels, train, embedding_table):
    del train
    (B,) = labels.shape
    V, D = embedding_table.shape
    out_t = _build(B, V, D)(labels.astype(jnp.int32), embedding_table.T)
    return out_t.T

# --- scband reference (transcript-rebuilt; emitter-appended) ---
"""Pipeline reference for scband-label-embedder-45234595562053 (READ-ONLY COPY).

The authoritative reference and input builder live on the scoring server;
editing this copy changes nothing except your own understanding.
"""

import jax, jax.numpy as jnp
import numpy as np

NUM_CLASSES = 1000000
HIDDEN_SIZE = 16
BATCH = 16384
# dropout_prob = 0.1 > 0 -> use_cfg_embedding = True -> table has NUM_CLASSES + 1 rows

def setup_inputs(seed: int = 0) -> dict:
    key = jax.random.key(seed)
    k1, k2 = jax.random.split(key)
    labels = jax.random.randint(k1, (BATCH,), 0, NUM_CLASSES, dtype=jnp.int64 if jax.config.jax_enable_x64 else jnp.int32).astype(jnp.int32)
    embedding_table = (jax.random.normal(k2, (NUM_CLASSES + 1, HIDDEN_SIZE), dtype=jnp.float32) * 0.02)
    # train=0 (False): eval mode, so token_drop is skipped (deterministic path)
    return {"labels": labels, "train": 0, "embedding_table": embedding_table}

def reference(labels, train, embedding_table):
    # LabelEmbedder.__call__ with train=False and force_drop_ids=None:
    # dropout branch not taken, straight embedding lookup.
    embeddings = jnp.take(embedding_table, labels, axis=0)
    return embeddings

if __name__ == "__main__":
    import jax
    _d = setup_inputs()
    print(jax.jit(kernel)(*tuple(_d.values())))

</pallas_src>

<mosaic_0001>
#map = affine_map<(d0, d1) -> (0)>
#map1 = affine_map<(d0, d1) -> (0, 0)>
module attributes {stable_mosaic.version = 14 : i64} {
  func.func @emb(%arg0: i32, %arg1: i32, %arg2: memref<16384xi32, #tpu.memory_space<hbm>>, %arg3: memref<16x1000001xf32, #tpu.memory_space<hbm>>, %arg4: memref<16x16384xf32, #tpu.memory_space<hbm>>, %arg5: memref<512xi32, #tpu.memory_space<vmem>>, %arg6: memref<32x16x128xf32, #tpu.memory_space<vmem>>, %arg7: memref<16x512xf32, #tpu.memory_space<vmem>>, %arg8: memref<!tpu.dma_semaphore, #tpu.memory_space<semaphore_mem>>, %arg9: memref<!tpu.dma_semaphore, #tpu.memory_space<semaphore_mem>>) attributes {dimension_semantics = [#tpu.dimension_semantics<core_parallel>, #tpu.dimension_semantics<subcore_parallel>], iteration_bounds = array<i64: 2, 16>, scalar_prefetch = 0 : i64, scratch_operands = 5 : i64, tpu.core_type = #tpu.core_type<sc_vector_subcore>, window_params = [{transform_indices = #map}, {transform_indices = #map1}, {transform_indices = #map1}]} {
    %mul3A = arith.constant 2 : i32
    %mul3A_0 = arith.muli %arg1, %mul3A : i32
    %add3A = arith.addi %mul3A_0, %arg0 : i32
    %mul3A_1 = arith.constant 512 : i32
    %mul3A_2 = arith.muli %add3A, %mul3A_1 : i32
    "tpu.region"() ({
      %run_scoped3A = tpu.sem_alloc : memref<!tpu.dma_semaphore, #tpu.memory_space<semaphore_mem>>
      %dma_start3A_770 = tpu.memref_slice %arg2[%mul3A_2] : memref<16384xi32, #tpu.memory_space<hbm>> -> memref<512xi32, #tpu.memory_space<hbm>>
      %dma_start3A_771 = tpu.memref_slice %arg2[%mul3A_2] : memref<16384xi32, #tpu.memory_space<hbm>> -> memref<512xi32, #tpu.memory_space<hbm>>
      tpu.enqueue_dma source(%dma_start3A_771 : memref<512xi32, #tpu.memory_space<hbm>>) target(%arg5 : memref<512xi32, #tpu.memory_space<vmem>>) target_semaphore(%run_scoped3A : memref<!tpu.dma_semaphore, #tpu.memory_space<semaphore_mem>>)
      %dma_wait3A_772 = tpu.memref_slice %arg2[%mul3A_2] : memref<16384xi32, #tpu.memory_space<hbm>> -> memref<512xi32, #tpu.memory_space<hbm>>
      %dma_wait3A_773 = tpu.memref_slice %arg2[%mul3A_2] : memref<16384xi32, #tpu.memory_space<hbm>> -> memref<512xi32, #tpu.memory_space<hbm>>
      tpu.wait_dma2 semaphore(%run_scoped3A : memref<!tpu.dma_semaphore, #tpu.memory_space<semaphore_mem>>) src(%dma_wait3A_773 : memref<512xi32, #tpu.memory_space<hbm>>) dst(%arg5 : memref<512xi32, #tpu.memory_space<vmem>>)
      tpu.yield
    }) : () -> ()
    %iota3A = tpu.iota {dimensions = array<i32: 0>} : vector<16xi32>
    %get3A = arith.constant 0 : index
    %get3A_3 = tpu.vector_load %arg5[%get3A] {strides = array<i32>} : memref<512xi32, #tpu.memory_space<vmem>>, vector<16xi32>,
    %slice3A = vector.extract_strided_slice %get3A_3 {offsets = [0], sizes = [1], strides = [1]} : vector<16xi32> to vector<1xi32>
    %squeeze3A = vector.extract %slice3A[0] : i32 from vector<1xi32>
    %shift_right_arithmetic3A = arith.constant 7 : i32
    %shift_right_arithmetic3A_4 = arith.shrsi %squeeze3A, %shift_right_arithmetic3A : i32
    %mul3A_5 = arith.constant 128 : i32
    %mul3A_6 = arith.muli %shift_right_arithmetic3A_4, %mul3A_5 : i32
    %multiple_of3A = tpu.assume_multiple %mul3A_6, 128 : i32
    %dma_start3A = arith.constant 0 : i32
    %dma_start3A_7 = arith.constant 0 : i32
    %dma_start3A_8 = arith.constant 0 : i32
    %dma_start3A_9 = tpu.memref_slice %arg6[%dma_start3A, %dma_start3A_7, %dma_start3A_8] : memref<32x16x128xf32, #tpu.memory_space<vmem>> -> memref<1x16x128xf32, #tpu.memory_space<vmem>>
    %dma_start3A_10 = tpu.memref_squeeze %dma_start3A_9 : memref<1x16x128xf32, #tpu.memory_space<vmem>> -> memref<16x128xf32, #tpu.memory_space<vmem>>
    %dma_start3A_11 = arith.constant 0 : i32
    %dma_start3A_12 = tpu.memref_slice %arg3[%dma_start3A_11, %multiple_of3A] : memref<16x1000001xf32, #tpu.memory_space<hbm>> -> memref<16x128xf32, #tpu.memory_space<hbm>>
    %dma_start3A_13 = arith.constant 0 : i32
    %dma_start3A_14 = arith.constant 0 : i32
    %dma_start3A_15 = tpu.memref_slice %arg6[%dma_start3A, %dma_start3A_13, %dma_start3A_14] : memref<32x16x128xf32, #tpu.memory_space<vmem>> -> memref<1x16x128xf32, #tpu.memory_space<vmem>>
    %dma_start3A_16 = tpu.memref_squeeze %dma_start3A_15 : memref<1x16x128xf32, #tpu.memory_space<vmem>> -> memref<16x128xf32, #tpu.memory_space<vmem>>
    %dma_start3A_17 = arith.constant 0 : i32
    %dma_start3A_18 = tpu.memref_slice %arg3[%dma_start3A_17, %multiple_of3A] : memref<16x1000001xf32, #tpu.memory_space<hbm>> -> memref<16x128xf32, #tpu.memory_space<hbm>>
    tpu.enqueue_dma source(%dma_start3A_18 : memref<16x128xf32, #tpu.memory_space<hbm>>) target(%dma_start3A_16 : memref<16x128xf32, #tpu.memory_space<vmem>>) target_semaphore(%arg8 : memref<!tpu.dma_semaphore, #tpu.memory_space<semaphore_mem>>)
    %slice3A_19 = vector.extract_strided_slice %get3A_3 {offsets = [1], sizes = [1], strides = [1]} : vector<16xi32> to vector<1xi32>
    %squeeze3A_20 = vector.extract %slice3A_19[0] : i32 from vector<1xi32>
    %shift_right_arithmetic3A_21 = arith.constant 7 : i32
    %shift_right_arithmetic3A_22 = arith.shrsi %squeeze3A_20, %shift_right_arithmetic3A_21 : i32
    %mul3A_23 = arith.constant 128 : i32
    %mul3A_24 = arith.muli %shift_right_arithmetic3A_22, %mul3A_23 : i32
    %multiple_of3A_25 = tpu.assume_multiple %mul3A_24, 128 : i32
    %dma_start3A_26 = arith.constant 1 : i32
    %dma_start3A_27 = arith.constant 0 : i32
    %dma_start3A_28 = arith.constant 0 : i32
    %dma_start3A_29 = tpu.memref_slice %arg6[%dma_start3A_26, %dma_start3A_27, %dma_start3A_28] : memref<32x16x128xf32, #tpu.memory_space<vmem>> -> memref<1x16x128xf32, #tpu.memory_space<vmem>>
    %dma_start3A_30 = tpu.memref_squeeze %dma_start3A_29 : memref<1x16x128xf32, #tpu.memory_space<vmem>> -> memref<16x128xf32, #tpu.memory_space<vmem>>
    %dma_start3A_31 = arith.constant 0 : i32
    %dma_start3A_32 = tpu.memref_slice %arg3[%dma_start3A_31, %multiple_of3A_25] : memref<16x1000001xf32, #tpu.memory_space<hbm>> -> memref<16x128xf32, #tpu.memory_space<hbm>>
    %dma_start3A_33 = arith.constant 0 : i32
    %dma_start3A_34 = arith.constant 0 : i32
    %dma_start3A_35 = tpu.memref_slice %arg6[%dma_start3A_26, %dma_start3A_33, %dma_start3A_34] : memref<32x16x128xf32, #tpu.memory_space<vmem>> -> memref<1x16x128xf32, #tpu.memory_space<vmem>>
    %dma_start3A_36 = tpu.memref_squeeze %dma_start3A_35 : memref<1x16x128xf32, #tpu.memory_space<vmem>> -> memref<16x128xf32, #tpu.memory_space<vmem>>
    %dma_start3A_37 = arith.constant 0 : i32
    %dma_start3A_38 = tpu.memref_slice %arg3[%dma_start3A_37, %multiple_of3A_25] : memref<16x1000001xf32, #tpu.memory_space<hbm>> -> memref<16x128xf32, #tpu.memory_space<hbm>>
    tpu.enqueue_dma source(%dma_start3A_38 : memref<16x128xf32, #tpu.memory_space<hbm>>) target(%dma_start3A_36 : memref<16x128xf32, #tpu.memory_space<vmem>>) target_semaphore(%arg8 : memref<!tpu.dma_semaphore, #tpu.memory_space<semaphore_mem>>)
    %slice3A_39 = vector.extract_strided_slice %get3A_3 {offsets = [2], sizes = [1], strides = [1]} : vector<16xi32> to vector<1xi32>
    %squeeze3A_40 = vector.extract %slice3A_39[0] : i32 from vector<1xi32>
    %shift_right_arithmetic3A_41 = arith.constant 7 : i32
    %shift_right_arithmetic3A_42 = arith.shrsi %squeeze3A_40, %shift_right_arithmetic3A_41 : i32
    %mul3A_43 = arith.constant 128 : i32
    %mul3A_44 = arith.muli %shift_right_arithmetic3A_42, %mul3A_43 : i32
    %multiple_of3A_45 = tpu.assume_multiple %mul3A_44, 128 : i32
    %dma_start3A_46 = arith.constant 2 : i32
    %dma_start3A_47 = arith.constant 0 : i32
    %dma_start3A_48 = arith.constant 0 : i32
    %dma_start3A_49 = tpu.memref_slice %arg6[%dma_start3A_46, %dma_start3A_47, %dma_start3A_48] : memref<32x16x128xf32, #tpu.memory_space<vmem>> -> memref<1x16x128xf32, #tpu.memory_space<vmem>>
    %dma_start3A_50 = tpu.memref_squeeze %dma_start3A_49 : memref<1x16x128xf32, #tpu.memory_space<vmem>> -> memref<16x128xf32, #tpu.memory_space<vmem>>
    %dma_start3A_51 = arith.constant 0 : i32
    %dma_start3A_52 = tpu.memref_slice %arg3[%dma_start3A_51, %multiple_of3A_45] : memref<16x1000001xf32, #tpu.memory_space<hbm>> -> memref<16x128xf32, #tpu.memory_space<hbm>>
    %dma_start3A_53 = arith.constant 0 : i32
    %dma_start3A_54 = arith.constant 0 : i32
    %dma_start3A_55 = tpu.memref_slice %arg6[%dma_start3A_46, %dma_start3A_53, %dma_start3A_54] : memref<32x16x128xf32, #tpu.memory_space<vmem>> -> memref<1x16x128xf32, #tpu.memory_space<vmem>>
    %dma_start3A_56 = tpu.memref_squeeze %dma_start3A_55 : memref<1x16x128xf32, #tpu.memory_space<vmem>> -> memref<16x128xf32, #tpu.memory_space<vmem>>
    %dma_start3A_57 = arith.constant 0 : i32
    %dma_start3A_58 = tpu.memref_slice %arg3[%dma_start3A_57, %multiple_of3A_45] : memref<16x1000001xf32, #tpu.memory_space<hbm>> -> memref<16x128xf32, #tpu.memory_space<hbm>>
    tpu.enqueue_dma source(%dma_start3A_58 : memref<16x128xf32, #tpu.memory_space<hbm>>) target(%dma_start3A_56 : memref<16x128xf32, #tpu.memory_space<vmem>>) target_semaphore(%arg8 : memref<!tpu.dma_semaphore, #tpu.memory_space<semaphore_mem>>)
    %slice3A_59 = vector.extract_strided_slice %get3A_3 {offsets = [3], sizes = [1], strides = [1]} : vector<16xi32> to vector<1xi32>
    %squeeze3A_60 = vector.extract %slice3A_59[0] : i32 from vector<1xi32>
    %shift_right_arithmetic3A_61 = arith.constant 7 : i32
    %shift_right_arithmetic3A_62 = arith.shrsi %squeeze3A_60, %shift_right_arithmetic3A_61 : i32
    %mul3A_63 = arith.constant 128 : i32
    %mul3A_64 = arith.muli %shift_right_arithmetic3A_62, %mul3A_63 : i32
    %multiple_of3A_65 = tpu.assume_multiple %mul3A_64, 128 : i32
    %dma_start3A_66 = arith.constant 3 : i32
    %dma_start3A_67 = arith.constant 0 : i32
    %dma_start3A_68 = arith.constant 0 : i32
    %dma_start3A_69 = tpu.memref_slice %arg6[%dma_start3A_66, %dma_start3A_67, %dma_start3A_68] : memref<32x16x128xf32, #tpu.memory_space<vmem>> -> memref<1x16x128xf32, #tpu.memory_space<vmem>>
    %dma_start3A_70 = tpu.memref_squeeze %dma_start3A_69 : memref<1x16x128xf32, #tpu.memory_space<vmem>> -> memref<16x128xf32, #tpu.memory_space<vmem>>
    %dma_start3A_71 = arith.constant 0 : i32
    %dma_start3A_72 = tpu.memref_slice %arg3[%dma_start3A_71, %multiple_of3A_65] : memref<16x1000001xf32, #tpu.memory_space<hbm>> -> memref<16x128xf32, #tpu.memory_space<hbm>>
    %dma_start3A_73 = arith.constant 0 : i32
    %dma_start3A_74 = arith.constant 0 : i32
    %dma_start3A_75 = tpu.memref_slice %arg6[%dma_start3A_66, %dma_start3A_73, %dma_start3A_74] : memref<32x16x128xf32, #tpu.memory_space<vmem>> -> memref<1x16x128xf32, #tpu.memory_space<vmem>>
    %dma_start3A_76 = tpu.memref_squeeze %dma_start3A_75 : memref<1x16x128xf32, #tpu.memory_space<vmem>> -> memref<16x128xf32, #tpu.memory_space<vmem>>
    %dma_start3A_77 = arith.constant 0 : i32
    %dma_start3A_78 = tpu.memref_slice %arg3[%dma_start3A_77, %multiple_of3A_65] : memref<16x1000001xf32, #tpu.memory_space<hbm>> -> memref<16x128xf32, #tpu.memory_space<hbm>>
    tpu.enqueue_dma source(%dma_start3A_78 : memref<16x128xf32, #tpu.memory_space<hbm>>) target(%dma_start3A_76 : memref<16x128xf32, #tpu.memory_space<vmem>>) target_semaphore(%arg8 : memref<!tpu.dma_semaphore, #tpu.memory_space<semaphore_mem>>)
    %slice3A_79 = vector.extract_strided_slice %get3A_3 {offsets = [4], sizes = [1], strides = [1]} : vector<16xi32> to vector<1xi32>
    %squeeze3A_80 = vector.extract %slice3A_79[0] : i32 from vector<1xi32>
    %shift_right_arithmetic3A_81 = arith.constant 7 : i32
    %shift_right_arithmetic3A_82 = arith.shrsi %squeeze3A_80, %shift_right_arithmetic3A_81 : i32
    %mul3A_83 = arith.constant 128 : i32
    %mul3A_84 = arith.muli %shift_right_arithmetic3A_82, %mul3A_83 : i32
    %multiple_of3A_85 = tpu.assume_multiple %mul3A_84, 128 : i32
    %dma_start3A_86 = arith.constant 4 : i32
    %dma_start3A_87 = arith.constant 0 : i32
    %dma_start3A_88 = arith.constant 0 : i32
    %dma_start3A_89 = tpu.memref_slice %arg6[%dma_start3A_86, %dma_start3A_87, %dma_start3A_88] : memref<32x16x128xf32, #tpu.memory_space<vmem>> -> memref<1x16x128xf32, #tpu.memory_space<vmem>>
    %dma_start3A_90 = tpu.memref_squeeze %dma_start3A_89 : memref<1x16x128xf32, #tpu.memory_space<vmem>> -> memref<16x128xf32, #tpu.memory_space<vmem>>
    %dma_start3A_91 = arith.constant 0 : i32
    %dma_start3A_92 = tpu.memref_slice %arg3[%dma_start3A_91, %multiple_of3A_85] : memref<16x1000001xf32, #tpu.memory_space<hbm>> -> memref<16x128xf32, #tpu.memory_space<hbm>>
    %dma_start3A_93 = arith.constant 0 : i32
    %dma_start3A_94 = arith.constant 0 : i32
    %dma_start3A_95 = tpu.memref_slice %arg6[%dma_start3A_86, %dma_start3A_93, %dma_start3A_94] : memref<32x16x128xf32, #tpu.memory_space<vmem>> -> memref<1x16x128xf32, #tpu.memory_space<vmem>>
    %dma_start3A_96 = tpu.memref_squeeze %dma_start3A_95 : memref<1x16x128xf32, #tpu.memory_space<vmem>> -> memref<16x128xf32, #tpu.memory_space<vmem>>
    %dma_start3A_97 = arith.constant 0 : i32
    %dma_start3A_98 = tpu.memref_slice %arg3[%dma_start3A_97, %multiple_of3A_85] : memref<16x1000001xf32, #tpu.memory_space<hbm>> -> memref<16x128xf32, #tpu.memory_space<hbm>>
    tpu.enqueue_dma source(%dma_start3A_98 : memref<16x128xf32, #tpu.memory_space<hbm>>) target(%dma_start3A_96 : memref<16x128xf32, #tpu.memory_space<vmem>>) target_semaphore(%arg8 : memref<!tpu.dma_semaphore, #tpu.memory_space<semaphore_mem>>)
    %slice3A_99 = vector.extract_strided_slice %get3A_3 {offsets = [5], sizes = [1], strides = [1]} : vector<16xi32> to vector<1xi32>
    %squeeze3A_100 = vector.extract %slice3A_99[0] : i32 from vector<1xi32>
    %shift_right_arithmetic3A_101 = arith.constant 7 : i32
    %shift_right_arithmetic3A_102 = arith.shrsi %squeeze3A_100, %shift_right_arithmetic3A_101 : i32
    %mul3A_103 = arith.constant 128 : i32
    %mul3A_104 = arith.muli %shift_right_arithmetic3A_102, %mul3A_103 : i32
    %multiple_of3A_105 = tpu.assume_multiple %mul3A_104, 128 : i32
    %dma_start3A_106 = arith.constant 5 : i32
    %dma_start3A_107 = arith.constant 0 : i32
    %dma_start3A_108 = arith.constant 0 : i32
    %dma_start3A_109 = tpu.memref_slice %arg6[%dma_start3A_106, %dma_start3A_107, %dma_start3A_108] : memref<32x16x128xf32, #tpu.memory_space<vmem>> -> memref<1x16x128xf32, #tpu.memory_space<vmem>>
    %dma_start3A_110 = tpu.memref_squeeze %dma_start3A_109 : memref<1x16x128xf32, #tpu.memory_space<vmem>> -> memref<16x128xf32, #tpu.memory_space<vmem>>
    %dma_start3A_111 = arith.constant 0 : i32
    %dma_start3A_112 = tpu.memref_slice %arg3[%dma_start3A_111, %multiple_of3A_105] : memref<16x1000001xf32, #tpu.memory_space<hbm>> -> memref<16x128xf32, #tpu.memory_space<hbm>>
    %dma_start3A_113 = arith.constant 0 : i32
    %dma_start3A_114 = arith.constant 0 : i32
    %dma_start3A_115 = tpu.memref_slice %arg6[%dma_start3A_106, %dma_start3A_113, %dma_start3A_114] : memref<32x16x128xf32, #tpu.memory_space<vmem>> -> memref<1x16x128xf32, #tpu.memory_space<vmem>>
    %dma_start3A_116 = tpu.memref_squeeze %dma_start3A_115 : memref<1x16x128xf32, #tpu.memory_space<vmem>> -> memref<16x128xf32, #tpu.memory_space<vmem>>
    %dma_start3A_117 = arith.constant 0 : i32
    %dma_start3A_118 = tpu.memref_slice %arg3[%dma_start3A_117, %multiple_of3A_105] : memref<16x1000001xf32, #tpu.memory_space<hbm>> -> memref<16x128xf32, #tpu.memory_space<hbm>>
    tpu.enqueue_dma source(%dma_start3A_118 : memref<16x128xf32, #tpu.memory_space<hbm>>) target(%dma_start3A_116 : memref<16x128xf32, #tpu.memory_space<vmem>>) target_semaphore(%arg8 : memref<!tpu.dma_semaphore, #tpu.memory_space<semaphore_mem>>)
    %slice3A_119 = vector.extract_strided_slice %get3A_3 {offsets = [6], sizes = [1], strides = [1]} : vector<16xi32> to vector<1xi32>
    %squeeze3A_120 = vector.extract %slice3A_119[0] : i32 from vector<1xi32>
    %shift_right_arithmetic3A_121 = arith.constant 7 : i32
    %shift_right_arithmetic3A_122 = arith.shrsi %squeeze3A_120, %shift_right_arithmetic3A_121 : i32
    %mul3A_123 = arith.constant 128 : i32
    %mul3A_124 = arith.muli %shift_right_arithmetic3A_122, %mul3A_123 : i32
    %multiple_of3A_125 = tpu.assume_multiple %mul3A_124, 128 : i32
    %dma_start3A_126 = arith.constant 6 : i32
    %dma_start3A_127 = arith.constant 0 : i32
    %dma_start3A_128 = arith.constant 0 : i32
    %dma_start3A_129 = tpu.memref_slice %arg6[%dma_start3A_126, %dma_start3A_127, %dma_start3A_128] : memref<32x16x128xf32, #tpu.memory_space<vmem>> -> memref<1x16x128xf32, #tpu.memory_space<vmem>>
    %dma_start3A_130 = tpu.memref_squeeze %dma_start3A_129 : memref<1x16x128xf32, #tpu.memory_space<vmem>> -> memref<16x128xf32, #tpu.memory_space<vmem>>
    %dma_start3A_131 = arith.constant 0 : i32
    %dma_start3A_132 = tpu.memref_slice %arg3[%dma_start3A_131, %multiple_of3A_125] : memref<16x1000001xf32, #tpu.memory_space<hbm>> -> memref<16x128xf32, #tpu.memory_space<hbm>>
    %dma_start3A_133 = arith.constant 0 : i32
    %dma_start3A_134 = arith.constant 0 : i32
    %dma_start3A_135 = tpu.memref_slice %arg6[%dma_start3A_126, %dma_start3A_133, %dma_start3A_134] : memref<32x16x128xf32, #tpu.memory_space<vmem>> -> memref<1x16x128xf32, #tpu.memory_space<vmem>>
    %dma_start3A_136 = tpu.memref_squeeze %dma_start3A_135 : memref<1x16x128xf32, #tpu.memory_space<vmem>> -> memref<16x128xf32, #tpu.memory_space<vmem>>
    %dma_start3A_137 = arith.constant 0 : i32
    %dma_start3A_138 = tpu.memref_slice %arg3[%dma_start3A_137, %multiple_of3A_125] : memref<16x1000001xf32, #tpu.memory_space<hbm>> -> memref<16x128xf32, #tpu.memory_space<hbm>>
    tpu.enqueue_dma source(%dma_start3A_138 : memref<16x128xf32, #tpu.memory_space<hbm>>) target(%dma_start3A_136 : memref<16x128xf32, #tpu.memory_space<vmem>>) target_semaphore(%arg8 : memref<!tpu.dma_semaphore, #tpu.memory_space<semaphore_mem>>)
    %slice3A_139 = vector.extract_strided_slice %get3A_3 {offsets = [7], sizes = [1], strides = [1]} : vector<16xi32> to vector<1xi32>
    %squeeze3A_140 = vector.extract %slice3A_139[0] : i32 from vector<1xi32>
    %shift_right_arithmetic3A_141 = arith.constant 7 : i32
    %shift_right_arithmetic3A_142 = arith.shrsi %squeeze3A_140, %shift_right_arithmetic3A_141 : i32
    %mul3A_143 = arith.constant 128 : i32
    %mul3A_144 = arith.muli %shift_right_arithmetic3A_142, %mul3A_143 : i32
    %multiple_of3A_145 = tpu.assume_multiple %mul3A_144, 128 : i32
    %dma_start3A_146 = arith.constant 7 : i32
    %dma_start3A_147 = arith.constant 0 : i32
    %dma_start3A_148 = arith.constant 0 : i32
    %dma_start3A_149 = tpu.memref_slice %arg6[%dma_start3A_146, %dma_start3A_147, %dma_start3A_148] : memref<32x16x128xf32, #tpu.memory_space<vmem>> -> memref<1x16x128xf32, #tpu.memory_space<vmem>>
    %dma_start3A_150 = tpu.memref_squeeze %dma_start3A_149 : memref<1x16x128xf32, #tpu.memory_space<vmem>> -> memref<16x128xf32, #tpu.memory_space<vmem>>
    %dma_start3A_151 = arith.constant 0 : i32
    %dma_start3A_152 = tpu.memref_slice %arg3[%dma_start3A_151, %multiple_of3A_145] : memref<16x1000001xf32, #tpu.memory_space<hbm>> -> memref<16x128xf32, #tpu.memory_space<hbm>>
    %dma_start3A_153 = arith.constant 0 : i32
    %dma_start3A_154 = arith.constant 0 : i32
    %dma_start3A_155 = tpu.memref_slice %arg6[%dma_start3A_146, %dma_start3A_153, %dma_start3A_154] : memref<32x16x128xf32, #tpu.memory_space<vmem>> -> memref<1x16x128xf32, #tpu.memory_space<vmem>>
    %dma_start3A_156 = tpu.memref_squeeze %dma_start3A_155 : memref<1x16x128xf32, #tpu.memory_space<vmem>> -> memref<16x128xf32, #tpu.memory_space<vmem>>
    %dma_start3A_157 = arith.constant 0 : i32
    %dma_start3A_158 = tpu.memref_slice %arg3[%dma_start3A_157, %multiple_of3A_145] : memref<16x1000001xf32, #tpu.memory_space<hbm>> -> memref<16x128xf32, #tpu.memory_space<hbm>>
    tpu.enqueue_dma source(%dma_start3A_158 : memref<16x128xf32, #tpu.memory_space<hbm>>) target(%dma_start3A_156 : memref<16x128xf32, #tpu.memory_space<vmem>>) target_semaphore(%arg8 : memref<!tpu.dma_semaphore, #tpu.memory_space<semaphore_mem>>)
    %slice3A_159 = vector.extract_strided_slice %get3A_3 {offsets = [8], sizes = [1], strides = [1]} : vector<16xi32> to vector<1xi32>
    %squeeze3A_160 = vector.extract %slice3A_159[0] : i32 from vector<1xi32>
    %shift_right_arithmetic3A_161 = arith.constant 7 : i32
    %shift_right_arithmetic3A_162 = arith.shrsi %squeeze3A_160, %shift_right_arithmetic3A_161 : i32
    %mul3A_163 = arith.constant 128 : i32
    %mul3A_164 = arith.muli %shift_right_arithmetic3A_162, %mul3A_163 : i32
    %multiple_of3A_165 = tpu.assume_multiple %mul3A_164, 128 : i32
    %dma_start3A_166 = arith.constant 8 : i32
    %dma_start3A_167 = arith.constant 0 : i32
    %dma_start3A_168 = arith.constant 0 : i32
    %dma_start3A_169 = tpu.memref_slice %arg6[%dma_start3A_166, %dma_start3A_167, %dma_start3A_168] : memref<32x16x128xf32, #tpu.memory_space<vmem>> -> memref<1x16x128xf32, #tpu.memory_space<vmem>>
    %dma_start3A_170 = tpu.memref_squeeze %dma_start3A_169 : memref<1x16x128xf32, #tpu.memory_space<vmem>> -> memref<16x128xf32, #tpu.memory_space<vmem>>
    %dma_start3A_171 = arith.constant 0 : i32
    %dma_start3A_172 = tpu.memref_slice %arg3[%dma_start3A_171, %multiple_of3A_165] : memref<16x1000001xf32, #tpu.memory_space<hbm>> -> memref<16x128xf32, #tpu.memory_space<hbm>>
    %dma_start3A_173 = arith.constant 0 : i32
    %dma_start3A_174 = arith.constant 0 : i32
    %dma_start3A_175 = tpu.memref_slice %arg6[%dma_start3A_166, %dma_start3A_173, %dma_start3A_174] : memref<32x16x128xf32, #tpu.memory_space<vmem>> -> memref<1x16x128xf32, #tpu.memory_space<vmem>>
    %dma_start3A_176 = tpu.memref_squeeze %dma_start3A_175 : memref<1x16x128xf32, #tpu.memory_space<vmem>> -> memref<16x128xf32, #tpu.memory_space<vmem>>
    %dma_start3A_177 = arith.constant 0 : i32
    %dma_start3A_178 = tpu.memref_slice %arg3[%dma_start3A_177, %multiple_of3A_165] : memref<16x1000001xf32, #tpu.memory_space<hbm>> -> memref<16x128xf32, #tpu.memory_space<hbm>>
    tpu.enqueue_dma source(%dma_start3A_178 : memref<16x128xf32, #tpu.memory_space<hbm>>) target(%dma_start3A_176 : memref<16x128xf32, #tpu.memory_space<vmem>>) target_semaphore(%arg8 : memref<!tpu.dma_semaphore, #tpu.memory_space<semaphore_mem>>)
    %slice3A_179 = vector.extract_strided_slice %get3A_3 {offsets = [9], sizes = [1], strides = [1]} : vector<16xi32> to vector<1xi32>
    %squeeze3A_180 = vector.extract %slice3A_179[0] : i32 from vector<1xi32>
    %shift_right_arithmetic3A_181 = arith.constant 7 : i32
    %shift_right_arithmetic3A_182 = arith.shrsi %squeeze3A_180, %shift_right_arithmetic3A_181 : i32
    %mul3A_183 = arith.constant 128 : i32
    %mul3A_184 = arith.muli %shift_right_arithmetic3A_182, %mul3A_183 : i32
    %multiple_of3A_185 = tpu.assume_multiple %mul3A_184, 128 : i32
    %dma_start3A_186 = arith.constant 9 : i32
    %dma_start3A_187 = arith.constant 0 : i32
    %dma_start3A_188 = arith.constant 0 : i32
    %dma_start3A_189 = tpu.memref_slice %arg6[%dma_start3A_186, %dma_start3A_187, %dma_start3A_188] : memref<32x16x128xf32, #tpu.memory_space<vmem>> -> memref<1x16x128xf32, #tpu.memory_space<vmem>>
    %dma_start3A_190 = tpu.memref_squeeze %dma_start3A_189 : memref<1x16x128xf32, #tpu.memory_space<vmem>> -> memref<16x128xf32, #tpu.memory_space<vmem>>
    %dma_start3A_191 = arith.constant 0 : i32
    %dma_start3A_192 = tpu.memref_slice %arg3[%dma_start3A_191, %multiple_of3A_185] : memref<16x1000001xf32, #tpu.memory_space<hbm>> -> memref<16x128xf32, #tpu.memory_space<hbm>>
    %dma_start3A_193 = arith.constant 0 : i32
    %dma_start3A_194 = arith.constant 0 : i32
    %dma_start3A_195 = tpu.memref_slice %arg6[%dma_start3A_186, %dma_start3A_193, %dma_start3A_194] : memref<32x16x128xf32, #tpu.memory_space<vmem>> -> memref<1x16x128xf32, #tpu.memory_space<vmem>>
    %dma_start3A_196 = tpu.memref_squeeze %dma_start3A_195 : memref<1x16x128xf32, #tpu.memory_space<vmem>> -> memref<16x128xf32, #tpu.memory_space<vmem>>
    %dma_start3A_197 = arith.constant 0 : i32
    %dma_start3A_198 = tpu.memref_slice %arg3[%dma_start3A_197, %multiple_of3A_185] : memref<16x1000001xf32, #tpu.memory_space<hbm>> -> memref<16x128xf32, #tpu.memory_space<hbm>>
    tpu.enqueue_dma source(%dma_start3A_198 : memref<16x128xf32, #tpu.memory_space<hbm>>) target(%dma_start3A_196 : memref<16x128xf32, #tpu.memory_space<vmem>>) target_semaphore(%arg8 : memref<!tpu.dma_semaphore, #tpu.memory_space<semaphore_mem>>)
    %slice3A_199 = vector.extract_strided_slice %get3A_3 {offsets = [10], sizes = [1], strides = [1]} : vector<16xi32> to vector<1xi32>
    %squeeze3A_200 = vector.extract %slice3A_199[0] : i32 from vector<1xi32>
    %shift_right_arithmetic3A_201 = arith.constant 7 : i32
    %shift_right_arithmetic3A_202 = arith.shrsi %squeeze3A_200, %shift_right_arithmetic3A_201 : i32
    %mul3A_203 = arith.constant 128 : i32
    %mul3A_204 = arith.muli %shift_right_arithmetic3A_202, %mul3A_203 : i32
    %multiple_of3A_205 = tpu.assume_multiple %mul3A_204, 128 : i32
    %dma_start3A_206 = arith.constant 10 : i32
    %dma_start3A_207 = arith.constant 0 : i32
    %dma_start3A_208 = arith.constant 0 : i32
    %dma_start3A_209 = tpu.memref_slice %arg6[%dma_start3A_206, %dma_start3A_207, %dma_start3A_208] : memref<32x16x128xf32, #tpu.memory_space<vmem>> -> memref<1x16x128xf32, #tpu.memory_space<vmem>>
    %dma_start3A_210 = tpu.memref_squeeze %dma_start3A_209 : memref<1x16x128xf32, #tpu.memory_space<vmem>> -> memref<16x128xf32, #tpu.memory_space<vmem>>
    %dma_start3A_211 = arith.constant 0 : i32
    %dma_start3A_212 = tpu.memref_slice %arg3[%dma_start3A_211, %multiple_of3A_205] : memref<16x1000001xf32, #tpu.memory_space<hbm>> -> memref<16x128xf32, #tpu.memory_space<hbm>>
    %dma_start3A_213 = arith.constant 0 : i32
    %dma_start3A_214 = arith.constant 0 : i32
    %dma_start3A_215 = tpu.memref_slice %arg6[%dma_start3A_206, %dma_start3A_213, %dma_start3A_214] : memref<32x16x128xf32, #tpu.memory_space<vmem>> -> memref<1x16x128xf32, #tpu.memory_space<vmem>>
    %dma_start3A_216 = tpu.memref_squeeze %dma_start3A_215 : memref<1x16x128xf32, #tpu.memory_space<vmem>> -> memref<16x128xf32, #tpu.memory_space<vmem>>
    %dma_start3A_217 = arith.constant 0 : i32
    %dma_start3A_218 = tpu.memref_slice %arg3[%dma_start3A_217, %multiple_of3A_205] : memref<16x1000001xf32, #tpu.memory_space<hbm>> -> memref<16x128xf32, #tpu.memory_space<hbm>>
    tpu.enqueue_dma source(%dma_start3A_218 : memref<16x128xf32, #tpu.memory_space<hbm>>) target(%dma_start3A_216 : memref<16x128xf32, #tpu.memory_space<vmem>>) target_semaphore(%arg8 : memref<!tpu.dma_semaphore, #tpu.memory_space<semaphore_mem>>)
    %slice3A_219 = vector.extract_strided_slice %get3A_3 {offsets = [11], sizes = [1], strides = [1]} : vector<16xi32> to vector<1xi32>
    %squeeze3A_220 = vector.extract %slice3A_219[0] : i32 from vector<1xi32>
    %shift_right_arithmetic3A_221 = arith.constant 7 : i32
    %shift_right_arithmetic3A_222 = arith.shrsi %squeeze3A_220, %shift_right_arithmetic3A_221 : i32
    %mul3A_223 = arith.constant 128 : i32
    %mul3A_224 = arith.muli %shift_right_arithmetic3A_222, %mul3A_223 : i32
    %multiple_of3A_225 = tpu.assume_multiple %mul3A_224, 128 : i32
    %dma_start3A_226 = arith.constant 11 : i32
    %dma_start3A_227 = arith.constant 0 : i32
    %dma_start3A_228 = arith.constant 0 : i32
    %dma_start3A_229 = tpu.memref_slice %arg6[%dma_start3A_226, %dma_start3A_227, %dma_start3A_228] : memref<32x16x128xf32, #tpu.memory_space<vmem>> -> memref<1x16x128xf32, #tpu.memory_space<vmem>>
    %dma_start3A_230 = tpu.memref_squeeze %dma_start3A_229 : memref<1x16x128xf32, #tpu.memory_space<vmem>> -> memref<16x128xf32, #tpu.memory_space<vmem>>
    %dma_start3A_231 = arith.constant 0 : i32
    %dma_start3A_232 = tpu.memref_slice %arg3[%dma_start3A_231, %multiple_of3A_225] : memref<16x1000001xf32, #tpu.memory_space<hbm>> -> memref<16x128xf32, #tpu.memory_space<hbm>>
    %dma_start3A_233 = arith.constant 0 : i32
    %dma_start3A_234 = arith.constant 0 : i32
    %dma_start3A_235 = tpu.memref_slice %arg6[%dma_start3A_226, %dma_start3A_233, %dma_start3A_234] : memref<32x16x128xf32, #tpu.memory_space<vmem>> -> memref<1x16x128xf32, #tpu.memory_space<vmem>>
    %dma_start3A_236 = tpu.memref_squeeze %dma_start3A_235 : memref<1x16x128xf32, #tpu.memory_space<vmem>> -> memref<16x128xf32, #tpu.memory_space<vmem>>
    %dma_start3A_237 = arith.constant 0 : i32
    %dma_start3A_238 = tpu.memref_slice %arg3[%dma_start3A_237, %multiple_of3A_225] : memref<16x1000001xf32, #tpu.memory_space<hbm>> -> memref<16x128xf32, #tpu.memory_space<hbm>>
    tpu.enqueue_dma source(%dma_start3A_238 : memref<16x128xf32, #tpu.memory_space<hbm>>) target(%dma_start3A_236 : memref<16x128xf32, #tpu.memory_space<vmem>>) target_semaphore(%arg8 : memref<!tpu.dma_semaphore, #tpu.memory_space<semaphore_mem>>)
    %slice3A_239 = vector.extract_strided_slice %get3A_3 {offsets = [12], sizes = [1], strides = [1]} : vector<16xi32> to vector<1xi32>
    %squeeze3A_240 = vector.extract %slice3A_239[0] : i32 from vector<1xi32>
    %shift_right_arithmetic3A_241 = arith.constant 7 : i32
    %shift_right_arithmetic3A_242 = arith.shrsi %squeeze3A_240, %shift_right_arithmetic3A_241 : i32
    %mul3A_243 = arith.constant 128 : i32
    %mul3A_244 = arith.muli %shift_right_arithmetic3A_242, %mul3A_243 : i32
    %multiple_of3A_245 = tpu.assume_multiple %mul3A_244, 128 : i32
    %dma_start3A_246 = arith.constant 12 : i32
    %dma_start3A_247 = arith.constant 0 : i32
    %dma_start3A_248 = arith.constant 0 : i32
    %dma_start3A_249 = tpu.memref_slice %arg6[%dma_start3A_246, %dma_start3A_247, %dma_start3A_248] : memref<32x16x128xf32, #tpu.memory_space<vmem>> -> memref<1x16x128xf32, #tpu.memory_space<vmem>>
    %dma_start3A_250 = tpu.memref_squeeze %dma_start3A_249 : memref<1x16x128xf32, #tpu.memory_space<vmem>> -> memref<16x128xf32, #tpu.memory_space<vmem>>
    %dma_start3A_251 = arith.constant 0 : i32
    %dma_start3A_252 = tpu.memref_slice %arg3[%dma_start3A_251, %multiple_of3A_245] : memref<16x1000001xf32, #tpu.memory_space<hbm>> -> memref<16x128xf32, #tpu.memory_space<hbm>>
    %dma_start3A_253 = arith.constant 0 : i32
    %dma_start3A_254 = arith.constant 0 : i32
    %dma_start3A_255 = tpu.memref_slice %arg6[%dma_start3A_246, %dma_start3A_253, %dma_start3A_254] : memref<32x16x128xf32, #tpu.memory_space<vmem>> -> memref<1x16x128xf32, #tpu.memory_space<vmem>>
    %dma_start3A_256 = tpu.memref_squeeze %dma_start3A_255 : memref<1x16x128xf32, #tpu.memory_space<vmem>> -> memref<16x128xf32, #tpu.memory_space<vmem>>
    %dma_start3A_257 = arith.constant 0 : i32
    %dma_start3A_258 = tpu.memref_slice %arg3[%dma_start3A_257, %multiple_of3A_245] : memref<16x1000001xf32, #tpu.memory_space<hbm>> -> memref<16x128xf32, #tpu.memory_space<hbm>>
    tpu.enqueue_dma source(%dma_start3A_258 : memref<16x128xf32, #tpu.memory_space<hbm>>) target(%dma_start3A_256 : memref<16x128xf32, #tpu.memory_space<vmem>>) target_semaphore(%arg8 : memref<!tpu.dma_semaphore, #tpu.memory_space<semaphore_mem>>)
    %slice3A_259 = vector.extract_strided_slice %get3A_3 {offsets = [13], sizes = [1], strides = [1]} : vector<16xi32> to vector<1xi32>
    %squeeze3A_260 = vector.extract %slice3A_259[0] : i32 from vector<1xi32>
    %shift_right_arithmetic3A_261 = arith.constant 7 : i32
    %shift_right_arithmetic3A_262 = arith.shrsi %squeeze3A_260, %shift_right_arithmetic3A_261 : i32
    %mul3A_263 = arith.constant 128 : i32
    %mul3A_264 = arith.muli %shift_right_arithmetic3A_262, %mul3A_263 : i32
    %multiple_of3A_265 = tpu.assume_multiple %mul3A_264, 128 : i32
    %dma_start3A_266 = arith.constant 13 : i32
    %dma_start3A_267 = arith.constant 0 : i32
    %dma_start3A_268 = arith.constant 0 : i32
    %dma_start3A_269 = tpu.memref_slice %arg6[%dma_start3A_266, %dma_start3A_267, %dma_start3A_268] : memref<32x16x128xf32, #tpu.memory_space<vmem>> -> memref<1x16x128xf32, #tpu.memory_space<vmem>>
    %dma_start3A_270 = tpu.memref_squeeze %dma_start3A_269 : memref<1x16x128xf32, #tpu.memory_space<vmem>> -> memref<16x128xf32, #tpu.memory_space<vmem>>
    %dma_start3A_271 = arith.constant 0 : i32
    %dma_start3A_272 = tpu.memref_slice %arg3[%dma_start3A_271, %multiple_of3A_265] : memref<16x1000001xf32, #tpu.memory_space<hbm>> -> memref<16x128xf32, #tpu.memory_space<hbm>>
    %dma_start3A_273 = arith.constant 0 : i32
    %dma_start3A_274 = arith.constant 0 : i32
    %dma_start3A_275 = tpu.memref_slice %arg6[%dma_start3A_266, %dma_start3A_273, %dma_start3A_274] : memref<32x16x128xf32, #tpu.memory_space<vmem>> -> memref<1x16x128xf32, #tpu.memory_space<vmem>>
    %dma_start3A_276 = tpu.memref_squeeze %dma_start3A_275 : memref<1x16x128xf32, #tpu.memory_space<vmem>> -> memref<16x128xf32, #tpu.memory_space<vmem>>
    %dma_start3A_277 = arith.constant 0 : i32
    %dma_start3A_278 = tpu.memref_slice %arg3[%dma_start3A_277, %multiple_of3A_265] : memref<16x1000001xf32, #tpu.memory_space<hbm>> -> memref<16x128xf32, #tpu.memory_space<hbm>>
    tpu.enqueue_dma source(%dma_start3A_278 : memref<16x128xf32, #tpu.memory_space<hbm>>) target(%dma_start3A_276 : memref<16x128xf32, #tpu.memory_space<vmem>>) target_semaphore(%arg8 : memref<!tpu.dma_semaphore, #tpu.memory_space<semaphore_mem>>)
    %slice3A_279 = vector.extract_strided_slice %get3A_3 {offsets = [14], sizes = [1], strides = [1]} : vector<16xi32> to vector<1xi32>
    %squeeze3A_280 = vector.extract %slice3A_279[0] : i32 from vector<1xi32>
    %shift_right_arithmetic3A_281 = arith.constant 7 : i32
    %shift_right_arithmetic3A_282 = arith.shrsi %squeeze3A_280, %shift_right_arithmetic3A_281 : i32
    %mul3A_283 = arith.constant 128 : i32
    %mul3A_284 = arith.muli %shift_right_arithmetic3A_282, %mul3A_283 : i32
    %multiple_of3A_285 = tpu.assume_multiple %mul3A_284, 128 : i32
    %dma_start3A_286 = arith.constant 14 : i32
    %dma_start3A_287 = arith.constant 0 : i32
    %dma_start3A_288 = arith.constant 0 : i32
    %dma_start3A_289 = tpu.memref_slice %arg6[%dma_start3A_286, %dma_start3A_287, %dma_start3A_288] : memref<32x16x128xf32, #tpu.memory_space<vmem>> -> memref<1x16x128xf32, #tpu.memory_space<vmem>>
    %dma_start3A_290 = tpu.memref_squeeze %dma_start3A_289 : memref<1x16x128xf32, #tpu.memory_space<vmem>> -> memref<16x128xf32, #tpu.memory_space<vmem>>
    %dma_start3A_291 = arith.constant 0 : i32
    %dma_start3A_292 = tpu.memref_slice %arg3[%dma_start3A_291, %multiple_of3A_285] : memref<16x1000001xf32, #tpu.memory_space<hbm>> -> memref<16x128xf32, #tpu.memory_space<hbm>>
    %dma_start3A_293 = arith.constant 0 : i32
    %dma_start3A_294 = arith.constant 0 : i32
    %dma_start3A_295 = tpu.memref_slice %arg6[%dma_start3A_286, %dma_start3A_293, %dma_start3A_294] : memref<32x16x128xf32, #tpu.memory_space<vmem>> -> memref<1x16x128xf32, #tpu.memory_space<vmem>>
    %dma_start3A_296 = tpu.memref_squeeze %dma_start3A_295 : memref<1x16x128xf32, #tpu.memory_space<vmem>> -> memref<16x128xf32, #tpu.memory_space<vmem>>
    %dma_start3A_297 = arith.constant 0 : i32
    %dma_start3A_298 = tpu.memref_slice %arg3[%dma_start3A_297, %multiple_of3A_285] : memref<16x1000001xf32, #tpu.memory_space<hbm>> -> memref<16x128xf32, #tpu.memory_space<hbm>>
    tpu.enqueue_dma source(%dma_start3A_298 : memref<16x128xf32, #tpu.memory_space<hbm>>) target(%dma_start3A_296 : memref<16x128xf32, #tpu.memory_space<vmem>>) target_semaphore(%arg8 : memref<!tpu.dma_semaphore, #tpu.memory_space<semaphore_mem>>)
    %slice3A_299 = vector.extract_strided_slice %get3A_3 {offsets = [15], sizes = [1], strides = [1]} : vector<16xi32> to vector<1xi32>
    %squeeze3A_300 = vector.extract %slice3A_299[0] : i32 from vector<1xi32>
    %shift_right_arithmetic3A_301 = arith.constant 7 : i32
    %shift_right_arithmetic3A_302 = arith.shrsi %squeeze3A_300, %shift_right_arithmetic3A_301 : i32
    %mul3A_303 = arith.constant 128 : i32
    %mul3A_304 = arith.muli %shift_right_arithmetic3A_302, %mul3A_303 : i32
    %multiple_of3A_305 = tpu.assume_multiple %mul3A_304, 128 : i32
    %dma_start3A_306 = arith.constant 15 : i32
    %dma_start3A_307 = arith.constant 0 : i32
    %dma_start3A_308 = arith.constant 0 : i32
    %dma_start3A_309 = tpu.memref_slice %arg6[%dma_start3A_306, %dma_start3A_307, %dma_start3A_308] : memref<32x16x128xf32, #tpu.memory_space<vmem>> -> memref<1x16x128xf32, #tpu.memory_space<vmem>>
    %dma_start3A_310 = tpu.memref_squeeze %dma_start3A_309 : memref<1x16x128xf32, #tpu.memory_space<vmem>> -> memref<16x128xf32, #tpu.memory_space<vmem>>
    %dma_start3A_311 = arith.constant 0 : i32
    %dma_start3A_312 = tpu.memref_slice %arg3[%dma_start3A_311, %multiple_of3A_305] : memref<16x1000001xf32, #tpu.memory_space<hbm>> -> memref<16x128xf32, #tpu.memory_space<hbm>>
    %dma_start3A_313 = arith.constant 0 : i32
    %dma_start3A_314 = arith.constant 0 : i32
    %dma_start3A_315 = tpu.memref_slice %arg6[%dma_start3A_306, %dma_start3A_313, %dma_start3A_314] : memref<32x16x128xf32, #tpu.memory_space<vmem>> -> memref<1x16x128xf32, #tpu.memory_space<vmem>>
    %dma_start3A_316 = tpu.memref_squeeze %dma_start3A_315 : memref<1x16x128xf32, #tpu.memory_space<vmem>> -> memref<16x128xf32, #tpu.memory_space<vmem>>
    %dma_start3A_317 = arith.constant 0 : i32
    %dma_start3A_318 = tpu.memref_slice %arg3[%dma_start3A_317, %multiple_of3A_305] : memref<16x1000001xf32, #tpu.memory_space<hbm>> -> memref<16x128xf32, #tpu.memory_space<hbm>>
    tpu.enqueue_dma source(%dma_start3A_318 : memref<16x128xf32, #tpu.memory_space<hbm>>) target(%dma_start3A_316 : memref<16x128xf32, #tpu.memory_space<vmem>>) target_semaphore(%arg8 : memref<!tpu.dma_semaphore, #tpu.memory_space<semaphore_mem>>)
    %scan3A = arith.constant 0 : i32
    %scan3A_319 = arith.constant 1 : i32
    %scan3A_320 = arith.constant 31 : i32
    %scan3A_321 = arith.addi %scan3A_319, %scan3A_320 : i32
    %scan3A_322 = arith.constant 1 : i32
    scf.for %scan3A_770 = %scan3A_319 to %scan3A_321 step %scan3A_322  : i32 {
      %rem3A = arith.constant 2 : i32
      %rem3A_771 = arith.remsi %scan3A_770, %rem3A : i32
      %eq3A = arith.constant 0 : i32
      %eq3A_772 = arith.cmpi eq, %rem3A_771, %eq3A : i32
      %convert_element_type3A = arith.extui %eq3A_772 : i1 to i32
      %cond3A = arith.constant 0 : i32
      %cond3A_773 = arith.cmpi ne, %convert_element_type3A, %cond3A : i32
      scf.if %cond3A_773 {
        %mul3A_779 = arith.constant 16 : i32
        %mul3A_780 = arith.muli %scan3A_770, %mul3A_779 : i32
        %get3A_781 = arith.index_cast %mul3A_780 : i32 to index
        %get3A_782 = tpu.vector_load %arg5[%get3A_781] {strides = array<i32>} : memref<512xi32, #tpu.memory_space<vmem>>, vector<16xi32>,
        %slice3A_783 = vector.extract_strided_slice %get3A_782 {offsets = [0], sizes = [1], strides = [1]} : vector<16xi32> to vector<1xi32>
        %squeeze3A_784 = vector.extract %slice3A_783[0] : i32 from vector<1xi32>
        %shift_right_arithmetic3A_785 = arith.constant 7 : i32
        %shift_right_arithmetic3A_786 = arith.shrsi %squeeze3A_784, %shift_right_arithmetic3A_785 : i32
        %mul3A_787 = arith.constant 128 : i32
        %mul3A_788 = arith.muli %shift_right_arithmetic3A_786, %mul3A_787 : i32
        %multiple_of3A_789 = tpu.assume_multiple %mul3A_788, 128 : i32
        %dma_start3A_790 = arith.constant 0 : i32
        %dma_start3A_791 = arith.constant 0 : i32
        %dma_start3A_792 = arith.constant 0 : i32
        %dma_start3A_793 = tpu.memref_slice %arg6[%dma_start3A_790, %dma_start3A_791, %dma_start3A_792] : memref<32x16x128xf32, #tpu.memory_space<vmem>> -> memref<1x16x128xf32, #tpu.memory_space<vmem>>
        %dma_start3A_794 = tpu.memref_squeeze %dma_start3A_793 : memref<1x16x128xf32, #tpu.memory_space<vmem>> -> memref<16x128xf32, #tpu.memory_space<vmem>>
        %dma_start3A_795 = arith.constant 0 : i32
        %dma_start3A_796 = tpu.memref_slice %arg3[%dma_start3A_795, %multiple_of3A_789] : memref<16x1000001xf32, #tpu.memory_space<hbm>> -> memref<16x128xf32, #tpu.memory_space<hbm>>
        %dma_start3A_797 = arith.constant 0 : i32
        %dma_start3A_798 = arith.constant 0 : i32
        %dma_start3A_799 = tpu.memref_slice %arg6[%dma_start3A_790, %dma_start3A_797, %dma_start3A_798] : memref<32x16x128xf32, #tpu.memory_space<vmem>> -> memref<1x16x128xf32, #tpu.memory_space<vmem>>
        %dma_start3A_800 = tpu.memref_squeeze %dma_start3A_799 : memref<1x16x128xf32, #tpu.memory_space<vmem>> -> memref<16x128xf32, #tpu.memory_space<vmem>>
        %dma_start3A_801 = arith.constant 0 : i32
        %dma_start3A_802 = tpu.memref_slice %arg3[%dma_start3A_801, %multiple_of3A_789] : memref<16x1000001xf32, #tpu.memory_space<hbm>> -> memref<16x128xf32, #tpu.memory_space<hbm>>
        tpu.enqueue_dma source(%dma_start3A_802 : memref<16x128xf32, #tpu.memory_space<hbm>>) target(%dma_start3A_800 : memref<16x128xf32, #tpu.memory_space<vmem>>) target_semaphore(%arg8 : memref<!tpu.dma_semaphore, #tpu.memory_space<semaphore_mem>>)
        %slice3A_803 = vector.extract_strided_slice %get3A_782 {offsets = [1], sizes = [1], strides = [1]} : vector<16xi32> to vector<1xi32>
        %squeeze3A_804 = vector.extract %slice3A_803[0] : i32 from vector<1xi32>
        %shift_right_arithmetic3A_805 = arith.constant 7 : i32
        %shift_right_arithmetic3A_806 = arith.shrsi %squeeze3A_804, %shift_right_arithmetic3A_805 : i32
        %mul3A_807 = arith.constant 128 : i32
        %mul3A_808 = arith.muli %shift_right_arithmetic3A_806, %mul3A_807 : i32
        %multiple_of3A_809 = tpu.assume_multiple %mul3A_808, 128 : i32
        %dma_start3A_810 = arith.constant 1 : i32
        %dma_start3A_811 = arith.constant 0 : i32
        %dma_start3A_812 = arith.constant 0 : i32
        %dma_start3A_813 = tpu.memref_slice %arg6[%dma_start3A_810, %dma_start3A_811, %dma_start3A_812] : memref<32x16x128xf32, #tpu.memory_space<vmem>> -> memref<1x16x128xf32, #tpu.memory_space<vmem>>
        %dma_start3A_814 = tpu.memref_squeeze %dma_start3A_813 : memref<1x16x128xf32, #tpu.memory_space<vmem>> -> memref<16x128xf32, #tpu.memory_space<vmem>>
        %dma_start3A_815 = arith.constant 0 : i32
        %dma_start3A_816 = tpu.memref_slice %arg3[%dma_start3A_815, %multiple_of3A_809] : memref<16x1000001xf32, #tpu.memory_space<hbm>> -> memref<16x128xf32, #tpu.memory_space<hbm>>
        %dma_start3A_817 = arith.constant 0 : i32
        %dma_start3A_818 = arith.constant 0 : i32
        %dma_start3A_819 = tpu.memref_slice %arg6[%dma_start3A_810, %dma_start3A_817, %dma_start3A_818] : memref<32x16x128xf32, #tpu.memory_space<vmem>> -> memref<1x16x128xf32, #tpu.memory_space<vmem>>
        %dma_start3A_820 = tpu.memref_squeeze %dma_start3A_819 : memref<1x16x128xf32, #tpu.memory_space<vmem>> -> memref<16x128xf32, #tpu.memory_space<vmem>>
        %dma_start3A_821 = arith.constant 0 : i32
        %dma_start3A_822 = tpu.memref_slice %arg3[%dma_start3A_821, %multiple_of3A_809] : memref<16x1000001xf32, #tpu.memory_space<hbm>> -> memref<16x128xf32, #tpu.memory_space<hbm>>
        tpu.enqueue_dma source(%dma_start3A_822 : memref<16x128xf32, #tpu.memory_space<hbm>>) target(%dma_start3A_820 : memref<16x128xf32, #tpu.memory_space<vmem>>) target_semaphore(%arg8 : memref<!tpu.dma_semaphore, #tpu.memory_space<semaphore_mem>>)
        %slice3A_823 = vector.extract_strided_slice %get3A_782 {offsets = [2], sizes = [1], strides = [1]} : vector<16xi32> to vector<1xi32>
        %squeeze3A_824 = vector.extract %slice3A_823[0] : i32 from vector<1xi32>
        %shift_right_arithmetic3A_825 = arith.constant 7 : i32
        %shift_right_arithmetic3A_826 = arith.shrsi %squeeze3A_824, %shift_right_arithmetic3A_825 : i32
        %mul3A_827 = arith.constant 128 : i32
        %mul3A_828 = arith.muli %shift_right_arithmetic3A_826, %mul3A_827 : i32
        %multiple_of3A_829 = tpu.assume_multiple %mul3A_828, 128 : i32
        %dma_start3A_830 = arith.constant 2 : i32
        %dma_start3A_831 = arith.constant 0 : i32
        %dma_start3A_832 = arith.constant 0 : i32
        %dma_start3A_833 = tpu.memref_slice %arg6[%dma_start3A_830, %dma_start3A_831, %dma_start3A_832] : memref<32x16x128xf32, #tpu.memory_space<vmem>> -> memref<1x16x128xf32, #tpu.memory_space<vmem>>
        %dma_start3A_834 = tpu.memref_squeeze %dma_start3A_833 : memref<1x16x128xf32, #tpu.memory_space<vmem>> -> memref<16x128xf32, #tpu.memory_space<vmem>>
        %dma_start3A_835 = arith.constant 0 : i32
        %dma_start3A_836 = tpu.memref_slice %arg3[%dma_start3A_835, %multiple_of3A_829] : memref<16x1000001xf32, #tpu.memory_space<hbm>> -> memref<16x128xf32, #tpu.memory_space<hbm>>
        %dma_start3A_837 = arith.constant 0 : i32
        %dma_start3A_838 = arith.constant 0 : i32
        %dma_start3A_839 = tpu.memref_slice %arg6[%dma_start3A_830, %dma_start3A_837, %dma_start3A_838] : memref<32x16x128xf32, #tpu.memory_space<vmem>> -> memref<1x16x128xf32, #tpu.memory_space<vmem>>
        %dma_start3A_840 = tpu.memref_squeeze %dma_start3A_839 : memref<1x16x128xf32, #tpu.memory_space<vmem>> -> memref<16x128xf32, #tpu.memory_space<vmem>>
        %dma_start3A_841 = arith.constant 0 : i32
        %dma_start3A_842 = tpu.memref_slice %arg3[%dma_start3A_841, %multiple_of3A_829] : memref<16x1000001xf32, #tpu.memory_space<hbm>> -> memref<16x128xf32, #tpu.memory_space<hbm>>
        tpu.enqueue_dma source(%dma_start3A_842 : memref<16x128xf32, #tpu.memory_space<hbm>>) target(%dma_start3A_840 : memref<16x128xf32, #tpu.memory_space<vmem>>) target_semaphore(%arg8 : memref<!tpu.dma_semaphore, #tpu.memory_space<semaphore_mem>>)
        %slice3A_843 = vector.extract_strided_slice %get3A_782 {offsets = [3], sizes = [1], strides = [1]} : vector<16xi32> to vector<1xi32>
        %squeeze3A_844 = vector.extract %slice3A_843[0] : i32 from vector<1xi32>
        %shift_right_arithmetic3A_845 = arith.constant 7 : i32
        %shift_right_arithmetic3A_846 = arith.shrsi %squeeze3A_844, %shift_right_arithmetic3A_845 : i32
        %mul3A_847 = arith.constant 128 : i32
        %mul3A_848 = arith.muli %shift_right_arithmetic3A_846, %mul3A_847 : i32
        %multiple_of3A_849 = tpu.assume_multiple %mul3A_848, 128 : i32
        %dma_start3A_850 = arith.constant 3 : i32
        %dma_start3A_851 = arith.constant 0 : i32
        %dma_start3A_852 = arith.constant 0 : i32
        %dma_start3A_853 = tpu.memref_slice %arg6[%dma_start3A_850, %dma_start3A_851, %dma_start3A_852] : memref<32x16x128xf32, #tpu.memory_space<vmem>> -> memref<1x16x128xf32, #tpu.memory_space<vmem>>
        %dma_start3A_854 = tpu.memref_squeeze %dma_start3A_853 : memref<1x16x128xf32, #tpu.memory_space<vmem>> -> memref<16x128xf32, #tpu.memory_space<vmem>>
        %dma_start3A_855 = arith.constant 0 : i32
        %dma_start3A_856 = tpu.memref_slice %arg3[%dma_start3A_855, %multiple_of3A_849] : memref<16x1000001xf32, #tpu.memory_space<hbm>> -> memref<16x128xf32, #tpu.memory_space<hbm>>
        %dma_start3A_857 = arith.constant 0 : i32
        %dma_start3A_858 = arith.constant 0 : i32
        %dma_start3A_859 = tpu.memref_slice %arg6[%dma_start3A_850, %dma_start3A_857, %dma_start3A_858] : memref<32x16x128xf32, #tpu.memory_space<vmem>> -> memref<1x16x128xf32, #tpu.memory_space<vmem>>
        %dma_start3A_860 = tpu.memref_squeeze %dma_start3A_859 : memref<1x16x128xf32, #tpu.memory_space<vmem>> -> memref<16x128xf32, #tpu.memory_space<vmem>>
        %dma_start3A_861 = arith.constant 0 : i32
        %dma_start3A_862 = tpu.memref_slice %arg3[%dma_start3A_861, %multiple_of3A_849] : memref<16x1000001xf32, #tpu.memory_space<hbm>> -> memref<16x128xf32, #tpu.memory_space<hbm>>
        tpu.enqueue_dma source(%dma_start3A_862 : memref<16x128xf32, #tpu.memory_space<hbm>>) target(%dma_start3A_860 : memref<16x128xf32, #tpu.memory_space<vmem>>) target_semaphore(%arg8 : memref<!tpu.dma_semaphore, #tpu.memory_space<semaphore_mem>>)
        %slice3A_863 = vector.extract_strided_slice %get3A_782 {offsets = [4], sizes = [1], strides = [1]} : vector<16xi32> to vector<1xi32>
        %squeeze3A_864 = vector.extract %slice3A_863[0] : i32 from vector<1xi32>
        %shift_right_arithmetic3A_865 = arith.constant 7 : i32
        %shift_right_arithmetic3A_866 = arith.shrsi %squeeze3A_864, %shift_right_arithmetic3A_865 : i32
        %mul3A_867 = arith.constant 128 : i32
        %mul3A_868 = arith.muli %shift_right_arithmetic3A_866, %mul3A_867 : i32
        %multiple_of3A_869 = tpu.assume_multiple %mul3A_868, 128 : i32
        %dma_start3A_870 = arith.constant 4 : i32
        %dma_start3A_871 = arith.constant 0 : i32
        %dma_start3A_872 = arith.constant 0 : i32
        %dma_start3A_873 = tpu.memref_slice %arg6[%dma_start3A_870, %dma_start3A_871, %dma_start3A_872] : memref<32x16x128xf32, #tpu.memory_space<vmem>> -> memref<1x16x128xf32, #tpu.memory_space<vmem>>
        %dma_start3A_874 = tpu.memref_squeeze %dma_start3A_873 : memref<1x16x128xf32, #tpu.memory_space<vmem>> -> memref<16x128xf32, #tpu.memory_space<vmem>>
        %dma_start3A_875 = arith.constant 0 : i32
        %dma_start3A_876 = tpu.memref_slice %arg3[%dma_start3A_875, %multiple_of3A_869] : memref<16x1000001xf32, #tpu.memory_space<hbm>> -> memref<16x128xf32, #tpu.memory_space<hbm>>
        %dma_start3A_877 = arith.constant 0 : i32
        %dma_start3A_878 = arith.constant 0 : i32
        %dma_start3A_879 = tpu.memref_slice %arg6[%dma_start3A_870, %dma_start3A_877, %dma_start3A_878] : memref<32x16x128xf32, #tpu.memory_space<vmem>> -> memref<1x16x128xf32, #tpu.memory_space<vmem>>
        %dma_start3A_880 = tpu.memref_squeeze %dma_start3A_879 : memref<1x16x128xf32, #tpu.memory_space<vmem>> -> memref<16x128xf32, #tpu.memory_space<vmem>>
        %dma_start3A_881 = arith.constant 0 : i32
        %dma_start3A_882 = tpu.memref_slice %arg3[%dma_start3A_881, %multiple_of3A_869] : memref<16x1000001xf32, #tpu.memory_space<hbm>> -> memref<16x128xf32, #tpu.memory_space<hbm>>
        tpu.enqueue_dma source(%dma_start3A_882 : memref<16x128xf32, #tpu.memory_space<hbm>>) target(%dma_start3A_880 : memref<16x128xf32, #tpu.memory_space<vmem>>) target_semaphore(%arg8 : memref<!tpu.dma_semaphore, #tpu.memory_space<semaphore_mem>>)
        %slice3A_883 = vector.extract_strided_slice %get3A_782 {offsets = [5], sizes = [1], strides = [1]} : vector<16xi32> to vector<1xi32>
        %squeeze3A_884 = vector.extract %slice3A_883[0] : i32 from vector<1xi32>
        %shift_right_arithmetic3A_885 = arith.constant 7 : i32
        %shift_right_arithmetic3A_886 = arith.shrsi %squeeze3A_884, %shift_right_arithmetic3A_885 : i32
        %mul3A_887 = arith.constant 128 : i32
        %mul3A_888 = arith.muli %shift_right_arithmetic3A_886, %mul3A_887 : i32
        %multiple_of3A_889 = tpu.assume_multiple %mul3A_888, 128 : i32
        %dma_start3A_890 = arith.constant 5 : i32
        %dma_start3A_891 = arith.constant 0 : i32
        %dma_start3A_892 = arith.constant 0 : i32
        %dma_start3A_893 = tpu.memref_slice %arg6[%dma_start3A_890, %dma_start3A_891, %dma_start3A_892] : memref<32x16x128xf32, #tpu.memory_space<vmem>> -> memref<1x16x128xf32, #tpu.memory_space<vmem>>
        %dma_start3A_894 = tpu.memref_squeeze %dma_start3A_893 : memref<1x16x128xf32, #tpu.memory_space<vmem>> -> memref<16x128xf32, #tpu.memory_space<vmem>>
        %dma_start3A_895 = arith.constant 0 : i32
        %dma_start3A_896 = tpu.memref_slice %arg3[%dma_start3A_895, %multiple_of3A_889] : memref<16x1000001xf32, #tpu.memory_space<hbm>> -> memref<16x128xf32, #tpu.memory_space<hbm>>
        %dma_start3A_897 = arith.constant 0 : i32
        %dma_start3A_898 = arith.constant 0 : i32
        %dma_start3A_899 = tpu.memref_slice %arg6[%dma_start3A_890, %dma_start3A_897, %dma_start3A_898] : memref<32x16x128xf32, #tpu.memory_space<vmem>> -> memref<1x16x128xf32, #tpu.memory_space<vmem>>
        %dma_start3A_900 = tpu.memref_squeeze %dma_start3A_899 : memref<1x16x128xf32, #tpu.memory_space<vmem>> -> memref<16x128xf32, #tpu.memory_space<vmem>>
        %dma_start3A_901 = arith.constant 0 : i32
        %dma_start3A_902 = tpu.memref_slice %arg3[%dma_start3A_901, %multiple_of3A_889] : memref<16x1000001xf32, #tpu.memory_space<hbm>> -> memref<16x128xf32, #tpu.memory_space<hbm>>
        tpu.enqueue_dma source(%dma_start3A_902 : memref<16x128xf32, #tpu.memory_space<hbm>>) target(%dma_start3A_900 : memref<16x128xf32, #tpu.memory_space<vmem>>) target_semaphore(%arg8 : memref<!tpu.dma_semaphore, #tpu.memory_space<semaphore_mem>>)
        %slice3A_903 = vector.extract_strided_slice %get3A_782 {offsets = [6], sizes = [1], strides = [1]} : vector<16xi32> to vector<1xi32>
        %squeeze3A_904 = vector.extract %slice3A_903[0] : i32 from vector<1xi32>
        %shift_right_arithmetic3A_905 = arith.constant 7 : i32
        %shift_right_arithmetic3A_906 = arith.shrsi %squeeze3A_904, %shift_right_arithmetic3A_905 : i32
        %mul3A_907 = arith.constant 128 : i32
        %mul3A_908 = arith.muli %shift_right_arithmetic3A_906, %mul3A_907 : i32
        %multiple_of3A_909 = tpu.assume_multiple %mul3A_908, 128 : i32
        %dma_start3A_910 = arith.constant 6 : i32
        %dma_start3A_911 = arith.constant 0 : i32
        %dma_start3A_912 = arith.constant 0 : i32
        %dma_start3A_913 = tpu.memref_slice %arg6[%dma_start3A_910, %dma_start3A_911, %dma_start3A_912] : memref<32x16x128xf32, #tpu.memory_space<vmem>> -> memref<1x16x128xf32, #tpu.memory_space<vmem>>
        %dma_start3A_914 = tpu.memref_squeeze %dma_start3A_913 : memref<1x16x128xf32, #tpu.memory_space<vmem>> -> memref<16x128xf32, #tpu.memory_space<vmem>>
        %dma_start3A_915 = arith.constant 0 : i32
        %dma_start3A_916 = tpu.memref_slice %arg3[%dma_start3A_915, %multiple_of3A_909] : memref<16x1000001xf32, #tpu.memory_space<hbm>> -> memref<16x128xf32, #tpu.memory_space<hbm>>
        %dma_start3A_917 = arith.constant 0 : i32
        %dma_start3A_918 = arith.constant 0 : i32
        %dma_start3A_919 = tpu.memref_slice %arg6[%dma_start3A_910, %dma_start3A_917, %dma_start3A_918] : memref<32x16x128xf32, #tpu.memory_space<vmem>> -> memref<1x16x128xf32, #tpu.memory_space<vmem>>
        %dma_start3A_920 = tpu.memref_squeeze %dma_start3A_919 : memref<1x16x128xf32, #tpu.memory_space<vmem>> -> memref<16x128xf32, #tpu.memory_space<vmem>>
        %dma_start3A_921 = arith.constant 0 : i32
        %dma_start3A_922 = tpu.memref_slice %arg3[%dma_start3A_921, %multiple_of3A_909] : memref<16x1000001xf32, #tpu.memory_space<hbm>> -> memref<16x128xf32, #tpu.memory_space<hbm>>
        tpu.enqueue_dma source(%dma_start3A_922 : memref<16x128xf32, #tpu.memory_space<hbm>>) target(%dma_start3A_920 : memref<16x128xf32, #tpu.memory_space<vmem>>) target_semaphore(%arg8 : memref<!tpu.dma_semaphore, #tpu.memory_space<semaphore_mem>>)
        %slice3A_923 = vector.extract_strided_slice %get3A_782 {offsets = [7], sizes = [1], strides = [1]} : vector<16xi32> to vector<1xi32>
        %squeeze3A_924 = vector.extract %slice3A_923[0] : i32 from vector<1xi32>
        %shift_right_arithmetic3A_925 = arith.constant 7 : i32
        %shift_right_arithmetic3A_926 = arith.shrsi %squeeze3A_924, %shift_right_arithmetic3A_925 : i32
        %mul3A_927 = arith.constant 128 : i32
        %mul3A_928 = arith.muli %shift_right_arithmetic3A_926, %mul3A_927 : i32
        %multiple_of3A_929 = tpu.assume_multiple %mul3A_928, 128 : i32
        %dma_start3A_930 = arith.constant 7 : i32
        %dma_start3A_931 = arith.constant 0 : i32
        %dma_start3A_932 = arith.constant 0 : i32
        %dma_start3A_933 = tpu.memref_slice %arg6[%dma_start3A_930, %dma_start3A_931, %dma_start3A_932] : memref<32x16x128xf32, #tpu.memory_space<vmem>> -> memref<1x16x128xf32, #tpu.memory_space<vmem>>
        %dma_start3A_934 = tpu.memref_squeeze %dma_start3A_933 : memref<1x16x128xf32, #tpu.memory_space<vmem>> -> memref<16x128xf32, #tpu.memory_space<vmem>>
        %dma_start3A_935 = arith.constant 0 : i32
        %dma_start3A_936 = tpu.memref_slice %arg3[%dma_start3A_935, %multiple_of3A_929] : memref<16x1000001xf32, #tpu.memory_space<hbm>> -> memref<16x128xf32, #tpu.memory_space<hbm>>
        %dma_start3A_937 = arith.constant 0 : i32
        %dma_start3A_938 = arith.constant 0 : i32
        %dma_start3A_939 = tpu.memref_slice %arg6[%dma_start3A_930, %dma_start3A_937, %dma_start3A_938] : memref<32x16x128xf32, #tpu.memory_space<vmem>> -> memref<1x16x128xf32, #tpu.memory_space<vmem>>
        %dma_start3A_940 = tpu.memref_squeeze %dma_start3A_939 : memref<1x16x128xf32, #tpu.memory_space<vmem>> -> memref<16x128xf32, #tpu.memory_space<vmem>>
        %dma_start3A_941 = arith.constant 0 : i32
        %dma_start3A_942 = tpu.memref_slice %arg3[%dma_start3A_941, %multiple_of3A_929] : memref<16x1000001xf32, #tpu.memory_space<hbm>> -> memref<16x128xf32, #tpu.memory_space<hbm>>
        tpu.enqueue_dma source(%dma_start3A_942 : memref<16x128xf32, #tpu.memory_space<hbm>>) target(%dma_start3A_940 : memref<16x128xf32, #tpu.memory_space<vmem>>) target_semaphore(%arg8 : memref<!tpu.dma_semaphore, #tpu.memory_space<semaphore_mem>>)
        %slice3A_943 = vector.extract_strided_slice %get3A_782 {offsets = [8], sizes = [1], strides = [1]} : vector<16xi32> to vector<1xi32>
        %squeeze3A_944 = vector.extract %slice3A_943[0] : i32 from vector<1xi32>
        %shift_right_arithmetic3A_945 = arith.constant 7 : i32
        %shift_right_arithmetic3A_946 = arith.shrsi %squeeze3A_944, %shift_right_arithmetic3A_945 : i32
        %mul3A_947 = arith.constant 128 : i32
        %mul3A_948 = arith.muli %shift_right_arithmetic3A_946, %mul3A_947 : i32
        %multiple_of3A_949 = tpu.assume_multiple %mul3A_948, 128 : i32
        %dma_start3A_950 = arith.constant 8 : i32
        %dma_start3A_951 = arith.constant 0 : i32
        %dma_start3A_952 = arith.constant 0 : i32
        %dma_start3A_953 = tpu.memref_slice %arg6[%dma_start3A_950, %dma_start3A_951, %dma_start3A_952] : memref<32x16x128xf32, #tpu.memory_space<vmem>> -> memref<1x16x128xf32, #tpu.memory_space<vmem>>
        %dma_start3A_954 = tpu.memref_squeeze %dma_start3A_953 : memref<1x16x128xf32, #tpu.memory_space<vmem>> -> memref<16x128xf32, #tpu.memory_space<vmem>>
        %dma_start3A_955 = arith.constant 0 : i32
        %dma_start3A_956 = tpu.memref_slice %arg3[%dma_start3A_955, %multiple_of3A_949] : memref<16x1000001xf32, #tpu.memory_space<hbm>> -> memref<16x128xf32, #tpu.memory_space<hbm>>
        %dma_start3A_957 = arith.constant 0 : i32
        %dma_start3A_958 = arith.constant 0 : i32
        %dma_start3A_959 = tpu.memref_slice %arg6[%dma_start3A_950, %dma_start3A_957, %dma_start3A_958] : memref<32x16x128xf32, #tpu.memory_space<vmem>> -> memref<1x16x128xf32, #tpu.memory_space<vmem>>
        %dma_start3A_960 = tpu.memref_squeeze %dma_start3A_959 : memref<1x16x128xf32, #tpu.memory_space<vmem>> -> memref<16x128xf32, #tpu.memory_space<vmem>>
        %dma_start3A_961 = arith.constant 0 : i32
        %dma_start3A_962 = tpu.memref_slice %arg3[%dma_start3A_961, %multiple_of3A_949] : memref<16x1000001xf32, #tpu.memory_space<hbm>> -> memref<16x128xf32, #tpu.memory_space<hbm>>
        tpu.enqueue_dma source(%dma_start3A_962 : memref<16x128xf32, #tpu.memory_space<hbm>>) target(%dma_start3A_960 : memref<16x128xf32, #tpu.memory_space<vmem>>) target_semaphore(%arg8 : memref<!tpu.dma_semaphore, #tpu.memory_space<semaphore_mem>>)
        %slice3A_963 = vector.extract_strided_slice %get3A_782 {offsets = [9], sizes = [1], strides = [1]} : vector<16xi32> to vector<1xi32>
        %squeeze3A_964 = vector.extract %slice3A_963[0] : i32 from vector<1xi32>
        %shift_right_arithmetic3A_965 = arith.constant 7 : i32
        %shift_right_arithmetic3A_966 = arith.shrsi %squeeze3A_964, %shift_right_arithmetic3A_965 : i32
        %mul3A_967 = arith.constant 128 : i32
        %mul3A_968 = arith.muli %shift_right_arithmetic3A_966, %mul3A_967 : i32
        %multiple_of3A_969 = tpu.assume_multiple %mul3A_968, 128 : i32
        %dma_start3A_970 = arith.constant 9 : i32
        %dma_start3A_971 = arith.constant 0 : i32
        %dma_start3A_972 = arith.constant 0 : i32
        %dma_start3A_973 = tpu.memref_slice %arg6[%dma_start3A_970, %dma_start3A_971, %dma_start3A_972] : memref<32x16x128xf32, #tpu.memory_space<vmem>> -> memref<1x16x128xf32, #tpu.memory_space<vmem>>
        %dma_start3A_974 = tpu.memref_squeeze %dma_start3A_973 : memref<1x16x128xf32, #tpu.memory_space<vmem>> -> memref<16x128xf32, #tpu.memory_space<vmem>>
        %dma_start3A_975 = arith.constant 0 : i32
        %dma_start3A_976 = tpu.memref_slice %arg3[%dma_start3A_975, %multiple_of3A_969] : memref<16x1000001xf32, #tpu.memory_space<hbm>> -> memref<16x128xf32, #tpu.memory_space<hbm>>
        %dma_start3A_977 = arith.constant 0 : i32
        %dma_start3A_978 = arith.constant 0 : i32
        %dma_start3A_979 = tpu.memref_slice %arg6[%dma_start3A_970, %dma_start3A_977, %dma_start3A_978] : memref<32x16x128xf32, #tpu.memory_space<vmem>> -> memref<1x16x128xf32, #tpu.memory_space<vmem>>
        %dma_start3A_980 = tpu.memref_squeeze %dma_start3A_979 : memref<1x16x128xf32, #tpu.memory_space<vmem>> -> memref<16x128xf32, #tpu.memory_space<vmem>>
        %dma_start3A_981 = arith.constant 0 : i32
        %dma_start3A_982 = tpu.memref_slice %arg3[%dma_start3A_981, %multiple_of3A_969] : memref<16x1000001xf32, #tpu.memory_space<hbm>> -> memref<16x128xf32, #tpu.memory_space<hbm>>
        tpu.enqueue_dma source(%dma_start3A_982 : memref<16x128xf32, #tpu.memory_space<hbm>>) target(%dma_start3A_980 : memref<16x128xf32, #tpu.memory_space<vmem>>) target_semaphore(%arg8 : memref<!tpu.dma_semaphore, #tpu.memory_space<semaphore_mem>>)
        %slice3A_983 = vector.extract_strided_slice %get3A_782 {offsets = [10], sizes = [1], strides = [1]} : vector<16xi32> to vector<1xi32>
        %squeeze3A_984 = vector.extract %slice3A_983[0] : i32 from vector<1xi32>
        %shift_right_arithmetic3A_985 = arith.constant 7 : i32
        %shift_right_arithmetic3A_986 = arith.shrsi %squeeze3A_984, %shift_right_arithmetic3A_985 : i32
        %mul3A_987 = arith.constant 128 : i32
        %mul3A_988 = arith.muli %shift_right_arithmetic3A_986, %mul3A_987 : i32
        %multiple_of3A_989 = tpu.assume_multiple %mul3A_988, 128 : i32
        %dma_start3A_990 = arith.constant 10 : i32
        %dma_start3A_991 = arith.constant 0 : i32
        %dma_start3A_992 = arith.constant 0 : i32
        %dma_start3A_993 = tpu.memref_slice %arg6[%dma_start3A_990, %dma_start3A_991, %dma_start3A_992] : memref<32x16x128xf32, #tpu.memory_space<vmem>> -> memref<1x16x128xf32, #tpu.memory_space<vmem>>
        %dma_start3A_994 = tpu.memref_squeeze %dma_start3A_993 : memref<1x16x128xf32, #tpu.memory_space<vmem>> -> memref<16x128xf32, #tpu.memory_space<vmem>>
        %dma_start3A_995 = arith.constant 0 : i32
        %dma_start3A_996 = tpu.memref_slice %arg3[%dma_start3A_995, %multiple_of3A_989] : memref<16x1000001xf32, #tpu.memory_space<hbm>> -> memref<16x128xf32, #tpu.memory_space<hbm>>
        %dma_start3A_997 = arith.constant 0 : i32
        %dma_start3A_998 = arith.constant 0 : i32
        %dma_start3A_999 = tpu.memref_slice %arg6[%dma_start3A_990, %dma_start3A_997, %dma_start3A_998] : memref<32x16x128xf32, #tpu.memory_space<vmem>> -> memref<1x16x128xf32, #tpu.memory_space<vmem>>
        %dma_start3A_1000 = tpu.memref_squeeze %dma_start3A_999 : memref<1x16x128xf32, #tpu.memory_space<vmem>> -> memref<16x128xf32, #tpu.memory_space<vmem>>
        %dma_start3A_1001 = arith.constant 0 : i32
        %dma_start3A_1002 = tpu.memref_slice %arg3[%dma_start3A_1001, %multiple_of3A_989] : memref<16x1000001xf32, #tpu.memory_space<hbm>> -> memref<16x128xf32, #tpu.memory_space<hbm>>
        tpu.enqueue_dma source(%dma_start3A_1002 : memref<16x128xf32, #tpu.memory_space<hbm>>) target(%dma_start3A_1000 : memref<16x128xf32, #tpu.memory_space<vmem>>) target_semaphore(%arg8 : memref<!tpu.dma_semaphore, #tpu.memory_space<semaphore_mem>>)
        %slice3A_1003 = vector.extract_strided_slice %get3A_782 {offsets = [11], sizes = [1], strides = [1]} : vector<16xi32> to vector<1xi32>
        %squeeze3A_1004 = vector.extract %slice3A_1003[0] : i32 from vector<1xi32>
        %shift_right_arithmetic3A_1005 = arith.constant 7 : i32
        %shift_right_arithmetic3A_1006 = arith.shrsi %squeeze3A_1004, %shift_right_arithmetic3A_1005 : i32
        %mul3A_1007 = arith.constant 128 : i32
        %mul3A_1008 = arith.muli %shift_right_arithmetic3A_1006, %mul3A_1007 : i32
        %multiple_of3A_1009 = tpu.assume_multiple %mul3A_1008, 128 : i32
        %dma_start3A_1010 = arith.constant 11 : i32
        %dma_start3A_1011 = arith.constant 0 : i32
        %dma_start3A_1012 = arith.constant 0 : i32
        %dma_start3A_1013 = tpu.memref_slice %arg6[%dma_start3A_1010, %dma_start3A_1011, %dma_start3A_1012] : memref<32x16x128xf32, #tpu.memory_space<vmem>> -> memref<1x16x128xf32, #tpu.memory_space<vmem>>
        %dma_start3A_1014 = tpu.memref_squeeze %dma_start3A_1013 : memref<1x16x128xf32, #tpu.memory_space<vmem>> -> memref<16x128xf32, #tpu.memory_space<vmem>>
        %dma_start3A_1015 = arith.constant 0 : i32
        %dma_start3A_1016 = tpu.memref_slice %arg3[%dma_start3A_1015, %multiple_of3A_1009] : memref<16x1000001xf32, #tpu.memory_space<hbm>> -> memref<16x128xf32, #tpu.memory_space<hbm>>
        %dma_start3A_1017 = arith.constant 0 : i32
        %dma_start3A_1018 = arith.constant 0 : i32
        %dma_start3A_1019 = tpu.memref_slice %arg6[%dma_start3A_1010, %dma_start3A_1017, %dma_start3A_1018] : memref<32x16x128xf32, #tpu.memory_space<vmem>> -> memref<1x16x128xf32, #tpu.memory_space<vmem>>
        %dma_start3A_1020 = tpu.memref_squeeze %dma_start3A_1019 : memref<1x16x128xf32, #tpu.memory_space<vmem>> -> memref<16x128xf32, #tpu.memory_space<vmem>>
        %dma_start3A_1021 = arith.constant 0 : i32
        %dma_start3A_1022 = tpu.memref_slice %arg3[%dma_start3A_1021, %multiple_of3A_1009] : memref<16x1000001xf32, #tpu.memory_space<hbm>> -> memref<16x128xf32, #tpu.memory_space<hbm>>
        tpu.enqueue_dma source(%dma_start3A_1022 : memref<16x128xf32, #tpu.memory_space<hbm>>) target(%dma_start3A_1020 : memref<16x128xf32, #tpu.memory_space<vmem>>) target_semaphore(%arg8 : memref<!tpu.dma_semaphore, #tpu.memory_space<semaphore_mem>>)
        %slice3A_1023 = vector.extract_strided_slice %get3A_782 {offsets = [12], sizes = [1], strides = [1]} : vector<16xi32> to vector<1xi32>
        %squeeze3A_1024 = vector.extract %slice3A_1023[0] : i32 from vector<1xi32>
        %shift_right_arithmetic3A_1025 = arith.constant 7 : i32
        %shift_right_arithmetic3A_1026 = arith.shrsi %squeeze3A_1024, %shift_right_arithmetic3A_1025 : i32
        %mul3A_1027 = arith.constant 128 : i32
        %mul3A_1028 = arith.muli %shift_right_arithmetic3A_1026, %mul3A_1027 : i32
        %multiple_of3A_1029 = tpu.assume_multiple %mul3A_1028, 128 : i32
        %dma_start3A_1030 = arith.constant 12 : i32
        %dma_start3A_1031 = arith.constant 0 : i32
        %dma_start3A_1032 = arith.constant 0 : i32
        %dma_start3A_1033 = tpu.memref_slice %arg6[%dma_start3A_1030, %dma_start3A_1031, %dma_start3A_1032] : memref<32x16x128xf32, #tpu.memory_space<vmem>> -> memref<1x16x128xf32, #tpu.memory_space<vmem>>
        %dma_start3A_1034 = tpu.memref_squeeze %dma_start3A_1033 : memref<1x16x128xf32, #tpu.memory_space<vmem>> -> memref<16x128xf32, #tpu.memory_space<vmem>>
        %dma_start3A_1035 = arith.constant 0 : i32
        %dma_start3A_1036 = tpu.memref_slice %arg3[%dma_start3A_1035, %multiple_of3A_1029] : memref<16x1000001xf32, #tpu.memory_space<hbm>> -> memref<16x128xf32, #tpu.memory_space<hbm>>
        %dma_start3A_1037 = arith.constant 0 : i32
        %dma_start3A_1038 = arith.constant 0 : i32
        %dma_start3A_1039 = tpu.memref_slice %arg6[%dma_start3A_1030, %dma_start3A_1037, %dma_start3A_1038] : memref<32x16x128xf32, #tpu.memory_space<vmem>> -> memref<1x16x128xf32, #tpu.memory_space<vmem>>
        %dma_start3A_1040 = tpu.memref_squeeze %dma_start3A_1039 : memref<1x16x128xf32, #tpu.memory_space<vmem>> -> memref<16x128xf32, #tpu.memory_space<vmem>>
        %dma_start3A_1041 = arith.constant 0 : i32
        %dma_start3A_1042 = tpu.memref_slice %arg3[%dma_start3A_1041, %multiple_of3A_1029] : memref<16x1000001xf32, #tpu.memory_space<hbm>> -> memref<16x128xf32, #tpu.memory_space<hbm>>
        tpu.enqueue_dma source(%dma_start3A_1042 : memref<16x128xf32, #tpu.memory_space<hbm>>) target(%dma_start3A_1040 : memref<16x128xf32, #tpu.memory_space<vmem>>) target_semaphore(%arg8 : memref<!tpu.dma_semaphore, #tpu.memory_space<semaphore_mem>>)
        %slice3A_1043 = vector.extract_strided_slice %get3A_782 {offsets = [13], sizes = [1], strides = [1]} : vector<16xi32> to vector<1xi32>
        %squeeze3A_1044 = vector.extract %slice3A_1043[0] : i32 from vector<1xi32>
        %shift_right_arithmetic3A_1045 = arith.constant 7 : i32
        %shift_right_arithmetic3A_1046 = arith.shrsi %squeeze3A_1044, %shift_right_arithmetic3A_1045 : i32
        %mul3A_1047 = arith.constant 128 : i32
        %mul3A_1048 = arith.muli %shift_right_arithmetic3A_1046, %mul3A_1047 : i32
        %multiple_of3A_1049 = tpu.assume_multiple %mul3A_1048, 128 : i32
        %dma_start3A_1050 = arith.constant 13 : i32
        %dma_start3A_1051 = arith.constant 0 : i32
        %dma_start3A_1052 = arith.constant 0 : i32
        %dma_start3A_1053 = tpu.memref_slice %arg6[%dma_start3A_1050, %dma_start3A_1051, %dma_start3A_1052] : memref<32x16x128xf32, #tpu.memory_space<vmem>> -> memref<1x16x128xf32, #tpu.memory_space<vmem>>
        %dma_start3A_1054 = tpu.memref_squeeze %dma_start3A_1053 : memref<1x16x128xf32, #tpu.memory_space<vmem>> -> memref<16x128xf32, #tpu.memory_space<vmem>>
        %dma_start3A_1055 = arith.constant 0 : i32
        %dma_start3A_1056 = tpu.memref_slice %arg3[%dma_start3A_1055, %multiple_of3A_1049] : memref<16x1000001xf32, #tpu.memory_space<hbm>> -> memref<16x128xf32, #tpu.memory_space<hbm>>
        %dma_start3A_1057 = arith.constant 0 : i32
        %dma_start3A_1058 = arith.constant 0 : i32
        %dma_start3A_1059 = tpu.memref_slice %arg6[%dma_start3A_1050, %dma_start3A_1057, %dma_start3A_1058] : memref<32x16x128xf32, #tpu.memory_space<vmem>> -> memref<1x16x128xf32, #tpu.memory_space<vmem>>
        %dma_start3A_1060 = tpu.memref_squeeze %dma_start3A_1059 : memref<1x16x128xf32, #tpu.memory_space<vmem>> -> memref<16x128xf32, #tpu.memory_space<vmem>>
        %dma_start3A_1061 = arith.constant 0 : i32
        %dma_start3A_1062 = tpu.memref_slice %arg3[%dma_start3A_1061, %multiple_of3A_1049] : memref<16x1000001xf32, #tpu.memory_space<hbm>> -> memref<16x128xf32, #tpu.memory_space<hbm>>
        tpu.enqueue_dma source(%dma_start3A_1062 : memref<16x128xf32, #tpu.memory_space<hbm>>) target(%dma_start3A_1060 : memref<16x128xf32, #tpu.memory_space<vmem>>) target_semaphore(%arg8 : memref<!tpu.dma_semaphore, #tpu.memory_space<semaphore_mem>>)
        %slice3A_1063 = vector.extract_strided_slice %get3A_782 {offsets = [14], sizes = [1], strides = [1]} : vector<16xi32> to vector<1xi32>
        %squeeze3A_1064 = vector.extract %slice3A_1063[0] : i32 from vector<1xi32>
        %shift_right_arithmetic3A_1065 = arith.constant 7 : i32
        %shift_right_arithmetic3A_1066 = arith.shrsi %squeeze3A_1064, %shift_right_arithmetic3A_1065 : i32
        %mul3A_1067 = arith.constant 128 : i32
        %mul3A_1068 = arith.muli %shift_right_arithmetic3A_1066, %mul3A_1067 : i32
        %multiple_of3A_1069 = tpu.assume_multiple %mul3A_1068, 128 : i32
        %dma_start3A_1070 = arith.constant 14 : i32
        %dma_start3A_1071 = arith.constant 0 : i32
        %dma_start3A_1072 = arith.constant 0 : i32
        %dma_start3A_1073 = tpu.memref_slice %arg6[%dma_start3A_1070, %dma_start3A_1071, %dma_start3A_1072] : memref<32x16x128xf32, #tpu.memory_space<vmem>> -> memref<1x16x128xf32, #tpu.memory_space<vmem>>
        %dma_start3A_1074 = tpu.memref_squeeze %dma_start3A_1073 : memref<1x16x128xf32, #tpu.memory_space<vmem>> -> memref<16x128xf32, #tpu.memory_space<vmem>>
        %dma_start3A_1075 = arith.constant 0 : i32
        %dma_start3A_1076 = tpu.memref_slice %arg3[%dma_start3A_1075, %multiple_of3A_1069] : memref<16x1000001xf32, #tpu.memory_space<hbm>> -> memref<16x128xf32, #tpu.memory_space<hbm>>
        %dma_start3A_1077 = arith.constant 0 : i32
        %dma_start3A_1078 = arith.constant 0 : i32
        %dma_start3A_1079 = tpu.memref_slice %arg6[%dma_start3A_1070, %dma_start3A_1077, %dma_start3A_1078] : memref<32x16x128xf32, #tpu.memory_space<vmem>> -> memref<1x16x128xf32, #tpu.memory_space<vmem>>
        %dma_start3A_1080 = tpu.memref_squeeze %dma_start3A_1079 : memref<1x16x128xf32, #tpu.memory_space<vmem>> -> memref<16x128xf32, #tpu.memory_space<vmem>>
        %dma_start3A_1081 = arith.constant 0 : i32
        %dma_start3A_1082 = tpu.memref_slice %arg3[%dma_start3A_1081, %multiple_of3A_1069] : memref<16x1000001xf32, #tpu.memory_space<hbm>> -> memref<16x128xf32, #tpu.memory_space<hbm>>
        tpu.enqueue_dma source(%dma_start3A_1082 : memref<16x128xf32, #tpu.memory_space<hbm>>) target(%dma_start3A_1080 : memref<16x128xf32, #tpu.memory_space<vmem>>) target_semaphore(%arg8 : memref<!tpu.dma_semaphore, #tpu.memory_space<semaphore_mem>>)
        %slice3A_1083 = vector.extract_strided_slice %get3A_782 {offsets = [15], sizes = [1], strides = [1]} : vector<16xi32> to vector<1xi32>
        %squeeze3A_1084 = vector.extract %slice3A_1083[0] : i32 from vector<1xi32>
        %shift_right_arithmetic3A_1085 = arith.constant 7 : i32
        %shift_right_arithmetic3A_1086 = arith.shrsi %squeeze3A_1084, %shift_right_arithmetic3A_1085 : i32
        %mul3A_1087 = arith.constant 128 : i32
        %mul3A_1088 = arith.muli %shift_right_arithmetic3A_1086, %mul3A_1087 : i32
        %multiple_of3A_1089 = tpu.assume_multiple %mul3A_1088, 128 : i32
        %dma_start3A_1090 = arith.constant 15 : i32
        %dma_start3A_1091 = arith.constant 0 : i32
        %dma_start3A_1092 = arith.constant 0 : i32
        %dma_start3A_1093 = tpu.memref_slice %arg6[%dma_start3A_1090, %dma_start3A_1091, %dma_start3A_1092] : memref<32x16x128xf32, #tpu.memory_space<vmem>> -> memref<1x16x128xf32, #tpu.memory_space<vmem>>
        %dma_start3A_1094 = tpu.memref_squeeze %dma_start3A_1093 : memref<1x16x128xf32, #tpu.memory_space<vmem>> -> memref<16x128xf32, #tpu.memory_space<vmem>>
        %dma_start3A_1095 = arith.constant 0 : i32
        %dma_start3A_1096 = tpu.memref_slice %arg3[%dma_start3A_1095, %multiple_of3A_1089] : memref<16x1000001xf32, #tpu.memory_space<hbm>> -> memref<16x128xf32, #tpu.memory_space<hbm>>
        %dma_start3A_1097 = arith.constant 0 : i32
        %dma_start3A_1098 = arith.constant 0 : i32
        %dma_start3A_1099 = tpu.memref_slice %arg6[%dma_start3A_1090, %dma_start3A_1097, %dma_start3A_1098] : memref<32x16x128xf32, #tpu.memory_space<vmem>> -> memref<1x16x128xf32, #tpu.memory_space<vmem>>
        %dma_start3A_1100 = tpu.memref_squeeze %dma_start3A_1099 : memref<1x16x128xf32, #tpu.memory_space<vmem>> -> memref<16x128xf32, #tpu.memory_space<vmem>>
        %dma_start3A_1101 = arith.constant 0 : i32
        %dma_start3A_1102 = tpu.memref_slice %arg3[%dma_start3A_1101, %multiple_of3A_1089] : memref<16x1000001xf32, #tpu.memory_space<hbm>> -> memref<16x128xf32, #tpu.memory_space<hbm>>
        tpu.enqueue_dma source(%dma_start3A_1102 : memref<16x128xf32, #tpu.memory_space<hbm>>) target(%dma_start3A_1100 : memref<16x128xf32, #tpu.memory_space<vmem>>) target_semaphore(%arg8 : memref<!tpu.dma_semaphore, #tpu.memory_space<semaphore_mem>>)
        %dma_wait3A_1103 = arith.constant 16 : i32
        %dma_wait3A_1104 = arith.constant 0 : i32
        %dma_wait3A_1105 = arith.constant 0 : i32
        %dma_wait3A_1106 = tpu.memref_slice %arg6[%dma_wait3A_1103, %dma_wait3A_1104, %dma_wait3A_1105] : memref<32x16x128xf32, #tpu.memory_space<vmem>> -> memref<1x16x128xf32, #tpu.memory_space<vmem>>
        %dma_wait3A_1107 = tpu.memref_squeeze %dma_wait3A_1106 : memref<1x16x128xf32, #tpu.memory_space<vmem>> -> memref<16x128xf32, #tpu.memory_space<vmem>>
        %dma_wait3A_1108 = arith.constant 0 : i32
        %dma_wait3A_1109 = arith.constant 0 : i32
        %dma_wait3A_1110 = tpu.memref_slice %arg3[%dma_wait3A_1108, %dma_wait3A_1109] : memref<16x1000001xf32, #tpu.memory_space<hbm>> -> memref<16x128xf32, #tpu.memory_space<hbm>>
        %dma_wait3A_1111 = arith.constant 0 : i32
        %dma_wait3A_1112 = arith.constant 0 : i32
        %dma_wait3A_1113 = tpu.memref_slice %arg6[%dma_wait3A_1103, %dma_wait3A_1111, %dma_wait3A_1112] : memref<32x16x128xf32, #tpu.memory_space<vmem>> -> memref<1x16x128xf32, #tpu.memory_space<vmem>>
        %dma_wait3A_1114 = tpu.memref_squeeze %dma_wait3A_1113 : memref<1x16x128xf32, #tpu.memory_space<vmem>> -> memref<16x128xf32, #tpu.memory_space<vmem>>
        %dma_wait3A_1115 = arith.constant 0 : i32
        %dma_wait3A_1116 = arith.constant 0 : i32
        %dma_wait3A_1117 = tpu.memref_slice %arg3[%dma_wait3A_1115, %dma_wait3A_1116] : memref<16x1000001xf32, #tpu.memory_space<hbm>> -> memref<16x128xf32, #tpu.memory_space<hbm>>
        tpu.wait_dma2 semaphore(%arg9 : memref<!tpu.dma_semaphore, #tpu.memory_space<semaphore_mem>>) src(%dma_wait3A_1117 : memref<16x128xf32, #tpu.memory_space<hbm>>) dst(%dma_wait3A_1114 : memref<16x128xf32, #tpu.memory_space<vmem>>)
        %dma_wait3A_1118 = arith.constant 17 : i32
        %dma_wait3A_1119 = arith.constant 0 : i32
        %dma_wait3A_1120 = arith.constant 0 : i32
        %dma_wait3A_1121 = tpu.memref_slice %arg6[%dma_wait3A_1118, %dma_wait3A_1119, %dma_wait3A_1120] : memref<32x16x128xf32, #tpu.memory_space<vmem>> -> memref<1x16x128xf32, #tpu.memory_space<vmem>>
        %dma_wait3A_1122 = tpu.memref_squeeze %dma_wait3A_1121 : memref<1x16x128xf32, #tpu.memory_space<vmem>> -> memref<16x128xf32, #tpu.memory_space<vmem>>
        %dma_wait3A_1123 = arith.constant 0 : i32
        %dma_wait3A_1124 = arith.constant 0 : i32
        %dma_wait3A_1125 = tpu.memref_slice %arg3[%dma_wait3A_1123, %dma_wait3A_1124] : memref<16x1000001xf32, #tpu.memory_space<hbm>> -> memref<16x128xf32, #tpu.memory_space<hbm>>
        %dma_wait3A_1126 = arith.constant 0 : i32
        %dma_wait3A_1127 = arith.constant 0 : i32
        %dma_wait3A_1128 = tpu.memref_slice %arg6[%dma_wait3A_1118, %dma_wait3A_1126, %dma_wait3A_1127] : memref<32x16x128xf32, #tpu.memory_space<vmem>> -> memref<1x16x128xf32, #tpu.memory_space<vmem>>
        %dma_wait3A_1129 = tpu.memref_squeeze %dma_wait3A_1128 : memref<1x16x128xf32, #tpu.memory_space<vmem>> -> memref<16x128xf32, #tpu.memory_space<vmem>>
        %dma_wait3A_1130 = arith.constant 0 : i32
        %dma_wait3A_1131 = arith.constant 0 : i32
        %dma_wait3A_1132 = tpu.memref_slice %arg3[%dma_wait3A_1130, %dma_wait3A_1131] : memref<16x1000001xf32, #tpu.memory_space<hbm>> -> memref<16x128xf32, #tpu.memory_space<hbm>>
        tpu.wait_dma2 semaphore(%arg9 : memref<!tpu.dma_semaphore, #tpu.memory_space<semaphore_mem>>) src(%dma_wait3A_1132 : memref<16x128xf32, #tpu.memory_space<hbm>>) dst(%dma_wait3A_1129 : memref<16x128xf32, #tpu.memory_space<vmem>>)
        %dma_wait3A_1133 = arith.constant 18 : i32
        %dma_wait3A_1134 = arith.constant 0 : i32
        %dma_wait3A_1135 = arith.constant 0 : i32
        %dma_wait3A_1136 = tpu.memref_slice %arg6[%dma_wait3A_1133, %dma_wait3A_1134, %dma_wait3A_1135] : memref<32x16x128xf32, #tpu.memory_space<vmem>> -> memref<1x16x128xf32, #tpu.memory_space<vmem>>
        %dma_wait3A_1137 = tpu.memref_squeeze %dma_wait3A_1136 : memref<1x16x128xf32, #tpu.memory_space<vmem>> -> memref<16x128xf32, #tpu.memory_space<vmem>>
        %dma_wait3A_1138 = arith.constant 0 : i32
        %dma_wait3A_1139 = arith.constant 0 : i32
        %dma_wait3A_1140 = tpu.memref_slice %arg3[%dma_wait3A_1138, %dma_wait3A_1139] : memref<16x1000001xf32, #tpu.memory_space<hbm>> -> memref<16x128xf32, #tpu.memory_space<hbm>>
        %dma_wait3A_1141 = arith.constant 0 : i32
        %dma_wait3A_1142 = arith.constant 0 : i32
        %dma_wait3A_1143 = tpu.memref_slice %arg6[%dma_wait3A_1133, %dma_wait3A_1141, %dma_wait3A_1142] : memref<32x16x128xf32, #tpu.memory_space<vmem>> -> memref<1x16x128xf32, #tpu.memory_space<vmem>>
        %dma_wait3A_1144 = tpu.memref_squeeze %dma_wait3A_1143 : memref<1x16x128xf32, #tpu.memory_space<vmem>> -> memref<16x128xf32, #tpu.memory_space<vmem>>
        %dma_wait3A_1145 = arith.constant 0 : i32
        %dma_wait3A_1146 = arith.constant 0 : i32
        %dma_wait3A_1147 = tpu.memref_slice %arg3[%dma_wait3A_1145, %dma_wait3A_1146] : memref<16x1000001xf32, #tpu.memory_space<hbm>> -> memref<16x128xf32, #tpu.memory_space<hbm>>
        tpu.wait_dma2 semaphore(%arg9 : memref<!tpu.dma_semaphore, #tpu.memory_space<semaphore_mem>>) src(%dma_wait3A_1147 : memref<16x128xf32, #tpu.memory_space<hbm>>) dst(%dma_wait3A_1144 : memref<16x128xf32, #tpu.memory_space<vmem>>)
        %dma_wait3A_1148 = arith.constant 19 : i32
        %dma_wait3A_1149 = arith.constant 0 : i32
        %dma_wait3A_1150 = arith.constant 0 : i32
        %dma_wait3A_1151 = tpu.memref_slice %arg6[%dma_wait3A_1148, %dma_wait3A_1149, %dma_wait3A_1150] : memref<32x16x128xf32, #tpu.memory_space<vmem>> -> memref<1x16x128xf32, #tpu.memory_space<vmem>>
        %dma_wait3A_1152 = tpu.memref_squeeze %dma_wait3A_1151 : memref<1x16x128xf32, #tpu.memory_space<vmem>> -> memref<16x128xf32, #tpu.memory_space<vmem>>
        %dma_wait3A_1153 = arith.constant 0 : i32
        %dma_wait3A_1154 = arith.constant 0 : i32
        %dma_wait3A_1155 = tpu.memref_slice %arg3[%dma_wait3A_1153, %dma_wait3A_1154] : memref<16x1000001xf32, #tpu.memory_space<hbm>> -> memref<16x128xf32, #tpu.memory_space<hbm>>
        %dma_wait3A_1156 = arith.constant 0 : i32
        %dma_wait3A_1157 = arith.constant 0 : i32
        %dma_wait3A_1158 = tpu.memref_slice %arg6[%dma_wait3A_1148, %dma_wait3A_1156, %dma_wait3A_1157] : memref<32x16x128xf32, #tpu.memory_space<vmem>> -> memref<1x16x128xf32, #tpu.memory_space<vmem>>
        %dma_wait3A_1159 = tpu.memref_squeeze %dma_wait3A_1158 : memref<1x16x128xf32, #tpu.memory_space<vmem>> -> memref<16x128xf32, #tpu.memory_space<vmem>>
        %dma_wait3A_1160 = arith.constant 0 : i32
        %dma_wait3A_1161 = arith.constant 0 : i32
        %dma_wait3A_1162 = tpu.memref_slice %arg3[%dma_wait3A_1160, %dma_wait3A_1161] : memref<16x1000001xf32, #tpu.memory_space<hbm>> -> memref<16x128xf32, #tpu.memory_space<hbm>>
        tpu.wait_dma2 semaphore(%arg9 : memref<!tpu.dma_semaphore, #tpu.memory_space<semaphore_mem>>) src(%dma_wait3A_1162 : memref<16x128xf32, #tpu.memory_space<hbm>>) dst(%dma_wait3A_1159 : memref<16x128xf32, #tpu.memory_space<vmem>>)
        %dma_wait3A_1163 = arith.constant 20 : i32
        %dma_wait3A_1164 = arith.constant 0 : i32
        %dma_wait3A_1165 = arith.constant 0 : i32
        %dma_wait3A_1166 = tpu.memref_slice %arg6[%dma_wait3A_1163, %dma_wait3A_1164, %dma_wait3A_1165] : memref<32x16x128xf32, #tpu.memory_space<vmem>> -> memref<1x16x128xf32, #tpu.memory_space<vmem>>
        %dma_wait3A_1167 = tpu.memref_squeeze %dma_wait3A_1166 : memref<1x16x128xf32, #tpu.memory_space<vmem>> -> memref<16x128xf32, #tpu.memory_space<vmem>>
        %dma_wait3A_1168 = arith.constant 0 : i32
        %dma_wait3A_1169 = arith.constant 0 : i32
        %dma_wait3A_1170 = tpu.memref_slice %arg3[%dma_wait3A_1168, %dma_wait3A_1169] : memref<16x1000001xf32, #tpu.memory_space<hbm>> -> memref<16x128xf32, #tpu.memory_space<hbm>>
        %dma_wait3A_1171 = arith.constant 0 : i32
        %dma_wait3A_1172 = arith.constant 0 : i32
        %dma_wait3A_1173 = tpu.memref_slice %arg6[%dma_wait3A_1163, %dma_wait3A_1171, %dma_wait3A_1172] : memref<32x16x128xf32, #tpu.memory_space<vmem>> -> memref<1x16x128xf32, #tpu.memory_space<vmem>>
        %dma_wait3A_1174 = tpu.memref_squeeze %dma_wait3A_1173 : memref<1x16x128xf32, #tpu.memory_space<vmem>> -> memref<16x128xf32, #tpu.memory_space<vmem>>
        %dma_wait3A_1175 = arith.constant 0 : i32
        %dma_wait3A_1176 = arith.constant 0 : i32
        %dma_wait3A_1177 = tpu.memref_slice %arg3[%dma_wait3A_1175, %dma_wait3A_1176] : memref<16x1000001xf32, #tpu.memory_space<hbm>> -> memref<16x128xf32, #tpu.memory_space<hbm>>
        tpu.wait_dma2 semaphore(%arg9 : memref<!tpu.dma_semaphore, #tpu.memory_space<semaphore_mem>>) src(%dma_wait3A_1177 : memref<16x128xf32, #tpu.memory_space<hbm>>) dst(%dma_wait3A_1174 : memref<16x128xf32, #tpu.memory_space<vmem>>)
        %dma_wait3A_1178 = arith.constant 21 : i32
        %dma_wait3A_1179 = arith.constant 0 : i32
        %dma_wait3A_1180 = arith.constant 0 : i32
        %dma_wait3A_1181 = tpu.memref_slice %arg6[%dma_wait3A_1178, %dma_wait3A_1179, %dma_wait3A_1180] : memref<32x16x128xf32, #tpu.memory_space<vmem>> -> memref<1x16x128xf32, #tpu.memory_space<vmem>>
        %dma_wait3A_1182 = tpu.memref_squeeze %dma_wait3A_1181 : memref<1x16x128xf32, #tpu.memory_space<vmem>> -> memref<16x128xf32, #tpu.memory_space<vmem>>
        %dma_wait3A_1183 = arith.constant 0 : i32
        %dma_wait3A_1184 = arith.constant 0 : i32
        %dma_wait3A_1185 = tpu.memref_slice %arg3[%dma_wait3A_1183, %dma_wait3A_1184] : memref<16x1000001xf32, #tpu.memory_space<hbm>> -> memref<16x128xf32, #tpu.memory_space<hbm>>
        %dma_wait3A_1186 = arith.constant 0 : i32
        %dma_wait3A_1187 = arith.constant 0 : i32
        %dma_wait3A_1188 = tpu.memref_slice %arg6[%dma_wait3A_1178, %dma_wait3A_1186, %dma_wait3A_1187] : memref<32x16x128xf32, #tpu.memory_space<vmem>> -> memref<1x16x128xf32, #tpu.memory_space<vmem>>
        %dma_wait3A_1189 = tpu.memref_squeeze %dma_wait3A_1188 : memref<1x16x128xf32, #tpu.memory_space<vmem>> -> memref<16x128xf32, #tpu.memory_space<vmem>>
        %dma_wait3A_1190 = arith.constant 0 : i32
        %dma_wait3A_1191 = arith.constant 0 : i32
        %dma_wait3A_1192 = tpu.memref_slice %arg3[%dma_wait3A_1190, %dma_wait3A_1191] : memref<16x1000001xf32, #tpu.memory_space<hbm>> -> memref<16x128xf32, #tpu.memory_space<hbm>>
        tpu.wait_dma2 semaphore(%arg9 : memref<!tpu.dma_semaphore, #tpu.memory_space<semaphore_mem>>) src(%dma_wait3A_1192 : memref<16x128xf32, #tpu.memory_space<hbm>>) dst(%dma_wait3A_1189 : memref<16x128xf32, #tpu.memory_space<vmem>>)
        %dma_wait3A_1193 = arith.constant 22 : i32
        %dma_wait3A_1194 = arith.constant 0 : i32
        %dma_wait3A_1195 = arith.constant 0 : i32
        %dma_wait3A_1196 = tpu.memref_slice %arg6[%dma_wait3A_1193, %dma_wait3A_1194, %dma_wait3A_1195] : memref<32x16x128xf32, #tpu.memory_space<vmem>> -> memref<1x16x128xf32, #tpu.memory_space<vmem>>
        %dma_wait3A_1197 = tpu.memref_squeeze %dma_wait3A_1196 : memref<1x16x128xf32, #tpu.memory_space<vmem>> -> memref<16x128xf32, #tpu.memory_space<vmem>>
        %dma_wait3A_1198 = arith.constant 0 : i32
        %dma_wait3A_1199 = arith.constant 0 : i32
        %dma_wait3A_1200 = tpu.memref_slice %arg3[%dma_wait3A_1198, %dma_wait3A_1199] : memref<16x1000001xf32, #tpu.memory_space<hbm>> -> memref<16x128xf32, #tpu.memory_space<hbm>>
        %dma_wait3A_1201 = arith.constant 0 : i32
        %dma_wait3A_1202 = arith.constant 0 : i32
        %dma_wait3A_1203 = tpu.memref_slice %arg6[%dma_wait3A_1193, %dma_wait3A_1201, %dma_wait3A_1202] : memref<32x16x128xf32, #tpu.memory_space<vmem>> -> memref<1x16x128xf32, #tpu.memory_space<vmem>>
        %dma_wait3A_1204 = tpu.memref_squeeze %dma_wait3A_1203 : memref<1x16x128xf32, #tpu.memory_space<vmem>> -> memref<16x128xf32, #tpu.memory_space<vmem>>
        %dma_wait3A_1205 = arith.constant 0 : i32
        %dma_wait3A_1206 = arith.constant 0 : i32
        %dma_wait3A_1207 = tpu.memref_slice %arg3[%dma_wait3A_1205, %dma_wait3A_1206] : memref<16x1000001xf32, #tpu.memory_space<hbm>> -> memref<16x128xf32, #tpu.memory_space<hbm>>
        tpu.wait_dma2 semaphore(%arg9 : memref<!tpu.dma_semaphore, #tpu.memory_space<semaphore_mem>>) src(%dma_wait3A_1207 : memref<16x128xf32, #tpu.memory_space<hbm>>) dst(%dma_wait3A_1204 : memref<16x128xf32, #tpu.memory_space<vmem>>)
        %dma_wait3A_1208 = arith.constant 23 : i32
        %dma_wait3A_1209 = arith.constant 0 : i32
        %dma_wait3A_1210 = arith.constant 0 : i32
        %dma_wait3A_1211 = tpu.memref_slice %arg6[%dma_wait3A_1208, %dma_wait3A_1209, %dma_wait3A_1210] : memref<32x16x128xf32, #tpu.memory_space<vmem>> -> memref<1x16x128xf32, #tpu.memory_space<vmem>>
        %dma_wait3A_1212 = tpu.memref_squeeze %dma_wait3A_1211 : memref<1x16x128xf32, #tpu.memory_space<vmem>> -> memref<16x128xf32, #tpu.memory_space<vmem>>
        %dma_wait3A_1213 = arith.constant 0 : i32
        %dma_wait3A_1214 = arith.constant 0 : i32
        %dma_wait3A_1215 = tpu.memref_slice %arg3[%dma_wait3A_1213, %dma_wait3A_1214] : memref<16x1000001xf32, #tpu.memory_space<hbm>> -> memref<16x128xf32, #tpu.memory_space<hbm>>
        %dma_wait3A_1216 = arith.constant 0 : i32
        %dma_wait3A_1217 = arith.constant 0 : i32
        %dma_wait3A_1218 = tpu.memref_slice %arg6[%dma_wait3A_1208, %dma_wait3A_1216, %dma_wait3A_1217] : memref<32x16x128xf32, #tpu.memory_space<vmem>> -> memref<1x16x128xf32, #tpu.memory_space<vmem>>
        %dma_wait3A_1219 = tpu.memref_squeeze %dma_wait3A_1218 : memref<1x16x128xf32, #tpu.memory_space<vmem>> -> memref<16x128xf32, #tpu.memory_space<vmem>>
        %dma_wait3A_1220 = arith.constant 0 : i32
        %dma_wait3A_1221 = arith.constant 0 : i32
        %dma_wait3A_1222 = tpu.memref_slice %arg3[%dma_wait3A_1220, %dma_wait3A_1221] : memref<16x1000001xf32, #tpu.memory_space<hbm>> -> memref<16x128xf32, #tpu.memory_space<hbm>>
        tpu.wait_dma2 semaphore(%arg9 : memref<!tpu.dma_semaphore, #tpu.memory_space<semaphore_mem>>) src(%dma_wait3A_1222 : memref<16x128xf32, #tpu.memory_space<hbm>>) dst(%dma_wait3A_1219 : memref<16x128xf32, #tpu.memory_space<vmem>>)
        %dma_wait3A_1223 = arith.constant 24 : i32
        %dma_wait3A_1224 = arith.constant 0 : i32
        %dma_wait3A_1225 = arith.constant 0 : i32
        %dma_wait3A_1226 = tpu.memref_slice %arg6[%dma_wait3A_1223, %dma_wait3A_1224, %dma_wait3A_1225] : memref<32x16x128xf32, #tpu.memory_space<vmem>> -> memref<1x16x128xf32, #tpu.memory_space<vmem>>
        %dma_wait3A_1227 = tpu.memref_squeeze %dma_wait3A_1226 : memref<1x16x128xf32, #tpu.memory_space<vmem>> -> memref<16x128xf32, #tpu.memory_space<vmem>>
        %dma_wait3A_1228 = arith.constant 0 : i32
        %dma_wait3A_1229 = arith.constant 0 : i32
        %dma_wait3A_1230 = tpu.memref_slice %arg3[%dma_wait3A_1228, %dma_wait3A_1229] : memref<16x1000001xf32, #tpu.memory_space<hbm>> -> memref<16x128xf32, #tpu.memory_space<hbm>>
        %dma_wait3A_1231 = arith.constant 0 : i32
        %dma_wait3A_1232 = arith.constant 0 : i32
        %dma_wait3A_1233 = tpu.memref_slice %arg6[%dma_wait3A_1223, %dma_wait3A_1231, %dma_wait3A_1232] : memref<32x16x128xf32, #tpu.memory_space<vmem>> -> memref<1x16x128xf32, #tpu.memory_space<vmem>>
        %dma_wait3A_1234 = tpu.memref_squeeze %dma_wait3A_1233 : memref<1x16x128xf32, #tpu.memory_space<vmem>> -> memref<16x128xf32, #tpu.memory_space<vmem>>
        %dma_wait3A_1235 = arith.constant 0 : i32
        %dma_wait3A_1236 = arith.constant 0 : i32
        %dma_wait3A_1237 = tpu.memref_slice %arg3[%dma_wait3A_1235, %dma_wait3A_1236] : memref<16x1000001xf32, #tpu.memory_space<hbm>> -> memref<16x128xf32, #tpu.memory_space<hbm>>
        tpu.wait_dma2 semaphore(%arg9 : memref<!tpu.dma_semaphore, #tpu.memory_space<semaphore_mem>>) src(%dma_wait3A_1237 : memref<16x128xf32, #tpu.memory_space<hbm>>) dst(%dma_wait3A_1234 : memref<16x128xf32, #tpu.memory_space<vmem>>)
        %dma_wait3A_1238 = arith.constant 25 : i32
        %dma_wait3A_1239 = arith.constant 0 : i32
        %dma_wait3A_1240 = arith.constant 0 : i32
        %dma_wait3A_1241 = tpu.memref_slice %arg6[%dma_wait3A_1238, %dma_wait3A_1239, %dma_wait3A_1240] : memref<32x16x128xf32, #tpu.memory_space<vmem>> -> memref<1x16x128xf32, #tpu.memory_space<vmem>>
        %dma_wait3A_1242 = tpu.memref_squeeze %dma_wait3A_1241 : memref<1x16x128xf32, #tpu.memory_space<vmem>> -> memref<16x128xf32, #tpu.memory_space<vmem>>
        %dma_wait3A_1243 = arith.constant 0 : i32
        %dma_wait3A_1244 = arith.constant 0 : i32
        %dma_wait3A_1245 = tpu.memref_slice %arg3[%dma_wait3A_1243, %dma_wait3A_1244] : memref<16x1000001xf32, #tpu.memory_space<hbm>> -> memref<16x128xf32, #tpu.memory_space<hbm>>
        %dma_wait3A_1246 = arith.constant 0 : i32
        %dma_wait3A_1247 = arith.constant 0 : i32
        %dma_wait3A_1248 = tpu.memref_slice %arg6[%dma_wait3A_1238, %dma_wait3A_1246, %dma_wait3A_1247] : memref<32x16x128xf32, #tpu.memory_space<vmem>> -> memref<1x16x128xf32, #tpu.memory_space<vmem>>
        %dma_wait3A_1249 = tpu.memref_squeeze %dma_wait3A_1248 : memref<1x16x128xf32, #tpu.memory_space<vmem>> -> memref<16x128xf32, #tpu.memory_space<vmem>>
        %dma_wait3A_1250 = arith.constant 0 : i32
        %dma_wait3A_1251 = arith.constant 0 : i32
        %dma_wait3A_1252 = tpu.memref_slice %arg3[%dma_wait3A_1250, %dma_wait3A_1251] : memref<16x1000001xf32, #tpu.memory_space<hbm>> -> memref<16x128xf32, #tpu.memory_space<hbm>>
        tpu.wait_dma2 semaphore(%arg9 : memref<!tpu.dma_semaphore, #tpu.memory_space<semaphore_mem>>) src(%dma_wait3A_1252 : memref<16x128xf32, #tpu.memory_space<hbm>>) dst(%dma_wait3A_1249 : memref<16x128xf32, #tpu.memory_space<vmem>>)
        %dma_wait3A_1253 = arith.constant 26 : i32
        %dma_wait3A_1254 = arith.constant 0 : i32
        %dma_wait3A_1255 = arith.constant 0 : i32
        %dma_wait3A_1256 = tpu.memref_slice %arg6[%dma_wait3A_1253, %dma_wait3A_1254, %dma_wait3A_1255] : memref<32x16x128xf32, #tpu.memory_space<vmem>> -> memref<1x16x128xf32, #tpu.memory_space<vmem>>
        %dma_wait3A_1257 = tpu.memref_squeeze %dma_wait3A_1256 : memref<1x16x128xf32, #tpu.memory_space<vmem>> -> memref<16x128xf32, #tpu.memory_space<vmem>>
        %dma_wait3A_1258 = arith.constant 0 : i32
        %dma_wait3A_1259 = arith.constant 0 : i32
        %dma_wait3A_1260 = tpu.memref_slice %arg3[%dma_wait3A_1258, %dma_wait3A_1259] : memref<16x1000001xf32, #tpu.memory_space<hbm>> -> memref<16x128xf32, #tpu.memory_space<hbm>>
        %dma_wait3A_1261 = arith.constant 0 : i32
        %dma_wait3A_1262 = arith.constant 0 : i32
        %dma_wait3A_1263 = tpu.memref_slice %arg6[%dma_wait3A_1253, %dma_wait3A_1261, %dma_wait3A_1262] : memref<32x16x128xf32, #tpu.memory_space<vmem>> -> memref<1x16x128xf32, #tpu.memory_space<vmem>>
        %dma_wait3A_1264 = tpu.memref_squeeze %dma_wait3A_1263 : memref<1x16x128xf32, #tpu.memory_space<vmem>> -> memref<16x128xf32, #tpu.memory_space<vmem>>
        %dma_wait3A_1265 = arith.constant 0 : i32
        %dma_wait3A_1266 = arith.constant 0 : i32
        %dma_wait3A_1267 = tpu.memref_slice %arg3[%dma_wait3A_1265, %dma_wait3A_1266] : memref<16x1000001xf32, #tpu.memory_space<hbm>> -> memref<16x128xf32, #tpu.memory_space<hbm>>
        tpu.wait_dma2 semaphore(%arg9 : memref<!tpu.dma_semaphore, #tpu.memory_space<semaphore_mem>>) src(%dma_wait3A_1267 : memref<16x128xf32, #tpu.memory_space<hbm>>) dst(%dma_wait3A_1264 : memref<16x128xf32, #tpu.memory_space<vmem>>)
        %dma_wait3A_1268 = arith.constant 27 : i32
        %dma_wait3A_1269 = arith.constant 0 : i32
        %dma_wait3A_1270 = arith.constant 0 : i32
        %dma_wait3A_1271 = tpu.memref_slice %arg6[%dma_wait3A_1268, %dma_wait3A_1269, %dma_wait3A_1270] : memref<32x16x128xf32, #tpu.memory_space<vmem>> -> memref<1x16x128xf32, #tpu.memory_space<vmem>>
        %dma_wait3A_1272 = tpu.memref_squeeze %dma_wait3A_1271 : memref<1x16x128xf32, #tpu.memory_space<vmem>> -> memref<16x128xf32, #tpu.memory_space<vmem>>
        %dma_wait3A_1273 = arith.constant 0 : i32
        %dma_wait3A_1274 = arith.constant 0 : i32
        %dma_wait3A_1275 = tpu.memref_slice %arg3[%dma_wait3A_1273, %dma_wait3A_1274] : memref<16x1000001xf32, #tpu.memory_space<hbm>> -> memref<16x128xf32, #tpu.memory_space<hbm>>
        %dma_wait3A_1276 = arith.constant 0 : i32
        %dma_wait3A_1277 = arith.constant 0 : i32
        %dma_wait3A_1278 = tpu.memref_slice %arg6[%dma_wait3A_1268, %dma_wait3A_1276, %dma_wait3A_1277] : memref<32x16x128xf32, #tpu.memory_space<vmem>> -> memref<1x16x128xf32, #tpu.memory_space<vmem>>
        %dma_wait3A_1279 = tpu.memref_squeeze %dma_wait3A_1278 : memref<1x16x128xf32, #tpu.memory_space<vmem>> -> memref<16x128xf32, #tpu.memory_space<vmem>>
        %dma_wait3A_1280 = arith.constant 0 : i32
        %dma_wait3A_1281 = arith.constant 0 : i32
        %dma_wait3A_1282 = tpu.memref_slice %arg3[%dma_wait3A_1280, %dma_wait3A_1281] : memref<16x1000001xf32, #tpu.memory_space<hbm>> -> memref<16x128xf32, #tpu.memory_space<hbm>>
        tpu.wait_dma2 semaphore(%arg9 : memref<!tpu.dma_semaphore, #tpu.memory_space<semaphore_mem>>) src(%dma_wait3A_1282 : memref<16x128xf32, #tpu.memory_space<hbm>>) dst(%dma_wait3A_1279 : memref<16x128xf32, #tpu.memory_space<vmem>>)
        %dma_wait3A_1283 = arith.constant 28 : i32
        %dma_wait3A_1284 = arith.constant 0 : i32
        %dma_wait3A_1285 = arith.constant 0 : i32
        %dma_wait3A_1286 = tpu.memref_slice %arg6[%dma_wait3A_1283, %dma_wait3A_1284, %dma_wait3A_1285] : memref<32x16x128xf32, #tpu.memory_space<vmem>> -> memref<1x16x128xf32, #tpu.memory_space<vmem>>
        %dma_wait3A_1287 = tpu.memref_squeeze %dma_wait3A_1286 : memref<1x16x128xf32, #tpu.memory_space<vmem>> -> memref<16x128xf32, #tpu.memory_space<vmem>>
        %dma_wait3A_1288 = arith.constant 0 : i32
        %dma_wait3A_1289 = arith.constant 0 : i32
        %dma_wait3A_1290 = tpu.memref_slice %arg3[%dma_wait3A_1288, %dma_wait3A_1289] : memref<16x1000001xf32, #tpu.memory_space<hbm>> -> memref<16x128xf32, #tpu.memory_space<hbm>>
        %dma_wait3A_1291 = arith.constant 0 : i32
        %dma_wait3A_1292 = arith.constant 0 : i32
        %dma_wait3A_1293 = tpu.memref_slice %arg6[%dma_wait3A_1283, %dma_wait3A_1291, %dma_wait3A_1292] : memref<32x16x128xf32, #tpu.memory_space<vmem>> -> memref<1x16x128xf32, #tpu.memory_space<vmem>>
        %dma_wait3A_1294 = tpu.memref_squeeze %dma_wait3A_1293 : memref<1x16x128xf32, #tpu.memory_space<vmem>> -> memref<16x128xf32, #tpu.memory_space<vmem>>
        %dma_wait3A_1295 = arith.constant 0 : i32
        %dma_wait3A_1296 = arith.constant 0 : i32
        %dma_wait3A_1297 = tpu.memref_slice %arg3[%dma_wait3A_1295, %dma_wait3A_1296] : memref<16x1000001xf32, #tpu.memory_space<hbm>> -> memref<16x128xf32, #tpu.memory_space<hbm>>
        tpu.wait_dma2 semaphore(%arg9 : memref<!tpu.dma_semaphore, #tpu.memory_space<semaphore_mem>>) src(%dma_wait3A_1297 : memref<16x128xf32, #tpu.memory_space<hbm>>) dst(%dma_wait3A_1294 : memref<16x128xf32, #tpu.memory_space<vmem>>)
        %dma_wait3A_1298 = arith.constant 29 : i32
        %dma_wait3A_1299 = arith.constant 0 : i32
        %dma_wait3A_1300 = arith.constant 0 : i32
        %dma_wait3A_1301 = tpu.memref_slice %arg6[%dma_wait3A_1298, %dma_wait3A_1299, %dma_wait3A_1300] : memref<32x16x128xf32, #tpu.memory_space<vmem>> -> memref<1x16x128xf32, #tpu.memory_space<vmem>>
        %dma_wait3A_1302 = tpu.memref_squeeze %dma_wait3A_1301 : memref<1x16x128xf32, #tpu.memory_space<vmem>> -> memref<16x128xf32, #tpu.memory_space<vmem>>
        %dma_wait3A_1303 = arith.constant 0 : i32
        %dma_wait3A_1304 = arith.constant 0 : i32
        %dma_wait3A_1305 = tpu.memref_slice %arg3[%dma_wait3A_1303, %dma_wait3A_1304] : memref<16x1000001xf32, #tpu.memory_space<hbm>> -> memref<16x128xf32, #tpu.memory_space<hbm>>
        %dma_wait3A_1306 = arith.constant 0 : i32
        %dma_wait3A_1307 = arith.constant 0 : i32
        %dma_wait3A_1308 = tpu.memref_slice %arg6[%dma_wait3A_1298, %dma_wait3A_1306, %dma_wait3A_1307] : memref<32x16x128xf32, #tpu.memory_space<vmem>> -> memref<1x16x128xf32, #tpu.memory_space<vmem>>
        %dma_wait3A_1309 = tpu.memref_squeeze %dma_wait3A_1308 : memref<1x16x128xf32, #tpu.memory_space<vmem>> -> memref<16x128xf32, #tpu.memory_space<vmem>>
        %dma_wait3A_1310 = arith.constant 0 : i32
        %dma_wait3A_1311 = arith.constant 0 : i32
        %dma_wait3A_1312 = tpu.memref_slice %arg3[%dma_wait3A_1310, %dma_wait3A_1311] : memref<16x1000001xf32, #tpu.memory_space<hbm>> -> memref<16x128xf32, #tpu.memory_space<hbm>>
        tpu.wait_dma2 semaphore(%arg9 : memref<!tpu.dma_semaphore, #tpu.memory_space<semaphore_mem>>) src(%dma_wait3A_1312 : memref<16x128xf32, #tpu.memory_space<hbm>>) dst(%dma_wait3A_1309 : memref<16x128xf32, #tpu.memory_space<vmem>>)
        %dma_wait3A_1313 = arith.constant 30 : i32
        %dma_wait3A_1314 = arith.constant 0 : i32
        %dma_wait3A_1315 = arith.constant 0 : i32
        %dma_wait3A_1316 = tpu.memref_slice %arg6[%dma_wait3A_1313, %dma_wait3A_1314, %dma_wait3A_1315] : memref<32x16x128xf32, #tpu.memory_space<vmem>> -> memref<1x16x128xf32, #tpu.memory_space<vmem>>
        %dma_wait3A_1317 = tpu.memref_squeeze %dma_wait3A_1316 : memref<1x16x128xf32, #tpu.memory_space<vmem>> -> memref<16x128xf32, #tpu.memory_space<vmem>>
        %dma_wait3A_1318 = arith.constant 0 : i32
        %dma_wait3A_1319 = arith.constant 0 : i32
        %dma_wait3A_1320 = tpu.memref_slice %arg3[%dma_wait3A_1318, %dma_wait3A_1319] : memref<16x1000001xf32, #tpu.memory_space<hbm>> -> memref<16x128xf32, #tpu.memory_space<hbm>>
        %dma_wait3A_1321 = arith.constant 0 : i32
        %dma_wait3A_1322 = arith.constant 0 : i32
        %dma_wait3A_1323 = tpu.memref_slice %arg6[%dma_wait3A_1313, %dma_wait3A_1321, %dma_wait3A_1322] : memref<32x16x128xf32, #tpu.memory_space<vmem>> -> memref<1x16x128xf32, #tpu.memory_space<vmem>>
        %dma_wait3A_1324 = tpu.memref_squeeze %dma_wait3A_1323 : memref<1x16x128xf32, #tpu.memory_space<vmem>> -> memref<16x128xf32, #tpu.memory_space<vmem>>
        %dma_wait3A_1325 = arith.constant 0 : i32
        %dma_wait3A_1326 = arith.constant 0 : i32
        %dma_wait3A_1327 = tpu.memref_slice %arg3[%dma_wait3A_1325, %dma_wait3A_1326] : memref<16x1000001xf32, #tpu.memory_space<hbm>> -> memref<16x128xf32, #tpu.memory_space<hbm>>
        tpu.wait_dma2 semaphore(%arg9 : memref<!tpu.dma_semaphore, #tpu.memory_space<semaphore_mem>>) src(%dma_wait3A_1327 : memref<16x128xf32, #tpu.memory_space<hbm>>) dst(%dma_wait3A_1324 : memref<16x128xf32, #tpu.memory_space<vmem>>)
        %dma_wait3A_1328 = arith.constant 31 : i32
        %dma_wait3A_1329 = arith.constant 0 : i32
        %dma_wait3A_1330 = arith.constant 0 : i32
        %dma_wait3A_1331 = tpu.memref_slice %arg6[%dma_wait3A_1328, %dma_wait3A_1329, %dma_wait3A_1330] : memref<32x16x128xf32, #tpu.memory_space<vmem>> -> memref<1x16x128xf32, #tpu.memory_space<vmem>>
        %dma_wait3A_1332 = tpu.memref_squeeze %dma_wait3A_1331 : memref<1x16x128xf32, #tpu.memory_space<vmem>> -> memref<16x128xf32, #tpu.memory_space<vmem>>
        %dma_wait3A_1333 = arith.constant 0 : i32
        %dma_wait3A_1334 = arith.constant 0 : i32
        %dma_wait3A_1335 = tpu.memref_slice %arg3[%dma_wait3A_1333, %dma_wait3A_1334] : memref<16x1000001xf32, #tpu.memory_space<hbm>> -> memref<16x128xf32, #tpu.memory_space<hbm>>
        %dma_wait3A_1336 = arith.constant 0 : i32
        %dma_wait3A_1337 = arith.constant 0 : i32
        %dma_wait3A_1338 = tpu.memref_slice %arg6[%dma_wait3A_1328, %dma_wait3A_1336, %dma_wait3A_1337] : memref<32x16x128xf32, #tpu.memory_space<vmem>> -> memref<1x16x128xf32, #tpu.memory_space<vmem>>
        %dma_wait3A_1339 = tpu.memref_squeeze %dma_wait3A_1338 : memref<1x16x128xf32, #tpu.memory_space<vmem>> -> memref<16x128xf32, #tpu.memory_space<vmem>>
        %dma_wait3A_1340 = arith.constant 0 : i32
        %dma_wait3A_1341 = arith.constant 0 : i32
        %dma_wait3A_1342 = tpu.memref_slice %arg3[%dma_wait3A_1340, %dma_wait3A_1341] : memref<16x1000001xf32, #tpu.memory_space<hbm>> -> memref<16x128xf32, #tpu.memory_space<hbm>>
        tpu.wait_dma2 semaphore(%arg9 : memref<!tpu.dma_semaphore, #tpu.memory_space<semaphore_mem>>) src(%dma_wait3A_1342 : memref<16x128xf32, #tpu.memory_space<hbm>>) dst(%dma_wait3A_1339 : memref<16x128xf32, #tpu.memory_space<vmem>>)
        %sub3A = arith.constant 1 : i32
        %sub3A_1343 = arith.subi %scan3A_770, %sub3A : i32
        %mul3A_1344 = arith.constant 16 : i32
        %mul3A_1345 = arith.muli %sub3A_1343, %mul3A_1344 : i32
        %get3A_1346 = arith.index_cast %mul3A_1345 : i32 to index
        %get3A_1347 = tpu.vector_load %arg5[%get3A_1346] {strides = array<i32>} : memref<512xi32, #tpu.memory_space<vmem>>, vector<16xi32>,
        %slice3A_1348 = vector.extract_strided_slice %get3A_1347 {offsets = [0], sizes = [1], strides = [1]} : vector<16xi32> to vector<1xi32>
        %squeeze3A_1349 = vector.extract %slice3A_1348[0] : i32 from vector<1xi32>
        %and3A_1350 = arith.constant 127 : i32
        %and3A_1351 = arith.andi %squeeze3A_1349, %and3A_1350 : i32
        %broadcast_in_dim3A_1352 = vector.broadcast %and3A_1351 : i32 to vector<16xi32>
        %gather3A_1353 = arith.constant 16 : i32
        %gather3A_1354 = arith.constant 0 : i32
        %gather3A_1355 = arith.constant 0 : i32
        %gather3A_1356 = tpu.memref_slice %arg6[%gather3A_1353, %gather3A_1354, %gather3A_1355] : memref<32x16x128xf32, #tpu.memory_space<vmem>> -> memref<1x16x128xf32, #tpu.memory_space<vmem>>
        %gather3A_1357 = tpu.memref_squeeze %gather3A_1356 : memref<1x16x128xf32, #tpu.memory_space<vmem>> -> memref<16x128xf32, #tpu.memory_space<vmem>>
        %gather3A_1358 = tpu.vector_load_idx %gather3A_1357[%iota3A, %broadcast_in_dim3A_1352] : memref<16x128xf32, #tpu.memory_space<vmem>>[vector<16xi32>, vector<16xi32>], vector<16xf32>,
        %mul3A_1359 = arith.constant 16 : i32
        %mul3A_1360 = arith.muli %sub3A_1343, %mul3A_1359 : i32
        %add3A_1361 = arith.constant 0 : i32
        %add3A_1362 = arith.addi %mul3A_1360, %add3A_1361 : i32
        %broadcast_in_dim3A_1363 = vector.broadcast %add3A_1362 : i32 to vector<16xi32>
        tpu.vector_store_idx %arg7[%iota3A, %broadcast_in_dim3A_1363], %gather3A_1358 : memref<16x512xf32, #tpu.memory_space<vmem>>[vector<16xi32>, vector<16xi32>], vector<16xf32>,
        %slice3A_1364 = vector.extract_strided_slice %get3A_1347 {offsets = [1], sizes = [1], strides = [1]} : vector<16xi32> to vector<1xi32>
        %squeeze3A_1365 = vector.extract %slice3A_1364[0] : i32 from vector<1xi32>
        %and3A_1366 = arith.constant 127 : i32
        %and3A_1367 = arith.andi %squeeze3A_1365, %and3A_1366 : i32
        %broadcast_in_dim3A_1368 = vector.broadcast %and3A_1367 : i32 to vector<16xi32>
        %gather3A_1369 = arith.constant 17 : i32
        %gather3A_1370 = arith.constant 0 : i32
        %gather3A_1371 = arith.constant 0 : i32
        %gather3A_1372 = tpu.memref_slice %arg6[%gather3A_1369, %gather3A_1370, %gather3A_1371] : memref<32x16x128xf32, #tpu.memory_space<vmem>> -> memref<1x16x128xf32, #tpu.memory_space<vmem>>
        %gather3A_1373 = tpu.memref_squeeze %gather3A_1372 : memref<1x16x128xf32, #tpu.memory_space<vmem>> -> memref<16x128xf32, #tpu.memory_space<vmem>>
        %gather3A_1374 = tpu.vector_load_idx %gather3A_1373[%iota3A, %broadcast_in_dim3A_1368] : memref<16x128xf32, #tpu.memory_space<vmem>>[vector<16xi32>, vector<16xi32>], vector<16xf32>,
        %mul3A_1375 = arith.constant 16 : i32
        %mul3A_1376 = arith.muli %sub3A_1343, %mul3A_1375 : i32
        %add3A_1377 = arith.constant 1 : i32
        %add3A_1378 = arith.addi %mul3A_1376, %add3A_1377 : i32
        %broadcast_in_dim3A_1379 = vector.broadcast %add3A_1378 : i32 to vector<16xi32>
        tpu.vector_store_idx %arg7[%iota3A, %broadcast_in_dim3A_1379], %gather3A_1374 : memref<16x512xf32, #tpu.memory_space<vmem>>[vector<16xi32>, vector<16xi32>], vector<16xf32>,
        %slice3A_1380 = vector.extract_strided_slice %get3A_1347 {offsets = [2], sizes = [1], strides = [1]} : vector<16xi32> to vector<1xi32>
        %squeeze3A_1381 = vector.extract %slice3A_1380[0] : i32 from vector<1xi32>
        %and3A_1382 = arith.constant 127 : i32
        %and3A_1383 = arith.andi %squeeze3A_1381, %and3A_1382 : i32
        %broadcast_in_dim3A_1384 = vector.broadcast %and3A_1383 : i32 to vector<16xi32>
        %gather3A_1385 = arith.constant 18 : i32
        %gather3A_1386 = arith.constant 0 : i32
        %gather3A_1387 = arith.constant 0 : i32
        %gather3A_1388 = tpu.memref_slice %arg6[%gather3A_1385, %gather3A_1386, %gather3A_1387] : memref<32x16x128xf32, #tpu.memory_space<vmem>> -> memref<1x16x128xf32, #tpu.memory_space<vmem>>
        %gather3A_1389 = tpu.memref_squeeze %gather3A_1388 : memref<1x16x128xf32, #tpu.memory_space<vmem>> -> memref<16x128xf32, #tpu.memory_space<vmem>>
        %gather3A_1390 = tpu.vector_load_idx %gather3A_1389[%iota3A, %broadcast_in_dim3A_1384] : memref<16x128xf32, #tpu.memory_space<vmem>>[vector<16xi32>, vector<16xi32>], vector<16xf32>,
        %mul3A_1391 = arith.constant 16 : i32
        %mul3A_1392 = arith.muli %sub3A_1343, %mul3A_1391 : i32
        %add3A_1393 = arith.constant 2 : i32
        %add3A_1394 = arith.addi %mul3A_1392, %add3A_1393 : i32
        %broadcast_in_dim3A_1395 = vector.broadcast %add3A_1394 : i32 to vector<16xi32>
        tpu.vector_store_idx %arg7[%iota3A, %broadcast_in_dim3A_1395], %gather3A_1390 : memref<16x512xf32, #tpu.memory_space<vmem>>[vector<16xi32>, vector<16xi32>], vector<16xf32>,
        %slice3A_1396 = vector.extract_strided_slice %get3A_1347 {offsets = [3], sizes = [1], strides = [1]} : vector<16xi32> to vector<1xi32>
        %squeeze3A_1397 = vector.extract %slice3A_1396[0] : i32 from vector<1xi32>
        %and3A_1398 = arith.constant 127 : i32
        %and3A_1399 = arith.andi %squeeze3A_1397, %and3A_1398 : i32
        %broadcast_in_dim3A_1400 = vector.broadcast %and3A_1399 : i32 to vector<16xi32>
        %gather3A_1401 = arith.constant 19 : i32
        %gather3A_1402 = arith.constant 0 : i32
        %gather3A_1403 = arith.constant 0 : i32
        %gather3A_1404 = tpu.memref_slice %arg6[%gather3A_1401, %gather3A_1402, %gather3A_1403] : memref<32x16x128xf32, #tpu.memory_space<vmem>> -> memref<1x16x128xf32, #tpu.memory_space<vmem>>
        %gather3A_1405 = tpu.memref_squeeze %gather3A_1404 : memref<1x16x128xf32, #tpu.memory_space<vmem>> -> memref<16x128xf32, #tpu.memory_space<vmem>>
        %gather3A_1406 = tpu.vector_load_idx %gather3A_1405[%iota3A, %broadcast_in_dim3A_1400] : memref<16x128xf32, #tpu.memory_space<vmem>>[vector<16xi32>, vector<16xi32>], vector<16xf32>,
        %mul3A_1407 = arith.constant 16 : i32
        %mul3A_1408 = arith.muli %sub3A_1343, %mul3A_1407 : i32
        %add3A_1409 = arith.constant 3 : i32
        %add3A_1410 = arith.addi %mul3A_1408, %add3A_1409 : i32
        %broadcast_in_dim3A_1411 = vector.broadcast %add3A_1410 : i32 to vector<16xi32>
        tpu.vector_store_idx %arg7[%iota3A, %broadcast_in_dim3A_1411], %gather3A_1406 : memref<16x512xf32, #tpu.memory_space<vmem>>[vector<16xi32>, vector<16xi32>], vector<16xf32>,
        %slice3A_1412 = vector.extract_strided_slice %get3A_1347 {offsets = [4], sizes = [1], strides = [1]} : vector<16xi32> to vector<1xi32>
        %squeeze3A_1413 = vector.extract %slice3A_1412[0] : i32 from vector<1xi32>
        %and3A_1414 = arith.constant 127 : i32
        %and3A_1415 = arith.andi %squeeze3A_1413, %and3A_1414 : i32
        %broadcast_in_dim3A_1416 = vector.broadcast %and3A_1415 : i32 to vector<16xi32>
        %gather3A_1417 = arith.constant 20 : i32
        %gather3A_1418 = arith.constant 0 : i32
        %gather3A_1419 = arith.constant 0 : i32
        %gather3A_1420 = tpu.memref_slice %arg6[%gather3A_1417, %gather3A_1418, %gather3A_1419] : memref<32x16x128xf32, #tpu.memory_space<vmem>> -> memref<1x16x128xf32, #tpu.memory_space<vmem>>
        %gather3A_1421 = tpu.memref_squeeze %gather3A_1420 : memref<1x16x128xf32, #tpu.memory_space<vmem>> -> memref<16x128xf32, #tpu.memory_space<vmem>>
        %gather3A_1422 = tpu.vector_load_idx %gather3A_1421[%iota3A, %broadcast_in_dim3A_1416] : memref<16x128xf32, #tpu.memory_space<vmem>>[vector<16xi32>, vector<16xi32>], vector<16xf32>,
        %mul3A_1423 = arith.constant 16 : i32
        %mul3A_1424 = arith.muli %sub3A_1343, %mul3A_1423 : i32
        %add3A_1425 = arith.constant 4 : i32
        %add3A_1426 = arith.addi %mul3A_1424, %add3A_1425 : i32
        %broadcast_in_dim3A_1427 = vector.broadcast %add3A_1426 : i32 to vector<16xi32>
        tpu.vector_store_idx %arg7[%iota3A, %broadcast_in_dim3A_1427], %gather3A_1422 : memref<16x512xf32, #tpu.memory_space<vmem>>[vector<16xi32>, vector<16xi32>], vector<16xf32>,
        %slice3A_1428 = vector.extract_strided_slice %get3A_1347 {offsets = [5], sizes = [1], strides = [1]} : vector<16xi32> to vector<1xi32>
        %squeeze3A_1429 = vector.extract %slice3A_1428[0] : i32 from vector<1xi32>
        %and3A_1430 = arith.constant 127 : i32
        %and3A_1431 = arith.andi %squeeze3A_1429, %and3A_1430 : i32
        %broadcast_in_dim3A_1432 = vector.broadcast %and3A_1431 : i32 to vector<16xi32>
        %gather3A_1433 = arith.constant 21 : i32
        %gather3A_1434 = arith.constant 0 : i32
        %gather3A_1435 = arith.constant 0 : i32
        %gather3A_1436 = tpu.memref_slice %arg6[%gather3A_1433, %gather3A_1434, %gather3A_1435] : memref<32x16x128xf32, #tpu.memory_space<vmem>> -> memref<1x16x128xf32, #tpu.memory_space<vmem>>
        %gather3A_1437 = tpu.memref_squeeze %gather3A_1436 : memref<1x16x128xf32, #tpu.memory_space<vmem>> -> memref<16x128xf32, #tpu.memory_space<vmem>>
        %gather3A_1438 = tpu.vector_load_idx %gather3A_1437[%iota3A, %broadcast_in_dim3A_1432] : memref<16x128xf32, #tpu.memory_space<vmem>>[vector<16xi32>, vector<16xi32>], vector<16xf32>,
        %mul3A_1439 = arith.constant 16 : i32
        %mul3A_1440 = arith.muli %sub3A_1343, %mul3A_1439 : i32
        %add3A_1441 = arith.constant 5 : i32
        %add3A_1442 = arith.addi %mul3A_1440, %add3A_1441 : i32
        %broadcast_in_dim3A_1443 = vector.broadcast %add3A_1442 : i32 to vector<16xi32>
        tpu.vector_store_idx %arg7[%iota3A, %broadcast_in_dim3A_1443], %gather3A_1438 : memref<16x512xf32, #tpu.memory_space<vmem>>[vector<16xi32>, vector<16xi32>], vector<16xf32>,
        %slice3A_1444 = vector.extract_strided_slice %get3A_1347 {offsets = [6], sizes = [1], strides = [1]} : vector<16xi32> to vector<1xi32>
        %squeeze3A_1445 = vector.extract %slice3A_1444[0] : i32 from vector<1xi32>
        %and3A_1446 = arith.constant 127 : i32
        %and3A_1447 = arith.andi %squeeze3A_1445, %and3A_1446 : i32
        %broadcast_in_dim3A_1448 = vector.broadcast %and3A_1447 : i32 to vector<16xi32>
        %gather3A_1449 = arith.constant 22 : i32
        %gather3A_1450 = arith.constant 0 : i32
        %gather3A_1451 = arith.constant 0 : i32
        %gather3A_1452 = tpu.memref_slice %arg6[%gather3A_1449, %gather3A_1450, %gather3A_1451] : memref<32x16x128xf32, #tpu.memory_space<vmem>> -> memref<1x16x128xf32, #tpu.memory_space<vmem>>
        %gather3A_1453 = tpu.memref_squeeze %gather3A_1452 : memref<1x16x128xf32, #tpu.memory_space<vmem>> -> memref<16x128xf32, #tpu.memory_space<vmem>>
        %gather3A_1454 = tpu.vector_load_idx %gather3A_1453[%iota3A, %broadcast_in_dim3A_1448] : memref<16x128xf32, #tpu.memory_space<vmem>>[vector<16xi32>, vector<16xi32>], vector<16xf32>,
        %mul3A_1455 = arith.constant 16 : i32
        %mul3A_1456 = arith.muli %sub3A_1343, %mul3A_1455 : i32
        %add3A_1457 = arith.constant 6 : i32
        %add3A_1458 = arith.addi %mul3A_1456, %add3A_1457 : i32
        %broadcast_in_dim3A_1459 = vector.broadcast %add3A_1458 : i32 to vector<16xi32>
        tpu.vector_store_idx %arg7[%iota3A, %broadcast_in_dim3A_1459], %gather3A_1454 : memref<16x512xf32, #tpu.memory_space<vmem>>[vector<16xi32>, vector<16xi32>], vector<16xf32>,
        %slice3A_1460 = vector.extract_strided_slice %get3A_1347 {offsets = [7], sizes = [1], strides = [1]} : vector<16xi32> to vector<1xi32>
        %squeeze3A_1461 = vector.extract %slice3A_1460[0] : i32 from vector<1xi32>
        %and3A_1462 = arith.constant 127 : i32
        %and3A_1463 = arith.andi %squeeze3A_1461, %and3A_1462 : i32
        %broadcast_in_dim3A_1464 = vector.broadcast %and3A_1463 : i32 to vector<16xi32>
        %gather3A_1465 = arith.constant 23 : i32
        %gather3A_1466 = arith.constant 0 : i32
        %gather3A_1467 = arith.constant 0 : i32
        %gather3A_1468 = tpu.memref_slice %arg6[%gather3A_1465, %gather3A_1466, %gather3A_1467] : memref<32x16x128xf32, #tpu.memory_space<vmem>> -> memref<1x16x128xf32, #tpu.memory_space<vmem>>
        %gather3A_1469 = tpu.memref_squeeze %gather3A_1468 : memref<1x16x128xf32, #tpu.memory_space<vmem>> -> memref<16x128xf32, #tpu.memory_space<vmem>>
        %gather3A_1470 = tpu.vector_load_idx %gather3A_1469[%iota3A, %broadcast_in_dim3A_1464] : memref<16x128xf32, #tpu.memory_space<vmem>>[vector<16xi32>, vector<16xi32>], vector<16xf32>,
        %mul3A_1471 = arith.constant 16 : i32
        %mul3A_1472 = arith.muli %sub3A_1343, %mul3A_1471 : i32
        %add3A_1473 = arith.constant 7 : i32
        %add3A_1474 = arith.addi %mul3A_1472, %add3A_1473 : i32
        %broadcast_in_dim3A_1475 = vector.broadcast %add3A_1474 : i32 to vector<16xi32>
        tpu.vector_store_idx %arg7[%iota3A, %broadcast_in_dim3A_1475], %gather3A_1470 : memref<16x512xf32, #tpu.memory_space<vmem>>[vector<16xi32>, vector<16xi32>], vector<16xf32>,
        %slice3A_1476 = vector.extract_strided_slice %get3A_1347 {offsets = [8], sizes = [1], strides = [1]} : vector<16xi32> to vector<1xi32>
        %squeeze3A_1477 = vector.extract %slice3A_1476[0] : i32 from vector<1xi32>
        %and3A_1478 = arith.constant 127 : i32
        %and3A_1479 = arith.andi %squeeze3A_1477, %and3A_1478 : i32
        %broadcast_in_dim3A_1480 = vector.broadcast %and3A_1479 : i32 to vector<16xi32>
        %gather3A_1481 = arith.constant 24 : i32
        %gather3A_1482 = arith.constant 0 : i32
        %gather3A_1483 = arith.constant 0 : i32
        %gather3A_1484 = tpu.memref_slice %arg6[%gather3A_1481, %gather3A_1482, %gather3A_1483] : memref<32x16x128xf32, #tpu.memory_space<vmem>> -> memref<1x16x128xf32, #tpu.memory_space<vmem>>
        %gather3A_1485 = tpu.memref_squeeze %gather3A_1484 : memref<1x16x128xf32, #tpu.memory_space<vmem>> -> memref<16x128xf32, #tpu.memory_space<vmem>>
        %gather3A_1486 = tpu.vector_load_idx %gather3A_1485[%iota3A, %broadcast_in_dim3A_1480] : memref<16x128xf32, #tpu.memory_space<vmem>>[vector<16xi32>, vector<16xi32>], vector<16xf32>,
        %mul3A_1487 = arith.constant 16 : i32
        %mul3A_1488 = arith.muli %sub3A_1343, %mul3A_1487 : i32
        %add3A_1489 = arith.constant 8 : i32
        %add3A_1490 = arith.addi %mul3A_1488, %add3A_1489 : i32
        %broadcast_in_dim3A_1491 = vector.broadcast %add3A_1490 : i32 to vector<16xi32>
        tpu.vector_store_idx %arg7[%iota3A, %broadcast_in_dim3A_1491], %gather3A_1486 : memref<16x512xf32, #tpu.memory_space<vmem>>[vector<16xi32>, vector<16xi32>], vector<16xf32>,
        %slice3A_1492 = vector.extract_strided_slice %get3A_1347 {offsets = [9], sizes = [1], strides = [1]} : vector<16xi32> to vector<1xi32>
        %squeeze3A_1493 = vector.extract %slice3A_1492[0] : i32 from vector<1xi32>
        %and3A_1494 = arith.constant 127 : i32
        %and3A_1495 = arith.andi %squeeze3A_1493, %and3A_1494 : i32
        %broadcast_in_dim3A_1496 = vector.broadcast %and3A_1495 : i32 to vector<16xi32>
        %gather3A_1497 = arith.constant 25 : i32
        %gather3A_1498 = arith.constant 0 : i32
        %gather3A_1499 = arith.constant 0 : i32
        %gather3A_1500 = tpu.memref_slice %arg6[%gather3A_1497, %gather3A_1498, %gather3A_1499] : memref<32x16x128xf32, #tpu.memory_space<vmem>> -> memref<1x16x128xf32, #tpu.memory_space<vmem>>
        %gather3A_1501 = tpu.memref_squeeze %gather3A_1500 : memref<1x16x128xf32, #tpu.memory_space<vmem>> -> memref<16x128xf32, #tpu.memory_space<vmem>>
        %gather3A_1502 = tpu.vector_load_idx %gather3A_1501[%iota3A, %broadcast_in_dim3A_1496] : memref<16x128xf32, #tpu.memory_space<vmem>>[vector<16xi32>, vector<16xi32>], vector<16xf32>,
        %mul3A_1503 = arith.constant 16 : i32
        %mul3A_1504 = arith.muli %sub3A_1343, %mul3A_1503 : i32
        %add3A_1505 = arith.constant 9 : i32
        %add3A_1506 = arith.addi %mul3A_1504, %add3A_1505 : i32
        %broadcast_in_dim3A_1507 = vector.broadcast %add3A_1506 : i32 to vector<16xi32>
        tpu.vector_store_idx %arg7[%iota3A, %broadcast_in_dim3A_1507], %gather3A_1502 : memref<16x512xf32, #tpu.memory_space<vmem>>[vector<16xi32>, vector<16xi32>], vector<16xf32>,
        %slice3A_1508 = vector.extract_strided_slice %get3A_1347 {offsets = [10], sizes = [1], strides = [1]} : vector<16xi32> to vector<1xi32>
        %squeeze3A_1509 = vector.extract %slice3A_1508[0] : i32 from vector<1xi32>
        %and3A_1510 = arith.constant 127 : i32
        %and3A_1511 = arith.andi %squeeze3A_1509, %and3A_1510 : i32
        %broadcast_in_dim3A_1512 = vector.broadcast %and3A_1511 : i32 to vector<16xi32>
        %gather3A_1513 = arith.constant 26 : i32
        %gather3A_1514 = arith.constant 0 : i32
        %gather3A_1515 = arith.constant 0 : i32
        %gather3A_1516 = tpu.memref_slice %arg6[%gather3A_1513, %gather3A_1514, %gather3A_1515] : memref<32x16x128xf32, #tpu.memory_space<vmem>> -> memref<1x16x128xf32, #tpu.memory_space<vmem>>
        %gather3A_1517 = tpu.memref_squeeze %gather3A_1516 : memref<1x16x128xf32, #tpu.memory_space<vmem>> -> memref<16x128xf32, #tpu.memory_space<vmem>>
        %gather3A_1518 = tpu.vector_load_idx %gather3A_1517[%iota3A, %broadcast_in_dim3A_1512] : memref<16x128xf32, #tpu.memory_space<vmem>>[vector<16xi32>, vector<16xi32>], vector<16xf32>,
        %mul3A_1519 = arith.constant 16 : i32
        %mul3A_1520 = arith.muli %sub3A_1343, %mul3A_1519 : i32
        %add3A_1521 = arith.constant 10 : i32
        %add3A_1522 = arith.addi %mul3A_1520, %add3A_1521 : i32
        %broadcast_in_dim3A_1523 = vector.broadcast %add3A_1522 : i32 to vector<16xi32>
        tpu.vector_store_idx %arg7[%iota3A, %broadcast_in_dim3A_1523], %gather3A_1518 : memref<16x512xf32, #tpu.memory_space<vmem>>[vector<16xi32>, vector<16xi32>], vector<16xf32>,
        %slice3A_1524 = vector.extract_strided_slice %get3A_1347 {offsets = [11], sizes = [1], strides = [1]} : vector<16xi32> to vector<1xi32>
        %squeeze3A_1525 = vector.extract %slice3A_1524[0] : i32 from vector<1xi32>
        %and3A_1526 = arith.constant 127 : i32
        %and3A_1527 = arith.andi %squeeze3A_1525, %and3A_1526 : i32
        %broadcast_in_dim3A_1528 = vector.broadcast %and3A_1527 : i32 to vector<16xi32>
        %gather3A_1529 = arith.constant 27 : i32
        %gather3A_1530 = arith.constant 0 : i32
        %gather3A_1531 = arith.constant 0 : i32
        %gather3A_1532 = tpu.memref_slice %arg6[%gather3A_1529, %gather3A_1530, %gather3A_1531] : memref<32x16x128xf32, #tpu.memory_space<vmem>> -> memref<1x16x128xf32, #tpu.memory_space<vmem>>
        %gather3A_1533 = tpu.memref_squeeze %gather3A_1532 : memref<1x16x128xf32, #tpu.memory_space<vmem>> -> memref<16x128xf32, #tpu.memory_space<vmem>>
        %gather3A_1534 = tpu.vector_load_idx %gather3A_1533[%iota3A, %broadcast_in_dim3A_1528] : memref<16x128xf32, #tpu.memory_space<vmem>>[vector<16xi32>, vector<16xi32>], vector<16xf32>,
        %mul3A_1535 = arith.constant 16 : i32
        %mul3A_1536 = arith.muli %sub3A_1343, %mul3A_1535 : i32
        %add3A_1537 = arith.constant 11 : i32
        %add3A_1538 = arith.addi %mul3A_1536, %add3A_1537 : i32
        %broadcast_in_dim3A_1539 = vector.broadcast %add3A_1538 : i32 to vector<16xi32>
        tpu.vector_store_idx %arg7[%iota3A, %broadcast_in_dim3A_1539], %gather3A_1534 : memref<16x512xf32, #tpu.memory_space<vmem>>[vector<16xi32>, vector<16xi32>], vector<16xf32>,
        %slice3A_1540 = vector.extract_strided_slice %get3A_1347 {offsets = [12], sizes = [1], strides = [1]} : vector<16xi32> to vector<1xi32>
        %squeeze3A_1541 = vector.extract %slice3A_1540[0] : i32 from vector<1xi32>
        %and3A_1542 = arith.constant 127 : i32
        %and3A_1543 = arith.andi %squeeze3A_1541, %and3A_1542 : i32
        %broadcast_in_dim3A_1544 = vector.broadcast %and3A_1543 : i32 to vector<16xi32>
        %gather3A_1545 = arith.constant 28 : i32
        %gather3A_1546 = arith.constant 0 : i32
        %gather3A_1547 = arith.constant 0 : i32
        %gather3A_1548 = tpu.memref_slice %arg6[%gather3A_1545, %gather3A_1546, %gather3A_1547] : memref<32x16x128xf32, #tpu.memory_space<vmem>> -> memref<1x16x128xf32, #tpu.memory_space<vmem>>
        %gather3A_1549 = tpu.memref_squeeze %gather3A_1548 : memref<1x16x128xf32, #tpu.memory_space<vmem>> -> memref<16x128xf32, #tpu.memory_space<vmem>>
        %gather3A_1550 = tpu.vector_load_idx %gather3A_1549[%iota3A, %broadcast_in_dim3A_1544] : memref<16x128xf32, #tpu.memory_space<vmem>>[vector<16xi32>, vector<16xi32>], vector<16xf32>,
        %mul3A_1551 = arith.constant 16 : i32
        %mul3A_1552 = arith.muli %sub3A_1343, %mul3A_1551 : i32
        %add3A_1553 = arith.constant 12 : i32
        %add3A_1554 = arith.addi %mul3A_1552, %add3A_1553 : i32
        %broadcast_in_dim3A_1555 = vector.broadcast %add3A_1554 : i32 to vector<16xi32>
        tpu.vector_store_idx %arg7[%iota3A, %broadcast_in_dim3A_1555], %gather3A_1550 : memref<16x512xf32, #tpu.memory_space<vmem>>[vector<16xi32>, vector<16xi32>], vector<16xf32>,
        %slice3A_1556 = vector.extract_strided_slice %get3A_1347 {offsets = [13], sizes = [1], strides = [1]} : vector<16xi32> to vector<1xi32>
        %squeeze3A_1557 = vector.extract %slice3A_1556[0] : i32 from vector<1xi32>
        %and3A_1558 = arith.constant 127 : i32
        %and3A_1559 = arith.andi %squeeze3A_1557, %and3A_1558 : i32
        %broadcast_in_dim3A_1560 = vector.broadcast %and3A_1559 : i32 to vector<16xi32>
        %gather3A_1561 = arith.constant 29 : i32
        %gather3A_1562 = arith.constant 0 : i32
        %gather3A_1563 = arith.constant 0 : i32
        %gather3A_1564 = tpu.memref_slice %arg6[%gather3A_1561, %gather3A_1562, %gather3A_1563] : memref<32x16x128xf32, #tpu.memory_space<vmem>> -> memref<1x16x128xf32, #tpu.memory_space<vmem>>
        %gather3A_1565 = tpu.memref_squeeze %gather3A_1564 : memref<1x16x128xf32, #tpu.memory_space<vmem>> -> memref<16x128xf32, #tpu.memory_space<vmem>>
        %gather3A_1566 = tpu.vector_load_idx %gather3A_1565[%iota3A, %broadcast_in_dim3A_1560] : memref<16x128xf32, #tpu.memory_space<vmem>>[vector<16xi32>, vector<16xi32>], vector<16xf32>,
        %mul3A_1567 = arith.constant 16 : i32
        %mul3A_1568 = arith.muli %sub3A_1343, %mul3A_1567 : i32
        %add3A_1569 = arith.constant 13 : i32
        %add3A_1570 = arith.addi %mul3A_1568, %add3A_1569 : i32
        %broadcast_in_dim3A_1571 = vector.broadcast %add3A_1570 : i32 to vector<16xi32>
        tpu.vector_store_idx %arg7[%iota3A, %broadcast_in_dim3A_1571], %gather3A_1566 : memref<16x512xf32, #tpu.memory_space<vmem>>[vector<16xi32>, vector<16xi32>], vector<16xf32>,
        %slice3A_1572 = vector.extract_strided_slice %get3A_1347 {offsets = [14], sizes = [1], strides = [1]} : vector<16xi32> to vector<1xi32>
        %squeeze3A_1573 = vector.extract %slice3A_1572[0] : i32 from vector<1xi32>
        %and3A_1574 = arith.constant 127 : i32
        %and3A_1575 = arith.andi %squeeze3A_1573, %and3A_1574 : i32
        %broadcast_in_dim3A_1576 = vector.broadcast %and3A_1575 : i32 to vector<16xi32>
        %gather3A_1577 = arith.constant 30 : i32
        %gather3A_1578 = arith.constant 0 : i32
        %gather3A_1579 = arith.constant 0 : i32
        %gather3A_1580 = tpu.memref_slice %arg6[%gather3A_1577, %gather3A_1578, %gather3A_1579] : memref<32x16x128xf32, #tpu.memory_space<vmem>> -> memref<1x16x128xf32, #tpu.memory_space<vmem>>
        %gather3A_1581 = tpu.memref_squeeze %gather3A_1580 : memref<1x16x128xf32, #tpu.memory_space<vmem>> -> memref<16x128xf32, #tpu.memory_space<vmem>>
        %gather3A_1582 = tpu.vector_load_idx %gather3A_1581[%iota3A, %broadcast_in_dim3A_1576] : memref<16x128xf32, #tpu.memory_space<vmem>>[vector<16xi32>, vector<16xi32>], vector<16xf32>,
        %mul3A_1583 = arith.constant 16 : i32
        %mul3A_1584 = arith.muli %sub3A_1343, %mul3A_1583 : i32
        %add3A_1585 = arith.constant 14 : i32
        %add3A_1586 = arith.addi %mul3A_1584, %add3A_1585 : i32
        %broadcast_in_dim3A_1587 = vector.broadcast %add3A_1586 : i32 to vector<16xi32>
        tpu.vector_store_idx %arg7[%iota3A, %broadcast_in_dim3A_1587], %gather3A_1582 : memref<16x512xf32, #tpu.memory_space<vmem>>[vector<16xi32>, vector<16xi32>], vector<16xf32>,
        %slice3A_1588 = vector.extract_strided_slice %get3A_1347 {offsets = [15], sizes = [1], strides = [1]} : vector<16xi32> to vector<1xi32>
        %squeeze3A_1589 = vector.extract %slice3A_1588[0] : i32 from vector<1xi32>
        %and3A_1590 = arith.constant 127 : i32
        %and3A_1591 = arith.andi %squeeze3A_1589, %and3A_1590 : i32
        %broadcast_in_dim3A_1592 = vector.broadcast %and3A_1591 : i32 to vector<16xi32>
        %gather3A_1593 = arith.constant 31 : i32
        %gather3A_1594 = arith.constant 0 : i32
        %gather3A_1595 = arith.constant 0 : i32
        %gather3A_1596 = tpu.memref_slice %arg6[%gather3A_1593, %gather3A_1594, %gather3A_1595] : memref<32x16x128xf32, #tpu.memory_space<vmem>> -> memref<1x16x128xf32, #tpu.memory_space<vmem>>
        %gather3A_1597 = tpu.memref_squeeze %gather3A_1596 : memref<1x16x128xf32, #tpu.memory_space<vmem>> -> memref<16x128xf32, #tpu.memory_space<vmem>>
        %gather3A_1598 = tpu.vector_load_idx %gather3A_1597[%iota3A, %broadcast_in_dim3A_1592] : memref<16x128xf32, #tpu.memory_space<vmem>>[vector<16xi32>, vector<16xi32>], vector<16xf32>,
        %mul3A_1599 = arith.constant 16 : i32
        %mul3A_1600 = arith.muli %sub3A_1343, %mul3A_1599 : i32
        %add3A_1601 = arith.constant 15 : i32
        %add3A_1602 = arith.addi %mul3A_1600, %add3A_1601 : i32
        %broadcast_in_dim3A_1603 = vector.broadcast %add3A_1602 : i32 to vector<16xi32>
        tpu.vector_store_idx %arg7[%iota3A, %broadcast_in_dim3A_1603], %gather3A_1598 : memref<16x512xf32, #tpu.memory_space<vmem>>[vector<16xi32>, vector<16xi32>], vector<16xf32>,
      } else {
      }
      %eq3A_774 = arith.constant 1 : i32
      %eq3A_775 = arith.cmpi eq, %rem3A_771, %eq3A_774 : i32
      %convert_element_type3A_776 = arith.extui %eq3A_775 : i1 to i32
      %cond3A_777 = arith.constant 0 : i32
      %cond3A_778 = arith.cmpi ne, %convert_element_type3A_776, %cond3A_777 : i32
      scf.if %cond3A_778 {
        %mul3A_779 = arith.constant 16 : i32
        %mul3A_780 = arith.muli %scan3A_770, %mul3A_779 : i32
        %get3A_781 = arith.index_cast %mul3A_780 : i32 to index
        %get3A_782 = tpu.vector_load %arg5[%get3A_781] {strides = array<i32>} : memref<512xi32, #tpu.memory_space<vmem>>, vector<16xi32>,
        %slice3A_783 = vector.extract_strided_slice %get3A_782 {offsets = [0], sizes = [1], strides = [1]} : vector<16xi32> to vector<1xi32>
        %squeeze3A_784 = vector.extract %slice3A_783[0] : i32 from vector<1xi32>
        %shift_right_arithmetic3A_785 = arith.constant 7 : i32
        %shift_right_arithmetic3A_786 = arith.shrsi %squeeze3A_784, %shift_right_arithmetic3A_785 : i32
        %mul3A_787 = arith.constant 128 : i32
        %mul3A_788 = arith.muli %shift_right_arithmetic3A_786, %mul3A_787 : i32
        %multiple_of3A_789 = tpu.assume_multiple %mul3A_788, 128 : i32
        %dma_start3A_790 = arith.constant 16 : i32
        %dma_start3A_791 = arith.constant 0 : i32
        %dma_start3A_792 = arith.constant 0 : i32
        %dma_start3A_793 = tpu.memref_slice %arg6[%dma_start3A_790, %dma_start3A_791, %dma_start3A_792] : memref<32x16x128xf32, #tpu.memory_space<vmem>> -> memref<1x16x128xf32, #tpu.memory_space<vmem>>
        %dma_start3A_794 = tpu.memref_squeeze %dma_start3A_793 : memref<1x16x128xf32, #tpu.memory_space<vmem>> -> memref<16x128xf32, #tpu.memory_space<vmem>>
        %dma_start3A_795 = arith.constant 0 : i32
        %dma_start3A_796 = tpu.memref_slice %arg3[%dma_start3A_795, %multiple_of3A_789] : memref<16x1000001xf32, #tpu.memory_space<hbm>> -> memref<16x128xf32, #tpu.memory_space<hbm>>
        %dma_start3A_797 = arith.constant 0 : i32
        %dma_start3A_798 = arith.constant 0 : i32
        %dma_start3A_799 = tpu.memref_slice %arg6[%dma_start3A_790, %dma_start3A_797, %dma_start3A_798] : memref<32x16x128xf32, #tpu.memory_space<vmem>> -> memref<1x16x128xf32, #tpu.memory_space<vmem>>
        %dma_start3A_800 = tpu.memref_squeeze %dma_start3A_799 : memref<1x16x128xf32, #tpu.memory_space<vmem>> -> memref<16x128xf32, #tpu.memory_space<vmem>>
        %dma_start3A_801 = arith.constant 0 : i32
        %dma_start3A_802 = tpu.memref_slice %arg3[%dma_start3A_801, %multiple_of3A_789] : memref<16x1000001xf32, #tpu.memory_space<hbm>> -> memref<16x128xf32, #tpu.memory_space<hbm>>
        tpu.enqueue_dma source(%dma_start3A_802 : memref<16x128xf32, #tpu.memory_space<hbm>>) target(%dma_start3A_800 : memref<16x128xf32, #tpu.memory_space<vmem>>) target_semaphore(%arg9 : memref<!tpu.dma_semaphore, #tpu.memory_space<semaphore_mem>>)
        %slice3A_803 = vector.extract_strided_slice %get3A_782 {offsets = [1], sizes = [1], strides = [1]} : vector<16xi32> to vector<1xi32>
        %squeeze3A_804 = vector.extract %slice3A_803[0] : i32 from vector<1xi32>
        %shift_right_arithmetic3A_805 = arith.constant 7 : i32
        %shift_right_arithmetic3A_806 = arith.shrsi %squeeze3A_804, %shift_right_arithmetic3A_805 : i32
        %mul3A_807 = arith.constant 128 : i32
        %mul3A_808 = arith.muli %shift_right_arithmetic3A_806, %mul3A_807 : i32
        %multiple_of3A_809 = tpu.assume_multiple %mul3A_808, 128 : i32
        %dma_start3A_810 = arith.constant 17 : i32
        %dma_start3A_811 = arith.constant 0 : i32
        %dma_start3A_812 = arith.constant 0 : i32
        %dma_start3A_813 = tpu.memref_slice %arg6[%dma_start3A_810, %dma_start3A_811, %dma_start3A_812] : memref<32x16x128xf32, #tpu.memory_space<vmem>> -> memref<1x16x128xf32, #tpu.memory_space<vmem>>
        %dma_start3A_814 = tpu.memref_squeeze %dma_start3A_813 : memref<1x16x128xf32, #tpu.memory_space<vmem>> -> memref<16x128xf32, #tpu.memory_space<vmem>>
        %dma_start3A_815 = arith.constant 0 : i32
        %dma_start3A_816 = tpu.memref_slice %arg3[%dma_start3A_815, %multiple_of3A_809] : memref<16x1000001xf32, #tpu.memory_space<hbm>> -> memref<16x128xf32, #tpu.memory_space<hbm>>
        %dma_start3A_817 = arith.constant 0 : i32
        %dma_start3A_818 = arith.constant 0 : i32
        %dma_start3A_819 = tpu.memref_slice %arg6[%dma_start3A_810, %dma_start3A_817, %dma_start3A_818] : memref<32x16x128xf32, #tpu.memory_space<vmem>> -> memref<1x16x128xf32, #tpu.memory_space<vmem>>
        %dma_start3A_820 = tpu.memref_squeeze %dma_start3A_819 : memref<1x16x128xf32, #tpu.memory_space<vmem>> -> memref<16x128xf32, #tpu.memory_space<vmem>>
        %dma_start3A_821 = arith.constant 0 : i32
        %dma_start3A_822 = tpu.memref_slice %arg3[%dma_start3A_821, %multiple_of3A_809] : memref<16x1000001xf32, #tpu.memory_space<hbm>> -> memref<16x128xf32, #tpu.memory_space<hbm>>
        tpu.enqueue_dma source(%dma_start3A_822 : memref<16x128xf32, #tpu.memory_space<hbm>>) target(%dma_start3A_820 : memref<16x128xf32, #tpu.memory_space<vmem>>) target_semaphore(%arg9 : memref<!tpu.dma_semaphore, #tpu.memory_space<semaphore_mem>>)
        %slice3A_823 = vector.extract_strided_slice %get3A_782 {offsets = [2], sizes = [1], strides = [1]} : vector<16xi32> to vector<1xi32>
        %squeeze3A_824 = vector.extract %slice3A_823[0] : i32 from vector<1xi32>
        %shift_right_arithmetic3A_825 = arith.constant 7 : i32
        %shift_right_arithmetic3A_826 = arith.shrsi %squeeze3A_824, %shift_right_arithmetic3A_825 : i32
        %mul3A_827 = arith.constant 128 : i32
        %mul3A_828 = arith.muli %shift_right_arithmetic3A_826, %mul3A_827 : i32
        %multiple_of3A_829 = tpu.assume_multiple %mul3A_828, 128 : i32
        %dma_start3A_830 = arith.constant 18 : i32
        %dma_start3A_831 = arith.constant 0 : i32
        %dma_start3A_832 = arith.constant 0 : i32
        %dma_start3A_833 = tpu.memref_slice %arg6[%dma_start3A_830, %dma_start3A_831, %dma_start3A_832] : memref<32x16x128xf32, #tpu.memory_space<vmem>> -> memref<1x16x128xf32, #tpu.memory_space<vmem>>
        %dma_start3A_834 = tpu.memref_squeeze %dma_start3A_833 : memref<1x16x128xf32, #tpu.memory_space<vmem>> -> memref<16x128xf32, #tpu.memory_space<vmem>>
        %dma_start3A_835 = arith.constant 0 : i32
        %dma_start3A_836 = tpu.memref_slice %arg3[%dma_start3A_835, %multiple_of3A_829] : memref<16x1000001xf32, #tpu.memory_space<hbm>> -> memref<16x128xf32, #tpu.memory_space<hbm>>
        %dma_start3A_837 = arith.constant 0 : i32
        %dma_start3A_838 = arith.constant 0 : i32
        %dma_start3A_839 = tpu.memref_slice %arg6[%dma_start3A_830, %dma_start3A_837, %dma_start3A_838] : memref<32x16x128xf32, #tpu.memory_space<vmem>> -> memref<1x16x128xf32, #tpu.memory_space<vmem>>
        %dma_start3A_840 = tpu.memref_squeeze %dma_start3A_839 : memref<1x16x128xf32, #tpu.memory_space<vmem>> -> memref<16x128xf32, #tpu.memory_space<vmem>>
        %dma_start3A_841 = arith.constant 0 : i32
        %dma_start3A_842 = tpu.memref_slice %arg3[%dma_start3A_841, %multiple_of3A_829] : memref<16x1000001xf32, #tpu.memory_space<hbm>> -> memref<16x128xf32, #tpu.memory_space<hbm>>
        tpu.enqueue_dma source(%dma_start3A_842 : memref<16x128xf32, #tpu.memory_space<hbm>>) target(%dma_start3A_840 : memref<16x128xf32, #tpu.memory_space<vmem>>) target_semaphore(%arg9 : memref<!tpu.dma_semaphore, #tpu.memory_space<semaphore_mem>>)
        %slice3A_843 = vector.extract_strided_slice %get3A_782 {offsets = [3], sizes = [1], strides = [1]} : vector<16xi32> to vector<1xi32>
        %squeeze3A_844 = vector.extract %slice3A_843[0] : i32 from vector<1xi32>
        %shift_right_arithmetic3A_845 = arith.constant 7 : i32
        %shift_right_arithmetic3A_846 = arith.shrsi %squeeze3A_844, %shift_right_arithmetic3A_845 : i32
        %mul3A_847 = arith.constant 128 : i32
        %mul3A_848 = arith.muli %shift_right_arithmetic3A_846, %mul3A_847 : i32
        %multiple_of3A_849 = tpu.assume_multiple %mul3A_848, 128 : i32
        %dma_start3A_850 = arith.constant 19 : i32
        %dma_start3A_851 = arith.constant 0 : i32
        %dma_start3A_852 = arith.constant 0 : i32
        %dma_start3A_853 = tpu.memref_slice %arg6[%dma_start3A_850, %dma_start3A_851, %dma_start3A_852] : memref<32x16x128xf32, #tpu.memory_space<vmem>> -> memref<1x16x128xf32, #tpu.memory_space<vmem>>
        %dma_start3A_854 = tpu.memref_squeeze %dma_start3A_853 : memref<1x16x128xf32, #tpu.memory_space<vmem>> -> memref<16x128xf32, #tpu.memory_space<vmem>>
        %dma_start3A_855 = arith.constant 0 : i32
        %dma_start3A_856 = tpu.memref_slice %arg3[%dma_start3A_855, %multiple_of3A_849] : memref<16x1000001xf32, #tpu.memory_space<hbm>> -> memref<16x128xf32, #tpu.memory_space<hbm>>
        %dma_start3A_857 = arith.constant 0 : i32
        %dma_start3A_858 = arith.constant 0 : i32
        %dma_start3A_859 = tpu.memref_slice %arg6[%dma_start3A_850, %dma_start3A_857, %dma_start3A_858] : memref<32x16x128xf32, #tpu.memory_space<vmem>> -> memref<1x16x128xf32, #tpu.memory_space<vmem>>
        %dma_start3A_860 = tpu.memref_squeeze %dma_start3A_859 : memref<1x16x128xf32, #tpu.memory_space<vmem>> -> memref<16x128xf32, #tpu.memory_space<vmem>>
        %dma_start3A_861 = arith.constant 0 : i32
        %dma_start3A_862 = tpu.memref_slice %arg3[%dma_start3A_861, %multiple_of3A_849] : memref<16x1000001xf32, #tpu.memory_space<hbm>> -> memref<16x128xf32, #tpu.memory_space<hbm>>
        tpu.enqueue_dma source(%dma_start3A_862 : memref<16x128xf32, #tpu.memory_space<hbm>>) target(%dma_start3A_860 : memref<16x128xf32, #tpu.memory_space<vmem>>) target_semaphore(%arg9 : memref<!tpu.dma_semaphore, #tpu.memory_space<semaphore_mem>>)
        %slice3A_863 = vector.extract_strided_slice %get3A_782 {offsets = [4], sizes = [1], strides = [1]} : vector<16xi32> to vector<1xi32>
        %squeeze3A_864 = vector.extract %slice3A_863[0] : i32 from vector<1xi32>
        %shift_right_arithmetic3A_865 = arith.constant 7 : i32
        %shift_right_arithmetic3A_866 = arith.shrsi %squeeze3A_864, %shift_right_arithmetic3A_865 : i32
        %mul3A_867 = arith.constant 128 : i32
        %mul3A_868 = arith.muli %shift_right_arithmetic3A_866, %mul3A_867 : i32
        %multiple_of3A_869 = tpu.assume_multiple %mul3A_868, 128 : i32
        %dma_start3A_870 = arith.constant 20 : i32
        %dma_start3A_871 = arith.constant 0 : i32
        %dma_start3A_872 = arith.constant 0 : i32
        %dma_start3A_873 = tpu.memref_slice %arg6[%dma_start3A_870, %dma_start3A_871, %dma_start3A_872] : memref<32x16x128xf32, #tpu.memory_space<vmem>> -> memref<1x16x128xf32, #tpu.memory_space<vmem>>
        %dma_start3A_874 = tpu.memref_squeeze %dma_start3A_873 : memref<1x16x128xf32, #tpu.memory_space<vmem>> -> memref<16x128xf32, #tpu.memory_space<vmem>>
        %dma_start3A_875 = arith.constant 0 : i32
        %dma_start3A_876 = tpu.memref_slice %arg3[%dma_start3A_875, %multiple_of3A_869] : memref<16x1000001xf32, #tpu.memory_space<hbm>> -> memref<16x128xf32, #tpu.memory_space<hbm>>
        %dma_start3A_877 = arith.constant 0 : i32
        %dma_start3A_878 = arith.constant 0 : i32
        %dma_start3A_879 = tpu.memref_slice %arg6[%dma_start3A_870, %dma_start3A_877, %dma_start3A_878] : memref<32x16x128xf32, #tpu.memory_space<vmem>> -> memref<1x16x128xf32, #tpu.memory_space<vmem>>
        %dma_start3A_880 = tpu.memref_squeeze %dma_start3A_879 : memref<1x16x128xf32, #tpu.memory_space<vmem>> -> memref<16x128xf32, #tpu.memory_space<vmem>>
        %dma_start3A_881 = arith.constant 0 : i32
        %dma_start3A_882 = tpu.memref_slice %arg3[%dma_start3A_881, %multiple_of3A_869] : memref<16x1000001xf32, #tpu.memory_space<hbm>> -> memref<16x128xf32, #tpu.memory_space<hbm>>
        tpu.enqueue_dma source(%dma_start3A_882 : memref<16x128xf32, #tpu.memory_space<hbm>>) target(%dma_start3A_880 : memref<16x128xf32, #tpu.memory_space<vmem>>) target_semaphore(%arg9 : memref<!tpu.dma_semaphore, #tpu.memory_space<semaphore_mem>>)
        %slice3A_883 = vector.extract_strided_slice %get3A_782 {offsets = [5], sizes = [1], strides = [1]} : vector<16xi32> to vector<1xi32>
        %squeeze3A_884 = vector.extract %slice3A_883[0] : i32 from vector<1xi32>
        %shift_right_arithmetic3A_885 = arith.constant 7 : i32
        %shift_right_arithmetic3A_886 = arith.shrsi %squeeze3A_884, %shift_right_arithmetic3A_885 : i32
        %mul3A_887 = arith.constant 128 : i32
        %mul3A_888 = arith.muli %shift_right_arithmetic3A_886, %mul3A_887 : i32
        %multiple_of3A_889 = tpu.assume_multiple %mul3A_888, 128 : i32
        %dma_start3A_890 = arith.constant 21 : i32
        %dma_start3A_891 = arith.constant 0 : i32
        %dma_start3A_892 = arith.constant 0 : i32
        %dma_start3A_893 = tpu.memref_slice %arg6[%dma_start3A_890, %dma_start3A_891, %dma_start3A_892] : memref<32x16x128xf32, #tpu.memory_space<vmem>> -> memref<1x16x128xf32, #tpu.memory_space<vmem>>
        %dma_start3A_894 = tpu.memref_squeeze %dma_start3A_893 : memref<1x16x128xf32, #tpu.memory_space<vmem>> -> memref<16x128xf32, #tpu.memory_space<vmem>>
        %dma_start3A_895 = arith.constant 0 : i32
        %dma_start3A_896 = tpu.memref_slice %arg3[%dma_start3A_895, %multiple_of3A_889] : memref<16x1000001xf32, #tpu.memory_space<hbm>> -> memref<16x128xf32, #tpu.memory_space<hbm>>
        %dma_start3A_897 = arith.constant 0 : i32
        %dma_start3A_898 = arith.constant 0 : i32
        %dma_start3A_899 = tpu.memref_slice %arg6[%dma_start3A_890, %dma_start3A_897, %dma_start3A_898] : memref<32x16x128xf32, #tpu.memory_space<vmem>> -> memref<1x16x128xf32, #tpu.memory_space<vmem>>
        %dma_start3A_900 = tpu.memref_squeeze %dma_start3A_899 : memref<1x16x128xf32, #tpu.memory_space<vmem>> -> memref<16x128xf32, #tpu.memory_space<vmem>>
        %dma_start3A_901 = arith.constant 0 : i32
        %dma_start3A_902 = tpu.memref_slice %arg3[%dma_start3A_901, %multiple_of3A_889] : memref<16x1000001xf32, #tpu.memory_space<hbm>> -> memref<16x128xf32, #tpu.memory_space<hbm>>
        tpu.enqueue_dma source(%dma_start3A_902 : memref<16x128xf32, #tpu.memory_space<hbm>>) target(%dma_start3A_900 : memref<16x128xf32, #tpu.memory_space<vmem>>) target_semaphore(%arg9 : memref<!tpu.dma_semaphore, #tpu.memory_space<semaphore_mem>>)
        %slice3A_903 = vector.extract_strided_slice %get3A_782 {offsets = [6], sizes = [1], strides = [1]} : vector<16xi32> to vector<1xi32>
        %squeeze3A_904 = vector.extract %slice3A_903[0] : i32 from vector<1xi32>
        %shift_right_arithmetic3A_905 = arith.constant 7 : i32
        %shift_right_arithmetic3A_906 = arith.shrsi %squeeze3A_904, %shift_right_arithmetic3A_905 : i32
        %mul3A_907 = arith.constant 128 : i32
        %mul3A_908 = arith.muli %shift_right_arithmetic3A_906, %mul3A_907 : i32
        %multiple_of3A_909 = tpu.assume_multiple %mul3A_908, 128 : i32
        %dma_start3A_910 = arith.constant 22 : i32
        %dma_start3A_911 = arith.constant 0 : i32
        %dma_start3A_912 = arith.constant 0 : i32
        %dma_start3A_913 = tpu.memref_slice %arg6[%dma_start3A_910, %dma_start3A_911, %dma_start3A_912] : memref<32x16x128xf32, #tpu.memory_space<vmem>> -> memref<1x16x128xf32, #tpu.memory_space<vmem>>
        %dma_start3A_914 = tpu.memref_squeeze %dma_start3A_913 : memref<1x16x128xf32, #tpu.memory_space<vmem>> -> memref<16x128xf32, #tpu.memory_space<vmem>>
        %dma_start3A_915 = arith.constant 0 : i32
        %dma_start3A_916 = tpu.memref_slice %arg3[%dma_start3A_915, %multiple_of3A_909] : memref<16x1000001xf32, #tpu.memory_space<hbm>> -> memref<16x128xf32, #tpu.memory_space<hbm>>
        %dma_start3A_917 = arith.constant 0 : i32
        %dma_start3A_918 = arith.constant 0 : i32
        %dma_start3A_919 = tpu.memref_slice %arg6[%dma_start3A_910, %dma_start3A_917, %dma_start3A_918] : memref<32x16x128xf32, #tpu.memory_space<vmem>> -> memref<1x16x128xf32, #tpu.memory_space<vmem>>
        %dma_start3A_920 = tpu.memref_squeeze %dma_start3A_919 : memref<1x16x128xf32, #tpu.memory_space<vmem>> -> memref<16x128xf32, #tpu.memory_space<vmem>>
        %dma_start3A_921 = arith.constant 0 : i32
        %dma_start3A_922 = tpu.memref_slice %arg3[%dma_start3A_921, %multiple_of3A_909] : memref<16x1000001xf32, #tpu.memory_space<hbm>> -> memref<16x128xf32, #tpu.memory_space<hbm>>
        tpu.enqueue_dma source(%dma_start3A_922 : memref<16x128xf32, #tpu.memory_space<hbm>>) target(%dma_start3A_920 : memref<16x128xf32, #tpu.memory_space<vmem>>) target_semaphore(%arg9 : memref<!tpu.dma_semaphore, #tpu.memory_space<semaphore_mem>>)
        %slice3A_923 = vector.extract_strided_slice %get3A_782 {offsets = [7], sizes = [1], strides = [1]} : vector<16xi32> to vector<1xi32>
        %squeeze3A_924 = vector.extract %slice3A_923[0] : i32 from vector<1xi32>
        %shift_right_arithmetic3A_925 = arith.constant 7 : i32
        %shift_right_arithmetic3A_926 = arith.shrsi %squeeze3A_924, %shift_right_arithmetic3A_925 : i32
        %mul3A_927 = arith.constant 128 : i32
        %mul3A_928 = arith.muli %shift_right_arithmetic3A_926, %mul3A_927 : i32
        %multiple_of3A_929 = tpu.assume_multiple %mul3A_928, 128 : i32
        %dma_start3A_930 = arith.constant 23 : i32
        %dma_start3A_931 = arith.constant 0 : i32
        %dma_start3A_932 = arith.constant 0 : i32
        %dma_start3A_933 = tpu.memref_slice %arg6[%dma_start3A_930, %dma_start3A_931, %dma_start3A_932] : memref<32x16x128xf32, #tpu.memory_space<vmem>> -> memref<1x16x128xf32, #tpu.memory_space<vmem>>
        %dma_start3A_934 = tpu.memref_squeeze %dma_start3A_933 : memref<1x16x128xf32, #tpu.memory_space<vmem>> -> memref<16x128xf32, #tpu.memory_space<vmem>>
        %dma_start3A_935 = arith.constant 0 : i32
        %dma_start3A_936 = tpu.memref_slice %arg3[%dma_start3A_935, %multiple_of3A_929] : memref<16x1000001xf32, #tpu.memory_space<hbm>> -> memref<16x128xf32, #tpu.memory_space<hbm>>
        %dma_start3A_937 = arith.constant 0 : i32
        %dma_start3A_938 = arith.constant 0 : i32
        %dma_start3A_939 = tpu.memref_slice %arg6[%dma_start3A_930, %dma_start3A_937, %dma_start3A_938] : memref<32x16x128xf32, #tpu.memory_space<vmem>> -> memref<1x16x128xf32, #tpu.memory_space<vmem>>
        %dma_start3A_940 = tpu.memref_squeeze %dma_start3A_939 : memref<1x16x128xf32, #tpu.memory_space<vmem>> -> memref<16x128xf32, #tpu.memory_space<vmem>>
        %dma_start3A_941 = arith.constant 0 : i32
        %dma_start3A_942 = tpu.memref_slice %arg3[%dma_start3A_941, %multiple_of3A_929] : memref<16x1000001xf32, #tpu.memory_space<hbm>> -> memref<16x128xf32, #tpu.memory_space<hbm>>
        tpu.enqueue_dma source(%dma_start3A_942 : memref<16x128xf32, #tpu.memory_space<hbm>>) target(%dma_start3A_940 : memref<16x128xf32, #tpu.memory_space<vmem>>) target_semaphore(%arg9 : memref<!tpu.dma_semaphore, #tpu.memory_space<semaphore_mem>>)
        %slice3A_943 = vector.extract_strided_slice %get3A_782 {offsets = [8], sizes = [1], strides = [1]} : vector<16xi32> to vector<1xi32>
        %squeeze3A_944 = vector.extract %slice3A_943[0] : i32 from vector<1xi32>
        %shift_right_arithmetic3A_945 = arith.constant 7 : i32
        %shift_right_arithmetic3A_946 = arith.shrsi %squeeze3A_944, %shift_right_arithmetic3A_945 : i32
        %mul3A_947 = arith.constant 128 : i32
        %mul3A_948 = arith.muli %shift_right_arithmetic3A_946, %mul3A_947 : i32
        %multiple_of3A_949 = tpu.assume_multiple %mul3A_948, 128 : i32
        %dma_start3A_950 = arith.constant 24 : i32
        %dma_start3A_951 = arith.constant 0 : i32
        %dma_start3A_952 = arith.constant 0 : i32
        %dma_start3A_953 = tpu.memref_slice %arg6[%dma_start3A_950, %dma_start3A_951, %dma_start3A_952] : memref<32x16x128xf32, #tpu.memory_space<vmem>> -> memref<1x16x128xf32, #tpu.memory_space<vmem>>
        %dma_start3A_954 = tpu.memref_squeeze %dma_start3A_953 : memref<1x16x128xf32, #tpu.memory_space<vmem>> -> memref<16x128xf32, #tpu.memory_space<vmem>>
        %dma_start3A_955 = arith.constant 0 : i32
        %dma_start3A_956 = tpu.memref_slice %arg3[%dma_start3A_955, %multiple_of3A_949] : memref<16x1000001xf32, #tpu.memory_space<hbm>> -> memref<16x128xf32, #tpu.memory_space<hbm>>
        %dma_start3A_957 = arith.constant 0 : i32
        %dma_start3A_958 = arith.constant 0 : i32
        %dma_start3A_959 = tpu.memref_slice %arg6[%dma_start3A_950, %dma_start3A_957, %dma_start3A_958] : memref<32x16x128xf32, #tpu.memory_space<vmem>> -> memref<1x16x128xf32, #tpu.memory_space<vmem>>
        %dma_start3A_960 = tpu.memref_squeeze %dma_start3A_959 : memref<1x16x128xf32, #tpu.memory_space<vmem>> -> memref<16x128xf32, #tpu.memory_space<vmem>>
        %dma_start3A_961 = arith.constant 0 : i32
        %dma_start3A_962 = tpu.memref_slice %arg3[%dma_start3A_961, %multiple_of3A_949] : memref<16x1000001xf32, #tpu.memory_space<hbm>> -> memref<16x128xf32, #tpu.memory_space<hbm>>
        tpu.enqueue_dma source(%dma_start3A_962 : memref<16x128xf32, #tpu.memory_space<hbm>>) target(%dma_start3A_960 : memref<16x128xf32, #tpu.memory_space<vmem>>) target_semaphore(%arg9 : memref<!tpu.dma_semaphore, #tpu.memory_space<semaphore_mem>>)
        %slice3A_963 = vector.extract_strided_slice %get3A_782 {offsets = [9], sizes = [1], strides = [1]} : vector<16xi32> to vector<1xi32>
        %squeeze3A_964 = vector.extract %slice3A_963[0] : i32 from vector<1xi32>
        %shift_right_arithmetic3A_965 = arith.constant 7 : i32
        %shift_right_arithmetic3A_966 = arith.shrsi %squeeze3A_964, %shift_right_arithmetic3A_965 : i32
        %mul3A_967 = arith.constant 128 : i32
        %mul3A_968 = arith.muli %shift_right_arithmetic3A_966, %mul3A_967 : i32
        %multiple_of3A_969 = tpu.assume_multiple %mul3A_968, 128 : i32
        %dma_start3A_970 = arith.constant 25 : i32
        %dma_start3A_971 = arith.constant 0 : i32
        %dma_start3A_972 = arith.constant 0 : i32
        %dma_start3A_973 = tpu.memref_slice %arg6[%dma_start3A_970, %dma_start3A_971, %dma_start3A_972] : memref<32x16x128xf32, #tpu.memory_space<vmem>> -> memref<1x16x128xf32, #tpu.memory_space<vmem>>
        %dma_start3A_974 = tpu.memref_squeeze %dma_start3A_973 : memref<1x16x128xf32, #tpu.memory_space<vmem>> -> memref<16x128xf32, #tpu.memory_space<vmem>>
        %dma_start3A_975 = arith.constant 0 : i32
        %dma_start3A_976 = tpu.memref_slice %arg3[%dma_start3A_975, %multiple_of3A_969] : memref<16x1000001xf32, #tpu.memory_space<hbm>> -> memref<16x128xf32, #tpu.memory_space<hbm>>
        %dma_start3A_977 = arith.constant 0 : i32
        %dma_start3A_978 = arith.constant 0 : i32
        %dma_start3A_979 = tpu.memref_slice %arg6[%dma_start3A_970, %dma_start3A_977, %dma_start3A_978] : memref<32x16x128xf32, #tpu.memory_space<vmem>> -> memref<1x16x128xf32, #tpu.memory_space<vmem>>
        %dma_start3A_980 = tpu.memref_squeeze %dma_start3A_979 : memref<1x16x128xf32, #tpu.memory_space<vmem>> -> memref<16x128xf32, #tpu.memory_space<vmem>>
        %dma_start3A_981 = arith.constant 0 : i32
        %dma_start3A_982 = tpu.memref_slice %arg3[%dma_start3A_981, %multiple_of3A_969] : memref<16x1000001xf32, #tpu.memory_space<hbm>> -> memref<16x128xf32, #tpu.memory_space<hbm>>
        tpu.enqueue_dma source(%dma_start3A_982 : memref<16x128xf32, #tpu.memory_space<hbm>>) target(%dma_start3A_980 : memref<16x128xf32, #tpu.memory_space<vmem>>) target_semaphore(%arg9 : memref<!tpu.dma_semaphore, #tpu.memory_space<semaphore_mem>>)
        %slice3A_983 = vector.extract_strided_slice %get3A_782 {offsets = [10], sizes = [1], strides = [1]} : vector<16xi32> to vector<1xi32>
        %squeeze3A_984 = vector.extract %slice3A_983[0] : i32 from vector<1xi32>
        %shift_right_arithmetic3A_985 = arith.constant 7 : i32
        %shift_right_arithmetic3A_986 = arith.shrsi %squeeze3A_984, %shift_right_arithmetic3A_985 : i32
        %mul3A_987 = arith.constant 128 : i32
        %mul3A_988 = arith.muli %shift_right_arithmetic3A_986, %mul3A_987 : i32
        %multiple_of3A_989 = tpu.assume_multiple %mul3A_988, 128 : i32
        %dma_start3A_990 = arith.constant 26 : i32
        %dma_start3A_991 = arith.constant 0 : i32
        %dma_start3A_992 = arith.constant 0 : i32
        %dma_start3A_993 = tpu.memref_slice %arg6[%dma_start3A_990, %dma_start3A_991, %dma_start3A_992] : memref<32x16x128xf32, #tpu.memory_space<vmem>> -> memref<1x16x128xf32, #tpu.memory_space<vmem>>
        %dma_start3A_994 = tpu.memref_squeeze %dma_start3A_993 : memref<1x16x128xf32, #tpu.memory_space<vmem>> -> memref<16x128xf32, #tpu.memory_space<vmem>>
        %dma_start3A_995 = arith.constant 0 : i32
        %dma_start3A_996 = tpu.memref_slice %arg3[%dma_start3A_995, %multiple_of3A_989] : memref<16x1000001xf32, #tpu.memory_space<hbm>> -> memref<16x128xf32, #tpu.memory_space<hbm>>
        %dma_start3A_997 = arith.constant 0 : i32
        %dma_start3A_998 = arith.constant 0 : i32
        %dma_start3A_999 = tpu.memref_slice %arg6[%dma_start3A_990, %dma_start3A_997, %dma_start3A_998] : memref<32x16x128xf32, #tpu.memory_space<vmem>> -> memref<1x16x128xf32, #tpu.memory_space<vmem>>
        %dma_start3A_1000 = tpu.memref_squeeze %dma_start3A_999 : memref<1x16x128xf32, #tpu.memory_space<vmem>> -> memref<16x128xf32, #tpu.memory_space<vmem>>
        %dma_start3A_1001 = arith.constant 0 : i32
        %dma_start3A_1002 = tpu.memref_slice %arg3[%dma_start3A_1001, %multiple_of3A_989] : memref<16x1000001xf32, #tpu.memory_space<hbm>> -> memref<16x128xf32, #tpu.memory_space<hbm>>
        tpu.enqueue_dma source(%dma_start3A_1002 : memref<16x128xf32, #tpu.memory_space<hbm>>) target(%dma_start3A_1000 : memref<16x128xf32, #tpu.memory_space<vmem>>) target_semaphore(%arg9 : memref<!tpu.dma_semaphore, #tpu.memory_space<semaphore_mem>>)
        %slice3A_1003 = vector.extract_strided_slice %get3A_782 {offsets = [11], sizes = [1], strides = [1]} : vector<16xi32> to vector<1xi32>
        %squeeze3A_1004 = vector.extract %slice3A_1003[0] : i32 from vector<1xi32>
        %shift_right_arithmetic3A_1005 = arith.constant 7 : i32
        %shift_right_arithmetic3A_1006 = arith.shrsi %squeeze3A_1004, %shift_right_arithmetic3A_1005 : i32
        %mul3A_1007 = arith.constant 128 : i32
        %mul3A_1008 = arith.muli %shift_right_arithmetic3A_1006, %mul3A_1007 : i32
        %multiple_of3A_1009 = tpu.assume_multiple %mul3A_1008, 128 : i32
        %dma_start3A_1010 = arith.constant 27 : i32
        %dma_start3A_1011 = arith.constant 0 : i32
        %dma_start3A_1012 = arith.constant 0 : i32
        %dma_start3A_1013 = tpu.memref_slice %arg6[%dma_start3A_1010, %dma_start3A_1011, %dma_start3A_1012] : memref<32x16x128xf32, #tpu.memory_space<vmem>> -> memref<1x16x128xf32, #tpu.memory_space<vmem>>
        %dma_start3A_1014 = tpu.memref_squeeze %dma_start3A_1013 : memref<1x16x128xf32, #tpu.memory_space<vmem>> -> memref<16x128xf32, #tpu.memory_space<vmem>>
        %dma_start3A_1015 = arith.constant 0 : i32
        %dma_start3A_1016 = tpu.memref_slice %arg3[%dma_start3A_1015, %multiple_of3A_1009] : memref<16x1000001xf32, #tpu.memory_space<hbm>> -> memref<16x128xf32, #tpu.memory_space<hbm>>
        %dma_start3A_1017 = arith.constant 0 : i32
        %dma_start3A_1018 = arith.constant 0 : i32
        %dma_start3A_1019 = tpu.memref_slice %arg6[%dma_start3A_1010, %dma_start3A_1017, %dma_start3A_1018] : memref<32x16x128xf32, #tpu.memory_space<vmem>> -> memref<1x16x128xf32, #tpu.memory_space<vmem>>
        %dma_start3A_1020 = tpu.memref_squeeze %dma_start3A_1019 : memref<1x16x128xf32, #tpu.memory_space<vmem>> -> memref<16x128xf32, #tpu.memory_space<vmem>>
        %dma_start3A_1021 = arith.constant 0 : i32
        %dma_start3A_1022 = tpu.memref_slice %arg3[%dma_start3A_1021, %multiple_of3A_1009] : memref<16x1000001xf32, #tpu.memory_space<hbm>> -> memref<16x128xf32, #tpu.memory_space<hbm>>
        tpu.enqueue_dma source(%dma_start3A_1022 : memref<16x128xf32, #tpu.memory_space<hbm>>) target(%dma_start3A_1020 : memref<16x128xf32, #tpu.memory_space<vmem>>) target_semaphore(%arg9 : memref<!tpu.dma_semaphore, #tpu.memory_space<semaphore_mem>>)
        %slice3A_1023 = vector.extract_strided_slice %get3A_782 {offsets = [12], sizes = [1], strides = [1]} : vector<16xi32> to vector<1xi32>
        %squeeze3A_1024 = vector.extract %slice3A_1023[0] : i32 from vector<1xi32>
        %shift_right_arithmetic3A_1025 = arith.constant 7 : i32
        %shift_right_arithmetic3A_1026 = arith.shrsi %squeeze3A_1024, %shift_right_arithmetic3A_1025 : i32
        %mul3A_1027 = arith.constant 128 : i32
        %mul3A_1028 = arith.muli %shift_right_arithmetic3A_1026, %mul3A_1027 : i32
        %multiple_of3A_1029 = tpu.assume_multiple %mul3A_1028, 128 : i32
        %dma_start3A_1030 = arith.constant 28 : i32
        %dma_start3A_1031 = arith.constant 0 : i32
        %dma_start3A_1032 = arith.constant 0 : i32
        %dma_start3A_1033 = tpu.memref_slice %arg6[%dma_start3A_1030, %dma_start3A_1031, %dma_start3A_1032] : memref<32x16x128xf32, #tpu.memory_space<vmem>> -> memref<1x16x128xf32, #tpu.memory_space<vmem>>
        %dma_start3A_1034 = tpu.memref_squeeze %dma_start3A_1033 : memref<1x16x128xf32, #tpu.memory_space<vmem>> -> memref<16x128xf32, #tpu.memory_space<vmem>>
        %dma_start3A_1035 = arith.constant 0 : i32
        %dma_start3A_1036 = tpu.memref_slice %arg3[%dma_start3A_1035, %multiple_of3A_1029] : memref<16x1000001xf32, #tpu.memory_space<hbm>> -> memref<16x128xf32, #tpu.memory_space<hbm>>
        %dma_start3A_1037 = arith.constant 0 : i32
        %dma_start3A_1038 = arith.constant 0 : i32
        %dma_start3A_1039 = tpu.memref_slice %arg6[%dma_start3A_1030, %dma_start3A_1037, %dma_start3A_1038] : memref<32x16x128xf32, #tpu.memory_space<vmem>> -> memref<1x16x128xf32, #tpu.memory_space<vmem>>
        %dma_start3A_1040 = tpu.memref_squeeze %dma_start3A_1039 : memref<1x16x128xf32, #tpu.memory_space<vmem>> -> memref<16x128xf32, #tpu.memory_space<vmem>>
        %dma_start3A_1041 = arith.constant 0 : i32
        %dma_start3A_1042 = tpu.memref_slice %arg3[%dma_start3A_1041, %multiple_of3A_1029] : memref<16x1000001xf32, #tpu.memory_space<hbm>> -> memref<16x128xf32, #tpu.memory_space<hbm>>
        tpu.enqueue_dma source(%dma_start3A_1042 : memref<16x128xf32, #tpu.memory_space<hbm>>) target(%dma_start3A_1040 : memref<16x128xf32, #tpu.memory_space<vmem>>) target_semaphore(%arg9 : memref<!tpu.dma_semaphore, #tpu.memory_space<semaphore_mem>>)
        %slice3A_1043 = vector.extract_strided_slice %get3A_782 {offsets = [13], sizes = [1], strides = [1]} : vector<16xi32> to vector<1xi32>
        %squeeze3A_1044 = vector.extract %slice3A_1043[0] : i32 from vector<1xi32>
        %shift_right_arithmetic3A_1045 = arith.constant 7 : i32
        %shift_right_arithmetic3A_1046 = arith.shrsi %squeeze3A_1044, %shift_right_arithmetic3A_1045 : i32
        %mul3A_1047 = arith.constant 128 : i32
        %mul3A_1048 = arith.muli %shift_right_arithmetic3A_1046, %mul3A_1047 : i32
        %multiple_of3A_1049 = tpu.assume_multiple %mul3A_1048, 128 : i32
        %dma_start3A_1050 = arith.constant 29 : i32
        %dma_start3A_1051 = arith.constant 0 : i32
        %dma_start3A_1052 = arith.constant 0 : i32
        %dma_start3A_1053 = tpu.memref_slice %arg6[%dma_start3A_1050, %dma_start3A_1051, %dma_start3A_1052] : memref<32x16x128xf32, #tpu.memory_space<vmem>> -> memref<1x16x128xf32, #tpu.memory_space<vmem>>
        %dma_start3A_1054 = tpu.memref_squeeze %dma_start3A_1053 : memref<1x16x128xf32, #tpu.memory_space<vmem>> -> memref<16x128xf32, #tpu.memory_space<vmem>>
        %dma_start3A_1055 = arith.constant 0 : i32
        %dma_start3A_1056 = tpu.memref_slice %arg3[%dma_start3A_1055, %multiple_of3A_1049] : memref<16x1000001xf32, #tpu.memory_space<hbm>> -> memref<16x128xf32, #tpu.memory_space<hbm>>
        %dma_start3A_1057 = arith.constant 0 : i32
        %dma_start3A_1058 = arith.constant 0 : i32
        %dma_start3A_1059 = tpu.memref_slice %arg6[%dma_start3A_1050, %dma_start3A_1057, %dma_start3A_1058] : memref<32x16x128xf32, #tpu.memory_space<vmem>> -> memref<1x16x128xf32, #tpu.memory_space<vmem>>
        %dma_start3A_1060 = tpu.memref_squeeze %dma_start3A_1059 : memref<1x16x128xf32, #tpu.memory_space<vmem>> -> memref<16x128xf32, #tpu.memory_space<vmem>>
        %dma_start3A_1061 = arith.constant 0 : i32
        %dma_start3A_1062 = tpu.memref_slice %arg3[%dma_start3A_1061, %multiple_of3A_1049] : memref<16x1000001xf32, #tpu.memory_space<hbm>> -> memref<16x128xf32, #tpu.memory_space<hbm>>
        tpu.enqueue_dma source(%dma_start3A_1062 : memref<16x128xf32, #tpu.memory_space<hbm>>) target(%dma_start3A_1060 : memref<16x128xf32, #tpu.memory_space<vmem>>) target_semaphore(%arg9 : memref<!tpu.dma_semaphore, #tpu.memory_space<semaphore_mem>>)
        %slice3A_1063 = vector.extract_strided_slice %get3A_782 {offsets = [14], sizes = [1], strides = [1]} : vector<16xi32> to vector<1xi32>
        %squeeze3A_1064 = vector.extract %slice3A_1063[0] : i32 from vector<1xi32>
        %shift_right_arithmetic3A_1065 = arith.constant 7 : i32
        %shift_right_arithmetic3A_1066 = arith.shrsi %squeeze3A_1064, %shift_right_arithmetic3A_1065 : i32
        %mul3A_1067 = arith.constant 128 : i32
        %mul3A_1068 = arith.muli %shift_right_arithmetic3A_1066, %mul3A_1067 : i32
        %multiple_of3A_1069 = tpu.assume_multiple %mul3A_1068, 128 : i32
        %dma_start3A_1070 = arith.constant 30 : i32
        %dma_start3A_1071 = arith.constant 0 : i32
        %dma_start3A_1072 = arith.constant 0 : i32
        %dma_start3A_1073 = tpu.memref_slice %arg6[%dma_start3A_1070, %dma_start3A_1071, %dma_start3A_1072] : memref<32x16x128xf32, #tpu.memory_space<vmem>> -> memref<1x16x128xf32, #tpu.memory_space<vmem>>
        %dma_start3A_1074 = tpu.memref_squeeze %dma_start3A_1073 : memref<1x16x128xf32, #tpu.memory_space<vmem>> -> memref<16x128xf32, #tpu.memory_space<vmem>>
        %dma_start3A_1075 = arith.constant 0 : i32
        %dma_start3A_1076 = tpu.memref_slice %arg3[%dma_start3A_1075, %multiple_of3A_1069] : memref<16x1000001xf32, #tpu.memory_space<hbm>> -> memref<16x128xf32, #tpu.memory_space<hbm>>
        %dma_start3A_1077 = arith.constant 0 : i32
        %dma_start3A_1078 = arith.constant 0 : i32
        %dma_start3A_1079 = tpu.memref_slice %arg6[%dma_start3A_1070, %dma_start3A_1077, %dma_start3A_1078] : memref<32x16x128xf32, #tpu.memory_space<vmem>> -> memref<1x16x128xf32, #tpu.memory_space<vmem>>
        %dma_start3A_1080 = tpu.memref_squeeze %dma_start3A_1079 : memref<1x16x128xf32, #tpu.memory_space<vmem>> -> memref<16x128xf32, #tpu.memory_space<vmem>>
        %dma_start3A_1081 = arith.constant 0 : i32
        %dma_start3A_1082 = tpu.memref_slice %arg3[%dma_start3A_1081, %multiple_of3A_1069] : memref<16x1000001xf32, #tpu.memory_space<hbm>> -> memref<16x128xf32, #tpu.memory_space<hbm>>
        tpu.enqueue_dma source(%dma_start3A_1082 : memref<16x128xf32, #tpu.memory_space<hbm>>) target(%dma_start3A_1080 : memref<16x128xf32, #tpu.memory_space<vmem>>) target_semaphore(%arg9 : memref<!tpu.dma_semaphore, #tpu.memory_space<semaphore_mem>>)
        %slice3A_1083 = vector.extract_strided_slice %get3A_782 {offsets = [15], sizes = [1], strides = [1]} : vector<16xi32> to vector<1xi32>
        %squeeze3A_1084 = vector.extract %slice3A_1083[0] : i32 from vector<1xi32>
        %shift_right_arithmetic3A_1085 = arith.constant 7 : i32
        %shift_right_arithmetic3A_1086 = arith.shrsi %squeeze3A_1084, %shift_right_arithmetic3A_1085 : i32
        %mul3A_1087 = arith.constant 128 : i32
        %mul3A_1088 = arith.muli %shift_right_arithmetic3A_1086, %mul3A_1087 : i32
        %multiple_of3A_1089 = tpu.assume_multiple %mul3A_1088, 128 : i32
        %dma_start3A_1090 = arith.constant 31 : i32
        %dma_start3A_1091 = arith.constant 0 : i32
        %dma_start3A_1092 = arith.constant 0 : i32
        %dma_start3A_1093 = tpu.memref_slice %arg6[%dma_start3A_1090, %dma_start3A_1091, %dma_start3A_1092] : memref<32x16x128xf32, #tpu.memory_space<vmem>> -> memref<1x16x128xf32, #tpu.memory_space<vmem>>
        %dma_start3A_1094 = tpu.memref_squeeze %dma_start3A_1093 : memref<1x16x128xf32, #tpu.memory_space<vmem>> -> memref<16x128xf32, #tpu.memory_space<vmem>>
        %dma_start3A_1095 = arith.constant 0 : i32
        %dma_start3A_1096 = tpu.memref_slice %arg3[%dma_start3A_1095, %multiple_of3A_1089] : memref<16x1000001xf32, #tpu.memory_space<hbm>> -> memref<16x128xf32, #tpu.memory_space<hbm>>
        %dma_start3A_1097 = arith.constant 0 : i32
        %dma_start3A_1098 = arith.constant 0 : i32
        %dma_start3A_1099 = tpu.memref_slice %arg6[%dma_start3A_1090, %dma_start3A_1097, %dma_start3A_1098] : memref<32x16x128xf32, #tpu.memory_space<vmem>> -> memref<1x16x128xf32, #tpu.memory_space<vmem>>
        %dma_start3A_1100 = tpu.memref_squeeze %dma_start3A_1099 : memref<1x16x128xf32, #tpu.memory_space<vmem>> -> memref<16x128xf32, #tpu.memory_space<vmem>>
        %dma_start3A_1101 = arith.constant 0 : i32
        %dma_start3A_1102 = tpu.memref_slice %arg3[%dma_start3A_1101, %multiple_of3A_1089] : memref<16x1000001xf32, #tpu.memory_space<hbm>> -> memref<16x128xf32, #tpu.memory_space<hbm>>
        tpu.enqueue_dma source(%dma_start3A_1102 : memref<16x128xf32, #tpu.memory_space<hbm>>) target(%dma_start3A_1100 : memref<16x128xf32, #tpu.memory_space<vmem>>) target_semaphore(%arg9 : memref<!tpu.dma_semaphore, #tpu.memory_space<semaphore_mem>>)
        %dma_wait3A_1103 = arith.constant 0 : i32
        %dma_wait3A_1104 = arith.constant 0 : i32
        %dma_wait3A_1105 = arith.constant 0 : i32
        %dma_wait3A_1106 = tpu.memref_slice %arg6[%dma_wait3A_1103, %dma_wait3A_1104, %dma_wait3A_1105] : memref<32x16x128xf32, #tpu.memory_space<vmem>> -> memref<1x16x128xf32, #tpu.memory_space<vmem>>
        %dma_wait3A_1107 = tpu.memref_squeeze %dma_wait3A_1106 : memref<1x16x128xf32, #tpu.memory_space<vmem>> -> memref<16x128xf32, #tpu.memory_space<vmem>>
        %dma_wait3A_1108 = arith.constant 0 : i32
        %dma_wait3A_1109 = arith.constant 0 : i32
        %dma_wait3A_1110 = tpu.memref_slice %arg3[%dma_wait3A_1108, %dma_wait3A_1109] : memref<16x1000001xf32, #tpu.memory_space<hbm>> -> memref<16x128xf32, #tpu.memory_space<hbm>>
        %dma_wait3A_1111 = arith.constant 0 : i32
        %dma_wait3A_1112 = arith.constant 0 : i32
        %dma_wait3A_1113 = tpu.memref_slice %arg6[%dma_wait3A_1103, %dma_wait3A_1111, %dma_wait3A_1112] : memref<32x16x128xf32, #tpu.memory_space<vmem>> -> memref<1x16x128xf32, #tpu.memory_space<vmem>>
        %dma_wait3A_1114 = tpu.memref_squeeze %dma_wait3A_1113 : memref<1x16x128xf32, #tpu.memory_space<vmem>> -> memref<16x128xf32, #tpu.memory_space<vmem>>
        %dma_wait3A_1115 = arith.constant 0 : i32
        %dma_wait3A_1116 = arith.constant 0 : i32
        %dma_wait3A_1117 = tpu.memref_slice %arg3[%dma_wait3A_1115, %dma_wait3A_1116] : memref<16x1000001xf32, #tpu.memory_space<hbm>> -> memref<16x128xf32, #tpu.memory_space<hbm>>
        tpu.wait_dma2 semaphore(%arg8 : memref<!tpu.dma_semaphore, #tpu.memory_space<semaphore_mem>>) src(%dma_wait3A_1117 : memref<16x128xf32, #tpu.memory_space<hbm>>) dst(%dma_wait3A_1114 : memref<16x128xf32, #tpu.memory_space<vmem>>)
        %dma_wait3A_1118 = arith.constant 1 : i32
        %dma_wait3A_1119 = arith.constant 0 : i32
        %dma_wait3A_1120 = arith.constant 0 : i32
        %dma_wait3A_1121 = tpu.memref_slice %arg6[%dma_wait3A_1118, %dma_wait3A_1119, %dma_wait3A_1120] : memref<32x16x128xf32, #tpu.memory_space<vmem>> -> memref<1x16x128xf32, #tpu.memory_space<vmem>>
        %dma_wait3A_1122 = tpu.memref_squeeze %dma_wait3A_1121 : memref<1x16x128xf32, #tpu.memory_space<vmem>> -> memref<16x128xf32, #tpu.memory_space<vmem>>
        %dma_wait3A_1123 = arith.constant 0 : i32
        %dma_wait3A_1124 = arith.constant 0 : i32
        %dma_wait3A_1125 = tpu.memref_slice %arg3[%dma_wait3A_1123, %dma_wait3A_1124] : memref<16x1000001xf32, #tpu.memory_space<hbm>> -> memref<16x128xf32, #tpu.memory_space<hbm>>
        %dma_wait3A_1126 = arith.constant 0 : i32
        %dma_wait3A_1127 = arith.constant 0 : i32
        %dma_wait3A_1128 = tpu.memref_slice %arg6[%dma_wait3A_1118, %dma_wait3A_1126, %dma_wait3A_1127] : memref<32x16x128xf32, #tpu.memory_space<vmem>> -> memref<1x16x128xf32, #tpu.memory_space<vmem>>
        %dma_wait3A_1129 = tpu.memref_squeeze %dma_wait3A_1128 : memref<1x16x128xf32, #tpu.memory_space<vmem>> -> memref<16x128xf32, #tpu.memory_space<vmem>>
        %dma_wait3A_1130 = arith.constant 0 : i32
        %dma_wait3A_1131 = arith.constant 0 : i32
        %dma_wait3A_1132 = tpu.memref_slice %arg3[%dma_wait3A_1130, %dma_wait3A_1131] : memref<16x1000001xf32, #tpu.memory_space<hbm>> -> memref<16x128xf32, #tpu.memory_space<hbm>>
        tpu.wait_dma2 semaphore(%arg8 : memref<!tpu.dma_semaphore, #tpu.memory_space<semaphore_mem>>) src(%dma_wait3A_1132 : memref<16x128xf32, #tpu.memory_space<hbm>>) dst(%dma_wait3A_1129 : memref<16x128xf32, #tpu.memory_space<vmem>>)
        %dma_wait3A_1133 = arith.constant 2 : i32
        %dma_wait3A_1134 = arith.constant 0 : i32
        %dma_wait3A_1135 = arith.constant 0 : i32
        %dma_wait3A_1136 = tpu.memref_slice %arg6[%dma_wait3A_1133, %dma_wait3A_1134, %dma_wait3A_1135] : memref<32x16x128xf32, #tpu.memory_space<vmem>> -> memref<1x16x128xf32, #tpu.memory_space<vmem>>
        %dma_wait3A_1137 = tpu.memref_squeeze %dma_wait3A_1136 : memref<1x16x128xf32, #tpu.memory_space<vmem>> -> memref<16x128xf32, #tpu.memory_space<vmem>>
        %dma_wait3A_1138 = arith.constant 0 : i32
        %dma_wait3A_1139 = arith.constant 0 : i32
        %dma_wait3A_1140 = tpu.memref_slice %arg3[%dma_wait3A_1138, %dma_wait3A_1139] : memref<16x1000001xf32, #tpu.memory_space<hbm>> -> memref<16x128xf32, #tpu.memory_space<hbm>>
        %dma_wait3A_1141 = arith.constant 0 : i32
        %dma_wait3A_1142 = arith.constant 0 : i32
        %dma_wait3A_1143 = tpu.memref_slice %arg6[%dma_wait3A_1133, %dma_wait3A_1141, %dma_wait3A_1142] : memref<32x16x128xf32, #tpu.memory_space<vmem>> -> memref<1x16x128xf32, #tpu.memory_space<vmem>>
        %dma_wait3A_1144 = tpu.memref_squeeze %dma_wait3A_1143 : memref<1x16x128xf32, #tpu.memory_space<vmem>> -> memref<16x128xf32, #tpu.memory_space<vmem>>
        %dma_wait3A_1145 = arith.constant 0 : i32
        %dma_wait3A_1146 = arith.constant 0 : i32
        %dma_wait3A_1147 = tpu.memref_slice %arg3[%dma_wait3A_1145, %dma_wait3A_1146] : memref<16x1000001xf32, #tpu.memory_space<hbm>> -> memref<16x128xf32, #tpu.memory_space<hbm>>
        tpu.wait_dma2 semaphore(%arg8 : memref<!tpu.dma_semaphore, #tpu.memory_space<semaphore_mem>>) src(%dma_wait3A_1147 : memref<16x128xf32, #tpu.memory_space<hbm>>) dst(%dma_wait3A_1144 : memref<16x128xf32, #tpu.memory_space<vmem>>)
        %dma_wait3A_1148 = arith.constant 3 : i32
        %dma_wait3A_1149 = arith.constant 0 : i32
        %dma_wait3A_1150 = arith.constant 0 : i32
        %dma_wait3A_1151 = tpu.memref_slice %arg6[%dma_wait3A_1148, %dma_wait3A_1149, %dma_wait3A_1150] : memref<32x16x128xf32, #tpu.memory_space<vmem>> -> memref<1x16x128xf32, #tpu.memory_space<vmem>>
        %dma_wait3A_1152 = tpu.memref_squeeze %dma_wait3A_1151 : memref<1x16x128xf32, #tpu.memory_space<vmem>> -> memref<16x128xf32, #tpu.memory_space<vmem>>
        %dma_wait3A_1153 = arith.constant 0 : i32
        %dma_wait3A_1154 = arith.constant 0 : i32
        %dma_wait3A_1155 = tpu.memref_slice %arg3[%dma_wait3A_1153, %dma_wait3A_1154] : memref<16x1000001xf32, #tpu.memory_space<hbm>> -> memref<16x128xf32, #tpu.memory_space<hbm>>
        %dma_wait3A_1156 = arith.constant 0 : i32
        %dma_wait3A_1157 = arith.constant 0 : i32
        %dma_wait3A_1158 = tpu.memref_slice %arg6[%dma_wait3A_1148, %dma_wait3A_1156, %dma_wait3A_1157] : memref<32x16x128xf32, #tpu.memory_space<vmem>> -> memref<1x16x128xf32, #tpu.memory_space<vmem>>
        %dma_wait3A_1159 = tpu.memref_squeeze %dma_wait3A_1158 : memref<1x16x128xf32, #tpu.memory_space<vmem>> -> memref<16x128xf32, #tpu.memory_space<vmem>>
        %dma_wait3A_1160 = arith.constant 0 : i32
        %dma_wait3A_1161 = arith.constant 0 : i32
        %dma_wait3A_1162 = tpu.memref_slice %arg3[%dma_wait3A_1160, %dma_wait3A_1161] : memref<16x1000001xf32, #tpu.memory_space<hbm>> -> memref<16x128xf32, #tpu.memory_space<hbm>>
        tpu.wait_dma2 semaphore(%arg8 : memref<!tpu.dma_semaphore, #tpu.memory_space<semaphore_mem>>) src(%dma_wait3A_1162 : memref<16x128xf32, #tpu.memory_space<hbm>>) dst(%dma_wait3A_1159 : memref<16x128xf32, #tpu.memory_space<vmem>>)
        %dma_wait3A_1163 = arith.constant 4 : i32
        %dma_wait3A_1164 = arith.constant 0 : i32
        %dma_wait3A_1165 = arith.constant 0 : i32
        %dma_wait3A_1166 = tpu.memref_slice %arg6[%dma_wait3A_1163, %dma_wait3A_1164, %dma_wait3A_1165] : memref<32x16x128xf32, #tpu.memory_space<vmem>> -> memref<1x16x128xf32, #tpu.memory_space<vmem>>
        %dma_wait3A_1167 = tpu.memref_squeeze %dma_wait3A_1166 : memref<1x16x128xf32, #tpu.memory_space<vmem>> -> memref<16x128xf32, #tpu.memory_space<vmem>>
        %dma_wait3A_1168 = arith.constant 0 : i32
        %dma_wait3A_1169 = arith.constant 0 : i32
        %dma_wait3A_1170 = tpu.memref_slice %arg3[%dma_wait3A_1168, %dma_wait3A_1169] : memref<16x1000001xf32, #tpu.memory_space<hbm>> -> memref<16x128xf32, #tpu.memory_space<hbm>>
        %dma_wait3A_1171 = arith.constant 0 : i32
        %dma_wait3A_1172 = arith.constant 0 : i32
        %dma_wait3A_1173 = tpu.memref_slice %arg6[%dma_wait3A_1163, %dma_wait3A_1171, %dma_wait3A_1172] : memref<32x16x128xf32, #tpu.memory_space<vmem>> -> memref<1x16x128xf32, #tpu.memory_space<vmem>>
        %dma_wait3A_1174 = tpu.memref_squeeze %dma_wait3A_1173 : memref<1x16x128xf32, #tpu.memory_space<vmem>> -> memref<16x128xf32, #tpu.memory_space<vmem>>
        %dma_wait3A_1175 = arith.constant 0 : i32
        %dma_wait3A_1176 = arith.constant 0 : i32
        %dma_wait3A_1177 = tpu.memref_slice %arg3[%dma_wait3A_1175, %dma_wait3A_1176] : memref<16x1000001xf32, #tpu.memory_space<hbm>> -> memref<16x128xf32, #tpu.memory_space<hbm>>
        tpu.wait_dma2 semaphore(%arg8 : memref<!tpu.dma_semaphore, #tpu.memory_space<semaphore_mem>>) src(%dma_wait3A_1177 : memref<16x128xf32, #tpu.memory_space<hbm>>) dst(%dma_wait3A_1174 : memref<16x128xf32, #tpu.memory_space<vmem>>)
        %dma_wait3A_1178 = arith.constant 5 : i32
        %dma_wait3A_1179 = arith.constant 0 : i32
        %dma_wait3A_1180 = arith.constant 0 : i32
        %dma_wait3A_1181 = tpu.memref_slice %arg6[%dma_wait3A_1178, %dma_wait3A_1179, %dma_wait3A_1180] : memref<32x16x128xf32, #tpu.memory_space<vmem>> -> memref<1x16x128xf32, #tpu.memory_space<vmem>>
        %dma_wait3A_1182 = tpu.memref_squeeze %dma_wait3A_1181 : memref<1x16x128xf32, #tpu.memory_space<vmem>> -> memref<16x128xf32, #tpu.memory_space<vmem>>
        %dma_wait3A_1183 = arith.constant 0 : i32
        %dma_wait3A_1184 = arith.constant 0 : i32
        %dma_wait3A_1185 = tpu.memref_slice %arg3[%dma_wait3A_1183, %dma_wait3A_1184] : memref<16x1000001xf32, #tpu.memory_space<hbm>> -> memref<16x128xf32, #tpu.memory_space<hbm>>
        %dma_wait3A_1186 = arith.constant 0 : i32
        %dma_wait3A_1187 = arith.constant 0 : i32
        %dma_wait3A_1188 = tpu.memref_slice %arg6[%dma_wait3A_1178, %dma_wait3A_1186, %dma_wait3A_1187] : memref<32x16x128xf32, #tpu.memory_space<vmem>> -> memref<1x16x128xf32, #tpu.memory_space<vmem>>
        %dma_wait3A_1189 = tpu.memref_squeeze %dma_wait3A_1188 : memref<1x16x128xf32, #tpu.memory_space<vmem>> -> memref<16x128xf32, #tpu.memory_space<vmem>>
        %dma_wait3A_1190 = arith.constant 0 : i32
        %dma_wait3A_1191 = arith.constant 0 : i32
        %dma_wait3A_1192 = tpu.memref_slice %arg3[%dma_wait3A_1190, %dma_wait3A_1191] : memref<16x1000001xf32, #tpu.memory_space<hbm>> -> memref<16x128xf32, #tpu.memory_space<hbm>>
        tpu.wait_dma2 semaphore(%arg8 : memref<!tpu.dma_semaphore, #tpu.memory_space<semaphore_mem>>) src(%dma_wait3A_1192 : memref<16x128xf32, #tpu.memory_space<hbm>>) dst(%dma_wait3A_1189 : memref<16x128xf32, #tpu.memory_space<vmem>>)
        %dma_wait3A_1193 = arith.constant 6 : i32
        %dma_wait3A_1194 = arith.constant 0 : i32
        %dma_wait3A_1195 = arith.constant 0 : i32
        %dma_wait3A_1196 = tpu.memref_slice %arg6[%dma_wait3A_1193, %dma_wait3A_1194, %dma_wait3A_1195] : memref<32x16x128xf32, #tpu.memory_space<vmem>> -> memref<1x16x128xf32, #tpu.memory_space<vmem>>
        %dma_wait3A_1197 = tpu.memref_squeeze %dma_wait3A_1196 : memref<1x16x128xf32, #tpu.memory_space<vmem>> -> memref<16x128xf32, #tpu.memory_space<vmem>>
        %dma_wait3A_1198 = arith.constant 0 : i32
        %dma_wait3A_1199 = arith.constant 0 : i32
        %dma_wait3A_1200 = tpu.memref_slice %arg3[%dma_wait3A_1198, %dma_wait3A_1199] : memref<16x1000001xf32, #tpu.memory_space<hbm>> -> memref<16x128xf32, #tpu.memory_space<hbm>>
        %dma_wait3A_1201 = arith.constant 0 : i32
        %dma_wait3A_1202 = arith.constant 0 : i32
        %dma_wait3A_1203 = tpu.memref_slice %arg6[%dma_wait3A_1193, %dma_wait3A_1201, %dma_wait3A_1202] : memref<32x16x128xf32, #tpu.memory_space<vmem>> -> memref<1x16x128xf32, #tpu.memory_space<vmem>>
        %dma_wait3A_1204 = tpu.memref_squeeze %dma_wait3A_1203 : memref<1x16x128xf32, #tpu.memory_space<vmem>> -> memref<16x128xf32, #tpu.memory_space<vmem>>
        %dma_wait3A_1205 = arith.constant 0 : i32
        %dma_wait3A_1206 = arith.constant 0 : i32
        %dma_wait3A_1207 = tpu.memref_slice %arg3[%dma_wait3A_1205, %dma_wait3A_1206] : memref<16x1000001xf32, #tpu.memory_space<hbm>> -> memref<16x128xf32, #tpu.memory_space<hbm>>
        tpu.wait_dma2 semaphore(%arg8 : memref<!tpu.dma_semaphore, #tpu.memory_space<semaphore_mem>>) src(%dma_wait3A_1207 : memref<16x128xf32, #tpu.memory_space<hbm>>) dst(%dma_wait3A_1204 : memref<16x128xf32, #tpu.memory_space<vmem>>)
        %dma_wait3A_1208 = arith.constant 7 : i32
        %dma_wait3A_1209 = arith.constant 0 : i32
        %dma_wait3A_1210 = arith.constant 0 : i32
        %dma_wait3A_1211 = tpu.memref_slice %arg6[%dma_wait3A_1208, %dma_wait3A_1209, %dma_wait3A_1210] : memref<32x16x128xf32, #tpu.memory_space<vmem>> -> memref<1x16x128xf32, #tpu.memory_space<vmem>>
        %dma_wait3A_1212 = tpu.memref_squeeze %dma_wait3A_1211 : memref<1x16x128xf32, #tpu.memory_space<vmem>> -> memref<16x128xf32, #tpu.memory_space<vmem>>
        %dma_wait3A_1213 = arith.constant 0 : i32
        %dma_wait3A_1214 = arith.constant 0 : i32
        %dma_wait3A_1215 = tpu.memref_slice %arg3[%dma_wait3A_1213, %dma_wait3A_1214] : memref<16x1000001xf32, #tpu.memory_space<hbm>> -> memref<16x128xf32, #tpu.memory_space<hbm>>
        %dma_wait3A_1216 = arith.constant 0 : i32
        %dma_wait3A_1217 = arith.constant 0 : i32
        %dma_wait3A_1218 = tpu.memref_slice %arg6[%dma_wait3A_1208, %dma_wait3A_1216, %dma_wait3A_1217] : memref<32x16x128xf32, #tpu.memory_space<vmem>> -> memref<1x16x128xf32, #tpu.memory_space<vmem>>
        %dma_wait3A_1219 = tpu.memref_squeeze %dma_wait3A_1218 : memref<1x16x128xf32, #tpu.memory_space<vmem>> -> memref<16x128xf32, #tpu.memory_space<vmem>>
        %dma_wait3A_1220 = arith.constant 0 : i32
        %dma_wait3A_1221 = arith.constant 0 : i32
        %dma_wait3A_1222 = tpu.memref_slice %arg3[%dma_wait3A_1220, %dma_wait3A_1221] : memref<16x1000001xf32, #tpu.memory_space<hbm>> -> memref<16x128xf32, #tpu.memory_space<hbm>>
        tpu.wait_dma2 semaphore(%arg8 : memref<!tpu.dma_semaphore, #tpu.memory_space<semaphore_mem>>) src(%dma_wait3A_1222 : memref<16x128xf32, #tpu.memory_space<hbm>>) dst(%dma_wait3A_1219 : memref<16x128xf32, #tpu.memory_space<vmem>>)
        %dma_wait3A_1223 = arith.constant 8 : i32
        %dma_wait3A_1224 = arith.constant 0 : i32
        %dma_wait3A_1225 = arith.constant 0 : i32
        %dma_wait3A_1226 = tpu.memref_slice %arg6[%dma_wait3A_1223, %dma_wait3A_1224, %dma_wait3A_1225] : memref<32x16x128xf32, #tpu.memory_space<vmem>> -> memref<1x16x128xf32, #tpu.memory_space<vmem>>
        %dma_wait3A_1227 = tpu.memref_squeeze %dma_wait3A_1226 : memref<1x16x128xf32, #tpu.memory_space<vmem>> -> memref<16x128xf32, #tpu.memory_space<vmem>>
        %dma_wait3A_1228 = arith.constant 0 : i32
        %dma_wait3A_1229 = arith.constant 0 : i32
        %dma_wait3A_1230 = tpu.memref_slice %arg3[%dma_wait3A_1228, %dma_wait3A_1229] : memref<16x1000001xf32, #tpu.memory_space<hbm>> -> memref<16x128xf32, #tpu.memory_space<hbm>>
        %dma_wait3A_1231 = arith.constant 0 : i32
        %dma_wait3A_1232 = arith.constant 0 : i32
        %dma_wait3A_1233 = tpu.memref_slice %arg6[%dma_wait3A_1223, %dma_wait3A_1231, %dma_wait3A_1232] : memref<32x16x128xf32, #tpu.memory_space<vmem>> -> memref<1x16x128xf32, #tpu.memory_space<vmem>>
        %dma_wait3A_1234 = tpu.memref_squeeze %dma_wait3A_1233 : memref<1x16x128xf32, #tpu.memory_space<vmem>> -> memref<16x128xf32, #tpu.memory_space<vmem>>
        %dma_wait3A_1235 = arith.constant 0 : i32
        %dma_wait3A_1236 = arith.constant 0 : i32
        %dma_wait3A_1237 = tpu.memref_slice %arg3[%dma_wait3A_1235, %dma_wait3A_1236] : memref<16x1000001xf32, #tpu.memory_space<hbm>> -> memref<16x128xf32, #tpu.memory_space<hbm>>
        tpu.wait_dma2 semaphore(%arg8 : memref<!tpu.dma_semaphore, #tpu.memory_space<semaphore_mem>>) src(%dma_wait3A_1237 : memref<16x128xf32, #tpu.memory_space<hbm>>) dst(%dma_wait3A_1234 : memref<16x128xf32, #tpu.memory_space<vmem>>)
        %dma_wait3A_1238 = arith.constant 9 : i32
        %dma_wait3A_1239 = arith.constant 0 : i32
        %dma_wait3A_1240 = arith.constant 0 : i32
        %dma_wait3A_1241 = tpu.memref_slice %arg6[%dma_wait3A_1238, %dma_wait3A_1239, %dma_wait3A_1240] : memref<32x16x128xf32, #tpu.memory_space<vmem>> -> memref<1x16x128xf32, #tpu.memory_space<vmem>>
        %dma_wait3A_1242 = tpu.memref_squeeze %dma_wait3A_1241 : memref<1x16x128xf32, #tpu.memory_space<vmem>> -> memref<16x128xf32, #tpu.memory_space<vmem>>
        %dma_wait3A_1243 = arith.constant 0 : i32
        %dma_wait3A_1244 = arith.constant 0 : i32
        %dma_wait3A_1245 = tpu.memref_slice %arg3[%dma_wait3A_1243, %dma_wait3A_1244] : memref<16x1000001xf32, #tpu.memory_space<hbm>> -> memref<16x128xf32, #tpu.memory_space<hbm>>
        %dma_wait3A_1246 = arith.constant 0 : i32
        %dma_wait3A_1247 = arith.constant 0 : i32
        %dma_wait3A_1248 = tpu.memref_slice %arg6[%dma_wait3A_1238, %dma_wait3A_1246, %dma_wait3A_1247] : memref<32x16x128xf32, #tpu.memory_space<vmem>> -> memref<1x16x128xf32, #tpu.memory_space<vmem>>
        %dma_wait3A_1249 = tpu.memref_squeeze %dma_wait3A_1248 : memref<1x16x128xf32, #tpu.memory_space<vmem>> -> memref<16x128xf32, #tpu.memory_space<vmem>>
        %dma_wait3A_1250 = arith.constant 0 : i32
        %dma_wait3A_1251 = arith.constant 0 : i32
        %dma_wait3A_1252 = tpu.memref_slice %arg3[%dma_wait3A_1250, %dma_wait3A_1251] : memref<16x1000001xf32, #tpu.memory_space<hbm>> -> memref<16x128xf32, #tpu.memory_space<hbm>>
        tpu.wait_dma2 semaphore(%arg8 : memref<!tpu.dma_semaphore, #tpu.memory_space<semaphore_mem>>) src(%dma_wait3A_1252 : memref<16x128xf32, #tpu.memory_space<hbm>>) dst(%dma_wait3A_1249 : memref<16x128xf32, #tpu.memory_space<vmem>>)
        %dma_wait3A_1253 = arith.constant 10 : i32
        %dma_wait3A_1254 = arith.constant 0 : i32
        %dma_wait3A_1255 = arith.constant 0 : i32
        %dma_wait3A_1256 = tpu.memref_slice %arg6[%dma_wait3A_1253, %dma_wait3A_1254, %dma_wait3A_1255] : memref<32x16x128xf32, #tpu.memory_space<vmem>> -> memref<1x16x128xf32, #tpu.memory_space<vmem>>
        %dma_wait3A_1257 = tpu.memref_squeeze %dma_wait3A_1256 : memref<1x16x128xf32, #tpu.memory_space<vmem>> -> memref<16x128xf32, #tpu.memory_space<vmem>>
        %dma_wait3A_1258 = arith.constant 0 : i32
        %dma_wait3A_1259 = arith.constant 0 : i32
        %dma_wait3A_1260 = tpu.memref_slice %arg3[%dma_wait3A_1258, %dma_wait3A_1259] : memref<16x1000001xf32, #tpu.memory_space<hbm>> -> memref<16x128xf32, #tpu.memory_space<hbm>>
        %dma_wait3A_1261 = arith.constant 0 : i32
        %dma_wait3A_1262 = arith.constant 0 : i32
        %dma_wait3A_1263 = tpu.memref_slice %arg6[%dma_wait3A_1253, %dma_wait3A_1261, %dma_wait3A_1262] : memref<32x16x128xf32, #tpu.memory_space<vmem>> -> memref<1x16x128xf32, #tpu.memory_space<vmem>>
        %dma_wait3A_1264 = tpu.memref_squeeze %dma_wait3A_1263 : memref<1x16x128xf32, #tpu.memory_space<vmem>> -> memref<16x128xf32, #tpu.memory_space<vmem>>
        %dma_wait3A_1265 = arith.constant 0 : i32
        %dma_wait3A_1266 = arith.constant 0 : i32
        %dma_wait3A_1267 = tpu.memref_slice %arg3[%dma_wait3A_1265, %dma_wait3A_1266] : memref<16x1000001xf32, #tpu.memory_space<hbm>> -> memref<16x128xf32, #tpu.memory_space<hbm>>
        tpu.wait_dma2 semaphore(%arg8 : memref<!tpu.dma_semaphore, #tpu.memory_space<semaphore_mem>>) src(%dma_wait3A_1267 : memref<16x128xf32, #tpu.memory_space<hbm>>) dst(%dma_wait3A_1264 : memref<16x128xf32, #tpu.memory_space<vmem>>)
        %dma_wait3A_1268 = arith.constant 11 : i32
        %dma_wait3A_1269 = arith.constant 0 : i32
        %dma_wait3A_1270 = arith.constant 0 : i32
        %dma_wait3A_1271 = tpu.memref_slice %arg6[%dma_wait3A_1268, %dma_wait3A_1269, %dma_wait3A_1270] : memref<32x16x128xf32, #tpu.memory_space<vmem>> -> memref<1x16x128xf32, #tpu.memory_space<vmem>>
        %dma_wait3A_1272 = tpu.memref_squeeze %dma_wait3A_1271 : memref<1x16x128xf32, #tpu.memory_space<vmem>> -> memref<16x128xf32, #tpu.memory_space<vmem>>
        %dma_wait3A_1273 = arith.constant 0 : i32
        %dma_wait3A_1274 = arith.constant 0 : i32
        %dma_wait3A_1275 = tpu.memref_slice %arg3[%dma_wait3A_1273, %dma_wait3A_1274] : memref<16x1000001xf32, #tpu.memory_space<hbm>> -> memref<16x128xf32, #tpu.memory_space<hbm>>
        %dma_wait3A_1276 = arith.constant 0 : i32
        %dma_wait3A_1277 = arith.constant 0 : i32
        %dma_wait3A_1278 = tpu.memref_slice %arg6[%dma_wait3A_1268, %dma_wait3A_1276, %dma_wait3A_1277] : memref<32x16x128xf32, #tpu.memory_space<vmem>> -> memref<1x16x128xf32, #tpu.memory_space<vmem>>
        %dma_wait3A_1279 = tpu.memref_squeeze %dma_wait3A_1278 : memref<1x16x128xf32, #tpu.memory_space<vmem>> -> memref<16x128xf32, #tpu.memory_space<vmem>>
        %dma_wait3A_1280 = arith.constant 0 : i32
        %dma_wait3A_1281 = arith.constant 0 : i32
        %dma_wait3A_1282 = tpu.memref_slice %arg3[%dma_wait3A_1280, %dma_wait3A_1281] : memref<16x1000001xf32, #tpu.memory_space<hbm>> -> memref<16x128xf32, #tpu.memory_space<hbm>>
        tpu.wait_dma2 semaphore(%arg8 : memref<!tpu.dma_semaphore, #tpu.memory_space<semaphore_mem>>) src(%dma_wait3A_1282 : memref<16x128xf32, #tpu.memory_space<hbm>>) dst(%dma_wait3A_1279 : memref<16x128xf32, #tpu.memory_space<vmem>>)
        %dma_wait3A_1283 = arith.constant 12 : i32
        %dma_wait3A_1284 = arith.constant 0 : i32
        %dma_wait3A_1285 = arith.constant 0 : i32
        %dma_wait3A_1286 = tpu.memref_slice %arg6[%dma_wait3A_1283, %dma_wait3A_1284, %dma_wait3A_1285] : memref<32x16x128xf32, #tpu.memory_space<vmem>> -> memref<1x16x128xf32, #tpu.memory_space<vmem>>
        %dma_wait3A_1287 = tpu.memref_squeeze %dma_wait3A_1286 : memref<1x16x128xf32, #tpu.memory_space<vmem>> -> memref<16x128xf32, #tpu.memory_space<vmem>>
        %dma_wait3A_1288 = arith.constant 0 : i32
        %dma_wait3A_1289 = arith.constant 0 : i32
        %dma_wait3A_1290 = tpu.memref_slice %arg3[%dma_wait3A_1288, %dma_wait3A_1289] : memref<16x1000001xf32, #tpu.memory_space<hbm>> -> memref<16x128xf32, #tpu.memory_space<hbm>>
        %dma_wait3A_1291 = arith.constant 0 : i32
        %dma_wait3A_1292 = arith.constant 0 : i32
        %dma_wait3A_1293 = tpu.memref_slice %arg6[%dma_wait3A_1283, %dma_wait3A_1291, %dma_wait3A_1292] : memref<32x16x128xf32, #tpu.memory_space<vmem>> -> memref<1x16x128xf32, #tpu.memory_space<vmem>>
        %dma_wait3A_1294 = tpu.memref_squeeze %dma_wait3A_1293 : memref<1x16x128xf32, #tpu.memory_space<vmem>> -> memref<16x128xf32, #tpu.memory_space<vmem>>
        %dma_wait3A_1295 = arith.constant 0 : i32
        %dma_wait3A_1296 = arith.constant 0 : i32
        %dma_wait3A_1297 = tpu.memref_slice %arg3[%dma_wait3A_1295, %dma_wait3A_1296] : memref<16x1000001xf32, #tpu.memory_space<hbm>> -> memref<16x128xf32, #tpu.memory_space<hbm>>
        tpu.wait_dma2 semaphore(%arg8 : memref<!tpu.dma_semaphore, #tpu.memory_space<semaphore_mem>>) src(%dma_wait3A_1297 : memref<16x128xf32, #tpu.memory_space<hbm>>) dst(%dma_wait3A_1294 : memref<16x128xf32, #tpu.memory_space<vmem>>)
        %dma_wait3A_1298 = arith.constant 13 : i32
        %dma_wait3A_1299 = arith.constant 0 : i32
        %dma_wait3A_1300 = arith.constant 0 : i32
        %dma_wait3A_1301 = tpu.memref_slice %arg6[%dma_wait3A_1298, %dma_wait3A_1299, %dma_wait3A_1300] : memref<32x16x128xf32, #tpu.memory_space<vmem>> -> memref<1x16x128xf32, #tpu.memory_space<vmem>>
        %dma_wait3A_1302 = tpu.memref_squeeze %dma_wait3A_1301 : memref<1x16x128xf32, #tpu.memory_space<vmem>> -> memref<16x128xf32, #tpu.memory_space<vmem>>
        %dma_wait3A_1303 = arith.constant 0 : i32
        %dma_wait3A_1304 = arith.constant 0 : i32
        %dma_wait3A_1305 = tpu.memref_slice %arg3[%dma_wait3A_1303, %dma_wait3A_1304] : memref<16x1000001xf32, #tpu.memory_space<hbm>> -> memref<16x128xf32, #tpu.memory_space<hbm>>
        %dma_wait3A_1306 = arith.constant 0 : i32
        %dma_wait3A_1307 = arith.constant 0 : i32
        %dma_wait3A_1308 = tpu.memref_slice %arg6[%dma_wait3A_1298, %dma_wait3A_1306, %dma_wait3A_1307] : memref<32x16x128xf32, #tpu.memory_space<vmem>> -> memref<1x16x128xf32, #tpu.memory_space<vmem>>
        %dma_wait3A_1309 = tpu.memref_squeeze %dma_wait3A_1308 : memref<1x16x128xf32, #tpu.memory_space<vmem>> -> memref<16x128xf32, #tpu.memory_space<vmem>>
        %dma_wait3A_1310 = arith.constant 0 : i32
        %dma_wait3A_1311 = arith.constant 0 : i32
        %dma_wait3A_1312 = tpu.memref_slice %arg3[%dma_wait3A_1310, %dma_wait3A_1311] : memref<16x1000001xf32, #tpu.memory_space<hbm>> -> memref<16x128xf32, #tpu.memory_space<hbm>>
        tpu.wait_dma2 semaphore(%arg8 : memref<!tpu.dma_semaphore, #tpu.memory_space<semaphore_mem>>) src(%dma_wait3A_1312 : memref<16x128xf32, #tpu.memory_space<hbm>>) dst(%dma_wait3A_1309 : memref<16x128xf32, #tpu.memory_space<vmem>>)
        %dma_wait3A_1313 = arith.constant 14 : i32
        %dma_wait3A_1314 = arith.constant 0 : i32
        %dma_wait3A_1315 = arith.constant 0 : i32
        %dma_wait3A_1316 = tpu.memref_slice %arg6[%dma_wait3A_1313, %dma_wait3A_1314, %dma_wait3A_1315] : memref<32x16x128xf32, #tpu.memory_space<vmem>> -> memref<1x16x128xf32, #tpu.memory_space<vmem>>
        %dma_wait3A_1317 = tpu.memref_squeeze %dma_wait3A_1316 : memref<1x16x128xf32, #tpu.memory_space<vmem>> -> memref<16x128xf32, #tpu.memory_space<vmem>>
        %dma_wait3A_1318 = arith.constant 0 : i32
        %dma_wait3A_1319 = arith.constant 0 : i32
        %dma_wait3A_1320 = tpu.memref_slice %arg3[%dma_wait3A_1318, %dma_wait3A_1319] : memref<16x1000001xf32, #tpu.memory_space<hbm>> -> memref<16x128xf32, #tpu.memory_space<hbm>>
        %dma_wait3A_1321 = arith.constant 0 : i32
        %dma_wait3A_1322 = arith.constant 0 : i32
        %dma_wait3A_1323 = tpu.memref_slice %arg6[%dma_wait3A_1313, %dma_wait3A_1321, %dma_wait3A_1322] : memref<32x16x128xf32, #tpu.memory_space<vmem>> -> memref<1x16x128xf32, #tpu.memory_space<vmem>>
        %dma_wait3A_1324 = tpu.memref_squeeze %dma_wait3A_1323 : memref<1x16x128xf32, #tpu.memory_space<vmem>> -> memref<16x128xf32, #tpu.memory_space<vmem>>
        %dma_wait3A_1325 = arith.constant 0 : i32
        %dma_wait3A_1326 = arith.constant 0 : i32
        %dma_wait3A_1327 = tpu.memref_slice %arg3[%dma_wait3A_1325, %dma_wait3A_1326] : memref<16x1000001xf32, #tpu.memory_space<hbm>> -> memref<16x128xf32, #tpu.memory_space<hbm>>
        tpu.wait_dma2 semaphore(%arg8 : memref<!tpu.dma_semaphore, #tpu.memory_space<semaphore_mem>>) src(%dma_wait3A_1327 : memref<16x128xf32, #tpu.memory_space<hbm>>) dst(%dma_wait3A_1324 : memref<16x128xf32, #tpu.memory_space<vmem>>)
        %dma_wait3A_1328 = arith.constant 15 : i32
        %dma_wait3A_1329 = arith.constant 0 : i32
        %dma_wait3A_1330 = arith.constant 0 : i32
        %dma_wait3A_1331 = tpu.memref_slice %arg6[%dma_wait3A_1328, %dma_wait3A_1329, %dma_wait3A_1330] : memref<32x16x128xf32, #tpu.memory_space<vmem>> -> memref<1x16x128xf32, #tpu.memory_space<vmem>>
        %dma_wait3A_1332 = tpu.memref_squeeze %dma_wait3A_1331 : memref<1x16x128xf32, #tpu.memory_space<vmem>> -> memref<16x128xf32, #tpu.memory_space<vmem>>
        %dma_wait3A_1333 = arith.constant 0 : i32
        %dma_wait3A_1334 = arith.constant 0 : i32
        %dma_wait3A_1335 = tpu.memref_slice %arg3[%dma_wait3A_1333, %dma_wait3A_1334] : memref<16x1000001xf32, #tpu.memory_space<hbm>> -> memref<16x128xf32, #tpu.memory_space<hbm>>
        %dma_wait3A_1336 = arith.constant 0 : i32
        %dma_wait3A_1337 = arith.constant 0 : i32
        %dma_wait3A_1338 = tpu.memref_slice %arg6[%dma_wait3A_1328, %dma_wait3A_1336, %dma_wait3A_1337] : memref<32x16x128xf32, #tpu.memory_space<vmem>> -> memref<1x16x128xf32, #tpu.memory_space<vmem>>
        %dma_wait3A_1339 = tpu.memref_squeeze %dma_wait3A_1338 : memref<1x16x128xf32, #tpu.memory_space<vmem>> -> memref<16x128xf32, #tpu.memory_space<vmem>>
        %dma_wait3A_1340 = arith.constant 0 : i32
        %dma_wait3A_1341 = arith.constant 0 : i32
        %dma_wait3A_1342 = tpu.memref_slice %arg3[%dma_wait3A_1340, %dma_wait3A_1341] : memref<16x1000001xf32, #tpu.memory_space<hbm>> -> memref<16x128xf32, #tpu.memory_space<hbm>>
        tpu.wait_dma2 semaphore(%arg8 : memref<!tpu.dma_semaphore, #tpu.memory_space<semaphore_mem>>) src(%dma_wait3A_1342 : memref<16x128xf32, #tpu.memory_space<hbm>>) dst(%dma_wait3A_1339 : memref<16x128xf32, #tpu.memory_space<vmem>>)
        %sub3A = arith.constant 1 : i32
        %sub3A_1343 = arith.subi %scan3A_770, %sub3A : i32
        %mul3A_1344 = arith.constant 16 : i32
        %mul3A_1345 = arith.muli %sub3A_1343, %mul3A_1344 : i32
        %get3A_1346 = arith.index_cast %mul3A_1345 : i32 to index
        %get3A_1347 = tpu.vector_load %arg5[%get3A_1346] {strides = array<i32>} : memref<512xi32, #tpu.memory_space<vmem>>, vector<16xi32>,
        %slice3A_1348 = vector.extract_strided_slice %get3A_1347 {offsets = [0], sizes = [1], strides = [1]} : vector<16xi32> to vector<1xi32>
        %squeeze3A_1349 = vector.extract %slice3A_1348[0] : i32 from vector<1xi32>
        %and3A_1350 = arith.constant 127 : i32
        %and3A_1351 = arith.andi %squeeze3A_1349, %and3A_1350 : i32
        %broadcast_in_dim3A_1352 = vector.broadcast %and3A_1351 : i32 to vector<16xi32>
        %gather3A_1353 = arith.constant 0 : i32
        %gather3A_1354 = arith.constant 0 : i32
        %gather3A_1355 = arith.constant 0 : i32
        %gather3A_1356 = tpu.memref_slice %arg6[%gather3A_1353, %gather3A_1354, %gather3A_1355] : memref<32x16x128xf32, #tpu.memory_space<vmem>> -> memref<1x16x128xf32, #tpu.memory_space<vmem>>
        %gather3A_1357 = tpu.memref_squeeze %gather3A_1356 : memref<1x16x128xf32, #tpu.memory_space<vmem>> -> memref<16x128xf32, #tpu.memory_space<vmem>>
        %gather3A_1358 = tpu.vector_load_idx %gather3A_1357[%iota3A, %broadcast_in_dim3A_1352] : memref<16x128xf32, #tpu.memory_space<vmem>>[vector<16xi32>, vector<16xi32>], vector<16xf32>,
        %mul3A_1359 = arith.constant 16 : i32
        %mul3A_1360 = arith.muli %sub3A_1343, %mul3A_1359 : i32
        %add3A_1361 = arith.constant 0 : i32
        %add3A_1362 = arith.addi %mul3A_1360, %add3A_1361 : i32
        %broadcast_in_dim3A_1363 = vector.broadcast %add3A_1362 : i32 to vector<16xi32>
        tpu.vector_store_idx %arg7[%iota3A, %broadcast_in_dim3A_1363], %gather3A_1358 : memref<16x512xf32, #tpu.memory_space<vmem>>[vector<16xi32>, vector<16xi32>], vector<16xf32>,
        %slice3A_1364 = vector.extract_strided_slice %get3A_1347 {offsets = [1], sizes = [1], strides = [1]} : vector<16xi32> to vector<1xi32>
        %squeeze3A_1365 = vector.extract %slice3A_1364[0] : i32 from vector<1xi32>
        %and3A_1366 = arith.constant 127 : i32
        %and3A_1367 = arith.andi %squeeze3A_1365, %and3A_1366 : i32
        %broadcast_in_dim3A_1368 = vector.broadcast %and3A_1367 : i32 to vector<16xi32>
        %gather3A_1369 = arith.constant 1 : i32
        %gather3A_1370 = arith.constant 0 : i32
        %gather3A_1371 = arith.constant 0 : i32
        %gather3A_1372 = tpu.memref_slice %arg6[%gather3A_1369, %gather3A_1370, %gather3A_1371] : memref<32x16x128xf32, #tpu.memory_space<vmem>> -> memref<1x16x128xf32, #tpu.memory_space<vmem>>
        %gather3A_1373 = tpu.memref_squeeze %gather3A_1372 : memref<1x16x128xf32, #tpu.memory_space<vmem>> -> memref<16x128xf32, #tpu.memory_space<vmem>>
        %gather3A_1374 = tpu.vector_load_idx %gather3A_1373[%iota3A, %broadcast_in_dim3A_1368] : memref<16x128xf32, #tpu.memory_space<vmem>>[vector<16xi32>, vector<16xi32>], vector<16xf32>,
        %mul3A_1375 = arith.constant 16 : i32
        %mul3A_1376 = arith.muli %sub3A_1343, %mul3A_1375 : i32
        %add3A_1377 = arith.constant 1 : i32
        %add3A_1378 = arith.addi %mul3A_1376, %add3A_1377 : i32
        %broadcast_in_dim3A_1379 = vector.broadcast %add3A_1378 : i32 to vector<16xi32>
        tpu.vector_store_idx %arg7[%iota3A, %broadcast_in_dim3A_1379], %gather3A_1374 : memref<16x512xf32, #tpu.memory_space<vmem>>[vector<16xi32>, vector<16xi32>], vector<16xf32>,
        %slice3A_1380 = vector.extract_strided_slice %get3A_1347 {offsets = [2], sizes = [1], strides = [1]} : vector<16xi32> to vector<1xi32>
        %squeeze3A_1381 = vector.extract %slice3A_1380[0] : i32 from vector<1xi32>
        %and3A_1382 = arith.constant 127 : i32
        %and3A_1383 = arith.andi %squeeze3A_1381, %and3A_1382 : i32
        %broadcast_in_dim3A_1384 = vector.broadcast %and3A_1383 : i32 to vector<16xi32>
        %gather3A_1385 = arith.constant 2 : i32
        %gather3A_1386 = arith.constant 0 : i32
        %gather3A_1387 = arith.constant 0 : i32
        %gather3A_1388 = tpu.memref_slice %arg6[%gather3A_1385, %gather3A_1386, %gather3A_1387] : memref<32x16x128xf32, #tpu.memory_space<vmem>> -> memref<1x16x128xf32, #tpu.memory_space<vmem>>
        %gather3A_1389 = tpu.memref_squeeze %gather3A_1388 : memref<1x16x128xf32, #tpu.memory_space<vmem>> -> memref<16x128xf32, #tpu.memory_space<vmem>>
        %gather3A_1390 = tpu.vector_load_idx %gather3A_1389[%iota3A, %broadcast_in_dim3A_1384] : memref<16x128xf32, #tpu.memory_space<vmem>>[vector<16xi32>, vector<16xi32>], vector<16xf32>,
        %mul3A_1391 = arith.constant 16 : i32
        %mul3A_1392 = arith.muli %sub3A_1343, %mul3A_1391 : i32
        %add3A_1393 = arith.constant 2 : i32
        %add3A_1394 = arith.addi %mul3A_1392, %add3A_1393 : i32
        %broadcast_in_dim3A_1395 = vector.broadcast %add3A_1394 : i32 to vector<16xi32>
        tpu.vector_store_idx %arg7[%iota3A, %broadcast_in_dim3A_1395], %gather3A_1390 : memref<16x512xf32, #tpu.memory_space<vmem>>[vector<16xi32>, vector<16xi32>], vector<16xf32>,
        %slice3A_1396 = vector.extract_strided_slice %get3A_1347 {offsets = [3], sizes = [1], strides = [1]} : vector<16xi32> to vector<1xi32>
        %squeeze3A_1397 = vector.extract %slice3A_1396[0] : i32 from vector<1xi32>
        %and3A_1398 = arith.constant 127 : i32
        %and3A_1399 = arith.andi %squeeze3A_1397, %and3A_1398 : i32
        %broadcast_in_dim3A_1400 = vector.broadcast %and3A_1399 : i32 to vector<16xi32>
        %gather3A_1401 = arith.constant 3 : i32
        %gather3A_1402 = arith.constant 0 : i32
        %gather3A_1403 = arith.constant 0 : i32
        %gather3A_1404 = tpu.memref_slice %arg6[%gather3A_1401, %gather3A_1402, %gather3A_1403] : memref<32x16x128xf32, #tpu.memory_space<vmem>> -> memref<1x16x128xf32, #tpu.memory_space<vmem>>
        %gather3A_1405 = tpu.memref_squeeze %gather3A_1404 : memref<1x16x128xf32, #tpu.memory_space<vmem>> -> memref<16x128xf32, #tpu.memory_space<vmem>>
        %gather3A_1406 = tpu.vector_load_idx %gather3A_1405[%iota3A, %broadcast_in_dim3A_1400] : memref<16x128xf32, #tpu.memory_space<vmem>>[vector<16xi32>, vector<16xi32>], vector<16xf32>,
        %mul3A_1407 = arith.constant 16 : i32
        %mul3A_1408 = arith.muli %sub3A_1343, %mul3A_1407 : i32
        %add3A_1409 = arith.constant 3 : i32
        %add3A_1410 = arith.addi %mul3A_1408, %add3A_1409 : i32
        %broadcast_in_dim3A_1411 = vector.broadcast %add3A_1410 : i32 to vector<16xi32>
        tpu.vector_store_idx %arg7[%iota3A, %broadcast_in_dim3A_1411], %gather3A_1406 : memref<16x512xf32, #tpu.memory_space<vmem>>[vector<16xi32>, vector<16xi32>], vector<16xf32>,
        %slice3A_1412 = vector.extract_strided_slice %get3A_1347 {offsets = [4], sizes = [1], strides = [1]} : vector<16xi32> to vector<1xi32>
        %squeeze3A_1413 = vector.extract %slice3A_1412[0] : i32 from vector<1xi32>
        %and3A_1414 = arith.constant 127 : i32
        %and3A_1415 = arith.andi %squeeze3A_1413, %and3A_1414 : i32
        %broadcast_in_dim3A_1416 = vector.broadcast %and3A_1415 : i32 to vector<16xi32>
        %gather3A_1417 = arith.constant 4 : i32
        %gather3A_1418 = arith.constant 0 : i32
        %gather3A_1419 = arith.constant 0 : i32
        %gather3A_1420 = tpu.memref_slice %arg6[%gather3A_1417, %gather3A_1418, %gather3A_1419] : memref<32x16x128xf32, #tpu.memory_space<vmem>> -> memref<1x16x128xf32, #tpu.memory_space<vmem>>
        %gather3A_1421 = tpu.memref_squeeze %gather3A_1420 : memref<1x16x128xf32, #tpu.memory_space<vmem>> -> memref<16x128xf32, #tpu.memory_space<vmem>>
        %gather3A_1422 = tpu.vector_load_idx %gather3A_1421[%iota3A, %broadcast_in_dim3A_1416] : memref<16x128xf32, #tpu.memory_space<vmem>>[vector<16xi32>, vector<16xi32>], vector<16xf32>,
        %mul3A_1423 = arith.constant 16 : i32
        %mul3A_1424 = arith.muli %sub3A_1343, %mul3A_1423 : i32
        %add3A_1425 = arith.constant 4 : i32
        %add3A_1426 = arith.addi %mul3A_1424, %add3A_1425 : i32
        %broadcast_in_dim3A_1427 = vector.broadcast %add3A_1426 : i32 to vector<16xi32>
        tpu.vector_store_idx %arg7[%iota3A, %broadcast_in_dim3A_1427], %gather3A_1422 : memref<16x512xf32, #tpu.memory_space<vmem>>[vector<16xi32>, vector<16xi32>], vector<16xf32>,
        %slice3A_1428 = vector.extract_strided_slice %get3A_1347 {offsets = [5], sizes = [1], strides = [1]} : vector<16xi32> to vector<1xi32>
        %squeeze3A_1429 = vector.extract %slice3A_1428[0] : i32 from vector<1xi32>
        %and3A_1430 = arith.constant 127 : i32
        %and3A_1431 = arith.andi %squeeze3A_1429, %and3A_1430 : i32
        %broadcast_in_dim3A_1432 = vector.broadcast %and3A_1431 : i32 to vector<16xi32>
        %gather3A_1433 = arith.constant 5 : i32
        %gather3A_1434 = arith.constant 0 : i32
        %gather3A_1435 = arith.constant 0 : i32
        %gather3A_1436 = tpu.memref_slice %arg6[%gather3A_1433, %gather3A_1434, %gather3A_1435] : memref<32x16x128xf32, #tpu.memory_space<vmem>> -> memref<1x16x128xf32, #tpu.memory_space<vmem>>
        %gather3A_1437 = tpu.memref_squeeze %gather3A_1436 : memref<1x16x128xf32, #tpu.memory_space<vmem>> -> memref<16x128xf32, #tpu.memory_space<vmem>>
        %gather3A_1438 = tpu.vector_load_idx %gather3A_1437[%iota3A, %broadcast_in_dim3A_1432] : memref<16x128xf32, #tpu.memory_space<vmem>>[vector<16xi32>, vector<16xi32>], vector<16xf32>,
        %mul3A_1439 = arith.constant 16 : i32
        %mul3A_1440 = arith.muli %sub3A_1343, %mul3A_1439 : i32
        %add3A_1441 = arith.constant 5 : i32
        %add3A_1442 = arith.addi %mul3A_1440, %add3A_1441 : i32
        %broadcast_in_dim3A_1443 = vector.broadcast %add3A_1442 : i32 to vector<16xi32>
        tpu.vector_store_idx %arg7[%iota3A, %broadcast_in_dim3A_1443], %gather3A_1438 : memref<16x512xf32, #tpu.memory_space<vmem>>[vector<16xi32>, vector<16xi32>], vector<16xf32>,
        %slice3A_1444 = vector.extract_strided_slice %get3A_1347 {offsets = [6], sizes = [1], strides = [1]} : vector<16xi32> to vector<1xi32>
        %squeeze3A_1445 = vector.extract %slice3A_1444[0] : i32 from vector<1xi32>
        %and3A_1446 = arith.constant 127 : i32
        %and3A_1447 = arith.andi %squeeze3A_1445, %and3A_1446 : i32
        %broadcast_in_dim3A_1448 = vector.broadcast %and3A_1447 : i32 to vector<16xi32>
        %gather3A_1449 = arith.constant 6 : i32
        %gather3A_1450 = arith.constant 0 : i32
        %gather3A_1451 = arith.constant 0 : i32
        %gather3A_1452 = tpu.memref_slice %arg6[%gather3A_1449, %gather3A_1450, %gather3A_1451] : memref<32x16x128xf32, #tpu.memory_space<vmem>> -> memref<1x16x128xf32, #tpu.memory_space<vmem>>
        %gather3A_1453 = tpu.memref_squeeze %gather3A_1452 : memref<1x16x128xf32, #tpu.memory_space<vmem>> -> memref<16x128xf32, #tpu.memory_space<vmem>>
        %gather3A_1454 = tpu.vector_load_idx %gather3A_1453[%iota3A, %broadcast_in_dim3A_1448] : memref<16x128xf32, #tpu.memory_space<vmem>>[vector<16xi32>, vector<16xi32>], vector<16xf32>,
        %mul3A_1455 = arith.constant 16 : i32
        %mul3A_1456 = arith.muli %sub3A_1343, %mul3A_1455 : i32
        %add3A_1457 = arith.constant 6 : i32
        %add3A_1458 = arith.addi %mul3A_1456, %add3A_1457 : i32
        %broadcast_in_dim3A_1459 = vector.broadcast %add3A_1458 : i32 to vector<16xi32>
        tpu.vector_store_idx %arg7[%iota3A, %broadcast_in_dim3A_1459], %gather3A_1454 : memref<16x512xf32, #tpu.memory_space<vmem>>[vector<16xi32>, vector<16xi32>], vector<16xf32>,
        %slice3A_1460 = vector.extract_strided_slice %get3A_1347 {offsets = [7], sizes = [1], strides = [1]} : vector<16xi32> to vector<1xi32>
        %squeeze3A_1461 = vector.extract %slice3A_1460[0] : i32 from vector<1xi32>
        %and3A_1462 = arith.constant 127 : i32
        %and3A_1463 = arith.andi %squeeze3A_1461, %and3A_1462 : i32
        %broadcast_in_dim3A_1464 = vector.broadcast %and3A_1463 : i32 to vector<16xi32>
        %gather3A_1465 = arith.constant 7 : i32
        %gather3A_1466 = arith.constant 0 : i32
        %gather3A_1467 = arith.constant 0 : i32
        %gather3A_1468 = tpu.memref_slice %arg6[%gather3A_1465, %gather3A_1466, %gather3A_1467] : memref<32x16x128xf32, #tpu.memory_space<vmem>> -> memref<1x16x128xf32, #tpu.memory_space<vmem>>
        %gather3A_1469 = tpu.memref_squeeze %gather3A_1468 : memref<1x16x128xf32, #tpu.memory_space<vmem>> -> memref<16x128xf32, #tpu.memory_space<vmem>>
        %gather3A_1470 = tpu.vector_load_idx %gather3A_1469[%iota3A, %broadcast_in_dim3A_1464] : memref<16x128xf32, #tpu.memory_space<vmem>>[vector<16xi32>, vector<16xi32>], vector<16xf32>,
        %mul3A_1471 = arith.constant 16 : i32
        %mul3A_1472 = arith.muli %sub3A_1343, %mul3A_1471 : i32
        %add3A_1473 = arith.constant 7 : i32
        %add3A_1474 = arith.addi %mul3A_1472, %add3A_1473 : i32
        %broadcast_in_dim3A_1475 = vector.broadcast %add3A_1474 : i32 to vector<16xi32>
        tpu.vector_store_idx %arg7[%iota3A, %broadcast_in_dim3A_1475], %gather3A_1470 : memref<16x512xf32, #tpu.memory_space<vmem>>[vector<16xi32>, vector<16xi32>], vector<16xf32>,
        %slice3A_1476 = vector.extract_strided_slice %get3A_1347 {offsets = [8], sizes = [1], strides = [1]} : vector<16xi32> to vector<1xi32>
        %squeeze3A_1477 = vector.extract %slice3A_1476[0] : i32 from vector<1xi32>
        %and3A_1478 = arith.constant 127 : i32
        %and3A_1479 = arith.andi %squeeze3A_1477, %and3A_1478 : i32
        %broadcast_in_dim3A_1480 = vector.broadcast %and3A_1479 : i32 to vector<16xi32>
        %gather3A_1481 = arith.constant 8 : i32
        %gather3A_1482 = arith.constant 0 : i32
        %gather3A_1483 = arith.constant 0 : i32
        %gather3A_1484 = tpu.memref_slice %arg6[%gather3A_1481, %gather3A_1482, %gather3A_1483] : memref<32x16x128xf32, #tpu.memory_space<vmem>> -> memref<1x16x128xf32, #tpu.memory_space<vmem>>
        %gather3A_1485 = tpu.memref_squeeze %gather3A_1484 : memref<1x16x128xf32, #tpu.memory_space<vmem>> -> memref<16x128xf32, #tpu.memory_space<vmem>>
        %gather3A_1486 = tpu.vector_load_idx %gather3A_1485[%iota3A, %broadcast_in_dim3A_1480] : memref<16x128xf32, #tpu.memory_space<vmem>>[vector<16xi32>, vector<16xi32>], vector<16xf32>,
        %mul3A_1487 = arith.constant 16 : i32
        %mul3A_1488 = arith.muli %sub3A_1343, %mul3A_1487 : i32
        %add3A_1489 = arith.constant 8 : i32
        %add3A_1490 = arith.addi %mul3A_1488, %add3A_1489 : i32
        %broadcast_in_dim3A_1491 = vector.broadcast %add3A_1490 : i32 to vector<16xi32>
        tpu.vector_store_idx %arg7[%iota3A, %broadcast_in_dim3A_1491], %gather3A_1486 : memref<16x512xf32, #tpu.memory_space<vmem>>[vector<16xi32>, vector<16xi32>], vector<16xf32>,
        %slice3A_1492 = vector.extract_strided_slice %get3A_1347 {offsets = [9], sizes = [1], strides = [1]} : vector<16xi32> to vector<1xi32>
        %squeeze3A_1493 = vector.extract %slice3A_1492[0] : i32 from vector<1xi32>
        %and3A_1494 = arith.constant 127 : i32
        %and3A_1495 = arith.andi %squeeze3A_1493, %and3A_1494 : i32
        %broadcast_in_dim3A_1496 = vector.broadcast %and3A_1495 : i32 to vector<16xi32>
        %gather3A_1497 = arith.constant 9 : i32
        %gather3A_1498 = arith.constant 0 : i32
        %gather3A_1499 = arith.constant 0 : i32
        %gather3A_1500 = tpu.memref_slice %arg6[%gather3A_1497, %gather3A_1498, %gather3A_1499] : memref<32x16x128xf32, #tpu.memory_space<vmem>> -> memref<1x16x128xf32, #tpu.memory_space<vmem>>
        %gather3A_1501 = tpu.memref_squeeze %gather3A_1500 : memref<1x16x128xf32, #tpu.memory_space<vmem>> -> memref<16x128xf32, #tpu.memory_space<vmem>>
        %gather3A_1502 = tpu.vector_load_idx %gather3A_1501[%iota3A, %broadcast_in_dim3A_1496] : memref<16x128xf32, #tpu.memory_space<vmem>>[vector<16xi32>, vector<16xi32>], vector<16xf32>,
        %mul3A_1503 = arith.constant 16 : i32
        %mul3A_1504 = arith.muli %sub3A_1343, %mul3A_1503 : i32
        %add3A_1505 = arith.constant 9 : i32
        %add3A_1506 = arith.addi %mul3A_1504, %add3A_1505 : i32
        %broadcast_in_dim3A_1507 = vector.broadcast %add3A_1506 : i32 to vector<16xi32>
        tpu.vector_store_idx %arg7[%iota3A, %broadcast_in_dim3A_1507], %gather3A_1502 : memref<16x512xf32, #tpu.memory_space<vmem>>[vector<16xi32>, vector<16xi32>], vector<16xf32>,
        %slice3A_1508 = vector.extract_strided_slice %get3A_1347 {offsets = [10], sizes = [1], strides = [1]} : vector<16xi32> to vector<1xi32>
        %squeeze3A_1509 = vector.extract %slice3A_1508[0] : i32 from vector<1xi32>
        %and3A_1510 = arith.constant 127 : i32
        %and3A_1511 = arith.andi %squeeze3A_1509, %and3A_1510 : i32
        %broadcast_in_dim3A_1512 = vector.broadcast %and3A_1511 : i32 to vector<16xi32>
        %gather3A_1513 = arith.constant 10 : i32
        %gather3A_1514 = arith.constant 0 : i32
        %gather3A_1515 = arith.constant 0 : i32
        %gather3A_1516 = tpu.memref_slice %arg6[%gather3A_1513, %gather3A_1514, %gather3A_1515] : memref<32x16x128xf32, #tpu.memory_space<vmem>> -> memref<1x16x128xf32, #tpu.memory_space<vmem>>
        %gather3A_1517 = tpu.memref_squeeze %gather3A_1516 : memref<1x16x128xf32, #tpu.memory_space<vmem>> -> memref<16x128xf32, #tpu.memory_space<vmem>>
        %gather3A_1518 = tpu.vector_load_idx %gather3A_1517[%iota3A, %broadcast_in_dim3A_1512] : memref<16x128xf32, #tpu.memory_space<vmem>>[vector<16xi32>, vector<16xi32>], vector<16xf32>,
        %mul3A_1519 = arith.constant 16 : i32
        %mul3A_1520 = arith.muli %sub3A_1343, %mul3A_1519 : i32
        %add3A_1521 = arith.constant 10 : i32
        %add3A_1522 = arith.addi %mul3A_1520, %add3A_1521 : i32
        %broadcast_in_dim3A_1523 = vector.broadcast %add3A_1522 : i32 to vector<16xi32>
        tpu.vector_store_idx %arg7[%iota3A, %broadcast_in_dim3A_1523], %gather3A_1518 : memref<16x512xf32, #tpu.memory_space<vmem>>[vector<16xi32>, vector<16xi32>], vector<16xf32>,
        %slice3A_1524 = vector.extract_strided_slice %get3A_1347 {offsets = [11], sizes = [1], strides = [1]} : vector<16xi32> to vector<1xi32>
        %squeeze3A_1525 = vector.extract %slice3A_1524[0] : i32 from vector<1xi32>
        %and3A_1526 = arith.constant 127 : i32
        %and3A_1527 = arith.andi %squeeze3A_1525, %and3A_1526 : i32
        %broadcast_in_dim3A_1528 = vector.broadcast %and3A_1527 : i32 to vector<16xi32>
        %gather3A_1529 = arith.constant 11 : i32
        %gather3A_1530 = arith.constant 0 : i32
        %gather3A_1531 = arith.constant 0 : i32
        %gather3A_1532 = tpu.memref_slice %arg6[%gather3A_1529, %gather3A_1530, %gather3A_1531] : memref<32x16x128xf32, #tpu.memory_space<vmem>> -> memref<1x16x128xf32, #tpu.memory_space<vmem>>
        %gather3A_1533 = tpu.memref_squeeze %gather3A_1532 : memref<1x16x128xf32, #tpu.memory_space<vmem>> -> memref<16x128xf32, #tpu.memory_space<vmem>>
        %gather3A_1534 = tpu.vector_load_idx %gather3A_1533[%iota3A, %broadcast_in_dim3A_1528] : memref<16x128xf32, #tpu.memory_space<vmem>>[vector<16xi32>, vector<16xi32>], vector<16xf32>,
        %mul3A_1535 = arith.constant 16 : i32
        %mul3A_1536 = arith.muli %sub3A_1343, %mul3A_1535 : i32
        %add3A_1537 = arith.constant 11 : i32
        %add3A_1538 = arith.addi %mul3A_1536, %add3A_1537 : i32
        %broadcast_in_dim3A_1539 = vector.broadcast %add3A_1538 : i32 to vector<16xi32>
        tpu.vector_store_idx %arg7[%iota3A, %broadcast_in_dim3A_1539], %gather3A_1534 : memref<16x512xf32, #tpu.memory_space<vmem>>[vector<16xi32>, vector<16xi32>], vector<16xf32>,
        %slice3A_1540 = vector.extract_strided_slice %get3A_1347 {offsets = [12], sizes = [1], strides = [1]} : vector<16xi32> to vector<1xi32>
        %squeeze3A_1541 = vector.extract %slice3A_1540[0] : i32 from vector<1xi32>
        %and3A_1542 = arith.constant 127 : i32
        %and3A_1543 = arith.andi %squeeze3A_1541, %and3A_1542 : i32
        %broadcast_in_dim3A_1544 = vector.broadcast %and3A_1543 : i32 to vector<16xi32>
        %gather3A_1545 = arith.constant 12 : i32
        %gather3A_1546 = arith.constant 0 : i32
        %gather3A_1547 = arith.constant 0 : i32
        %gather3A_1548 = tpu.memref_slice %arg6[%gather3A_1545, %gather3A_1546, %gather3A_1547] : memref<32x16x128xf32, #tpu.memory_space<vmem>> -> memref<1x16x128xf32, #tpu.memory_space<vmem>>
        %gather3A_1549 = tpu.memref_squeeze %gather3A_1548 : memref<1x16x128xf32, #tpu.memory_space<vmem>> -> memref<16x128xf32, #tpu.memory_space<vmem>>
        %gather3A_1550 = tpu.vector_load_idx %gather3A_1549[%iota3A, %broadcast_in_dim3A_1544] : memref<16x128xf32, #tpu.memory_space<vmem>>[vector<16xi32>, vector<16xi32>], vector<16xf32>,
        %mul3A_1551 = arith.constant 16 : i32
        %mul3A_1552 = arith.muli %sub3A_1343, %mul3A_1551 : i32
        %add3A_1553 = arith.constant 12 : i32
        %add3A_1554 = arith.addi %mul3A_1552, %add3A_1553 : i32
        %broadcast_in_dim3A_1555 = vector.broadcast %add3A_1554 : i32 to vector<16xi32>
        tpu.vector_store_idx %arg7[%iota3A, %broadcast_in_dim3A_1555], %gather3A_1550 : memref<16x512xf32, #tpu.memory_space<vmem>>[vector<16xi32>, vector<16xi32>], vector<16xf32>,
        %slice3A_1556 = vector.extract_strided_slice %get3A_1347 {offsets = [13], sizes = [1], strides = [1]} : vector<16xi32> to vector<1xi32>
        %squeeze3A_1557 = vector.extract %slice3A_1556[0] : i32 from vector<1xi32>
        %and3A_1558 = arith.constant 127 : i32
        %and3A_1559 = arith.andi %squeeze3A_1557, %and3A_1558 : i32
        %broadcast_in_dim3A_1560 = vector.broadcast %and3A_1559 : i32 to vector<16xi32>
        %gather3A_1561 = arith.constant 13 : i32
        %gather3A_1562 = arith.constant 0 : i32
        %gather3A_1563 = arith.constant 0 : i32
        %gather3A_1564 = tpu.memref_slice %arg6[%gather3A_1561, %gather3A_1562, %gather3A_1563] : memref<32x16x128xf32, #tpu.memory_space<vmem>> -> memref<1x16x128xf32, #tpu.memory_space<vmem>>
        %gather3A_1565 = tpu.memref_squeeze %gather3A_1564 : memref<1x16x128xf32, #tpu.memory_space<vmem>> -> memref<16x128xf32, #tpu.memory_space<vmem>>
        %gather3A_1566 = tpu.vector_load_idx %gather3A_1565[%iota3A, %broadcast_in_dim3A_1560] : memref<16x128xf32, #tpu.memory_space<vmem>>[vector<16xi32>, vector<16xi32>], vector<16xf32>,
        %mul3A_1567 = arith.constant 16 : i32
        %mul3A_1568 = arith.muli %sub3A_1343, %mul3A_1567 : i32
        %add3A_1569 = arith.constant 13 : i32
        %add3A_1570 = arith.addi %mul3A_1568, %add3A_1569 : i32
        %broadcast_in_dim3A_1571 = vector.broadcast %add3A_1570 : i32 to vector<16xi32>
        tpu.vector_store_idx %arg7[%iota3A, %broadcast_in_dim3A_1571], %gather3A_1566 : memref<16x512xf32, #tpu.memory_space<vmem>>[vector<16xi32>, vector<16xi32>], vector<16xf32>,
        %slice3A_1572 = vector.extract_strided_slice %get3A_1347 {offsets = [14], sizes = [1], strides = [1]} : vector<16xi32> to vector<1xi32>
        %squeeze3A_1573 = vector.extract %slice3A_1572[0] : i32 from vector<1xi32>
        %and3A_1574 = arith.constant 127 : i32
        %and3A_1575 = arith.andi %squeeze3A_1573, %and3A_1574 : i32
        %broadcast_in_dim3A_1576 = vector.broadcast %and3A_1575 : i32 to vector<16xi32>
        %gather3A_1577 = arith.constant 14 : i32
        %gather3A_1578 = arith.constant 0 : i32
        %gather3A_1579 = arith.constant 0 : i32
        %gather3A_1580 = tpu.memref_slice %arg6[%gather3A_1577, %gather3A_1578, %gather3A_1579] : memref<32x16x128xf32, #tpu.memory_space<vmem>> -> memref<1x16x128xf32, #tpu.memory_space<vmem>>
        %gather3A_1581 = tpu.memref_squeeze %gather3A_1580 : memref<1x16x128xf32, #tpu.memory_space<vmem>> -> memref<16x128xf32, #tpu.memory_space<vmem>>
        %gather3A_1582 = tpu.vector_load_idx %gather3A_1581[%iota3A, %broadcast_in_dim3A_1576] : memref<16x128xf32, #tpu.memory_space<vmem>>[vector<16xi32>, vector<16xi32>], vector<16xf32>,
        %mul3A_1583 = arith.constant 16 : i32
        %mul3A_1584 = arith.muli %sub3A_1343, %mul3A_1583 : i32
        %add3A_1585 = arith.constant 14 : i32
        %add3A_1586 = arith.addi %mul3A_1584, %add3A_1585 : i32
        %broadcast_in_dim3A_1587 = vector.broadcast %add3A_1586 : i32 to vector<16xi32>
        tpu.vector_store_idx %arg7[%iota3A, %broadcast_in_dim3A_1587], %gather3A_1582 : memref<16x512xf32, #tpu.memory_space<vmem>>[vector<16xi32>, vector<16xi32>], vector<16xf32>,
        %slice3A_1588 = vector.extract_strided_slice %get3A_1347 {offsets = [15], sizes = [1], strides = [1]} : vector<16xi32> to vector<1xi32>
        %squeeze3A_1589 = vector.extract %slice3A_1588[0] : i32 from vector<1xi32>
        %and3A_1590 = arith.constant 127 : i32
        %and3A_1591 = arith.andi %squeeze3A_1589, %and3A_1590 : i32
        %broadcast_in_dim3A_1592 = vector.broadcast %and3A_1591 : i32 to vector<16xi32>
        %gather3A_1593 = arith.constant 15 : i32
        %gather3A_1594 = arith.constant 0 : i32
        %gather3A_1595 = arith.constant 0 : i32
        %gather3A_1596 = tpu.memref_slice %arg6[%gather3A_1593, %gather3A_1594, %gather3A_1595] : memref<32x16x128xf32, #tpu.memory_space<vmem>> -> memref<1x16x128xf32, #tpu.memory_space<vmem>>
        %gather3A_1597 = tpu.memref_squeeze %gather3A_1596 : memref<1x16x128xf32, #tpu.memory_space<vmem>> -> memref<16x128xf32, #tpu.memory_space<vmem>>
        %gather3A_1598 = tpu.vector_load_idx %gather3A_1597[%iota3A, %broadcast_in_dim3A_1592] : memref<16x128xf32, #tpu.memory_space<vmem>>[vector<16xi32>, vector<16xi32>], vector<16xf32>,
        %mul3A_1599 = arith.constant 16 : i32
        %mul3A_1600 = arith.muli %sub3A_1343, %mul3A_1599 : i32
        %add3A_1601 = arith.constant 15 : i32
        %add3A_1602 = arith.addi %mul3A_1600, %add3A_1601 : i32
        %broadcast_in_dim3A_1603 = vector.broadcast %add3A_1602 : i32 to vector<16xi32>
        tpu.vector_store_idx %arg7[%iota3A, %broadcast_in_dim3A_1603], %gather3A_1598 : memref<16x512xf32, #tpu.memory_space<vmem>>[vector<16xi32>, vector<16xi32>], vector<16xf32>,
      } else {
      }
    }
    %scan3A_323 = arith.constant 31 : i32
    %dma_wait3A = arith.constant 16 : i32
    %dma_wait3A_324 = arith.constant 0 : i32
    %dma_wait3A_325 = arith.constant 0 : i32
    %dma_wait3A_326 = tpu.memref_slice %arg6[%dma_wait3A, %dma_wait3A_324, %dma_wait3A_325] : memref<32x16x128xf32, #tpu.memory_space<vmem>> -> memref<1x16x128xf32, #tpu.memory_space<vmem>>
    %dma_wait3A_327 = tpu.memref_squeeze %dma_wait3A_326 : memref<1x16x128xf32, #tpu.memory_space<vmem>> -> memref<16x128xf32, #tpu.memory_space<vmem>>
    %dma_wait3A_328 = arith.constant 0 : i32
    %dma_wait3A_329 = arith.constant 0 : i32
    %dma_wait3A_330 = tpu.memref_slice %arg3[%dma_wait3A_328, %dma_wait3A_329] : memref<16x1000001xf32, #tpu.memory_space<hbm>> -> memref<16x128xf32, #tpu.memory_space<hbm>>
    %dma_wait3A_331 = arith.constant 0 : i32
    %dma_wait3A_332 = arith.constant 0 : i32
    %dma_wait3A_333 = tpu.memref_slice %arg6[%dma_wait3A, %dma_wait3A_331, %dma_wait3A_332] : memref<32x16x128xf32, #tpu.memory_space<vmem>> -> memref<1x16x128xf32, #tpu.memory_space<vmem>>
    %dma_wait3A_334 = tpu.memref_squeeze %dma_wait3A_333 : memref<1x16x128xf32, #tpu.memory_space<vmem>> -> memref<16x128xf32, #tpu.memory_space<vmem>>
    %dma_wait3A_335 = arith.constant 0 : i32
    %dma_wait3A_336 = arith.constant 0 : i32
    %dma_wait3A_337 = tpu.memref_slice %arg3[%dma_wait3A_335, %dma_wait3A_336] : memref<16x1000001xf32, #tpu.memory_space<hbm>> -> memref<16x128xf32, #tpu.memory_space<hbm>>
    tpu.wait_dma2 semaphore(%arg9 : memref<!tpu.dma_semaphore, #tpu.memory_space<semaphore_mem>>) src(%dma_wait3A_337 : memref<16x128xf32, #tpu.memory_space<hbm>>) dst(%dma_wait3A_334 : memref<16x128xf32, #tpu.memory_space<vmem>>)
    %dma_wait3A_338 = arith.constant 17 : i32
    %dma_wait3A_339 = arith.constant 0 : i32
    %dma_wait3A_340 = arith.constant 0 : i32
    %dma_wait3A_341 = tpu.memref_slice %arg6[%dma_wait3A_338, %dma_wait3A_339, %dma_wait3A_340] : memref<32x16x128xf32, #tpu.memory_space<vmem>> -> memref<1x16x128xf32, #tpu.memory_space<vmem>>
    %dma_wait3A_342 = tpu.memref_squeeze %dma_wait3A_341 : memref<1x16x128xf32, #tpu.memory_space<vmem>> -> memref<16x128xf32, #tpu.memory_space<vmem>>
    %dma_wait3A_343 = arith.constant 0 : i32
    %dma_wait3A_344 = arith.constant 0 : i32
    %dma_wait3A_345 = tpu.memref_slice %arg3[%dma_wait3A_343, %dma_wait3A_344] : memref<16x1000001xf32, #tpu.memory_space<hbm>> -> memref<16x128xf32, #tpu.memory_space<hbm>>
    %dma_wait3A_346 = arith.constant 0 : i32
    %dma_wait3A_347 = arith.constant 0 : i32
    %dma_wait3A_348 = tpu.memref_slice %arg6[%dma_wait3A_338, %dma_wait3A_346, %dma_wait3A_347] : memref<32x16x128xf32, #tpu.memory_space<vmem>> -> memref<1x16x128xf32, #tpu.memory_space<vmem>>
    %dma_wait3A_349 = tpu.memref_squeeze %dma_wait3A_348 : memref<1x16x128xf32, #tpu.memory_space<vmem>> -> memref<16x128xf32, #tpu.memory_space<vmem>>
    %dma_wait3A_350 = arith.constant 0 : i32
    %dma_wait3A_351 = arith.constant 0 : i32
    %dma_wait3A_352 = tpu.memref_slice %arg3[%dma_wait3A_350, %dma_wait3A_351] : memref<16x1000001xf32, #tpu.memory_space<hbm>> -> memref<16x128xf32, #tpu.memory_space<hbm>>
    tpu.wait_dma2 semaphore(%arg9 : memref<!tpu.dma_semaphore, #tpu.memory_space<semaphore_mem>>) src(%dma_wait3A_352 : memref<16x128xf32, #tpu.memory_space<hbm>>) dst(%dma_wait3A_349 : memref<16x128xf32, #tpu.memory_space<vmem>>)
    %dma_wait3A_353 = arith.constant 18 : i32
    %dma_wait3A_354 = arith.constant 0 : i32
    %dma_wait3A_355 = arith.constant 0 : i32
    %dma_wait3A_356 = tpu.memref_slice %arg6[%dma_wait3A_353, %dma_wait3A_354, %dma_wait3A_355] : memref<32x16x128xf32, #tpu.memory_space<vmem>> -> memref<1x16x128xf32, #tpu.memory_space<vmem>>
    %dma_wait3A_357 = tpu.memref_squeeze %dma_wait3A_356 : memref<1x16x128xf32, #tpu.memory_space<vmem>> -> memref<16x128xf32, #tpu.memory_space<vmem>>
    %dma_wait3A_358 = arith.constant 0 : i32
    %dma_wait3A_359 = arith.constant 0 : i32
    %dma_wait3A_360 = tpu.memref_slice %arg3[%dma_wait3A_358, %dma_wait3A_359] : memref<16x1000001xf32, #tpu.memory_space<hbm>> -> memref<16x128xf32, #tpu.memory_space<hbm>>
    %dma_wait3A_361 = arith.constant 0 : i32
    %dma_wait3A_362 = arith.constant 0 : i32
    %dma_wait3A_363 = tpu.memref_slice %arg6[%dma_wait3A_353, %dma_wait3A_361, %dma_wait3A_362] : memref<32x16x128xf32, #tpu.memory_space<vmem>> -> memref<1x16x128xf32, #tpu.memory_space<vmem>>
    %dma_wait3A_364 = tpu.memref_squeeze %dma_wait3A_363 : memref<1x16x128xf32, #tpu.memory_space<vmem>> -> memref<16x128xf32, #tpu.memory_space<vmem>>
    %dma_wait3A_365 = arith.constant 0 : i32
    %dma_wait3A_366 = arith.constant 0 : i32
    %dma_wait3A_367 = tpu.memref_slice %arg3[%dma_wait3A_365, %dma_wait3A_366] : memref<16x1000001xf32, #tpu.memory_space<hbm>> -> memref<16x128xf32, #tpu.memory_space<hbm>>
    tpu.wait_dma2 semaphore(%arg9 : memref<!tpu.dma_semaphore, #tpu.memory_space<semaphore_mem>>) src(%dma_wait3A_367 : memref<16x128xf32, #tpu.memory_space<hbm>>) dst(%dma_wait3A_364 : memref<16x128xf32, #tpu.memory_space<vmem>>)
    %dma_wait3A_368 = arith.constant 19 : i32
    %dma_wait3A_369 = arith.constant 0 : i32
    %dma_wait3A_370 = arith.constant 0 : i32
    %dma_wait3A_371 = tpu.memref_slice %arg6[%dma_wait3A_368, %dma_wait3A_369, %dma_wait3A_370] : memref<32x16x128xf32, #tpu.memory_space<vmem>> -> memref<1x16x128xf32, #tpu.memory_space<vmem>>
    %dma_wait3A_372 = tpu.memref_squeeze %dma_wait3A_371 : memref<1x16x128xf32, #tpu.memory_space<vmem>> -> memref<16x128xf32, #tpu.memory_space<vmem>>
    %dma_wait3A_373 = arith.constant 0 : i32
    %dma_wait3A_374 = arith.constant 0 : i32
    %dma_wait3A_375 = tpu.memref_slice %arg3[%dma_wait3A_373, %dma_wait3A_374] : memref<16x1000001xf32, #tpu.memory_space<hbm>> -> memref<16x128xf32, #tpu.memory_space<hbm>>
    %dma_wait3A_376 = arith.constant 0 : i32
    %dma_wait3A_377 = arith.constant 0 : i32
    %dma_wait3A_378 = tpu.memref_slice %arg6[%dma_wait3A_368, %dma_wait3A_376, %dma_wait3A_377] : memref<32x16x128xf32, #tpu.memory_space<vmem>> -> memref<1x16x128xf32, #tpu.memory_space<vmem>>
    %dma_wait3A_379 = tpu.memref_squeeze %dma_wait3A_378 : memref<1x16x128xf32, #tpu.memory_space<vmem>> -> memref<16x128xf32, #tpu.memory_space<vmem>>
    %dma_wait3A_380 = arith.constant 0 : i32
    %dma_wait3A_381 = arith.constant 0 : i32
    %dma_wait3A_382 = tpu.memref_slice %arg3[%dma_wait3A_380, %dma_wait3A_381] : memref<16x1000001xf32, #tpu.memory_space<hbm>> -> memref<16x128xf32, #tpu.memory_space<hbm>>
    tpu.wait_dma2 semaphore(%arg9 : memref<!tpu.dma_semaphore, #tpu.memory_space<semaphore_mem>>) src(%dma_wait3A_382 : memref<16x128xf32, #tpu.memory_space<hbm>>) dst(%dma_wait3A_379 : memref<16x128xf32, #tpu.memory_space<vmem>>)
    %dma_wait3A_383 = arith.constant 20 : i32
    %dma_wait3A_384 = arith.constant 0 : i32
    %dma_wait3A_385 = arith.constant 0 : i32
    %dma_wait3A_386 = tpu.memref_slice %arg6[%dma_wait3A_383, %dma_wait3A_384, %dma_wait3A_385] : memref<32x16x128xf32, #tpu.memory_space<vmem>> -> memref<1x16x128xf32, #tpu.memory_space<vmem>>
    %dma_wait3A_387 = tpu.memref_squeeze %dma_wait3A_386 : memref<1x16x128xf32, #tpu.memory_space<vmem>> -> memref<16x128xf32, #tpu.memory_space<vmem>>
    %dma_wait3A_388 = arith.constant 0 : i32
    %dma_wait3A_389 = arith.constant 0 : i32
    %dma_wait3A_390 = tpu.memref_slice %arg3[%dma_wait3A_388, %dma_wait3A_389] : memref<16x1000001xf32, #tpu.memory_space<hbm>> -> memref<16x128xf32, #tpu.memory_space<hbm>>
    %dma_wait3A_391 = arith.constant 0 : i32
    %dma_wait3A_392 = arith.constant 0 : i32
    %dma_wait3A_393 = tpu.memref_slice %arg6[%dma_wait3A_383, %dma_wait3A_391, %dma_wait3A_392] : memref<32x16x128xf32, #tpu.memory_space<vmem>> -> memref<1x16x128xf32, #tpu.memory_space<vmem>>
    %dma_wait3A_394 = tpu.memref_squeeze %dma_wait3A_393 : memref<1x16x128xf32, #tpu.memory_space<vmem>> -> memref<16x128xf32, #tpu.memory_space<vmem>>
    %dma_wait3A_395 = arith.constant 0 : i32
    %dma_wait3A_396 = arith.constant 0 : i32
    %dma_wait3A_397 = tpu.memref_slice %arg3[%dma_wait3A_395, %dma_wait3A_396] : memref<16x1000001xf32, #tpu.memory_space<hbm>> -> memref<16x128xf32, #tpu.memory_space<hbm>>
    tpu.wait_dma2 semaphore(%arg9 : memref<!tpu.dma_semaphore, #tpu.memory_space<semaphore_mem>>) src(%dma_wait3A_397 : memref<16x128xf32, #tpu.memory_space<hbm>>) dst(%dma_wait3A_394 : memref<16x128xf32, #tpu.memory_space<vmem>>)
    %dma_wait3A_398 = arith.constant 21 : i32
    %dma_wait3A_399 = arith.constant 0 : i32
    %dma_wait3A_400 = arith.constant 0 : i32
    %dma_wait3A_401 = tpu.memref_slice %arg6[%dma_wait3A_398, %dma_wait3A_399, %dma_wait3A_400] : memref<32x16x128xf32, #tpu.memory_space<vmem>> -> memref<1x16x128xf32, #tpu.memory_space<vmem>>
    %dma_wait3A_402 = tpu.memref_squeeze %dma_wait3A_401 : memref<1x16x128xf32, #tpu.memory_space<vmem>> -> memref<16x128xf32, #tpu.memory_space<vmem>>
    %dma_wait3A_403 = arith.constant 0 : i32
    %dma_wait3A_404 = arith.constant 0 : i32
    %dma_wait3A_405 = tpu.memref_slice %arg3[%dma_wait3A_403, %dma_wait3A_404] : memref<16x1000001xf32, #tpu.memory_space<hbm>> -> memref<16x128xf32, #tpu.memory_space<hbm>>
    %dma_wait3A_406 = arith.constant 0 : i32
    %dma_wait3A_407 = arith.constant 0 : i32
    %dma_wait3A_408 = tpu.memref_slice %arg6[%dma_wait3A_398, %dma_wait3A_406, %dma_wait3A_407] : memref<32x16x128xf32, #tpu.memory_space<vmem>> -> memref<1x16x128xf32, #tpu.memory_space<vmem>>
    %dma_wait3A_409 = tpu.memref_squeeze %dma_wait3A_408 : memref<1x16x128xf32, #tpu.memory_space<vmem>> -> memref<16x128xf32, #tpu.memory_space<vmem>>
    %dma_wait3A_410 = arith.constant 0 : i32
    %dma_wait3A_411 = arith.constant 0 : i32
    %dma_wait3A_412 = tpu.memref_slice %arg3[%dma_wait3A_410, %dma_wait3A_411] : memref<16x1000001xf32, #tpu.memory_space<hbm>> -> memref<16x128xf32, #tpu.memory_space<hbm>>
    tpu.wait_dma2 semaphore(%arg9 : memref<!tpu.dma_semaphore, #tpu.memory_space<semaphore_mem>>) src(%dma_wait3A_412 : memref<16x128xf32, #tpu.memory_space<hbm>>) dst(%dma_wait3A_409 : memref<16x128xf32, #tpu.memory_space<vmem>>)
    %dma_wait3A_413 = arith.constant 22 : i32
    %dma_wait3A_414 = arith.constant 0 : i32
    %dma_wait3A_415 = arith.constant 0 : i32
    %dma_wait3A_416 = tpu.memref_slice %arg6[%dma_wait3A_413, %dma_wait3A_414, %dma_wait3A_415] : memref<32x16x128xf32, #tpu.memory_space<vmem>> -> memref<1x16x128xf32, #tpu.memory_space<vmem>>
    %dma_wait3A_417 = tpu.memref_squeeze %dma_wait3A_416 : memref<1x16x128xf32, #tpu.memory_space<vmem>> -> memref<16x128xf32, #tpu.memory_space<vmem>>
    %dma_wait3A_418 = arith.constant 0 : i32
    %dma_wait3A_419 = arith.constant 0 : i32
    %dma_wait3A_420 = tpu.memref_slice %arg3[%dma_wait3A_418, %dma_wait3A_419] : memref<16x1000001xf32, #tpu.memory_space<hbm>> -> memref<16x128xf32, #tpu.memory_space<hbm>>
    %dma_wait3A_421 = arith.constant 0 : i32
    %dma_wait3A_422 = arith.constant 0 : i32
    %dma_wait3A_423 = tpu.memref_slice %arg6[%dma_wait3A_413, %dma_wait3A_421, %dma_wait3A_422] : memref<32x16x128xf32, #tpu.memory_space<vmem>> -> memref<1x16x128xf32, #tpu.memory_space<vmem>>
    %dma_wait3A_424 = tpu.memref_squeeze %dma_wait3A_423 : memref<1x16x128xf32, #tpu.memory_space<vmem>> -> memref<16x128xf32, #tpu.memory_space<vmem>>
    %dma_wait3A_425 = arith.constant 0 : i32
    %dma_wait3A_426 = arith.constant 0 : i32
    %dma_wait3A_427 = tpu.memref_slice %arg3[%dma_wait3A_425, %dma_wait3A_426] : memref<16x1000001xf32, #tpu.memory_space<hbm>> -> memref<16x128xf32, #tpu.memory_space<hbm>>
    tpu.wait_dma2 semaphore(%arg9 : memref<!tpu.dma_semaphore, #tpu.memory_space<semaphore_mem>>) src(%dma_wait3A_427 : memref<16x128xf32, #tpu.memory_space<hbm>>) dst(%dma_wait3A_424 : memref<16x128xf32, #tpu.memory_space<vmem>>)
    %dma_wait3A_428 = arith.constant 23 : i32
    %dma_wait3A_429 = arith.constant 0 : i32
    %dma_wait3A_430 = arith.constant 0 : i32
    %dma_wait3A_431 = tpu.memref_slice %arg6[%dma_wait3A_428, %dma_wait3A_429, %dma_wait3A_430] : memref<32x16x128xf32, #tpu.memory_space<vmem>> -> memref<1x16x128xf32, #tpu.memory_space<vmem>>
    %dma_wait3A_432 = tpu.memref_squeeze %dma_wait3A_431 : memref<1x16x128xf32, #tpu.memory_space<vmem>> -> memref<16x128xf32, #tpu.memory_space<vmem>>
    %dma_wait3A_433 = arith.constant 0 : i32
    %dma_wait3A_434 = arith.constant 0 : i32
    %dma_wait3A_435 = tpu.memref_slice %arg3[%dma_wait3A_433, %dma_wait3A_434] : memref<16x1000001xf32, #tpu.memory_space<hbm>> -> memref<16x128xf32, #tpu.memory_space<hbm>>
    %dma_wait3A_436 = arith.constant 0 : i32
    %dma_wait3A_437 = arith.constant 0 : i32
    %dma_wait3A_438 = tpu.memref_slice %arg6[%dma_wait3A_428, %dma_wait3A_436, %dma_wait3A_437] : memref<32x16x128xf32, #tpu.memory_space<vmem>> -> memref<1x16x128xf32, #tpu.memory_space<vmem>>
    %dma_wait3A_439 = tpu.memref_squeeze %dma_wait3A_438 : memref<1x16x128xf32, #tpu.memory_space<vmem>> -> memref<16x128xf32, #tpu.memory_space<vmem>>
    %dma_wait3A_440 = arith.constant 0 : i32
    %dma_wait3A_441 = arith.constant 0 : i32
    %dma_wait3A_442 = tpu.memref_slice %arg3[%dma_wait3A_440, %dma_wait3A_441] : memref<16x1000001xf32, #tpu.memory_space<hbm>> -> memref<16x128xf32, #tpu.memory_space<hbm>>
    tpu.wait_dma2 semaphore(%arg9 : memref<!tpu.dma_semaphore, #tpu.memory_space<semaphore_mem>>) src(%dma_wait3A_442 : memref<16x128xf32, #tpu.memory_space<hbm>>) dst(%dma_wait3A_439 : memref<16x128xf32, #tpu.memory_space<vmem>>)
    %dma_wait3A_443 = arith.constant 24 : i32
    %dma_wait3A_444 = arith.constant 0 : i32
    %dma_wait3A_445 = arith.constant 0 : i32
    %dma_wait3A_446 = tpu.memref_slice %arg6[%dma_wait3A_443, %dma_wait3A_444, %dma_wait3A_445] : memref<32x16x128xf32, #tpu.memory_space<vmem>> -> memref<1x16x128xf32, #tpu.memory_space<vmem>>
    %dma_wait3A_447 = tpu.memref_squeeze %dma_wait3A_446 : memref<1x16x128xf32, #tpu.memory_space<vmem>> -> memref<16x128xf32, #tpu.memory_space<vmem>>
    %dma_wait3A_448 = arith.constant 0 : i32
    %dma_wait3A_449 = arith.constant 0 : i32
    %dma_wait3A_450 = tpu.memref_slice %arg3[%dma_wait3A_448, %dma_wait3A_449] : memref<16x1000001xf32, #tpu.memory_space<hbm>> -> memref<16x128xf32, #tpu.memory_space<hbm>>
    %dma_wait3A_451 = arith.constant 0 : i32
    %dma_wait3A_452 = arith.constant 0 : i32
    %dma_wait3A_453 = tpu.memref_slice %arg6[%dma_wait3A_443, %dma_wait3A_451, %dma_wait3A_452] : memref<32x16x128xf32, #tpu.memory_space<vmem>> -> memref<1x16x128xf32, #tpu.memory_space<vmem>>
    %dma_wait3A_454 = tpu.memref_squeeze %dma_wait3A_453 : memref<1x16x128xf32, #tpu.memory_space<vmem>> -> memref<16x128xf32, #tpu.memory_space<vmem>>
    %dma_wait3A_455 = arith.constant 0 : i32
    %dma_wait3A_456 = arith.constant 0 : i32
    %dma_wait3A_457 = tpu.memref_slice %arg3[%dma_wait3A_455, %dma_wait3A_456] : memref<16x1000001xf32, #tpu.memory_space<hbm>> -> memref<16x128xf32, #tpu.memory_space<hbm>>
    tpu.wait_dma2 semaphore(%arg9 : memref<!tpu.dma_semaphore, #tpu.memory_space<semaphore_mem>>) src(%dma_wait3A_457 : memref<16x128xf32, #tpu.memory_space<hbm>>) dst(%dma_wait3A_454 : memref<16x128xf32, #tpu.memory_space<vmem>>)
    %dma_wait3A_458 = arith.constant 25 : i32
    %dma_wait3A_459 = arith.constant 0 : i32
    %dma_wait3A_460 = arith.constant 0 : i32
    %dma_wait3A_461 = tpu.memref_slice %arg6[%dma_wait3A_458, %dma_wait3A_459, %dma_wait3A_460] : memref<32x16x128xf32, #tpu.memory_space<vmem>> -> memref<1x16x128xf32, #tpu.memory_space<vmem>>
    %dma_wait3A_462 = tpu.memref_squeeze %dma_wait3A_461 : memref<1x16x128xf32, #tpu.memory_space<vmem>> -> memref<16x128xf32, #tpu.memory_space<vmem>>
    %dma_wait3A_463 = arith.constant 0 : i32
    %dma_wait3A_464 = arith.constant 0 : i32
    %dma_wait3A_465 = tpu.memref_slice %arg3[%dma_wait3A_463, %dma_wait3A_464] : memref<16x1000001xf32, #tpu.memory_space<hbm>> -> memref<16x128xf32, #tpu.memory_space<hbm>>
    %dma_wait3A_466 = arith.constant 0 : i32
    %dma_wait3A_467 = arith.constant 0 : i32
    %dma_wait3A_468 = tpu.memref_slice %arg6[%dma_wait3A_458, %dma_wait3A_466, %dma_wait3A_467] : memref<32x16x128xf32, #tpu.memory_space<vmem>> -> memref<1x16x128xf32, #tpu.memory_space<vmem>>
    %dma_wait3A_469 = tpu.memref_squeeze %dma_wait3A_468 : memref<1x16x128xf32, #tpu.memory_space<vmem>> -> memref<16x128xf32, #tpu.memory_space<vmem>>
    %dma_wait3A_470 = arith.constant 0 : i32
    %dma_wait3A_471 = arith.constant 0 : i32
    %dma_wait3A_472 = tpu.memref_slice %arg3[%dma_wait3A_470, %dma_wait3A_471] : memref<16x1000001xf32, #tpu.memory_space<hbm>> -> memref<16x128xf32, #tpu.memory_space<hbm>>
    tpu.wait_dma2 semaphore(%arg9 : memref<!tpu.dma_semaphore, #tpu.memory_space<semaphore_mem>>) src(%dma_wait3A_472 : memref<16x128xf32, #tpu.memory_space<hbm>>) dst(%dma_wait3A_469 : memref<16x128xf32, #tpu.memory_space<vmem>>)
    %dma_wait3A_473 = arith.constant 26 : i32
    %dma_wait3A_474 = arith.constant 0 : i32
    %dma_wait3A_475 = arith.constant 0 : i32
    %dma_wait3A_476 = tpu.memref_slice %arg6[%dma_wait3A_473, %dma_wait3A_474, %dma_wait3A_475] : memref<32x16x128xf32, #tpu.memory_space<vmem>> -> memref<1x16x128xf32, #tpu.memory_space<vmem>>
    %dma_wait3A_477 = tpu.memref_squeeze %dma_wait3A_476 : memref<1x16x128xf32, #tpu.memory_space<vmem>> -> memref<16x128xf32, #tpu.memory_space<vmem>>
    %dma_wait3A_478 = arith.constant 0 : i32
    %dma_wait3A_479 = arith.constant 0 : i32
    %dma_wait3A_480 = tpu.memref_slice %arg3[%dma_wait3A_478, %dma_wait3A_479] : memref<16x1000001xf32, #tpu.memory_space<hbm>> -> memref<16x128xf32, #tpu.memory_space<hbm>>
    %dma_wait3A_481 = arith.constant 0 : i32
    %dma_wait3A_482 = arith.constant 0 : i32
    %dma_wait3A_483 = tpu.memref_slice %arg6[%dma_wait3A_473, %dma_wait3A_481, %dma_wait3A_482] : memref<32x16x128xf32, #tpu.memory_space<vmem>> -> memref<1x16x128xf32, #tpu.memory_space<vmem>>
    %dma_wait3A_484 = tpu.memref_squeeze %dma_wait3A_483 : memref<1x16x128xf32, #tpu.memory_space<vmem>> -> memref<16x128xf32, #tpu.memory_space<vmem>>
    %dma_wait3A_485 = arith.constant 0 : i32
    %dma_wait3A_486 = arith.constant 0 : i32
    %dma_wait3A_487 = tpu.memref_slice %arg3[%dma_wait3A_485, %dma_wait3A_486] : memref<16x1000001xf32, #tpu.memory_space<hbm>> -> memref<16x128xf32, #tpu.memory_space<hbm>>
    tpu.wait_dma2 semaphore(%arg9 : memref<!tpu.dma_semaphore, #tpu.memory_space<semaphore_mem>>) src(%dma_wait3A_487 : memref<16x128xf32, #tpu.memory_space<hbm>>) dst(%dma_wait3A_484 : memref<16x128xf32, #tpu.memory_space<vmem>>)
    %dma_wait3A_488 = arith.constant 27 : i32
    %dma_wait3A_489 = arith.constant 0 : i32
    %dma_wait3A_490 = arith.constant 0 : i32
    %dma_wait3A_491 = tpu.memref_slice %arg6[%dma_wait3A_488, %dma_wait3A_489, %dma_wait3A_490] : memref<32x16x128xf32, #tpu.memory_space<vmem>> -> memref<1x16x128xf32, #tpu.memory_space<vmem>>
    %dma_wait3A_492 = tpu.memref_squeeze %dma_wait3A_491 : memref<1x16x128xf32, #tpu.memory_space<vmem>> -> memref<16x128xf32, #tpu.memory_space<vmem>>
    %dma_wait3A_493 = arith.constant 0 : i32
    %dma_wait3A_494 = arith.constant 0 : i32
    %dma_wait3A_495 = tpu.memref_slice %arg3[%dma_wait3A_493, %dma_wait3A_494] : memref<16x1000001xf32, #tpu.memory_space<hbm>> -> memref<16x128xf32, #tpu.memory_space<hbm>>
    %dma_wait3A_496 = arith.constant 0 : i32
    %dma_wait3A_497 = arith.constant 0 : i32
    %dma_wait3A_498 = tpu.memref_slice %arg6[%dma_wait3A_488, %dma_wait3A_496, %dma_wait3A_497] : memref<32x16x128xf32, #tpu.memory_space<vmem>> -> memref<1x16x128xf32, #tpu.memory_space<vmem>>
    %dma_wait3A_499 = tpu.memref_squeeze %dma_wait3A_498 : memref<1x16x128xf32, #tpu.memory_space<vmem>> -> memref<16x128xf32, #tpu.memory_space<vmem>>
    %dma_wait3A_500 = arith.constant 0 : i32
    %dma_wait3A_501 = arith.constant 0 : i32
    %dma_wait3A_502 = tpu.memref_slice %arg3[%dma_wait3A_500, %dma_wait3A_501] : memref<16x1000001xf32, #tpu.memory_space<hbm>> -> memref<16x128xf32, #tpu.memory_space<hbm>>
    tpu.wait_dma2 semaphore(%arg9 : memref<!tpu.dma_semaphore, #tpu.memory_space<semaphore_mem>>) src(%dma_wait3A_502 : memref<16x128xf32, #tpu.memory_space<hbm>>) dst(%dma_wait3A_499 : memref<16x128xf32, #tpu.memory_space<vmem>>)
    %dma_wait3A_503 = arith.constant 28 : i32
    %dma_wait3A_504 = arith.constant 0 : i32
    %dma_wait3A_505 = arith.constant 0 : i32
    %dma_wait3A_506 = tpu.memref_slice %arg6[%dma_wait3A_503, %dma_wait3A_504, %dma_wait3A_505] : memref<32x16x128xf32, #tpu.memory_space<vmem>> -> memref<1x16x128xf32, #tpu.memory_space<vmem>>
    %dma_wait3A_507 = tpu.memref_squeeze %dma_wait3A_506 : memref<1x16x128xf32, #tpu.memory_space<vmem>> -> memref<16x128xf32, #tpu.memory_space<vmem>>
    %dma_wait3A_508 = arith.constant 0 : i32
    %dma_wait3A_509 = arith.constant 0 : i32
    %dma_wait3A_510 = tpu.memref_slice %arg3[%dma_wait3A_508, %dma_wait3A_509] : memref<16x1000001xf32, #tpu.memory_space<hbm>> -> memref<16x128xf32, #tpu.memory_space<hbm>>
    %dma_wait3A_511 = arith.constant 0 : i32
    %dma_wait3A_512 = arith.constant 0 : i32
    %dma_wait3A_513 = tpu.memref_slice %arg6[%dma_wait3A_503, %dma_wait3A_511, %dma_wait3A_512] : memref<32x16x128xf32, #tpu.memory_space<vmem>> -> memref<1x16x128xf32, #tpu.memory_space<vmem>>
    %dma_wait3A_514 = tpu.memref_squeeze %dma_wait3A_513 : memref<1x16x128xf32, #tpu.memory_space<vmem>> -> memref<16x128xf32, #tpu.memory_space<vmem>>
    %dma_wait3A_515 = arith.constant 0 : i32
    %dma_wait3A_516 = arith.constant 0 : i32
    %dma_wait3A_517 = tpu.memref_slice %arg3[%dma_wait3A_515, %dma_wait3A_516] : memref<16x1000001xf32, #tpu.memory_space<hbm>> -> memref<16x128xf32, #tpu.memory_space<hbm>>
    tpu.wait_dma2 semaphore(%arg9 : memref<!tpu.dma_semaphore, #tpu.memory_space<semaphore_mem>>) src(%dma_wait3A_517 : memref<16x128xf32, #tpu.memory_space<hbm>>) dst(%dma_wait3A_514 : memref<16x128xf32, #tpu.memory_space<vmem>>)
    %dma_wait3A_518 = arith.constant 29 : i32
    %dma_wait3A_519 = arith.constant 0 : i32
    %dma_wait3A_520 = arith.constant 0 : i32
    %dma_wait3A_521 = tpu.memref_slice %arg6[%dma_wait3A_518, %dma_wait3A_519, %dma_wait3A_520] : memref<32x16x128xf32, #tpu.memory_space<vmem>> -> memref<1x16x128xf32, #tpu.memory_space<vmem>>
    %dma_wait3A_522 = tpu.memref_squeeze %dma_wait3A_521 : memref<1x16x128xf32, #tpu.memory_space<vmem>> -> memref<16x128xf32, #tpu.memory_space<vmem>>
    %dma_wait3A_523 = arith.constant 0 : i32
    %dma_wait3A_524 = arith.constant 0 : i32
    %dma_wait3A_525 = tpu.memref_slice %arg3[%dma_wait3A_523, %dma_wait3A_524] : memref<16x1000001xf32, #tpu.memory_space<hbm>> -> memref<16x128xf32, #tpu.memory_space<hbm>>
    %dma_wait3A_526 = arith.constant 0 : i32
    %dma_wait3A_527 = arith.constant 0 : i32
    %dma_wait3A_528 = tpu.memref_slice %arg6[%dma_wait3A_518, %dma_wait3A_526, %dma_wait3A_527] : memref<32x16x128xf32, #tpu.memory_space<vmem>> -> memref<1x16x128xf32, #tpu.memory_space<vmem>>
    %dma_wait3A_529 = tpu.memref_squeeze %dma_wait3A_528 : memref<1x16x128xf32, #tpu.memory_space<vmem>> -> memref<16x128xf32, #tpu.memory_space<vmem>>
    %dma_wait3A_530 = arith.constant 0 : i32
    %dma_wait3A_531 = arith.constant 0 : i32
    %dma_wait3A_532 = tpu.memref_slice %arg3[%dma_wait3A_530, %dma_wait3A_531] : memref<16x1000001xf32, #tpu.memory_space<hbm>> -> memref<16x128xf32, #tpu.memory_space<hbm>>
    tpu.wait_dma2 semaphore(%arg9 : memref<!tpu.dma_semaphore, #tpu.memory_space<semaphore_mem>>) src(%dma_wait3A_532 : memref<16x128xf32, #tpu.memory_space<hbm>>) dst(%dma_wait3A_529 : memref<16x128xf32, #tpu.memory_space<vmem>>)
    %dma_wait3A_533 = arith.constant 30 : i32
    %dma_wait3A_534 = arith.constant 0 : i32
    %dma_wait3A_535 = arith.constant 0 : i32
    %dma_wait3A_536 = tpu.memref_slice %arg6[%dma_wait3A_533, %dma_wait3A_534, %dma_wait3A_535] : memref<32x16x128xf32, #tpu.memory_space<vmem>> -> memref<1x16x128xf32, #tpu.memory_space<vmem>>
    %dma_wait3A_537 = tpu.memref_squeeze %dma_wait3A_536 : memref<1x16x128xf32, #tpu.memory_space<vmem>> -> memref<16x128xf32, #tpu.memory_space<vmem>>
    %dma_wait3A_538 = arith.constant 0 : i32
    %dma_wait3A_539 = arith.constant 0 : i32
    %dma_wait3A_540 = tpu.memref_slice %arg3[%dma_wait3A_538, %dma_wait3A_539] : memref<16x1000001xf32, #tpu.memory_space<hbm>> -> memref<16x128xf32, #tpu.memory_space<hbm>>
    %dma_wait3A_541 = arith.constant 0 : i32
    %dma_wait3A_542 = arith.constant 0 : i32
    %dma_wait3A_543 = tpu.memref_slice %arg6[%dma_wait3A_533, %dma_wait3A_541, %dma_wait3A_542] : memref<32x16x128xf32, #tpu.memory_space<vmem>> -> memref<1x16x128xf32, #tpu.memory_space<vmem>>
    %dma_wait3A_544 = tpu.memref_squeeze %dma_wait3A_543 : memref<1x16x128xf32, #tpu.memory_space<vmem>> -> memref<16x128xf32, #tpu.memory_space<vmem>>
    %dma_wait3A_545 = arith.constant 0 : i32
    %dma_wait3A_546 = arith.constant 0 : i32
    %dma_wait3A_547 = tpu.memref_slice %arg3[%dma_wait3A_545, %dma_wait3A_546] : memref<16x1000001xf32, #tpu.memory_space<hbm>> -> memref<16x128xf32, #tpu.memory_space<hbm>>
    tpu.wait_dma2 semaphore(%arg9 : memref<!tpu.dma_semaphore, #tpu.memory_space<semaphore_mem>>) src(%dma_wait3A_547 : memref<16x128xf32, #tpu.memory_space<hbm>>) dst(%dma_wait3A_544 : memref<16x128xf32, #tpu.memory_space<vmem>>)
    %dma_wait3A_548 = arith.constant 31 : i32
    %dma_wait3A_549 = arith.constant 0 : i32
    %dma_wait3A_550 = arith.constant 0 : i32
    %dma_wait3A_551 = tpu.memref_slice %arg6[%dma_wait3A_548, %dma_wait3A_549, %dma_wait3A_550] : memref<32x16x128xf32, #tpu.memory_space<vmem>> -> memref<1x16x128xf32, #tpu.memory_space<vmem>>
    %dma_wait3A_552 = tpu.memref_squeeze %dma_wait3A_551 : memref<1x16x128xf32, #tpu.memory_space<vmem>> -> memref<16x128xf32, #tpu.memory_space<vmem>>
    %dma_wait3A_553 = arith.constant 0 : i32
    %dma_wait3A_554 = arith.constant 0 : i32
    %dma_wait3A_555 = tpu.memref_slice %arg3[%dma_wait3A_553, %dma_wait3A_554] : memref<16x1000001xf32, #tpu.memory_space<hbm>> -> memref<16x128xf32, #tpu.memory_space<hbm>>
    %dma_wait3A_556 = arith.constant 0 : i32
    %dma_wait3A_557 = arith.constant 0 : i32
    %dma_wait3A_558 = tpu.memref_slice %arg6[%dma_wait3A_548, %dma_wait3A_556, %dma_wait3A_557] : memref<32x16x128xf32, #tpu.memory_space<vmem>> -> memref<1x16x128xf32, #tpu.memory_space<vmem>>
    %dma_wait3A_559 = tpu.memref_squeeze %dma_wait3A_558 : memref<1x16x128xf32, #tpu.memory_space<vmem>> -> memref<16x128xf32, #tpu.memory_space<vmem>>
    %dma_wait3A_560 = arith.constant 0 : i32
    %dma_wait3A_561 = arith.constant 0 : i32
    %dma_wait3A_562 = tpu.memref_slice %arg3[%dma_wait3A_560, %dma_wait3A_561] : memref<16x1000001xf32, #tpu.memory_space<hbm>> -> memref<16x128xf32, #tpu.memory_space<hbm>>
    tpu.wait_dma2 semaphore(%arg9 : memref<!tpu.dma_semaphore, #tpu.memory_space<semaphore_mem>>) src(%dma_wait3A_562 : memref<16x128xf32, #tpu.memory_space<hbm>>) dst(%dma_wait3A_559 : memref<16x128xf32, #tpu.memory_space<vmem>>)
    %get3A_563 = arith.constant 496 : index
    %get3A_564 = tpu.vector_load %arg5[%get3A_563] {strides = array<i32>} : memref<512xi32, #tpu.memory_space<vmem>>, vector<16xi32>,
    %slice3A_565 = vector.extract_strided_slice %get3A_564 {offsets = [0], sizes = [1], strides = [1]} : vector<16xi32> to vector<1xi32>
    %squeeze3A_566 = vector.extract %slice3A_565[0] : i32 from vector<1xi32>
    %and3A = arith.constant 127 : i32
    %and3A_567 = arith.andi %squeeze3A_566, %and3A : i32
    %broadcast_in_dim3A = vector.broadcast %and3A_567 : i32 to vector<16xi32>
    %gather3A = arith.constant 16 : i32
    %gather3A_568 = arith.constant 0 : i32
    %gather3A_569 = arith.constant 0 : i32
    %gather3A_570 = tpu.memref_slice %arg6[%gather3A, %gather3A_568, %gather3A_569] : memref<32x16x128xf32, #tpu.memory_space<vmem>> -> memref<1x16x128xf32, #tpu.memory_space<vmem>>
    %gather3A_571 = tpu.memref_squeeze %gather3A_570 : memref<1x16x128xf32, #tpu.memory_space<vmem>> -> memref<16x128xf32, #tpu.memory_space<vmem>>
    %gather3A_572 = tpu.vector_load_idx %gather3A_571[%iota3A, %broadcast_in_dim3A] : memref<16x128xf32, #tpu.memory_space<vmem>>[vector<16xi32>, vector<16xi32>], vector<16xf32>,
    %broadcast_in_dim3A_573 = arith.constant 496 : i32
    %broadcast_in_dim3A_574 = vector.broadcast %broadcast_in_dim3A_573 : i32 to vector<16xi32>
    tpu.vector_store_idx %arg7[%iota3A, %broadcast_in_dim3A_574], %gather3A_572 : memref<16x512xf32, #tpu.memory_space<vmem>>[vector<16xi32>, vector<16xi32>], vector<16xf32>,
    %slice3A_575 = vector.extract_strided_slice %get3A_564 {offsets = [1], sizes = [1], strides = [1]} : vector<16xi32> to vector<1xi32>
    %squeeze3A_576 = vector.extract %slice3A_575[0] : i32 from vector<1xi32>
    %and3A_577 = arith.constant 127 : i32
    %and3A_578 = arith.andi %squeeze3A_576, %and3A_577 : i32
    %broadcast_in_dim3A_579 = vector.broadcast %and3A_578 : i32 to vector<16xi32>
    %gather3A_580 = arith.constant 17 : i32
    %gather3A_581 = arith.constant 0 : i32
    %gather3A_582 = arith.constant 0 : i32
    %gather3A_583 = tpu.memref_slice %arg6[%gather3A_580, %gather3A_581, %gather3A_582] : memref<32x16x128xf32, #tpu.memory_space<vmem>> -> memref<1x16x128xf32, #tpu.memory_space<vmem>>
    %gather3A_584 = tpu.memref_squeeze %gather3A_583 : memref<1x16x128xf32, #tpu.memory_space<vmem>> -> memref<16x128xf32, #tpu.memory_space<vmem>>
    %gather3A_585 = tpu.vector_load_idx %gather3A_584[%iota3A, %broadcast_in_dim3A_579] : memref<16x128xf32, #tpu.memory_space<vmem>>[vector<16xi32>, vector<16xi32>], vector<16xf32>,
    %broadcast_in_dim3A_586 = arith.constant 497 : i32
    %broadcast_in_dim3A_587 = vector.broadcast %broadcast_in_dim3A_586 : i32 to vector<16xi32>
    tpu.vector_store_idx %arg7[%iota3A, %broadcast_in_dim3A_587], %gather3A_585 : memref<16x512xf32, #tpu.memory_space<vmem>>[vector<16xi32>, vector<16xi32>], vector<16xf32>,
    %slice3A_588 = vector.extract_strided_slice %get3A_564 {offsets = [2], sizes = [1], strides = [1]} : vector<16xi32> to vector<1xi32>
    %squeeze3A_589 = vector.extract %slice3A_588[0] : i32 from vector<1xi32>
    %and3A_590 = arith.constant 127 : i32
    %and3A_591 = arith.andi %squeeze3A_589, %and3A_590 : i32
    %broadcast_in_dim3A_592 = vector.broadcast %and3A_591 : i32 to vector<16xi32>
    %gather3A_593 = arith.constant 18 : i32
    %gather3A_594 = arith.constant 0 : i32
    %gather3A_595 = arith.constant 0 : i32
    %gather3A_596 = tpu.memref_slice %arg6[%gather3A_593, %gather3A_594, %gather3A_595] : memref<32x16x128xf32, #tpu.memory_space<vmem>> -> memref<1x16x128xf32, #tpu.memory_space<vmem>>
    %gather3A_597 = tpu.memref_squeeze %gather3A_596 : memref<1x16x128xf32, #tpu.memory_space<vmem>> -> memref<16x128xf32, #tpu.memory_space<vmem>>
    %gather3A_598 = tpu.vector_load_idx %gather3A_597[%iota3A, %broadcast_in_dim3A_592] : memref<16x128xf32, #tpu.memory_space<vmem>>[vector<16xi32>, vector<16xi32>], vector<16xf32>,
    %broadcast_in_dim3A_599 = arith.constant 498 : i32
    %broadcast_in_dim3A_600 = vector.broadcast %broadcast_in_dim3A_599 : i32 to vector<16xi32>
    tpu.vector_store_idx %arg7[%iota3A, %broadcast_in_dim3A_600], %gather3A_598 : memref<16x512xf32, #tpu.memory_space<vmem>>[vector<16xi32>, vector<16xi32>], vector<16xf32>,
    %slice3A_601 = vector.extract_strided_slice %get3A_564 {offsets = [3], sizes = [1], strides = [1]} : vector<16xi32> to vector<1xi32>
    %squeeze3A_602 = vector.extract %slice3A_601[0] : i32 from vector<1xi32>
    %and3A_603 = arith.constant 127 : i32
    %and3A_604 = arith.andi %squeeze3A_602, %and3A_603 : i32
    %broadcast_in_dim3A_605 = vector.broadcast %and3A_604 : i32 to vector<16xi32>
    %gather3A_606 = arith.constant 19 : i32
    %gather3A_607 = arith.constant 0 : i32
    %gather3A_608 = arith.constant 0 : i32
    %gather3A_609 = tpu.memref_slice %arg6[%gather3A_606, %gather3A_607, %gather3A_608] : memref<32x16x128xf32, #tpu.memory_space<vmem>> -> memref<1x16x128xf32, #tpu.memory_space<vmem>>
    %gather3A_610 = tpu.memref_squeeze %gather3A_609 : memref<1x16x128xf32, #tpu.memory_space<vmem>> -> memref<16x128xf32, #tpu.memory_space<vmem>>
    %gather3A_611 = tpu.vector_load_idx %gather3A_610[%iota3A, %broadcast_in_dim3A_605] : memref<16x128xf32, #tpu.memory_space<vmem>>[vector<16xi32>, vector<16xi32>], vector<16xf32>,
    %broadcast_in_dim3A_612 = arith.constant 499 : i32
    %broadcast_in_dim3A_613 = vector.broadcast %broadcast_in_dim3A_612 : i32 to vector<16xi32>
    tpu.vector_store_idx %arg7[%iota3A, %broadcast_in_dim3A_613], %gather3A_611 : memref<16x512xf32, #tpu.memory_space<vmem>>[vector<16xi32>, vector<16xi32>], vector<16xf32>,
    %slice3A_614 = vector.extract_strided_slice %get3A_564 {offsets = [4], sizes = [1], strides = [1]} : vector<16xi32> to vector<1xi32>
    %squeeze3A_615 = vector.extract %slice3A_614[0] : i32 from vector<1xi32>
    %and3A_616 = arith.constant 127 : i32
    %and3A_617 = arith.andi %squeeze3A_615, %and3A_616 : i32
    %broadcast_in_dim3A_618 = vector.broadcast %and3A_617 : i32 to vector<16xi32>
    %gather3A_619 = arith.constant 20 : i32
    %gather3A_620 = arith.constant 0 : i32
    %gather3A_621 = arith.constant 0 : i32
    %gather3A_622 = tpu.memref_slice %arg6[%gather3A_619, %gather3A_620, %gather3A_621] : memref<32x16x128xf32, #tpu.memory_space<vmem>> -> memref<1x16x128xf32, #tpu.memory_space<vmem>>
    %gather3A_623 = tpu.memref_squeeze %gather3A_622 : memref<1x16x128xf32, #tpu.memory_space<vmem>> -> memref<16x128xf32, #tpu.memory_space<vmem>>
    %gather3A_624 = tpu.vector_load_idx %gather3A_623[%iota3A, %broadcast_in_dim3A_618] : memref<16x128xf32, #tpu.memory_space<vmem>>[vector<16xi32>, vector<16xi32>], vector<16xf32>,
    %broadcast_in_dim3A_625 = arith.constant 500 : i32
    %broadcast_in_dim3A_626 = vector.broadcast %broadcast_in_dim3A_625 : i32 to vector<16xi32>
    tpu.vector_store_idx %arg7[%iota3A, %broadcast_in_dim3A_626], %gather3A_624 : memref<16x512xf32, #tpu.memory_space<vmem>>[vector<16xi32>, vector<16xi32>], vector<16xf32>,
    %slice3A_627 = vector.extract_strided_slice %get3A_564 {offsets = [5], sizes = [1], strides = [1]} : vector<16xi32> to vector<1xi32>
    %squeeze3A_628 = vector.extract %slice3A_627[0] : i32 from vector<1xi32>
    %and3A_629 = arith.constant 127 : i32
    %and3A_630 = arith.andi %squeeze3A_628, %and3A_629 : i32
    %broadcast_in_dim3A_631 = vector.broadcast %and3A_630 : i32 to vector<16xi32>
    %gather3A_632 = arith.constant 21 : i32
    %gather3A_633 = arith.constant 0 : i32
    %gather3A_634 = arith.constant 0 : i32
    %gather3A_635 = tpu.memref_slice %arg6[%gather3A_632, %gather3A_633, %gather3A_634] : memref<32x16x128xf32, #tpu.memory_space<vmem>> -> memref<1x16x128xf32, #tpu.memory_space<vmem>>
    %gather3A_636 = tpu.memref_squeeze %gather3A_635 : memref<1x16x128xf32, #tpu.memory_space<vmem>> -> memref<16x128xf32, #tpu.memory_space<vmem>>
    %gather3A_637 = tpu.vector_load_idx %gather3A_636[%iota3A, %broadcast_in_dim3A_631] : memref<16x128xf32, #tpu.memory_space<vmem>>[vector<16xi32>, vector<16xi32>], vector<16xf32>,
    %broadcast_in_dim3A_638 = arith.constant 501 : i32
    %broadcast_in_dim3A_639 = vector.broadcast %broadcast_in_dim3A_638 : i32 to vector<16xi32>
    tpu.vector_store_idx %arg7[%iota3A, %broadcast_in_dim3A_639], %gather3A_637 : memref<16x512xf32, #tpu.memory_space<vmem>>[vector<16xi32>, vector<16xi32>], vector<16xf32>,
    %slice3A_640 = vector.extract_strided_slice %get3A_564 {offsets = [6], sizes = [1], strides = [1]} : vector<16xi32> to vector<1xi32>
    %squeeze3A_641 = vector.extract %slice3A_640[0] : i32 from vector<1xi32>
    %and3A_642 = arith.constant 127 : i32
    %and3A_643 = arith.andi %squeeze3A_641, %and3A_642 : i32
    %broadcast_in_dim3A_644 = vector.broadcast %and3A_643 : i32 to vector<16xi32>
    %gather3A_645 = arith.constant 22 : i32
    %gather3A_646 = arith.constant 0 : i32
    %gather3A_647 = arith.constant 0 : i32
    %gather3A_648 = tpu.memref_slice %arg6[%gather3A_645, %gather3A_646, %gather3A_647] : memref<32x16x128xf32, #tpu.memory_space<vmem>> -> memref<1x16x128xf32, #tpu.memory_space<vmem>>
    %gather3A_649 = tpu.memref_squeeze %gather3A_648 : memref<1x16x128xf32, #tpu.memory_space<vmem>> -> memref<16x128xf32, #tpu.memory_space<vmem>>
    %gather3A_650 = tpu.vector_load_idx %gather3A_649[%iota3A, %broadcast_in_dim3A_644] : memref<16x128xf32, #tpu.memory_space<vmem>>[vector<16xi32>, vector<16xi32>], vector<16xf32>,
    %broadcast_in_dim3A_651 = arith.constant 502 : i32
    %broadcast_in_dim3A_652 = vector.broadcast %broadcast_in_dim3A_651 : i32 to vector<16xi32>
    tpu.vector_store_idx %arg7[%iota3A, %broadcast_in_dim3A_652], %gather3A_650 : memref<16x512xf32, #tpu.memory_space<vmem>>[vector<16xi32>, vector<16xi32>], vector<16xf32>,
    %slice3A_653 = vector.extract_strided_slice %get3A_564 {offsets = [7], sizes = [1], strides = [1]} : vector<16xi32> to vector<1xi32>
    %squeeze3A_654 = vector.extract %slice3A_653[0] : i32 from vector<1xi32>
    %and3A_655 = arith.constant 127 : i32
    %and3A_656 = arith.andi %squeeze3A_654, %and3A_655 : i32
    %broadcast_in_dim3A_657 = vector.broadcast %and3A_656 : i32 to vector<16xi32>
    %gather3A_658 = arith.constant 23 : i32
    %gather3A_659 = arith.constant 0 : i32
    %gather3A_660 = arith.constant 0 : i32
    %gather3A_661 = tpu.memref_slice %arg6[%gather3A_658, %gather3A_659, %gather3A_660] : memref<32x16x128xf32, #tpu.memory_space<vmem>> -> memref<1x16x128xf32, #tpu.memory_space<vmem>>
    %gather3A_662 = tpu.memref_squeeze %gather3A_661 : memref<1x16x128xf32, #tpu.memory_space<vmem>> -> memref<16x128xf32, #tpu.memory_space<vmem>>
    %gather3A_663 = tpu.vector_load_idx %gather3A_662[%iota3A, %broadcast_in_dim3A_657] : memref<16x128xf32, #tpu.memory_space<vmem>>[vector<16xi32>, vector<16xi32>], vector<16xf32>,
    %broadcast_in_dim3A_664 = arith.constant 503 : i32
    %broadcast_in_dim3A_665 = vector.broadcast %broadcast_in_dim3A_664 : i32 to vector<16xi32>
    tpu.vector_store_idx %arg7[%iota3A, %broadcast_in_dim3A_665], %gather3A_663 : memref<16x512xf32, #tpu.memory_space<vmem>>[vector<16xi32>, vector<16xi32>], vector<16xf32>,
    %slice3A_666 = vector.extract_strided_slice %get3A_564 {offsets = [8], sizes = [1], strides = [1]} : vector<16xi32> to vector<1xi32>
    %squeeze3A_667 = vector.extract %slice3A_666[0] : i32 from vector<1xi32>
    %and3A_668 = arith.constant 127 : i32
    %and3A_669 = arith.andi %squeeze3A_667, %and3A_668 : i32
    %broadcast_in_dim3A_670 = vector.broadcast %and3A_669 : i32 to vector<16xi32>
    %gather3A_671 = arith.constant 24 : i32
    %gather3A_672 = arith.constant 0 : i32
    %gather3A_673 = arith.constant 0 : i32
    %gather3A_674 = tpu.memref_slice %arg6[%gather3A_671, %gather3A_672, %gather3A_673] : memref<32x16x128xf32, #tpu.memory_space<vmem>> -> memref<1x16x128xf32, #tpu.memory_space<vmem>>
    %gather3A_675 = tpu.memref_squeeze %gather3A_674 : memref<1x16x128xf32, #tpu.memory_space<vmem>> -> memref<16x128xf32, #tpu.memory_space<vmem>>
    %gather3A_676 = tpu.vector_load_idx %gather3A_675[%iota3A, %broadcast_in_dim3A_670] : memref<16x128xf32, #tpu.memory_space<vmem>>[vector<16xi32>, vector<16xi32>], vector<16xf32>,
    %broadcast_in_dim3A_677 = arith.constant 504 : i32
    %broadcast_in_dim3A_678 = vector.broadcast %broadcast_in_dim3A_677 : i32 to vector<16xi32>
    tpu.vector_store_idx %arg7[%iota3A, %broadcast_in_dim3A_678], %gather3A_676 : memref<16x512xf32, #tpu.memory_space<vmem>>[vector<16xi32>, vector<16xi32>], vector<16xf32>,
    %slice3A_679 = vector.extract_strided_slice %get3A_564 {offsets = [9], sizes = [1], strides = [1]} : vector<16xi32> to vector<1xi32>
    %squeeze3A_680 = vector.extract %slice3A_679[0] : i32 from vector<1xi32>
    %and3A_681 = arith.constant 127 : i32
    %and3A_682 = arith.andi %squeeze3A_680, %and3A_681 : i32
    %broadcast_in_dim3A_683 = vector.broadcast %and3A_682 : i32 to vector<16xi32>
    %gather3A_684 = arith.constant 25 : i32
    %gather3A_685 = arith.constant 0 : i32
    %gather3A_686 = arith.constant 0 : i32
    %gather3A_687 = tpu.memref_slice %arg6[%gather3A_684, %gather3A_685, %gather3A_686] : memref<32x16x128xf32, #tpu.memory_space<vmem>> -> memref<1x16x128xf32, #tpu.memory_space<vmem>>
    %gather3A_688 = tpu.memref_squeeze %gather3A_687 : memref<1x16x128xf32, #tpu.memory_space<vmem>> -> memref<16x128xf32, #tpu.memory_space<vmem>>
    %gather3A_689 = tpu.vector_load_idx %gather3A_688[%iota3A, %broadcast_in_dim3A_683] : memref<16x128xf32, #tpu.memory_space<vmem>>[vector<16xi32>, vector<16xi32>], vector<16xf32>,
    %broadcast_in_dim3A_690 = arith.constant 505 : i32
    %broadcast_in_dim3A_691 = vector.broadcast %broadcast_in_dim3A_690 : i32 to vector<16xi32>
    tpu.vector_store_idx %arg7[%iota3A, %broadcast_in_dim3A_691], %gather3A_689 : memref<16x512xf32, #tpu.memory_space<vmem>>[vector<16xi32>, vector<16xi32>], vector<16xf32>,
    %slice3A_692 = vector.extract_strided_slice %get3A_564 {offsets = [10], sizes = [1], strides = [1]} : vector<16xi32> to vector<1xi32>
    %squeeze3A_693 = vector.extract %slice3A_692[0] : i32 from vector<1xi32>
    %and3A_694 = arith.constant 127 : i32
    %and3A_695 = arith.andi %squeeze3A_693, %and3A_694 : i32
    %broadcast_in_dim3A_696 = vector.broadcast %and3A_695 : i32 to vector<16xi32>
    %gather3A_697 = arith.constant 26 : i32
    %gather3A_698 = arith.constant 0 : i32
    %gather3A_699 = arith.constant 0 : i32
    %gather3A_700 = tpu.memref_slice %arg6[%gather3A_697, %gather3A_698, %gather3A_699] : memref<32x16x128xf32, #tpu.memory_space<vmem>> -> memref<1x16x128xf32, #tpu.memory_space<vmem>>
    %gather3A_701 = tpu.memref_squeeze %gather3A_700 : memref<1x16x128xf32, #tpu.memory_space<vmem>> -> memref<16x128xf32, #tpu.memory_space<vmem>>
    %gather3A_702 = tpu.vector_load_idx %gather3A_701[%iota3A, %broadcast_in_dim3A_696] : memref<16x128xf32, #tpu.memory_space<vmem>>[vector<16xi32>, vector<16xi32>], vector<16xf32>,
    %broadcast_in_dim3A_703 = arith.constant 506 : i32
    %broadcast_in_dim3A_704 = vector.broadcast %broadcast_in_dim3A_703 : i32 to vector<16xi32>
    tpu.vector_store_idx %arg7[%iota3A, %broadcast_in_dim3A_704], %gather3A_702 : memref<16x512xf32, #tpu.memory_space<vmem>>[vector<16xi32>, vector<16xi32>], vector<16xf32>,
    %slice3A_705 = vector.extract_strided_slice %get3A_564 {offsets = [11], sizes = [1], strides = [1]} : vector<16xi32> to vector<1xi32>
    %squeeze3A_706 = vector.extract %slice3A_705[0] : i32 from vector<1xi32>
    %and3A_707 = arith.constant 127 : i32
    %and3A_708 = arith.andi %squeeze3A_706, %and3A_707 : i32
    %broadcast_in_dim3A_709 = vector.broadcast %and3A_708 : i32 to vector<16xi32>
    %gather3A_710 = arith.constant 27 : i32
    %gather3A_711 = arith.constant 0 : i32
    %gather3A_712 = arith.constant 0 : i32
    %gather3A_713 = tpu.memref_slice %arg6[%gather3A_710, %gather3A_711, %gather3A_712] : memref<32x16x128xf32, #tpu.memory_space<vmem>> -> memref<1x16x128xf32, #tpu.memory_space<vmem>>
    %gather3A_714 = tpu.memref_squeeze %gather3A_713 : memref<1x16x128xf32, #tpu.memory_space<vmem>> -> memref<16x128xf32, #tpu.memory_space<vmem>>
    %gather3A_715 = tpu.vector_load_idx %gather3A_714[%iota3A, %broadcast_in_dim3A_709] : memref<16x128xf32, #tpu.memory_space<vmem>>[vector<16xi32>, vector<16xi32>], vector<16xf32>,
    %broadcast_in_dim3A_716 = arith.constant 507 : i32
    %broadcast_in_dim3A_717 = vector.broadcast %broadcast_in_dim3A_716 : i32 to vector<16xi32>
    tpu.vector_store_idx %arg7[%iota3A, %broadcast_in_dim3A_717], %gather3A_715 : memref<16x512xf32, #tpu.memory_space<vmem>>[vector<16xi32>, vector<16xi32>], vector<16xf32>,
    %slice3A_718 = vector.extract_strided_slice %get3A_564 {offsets = [12], sizes = [1], strides = [1]} : vector<16xi32> to vector<1xi32>
    %squeeze3A_719 = vector.extract %slice3A_718[0] : i32 from vector<1xi32>
    %and3A_720 = arith.constant 127 : i32
    %and3A_721 = arith.andi %squeeze3A_719, %and3A_720 : i32
    %broadcast_in_dim3A_722 = vector.broadcast %and3A_721 : i32 to vector<16xi32>
    %gather3A_723 = arith.constant 28 : i32
    %gather3A_724 = arith.constant 0 : i32
    %gather3A_725 = arith.constant 0 : i32
    %gather3A_726 = tpu.memref_slice %arg6[%gather3A_723, %gather3A_724, %gather3A_725] : memref<32x16x128xf32, #tpu.memory_space<vmem>> -> memref<1x16x128xf32, #tpu.memory_space<vmem>>
    %gather3A_727 = tpu.memref_squeeze %gather3A_726 : memref<1x16x128xf32, #tpu.memory_space<vmem>> -> memref<16x128xf32, #tpu.memory_space<vmem>>
    %gather3A_728 = tpu.vector_load_idx %gather3A_727[%iota3A, %broadcast_in_dim3A_722] : memref<16x128xf32, #tpu.memory_space<vmem>>[vector<16xi32>, vector<16xi32>], vector<16xf32>,
    %broadcast_in_dim3A_729 = arith.constant 508 : i32
    %broadcast_in_dim3A_730 = vector.broadcast %broadcast_in_dim3A_729 : i32 to vector<16xi32>
    tpu.vector_store_idx %arg7[%iota3A, %broadcast_in_dim3A_730], %gather3A_728 : memref<16x512xf32, #tpu.memory_space<vmem>>[vector<16xi32>, vector<16xi32>], vector<16xf32>,
    %slice3A_731 = vector.extract_strided_slice %get3A_564 {offsets = [13], sizes = [1], strides = [1]} : vector<16xi32> to vector<1xi32>
    %squeeze3A_732 = vector.extract %slice3A_731[0] : i32 from vector<1xi32>
    %and3A_733 = arith.constant 127 : i32
    %and3A_734 = arith.andi %squeeze3A_732, %and3A_733 : i32
    %broadcast_in_dim3A_735 = vector.broadcast %and3A_734 : i32 to vector<16xi32>
    %gather3A_736 = arith.constant 29 : i32
    %gather3A_737 = arith.constant 0 : i32
    %gather3A_738 = arith.constant 0 : i32
    %gather3A_739 = tpu.memref_slice %arg6[%gather3A_736, %gather3A_737, %gather3A_738] : memref<32x16x128xf32, #tpu.memory_space<vmem>> -> memref<1x16x128xf32, #tpu.memory_space<vmem>>
    %gather3A_740 = tpu.memref_squeeze %gather3A_739 : memref<1x16x128xf32, #tpu.memory_space<vmem>> -> memref<16x128xf32, #tpu.memory_space<vmem>>
    %gather3A_741 = tpu.vector_load_idx %gather3A_740[%iota3A, %broadcast_in_dim3A_735] : memref<16x128xf32, #tpu.memory_space<vmem>>[vector<16xi32>, vector<16xi32>], vector<16xf32>,
    %broadcast_in_dim3A_742 = arith.constant 509 : i32
    %broadcast_in_dim3A_743 = vector.broadcast %broadcast_in_dim3A_742 : i32 to vector<16xi32>
    tpu.vector_store_idx %arg7[%iota3A, %broadcast_in_dim3A_743], %gather3A_741 : memref<16x512xf32, #tpu.memory_space<vmem>>[vector<16xi32>, vector<16xi32>], vector<16xf32>,
    %slice3A_744 = vector.extract_strided_slice %get3A_564 {offsets = [14], sizes = [1], strides = [1]} : vector<16xi32> to vector<1xi32>
    %squeeze3A_745 = vector.extract %slice3A_744[0] : i32 from vector<1xi32>
    %and3A_746 = arith.constant 127 : i32
    %and3A_747 = arith.andi %squeeze3A_745, %and3A_746 : i32
    %broadcast_in_dim3A_748 = vector.broadcast %and3A_747 : i32 to vector<16xi32>
    %gather3A_749 = arith.constant 30 : i32
    %gather3A_750 = arith.constant 0 : i32
    %gather3A_751 = arith.constant 0 : i32
    %gather3A_752 = tpu.memref_slice %arg6[%gather3A_749, %gather3A_750, %gather3A_751] : memref<32x16x128xf32, #tpu.memory_space<vmem>> -> memref<1x16x128xf32, #tpu.memory_space<vmem>>
    %gather3A_753 = tpu.memref_squeeze %gather3A_752 : memref<1x16x128xf32, #tpu.memory_space<vmem>> -> memref<16x128xf32, #tpu.memory_space<vmem>>
    %gather3A_754 = tpu.vector_load_idx %gather3A_753[%iota3A, %broadcast_in_dim3A_748] : memref<16x128xf32, #tpu.memory_space<vmem>>[vector<16xi32>, vector<16xi32>], vector<16xf32>,
    %broadcast_in_dim3A_755 = arith.constant 510 : i32
    %broadcast_in_dim3A_756 = vector.broadcast %broadcast_in_dim3A_755 : i32 to vector<16xi32>
    tpu.vector_store_idx %arg7[%iota3A, %broadcast_in_dim3A_756], %gather3A_754 : memref<16x512xf32, #tpu.memory_space<vmem>>[vector<16xi32>, vector<16xi32>], vector<16xf32>,
    %slice3A_757 = vector.extract_strided_slice %get3A_564 {offsets = [15], sizes = [1], strides = [1]} : vector<16xi32> to vector<1xi32>
    %squeeze3A_758 = vector.extract %slice3A_757[0] : i32 from vector<1xi32>
    %and3A_759 = arith.constant 127 : i32
    %and3A_760 = arith.andi %squeeze3A_758, %and3A_759 : i32
    %broadcast_in_dim3A_761 = vector.broadcast %and3A_760 : i32 to vector<16xi32>
    %gather3A_762 = arith.constant 31 : i32
    %gather3A_763 = arith.constant 0 : i32
    %gather3A_764 = arith.constant 0 : i32
    %gather3A_765 = tpu.memref_slice %arg6[%gather3A_762, %gather3A_763, %gather3A_764] : memref<32x16x128xf32, #tpu.memory_space<vmem>> -> memref<1x16x128xf32, #tpu.memory_space<vmem>>
    %gather3A_766 = tpu.memref_squeeze %gather3A_765 : memref<1x16x128xf32, #tpu.memory_space<vmem>> -> memref<16x128xf32, #tpu.memory_space<vmem>>
    %gather3A_767 = tpu.vector_load_idx %gather3A_766[%iota3A, %broadcast_in_dim3A_761] : memref<16x128xf32, #tpu.memory_space<vmem>>[vector<16xi32>, vector<16xi32>], vector<16xf32>,
    %broadcast_in_dim3A_768 = arith.constant 511 : i32
    %broadcast_in_dim3A_769 = vector.broadcast %broadcast_in_dim3A_768 : i32 to vector<16xi32>
    tpu.vector_store_idx %arg7[%iota3A, %broadcast_in_dim3A_769], %gather3A_767 : memref<16x512xf32, #tpu.memory_space<vmem>>[vector<16xi32>, vector<16xi32>], vector<16xf32>,
    "tpu.region"() ({
      %run_scoped3A = tpu.sem_alloc : memref<!tpu.dma_semaphore, #tpu.memory_space<semaphore_mem>>
      %dma_start3A_770 = arith.constant 0 : i32
      %dma_start3A_771 = tpu.memref_slice %arg4[%dma_start3A_770, %mul3A_2] : memref<16x16384xf32, #tpu.memory_space<hbm>> -> memref<16x512xf32, #tpu.memory_space<hbm>>
      %dma_start3A_772 = arith.constant 0 : i32
      %dma_start3A_773 = tpu.memref_slice %arg4[%dma_start3A_772, %mul3A_2] : memref<16x16384xf32, #tpu.memory_space<hbm>> -> memref<16x512xf32, #tpu.memory_space<hbm>>
      tpu.enqueue_dma source(%arg7 : memref<16x512xf32, #tpu.memory_space<vmem>>) target(%dma_start3A_773 : memref<16x512xf32, #tpu.memory_space<hbm>>) target_semaphore(%run_scoped3A : memref<!tpu.dma_semaphore, #tpu.memory_space<semaphore_mem>>)
      %dma_wait3A_774 = arith.constant 0 : i32
      %dma_wait3A_775 = tpu.memref_slice %arg4[%dma_wait3A_774, %mul3A_2] : memref<16x16384xf32, #tpu.memory_space<hbm>> -> memref<16x512xf32, #tpu.memory_space<hbm>>
      %dma_wait3A_776 = arith.constant 0 : i32
      %dma_wait3A_777 = tpu.memref_slice %arg4[%dma_wait3A_776, %mul3A_2] : memref<16x16384xf32, #tpu.memory_space<hbm>> -> memref<16x512xf32, #tpu.memory_space<hbm>>
      tpu.wait_dma2 semaphore(%run_scoped3A : memref<!tpu.dma_semaphore, #tpu.memory_space<semaphore_mem>>) src(%arg7 : memref<16x512xf32, #tpu.memory_space<vmem>>) dst(%dma_wait3A_777 : memref<16x512xf32, #tpu.memory_space<hbm>>)
      tpu.yield
    }) : () -> ()
    return
  }
}

</mosaic_0001>

<sc_bundles>
// kernel: kernel.3.cloned.1.call-start
scs
__scs_entry_jumppad:
0x0: {  	(pc) =	sbr.rel $0x88, $3  }
0x1: {  	(tag) =	ssettag $0x0;
	lr =	simm.s32 $0x1  }
0x2: {  	[smem:$0x3F9F] =	sst lr;
	_ =	strace $0xD0000000  }
0x3: {  	_ = 	snop  }
0x4: {  	_ = 	snop  }
0x5: {  	_ = 	snop  }
0x6: {  	_ = 	snop  }
0x7: {  	_ = 	snop  }
__scs_overlays_trampoline_lowered:
0x8: {  	[smem:$0x3FAE] =	sst s0  }
0x9: {  	[smem:$0x3FAF] =	sst s1  }
0xa: {  	[smem:$0x3FB0] =	sst s2  }
0xb: {  	[smem:$0x3FB1] =	sst s3  }
0xc: {  	[smem:$0x3FB2] =	sst s4  }
0xd: {  	[smem:$0x3FB3] =	sst s5  }
0xe: {  	[smem:$0x3FB4] =	sst s6  }
0xf: {  	[smem:$0x3FB5] =	sst s7  }
0x10: {  	[smem:$0x3FB6] =	sst s8  }
0x11: {  	[smem:$0x3FB7] =	sst s9;
	s0 =	simm.s32 @!p0 $0x0  }
0x12: {  	s1 =	sld [smem:$0x3F9D];
	s0 =	simm.s32 @p0 $0x1  }
0x13: {  	[smem:$0x3FB8] =	sst s0;
	s0 =	simm.s32 @!p1 $0x0  }
0x14: {  	s2 =	sld [smem:$0x3F9C];
	s0 =	simm.s32 @p1 $0x1  }
0x15: {  	[smem:$0x3FB9] =	sst s0;
	s0 =	simm.s32 @!p2 $0x0  }
0x16: {  	s3 =	sld [smem:$0x3FDB];
	s0 =	simm.s32 @p2 $0x1  }
0x17: {  	s4 =	simm.s32 $0x1BF5;
	[smem:$0x3FBB] =	sst s0  }
0x18: {  	s0 =	sld [smem:$0x3F9E];
	_ =	swait.ge [sflag:s4], $0x0  }
0x19: {  	s7 =	sld [smem:$0x3F9F]  }
0x1a: {  	s8 =	sadd.s32 $0xFFFFE003, lr  }
0x1b: {  	s9 =	sadd.s32 $0xFFFFFEF7, lr;
	s5 =	simm.s32 $0xFFFFFFFF;
	p2 =	slt.u32 s8, $0xFFFFF086  }
0x1c: {  	p1 =	slt.u32 s9, $0xF7A;
	s5 =	simm.s32 @!p2 $0x0  }
0x1d: {  	s5 =	simm.s32 @p1 $0x1;
	p0 =	seq.s32 s7, s2  }
0x1e: {  	s7 =	smul.u32 @!p0 $0xF7A, s2;
	p2 =	seq.s32 @!p0 s5, $0x0  }
0x1f: {  	s9 =	smul.u32 $0xF7A, s1;
	s8 =	simm.s32 @!p0 $0x1BF5;
	p2 =	por !p2, p0  }
0x20: {  	[sflag:s8] =	ssyncset.s32 @!p0 $0xFFFFF086;
	s6 =	sadd.s32 @!p0 s3, s7;
	s7 =	simm.s32 @!p0 $0x108  }
0x21: {  	s3 =	sadd.s32 s3, s9;
	s6 =	sadd.s32 @!p0 $0x88, s6;
	s7 =	simm.s32 @p2 $0x1082  }
0x22: {  	[simem:s7], [sflag:s8] =	dma.local @!p0 [hbm:s6], $0xF7A  }
0x23: {  	s9 =	sor.u32 $0xD0000000, s2;
	s6 =	simm.s32 $0x108;
	_ =	swait.ge @!p0 [sflag:s8], $0x0  }
0x24: {  	s3 =	sadd.s32 $0x88, s3;
	s6 =	simm.s32 @!p1 $0x1082;
	[sflag:s4] =	ssyncset.s32 $0xFFFFF086  }
0x25: {  	[simem:s6], [sflag:s4] =	dma.local [hbm:s3], $0xF7A  }
0x26: {  	[smem:$0x3F9F] =	sst s1;
	(tag) =	ssettag s2;
	_ =	strace s9  }
0x27: {  	s1 =	sld [smem:$0x3FAF]  }
0x28: {  	s2 =	sld [smem:$0x3FB0]  }
0x29: {  	s4 =	sld [smem:$0x3FB2]  }
0x2a: {  	p0 =	seq.s32 s5, $0x0;
	s5 =	sld [smem:$0x3FB3]  }
0x2b: {  	s6 =	sld [smem:$0x3FB4]  }
0x2c: {  	s7 =	sld [smem:$0x3FB5]  }
0x2d: {  	s3 =	simm.s32 $0x108;
	s8 =	sld [smem:$0x3FB6]  }
0x2e: {  	s3 =	simm.s32 @!p0 $0x1082;
	s9 =	sld [smem:$0x3FB7]  }
0x2f: {  	lr =	sadd.s32 s0, s3;
	s0 =	sld [smem:$0x3FAE]  }
0x30: {  	s3 =	sld [smem:$0x3FB1]  }
0x31: {  	[smem:$0x3FBA] =	sst s10  }
0x32: {  	s10 =	sld [smem:$0x3FB8];
	_ =	sdelay $0x3  }
0x33: {  	p0 =	seq.s32 s10, $0x1;
	s10 =	sld [smem:$0x3FBA];
	_ =	sdelay $0x3  }
0x34: {  	[smem:$0x3FBA] =	sst s10  }
0x35: {  	s10 =	sld [smem:$0x3FB9];
	_ =	sdelay $0x3  }
0x36: {  	p1 =	seq.s32 s10, $0x1;
	s10 =	sld [smem:$0x3FBA];
	_ =	sdelay $0x3  }
0x37: {  	[smem:$0x3FBA] =	sst s10  }
0x38: {  	s10 =	sld [smem:$0x3FBB]  }
0x39: {  	_ = 	snop;
	(pc) =	sbr.ind lr, $3  }
0x3a: {  	_ = 	snop  }
0x3b: {  	_ = 	snop  }
0x3c: {  	p2 =	seq.s32 s10, $0x1;
	s10 =	sld [smem:$0x3FBA]  }
0x3d: {  	_ =	shalt  }
0x3e: {  	_ =	shalt  }
0x3f: {  	_ =	shalt  }
0x40: {  	_ =	shalt  }
0x41: {  	_ =	shalt  }
0x42: {  	_ =	shalt  }
0x43: {  	_ =	shalt  }
0x44: {  	_ =	shalt  }
0x45: {  	_ =	shalt  }
0x46: {  	_ =	shalt  }
0x47: {  	_ =	shalt  }
0x48: {  	_ =	shalt  }
0x49: {  	_ =	shalt  }
0x4a: {  	_ =	shalt  }
0x4b: {  	_ =	shalt  }
0x4c: {  	_ =	shalt  }
0x4d: {  	_ =	shalt  }
0x4e: {  	_ =	shalt  }
0x4f: {  	_ =	shalt  }
0x50: {  	_ =	shalt  }
0x51: {  	_ =	shalt  }
0x52: {  	_ =	shalt  }
0x53: {  	_ =	shalt  }
0x54: {  	_ =	shalt  }
0x55: {  	_ =	shalt  }
0x56: {  	_ =	shalt  }
0x57: {  	_ =	shalt  }
0x58: {  	_ =	shalt  }
0x59: {  	_ =	shalt  }
0x5a: {  	_ =	shalt  }
0x5b: {  	_ =	shalt  }
0x5c: {  	_ =	shalt  }
0x5d: {  	_ =	shalt  }
0x5e: {  	_ =	shalt  }
0x5f: {  	_ =	shalt  }
0x60: {  	_ =	shalt  }
0x61: {  	_ =	shalt  }
0x62: {  	_ =	shalt  }
0x63: {  	_ =	shalt  }
0x64: {  	_ =	shalt  }
0x65: {  	_ =	shalt  }
0x66: {  	_ =	shalt  }
0x67: {  	_ =	shalt  }
0x68: {  	_ =	shalt  }
0x69: {  	_ =	shalt  }
0x6a: {  	_ =	shalt  }
0x6b: {  	_ =	shalt  }
0x6c: {  	_ =	shalt  }
0x6d: {  	_ =	shalt  }
0x6e: {  	_ =	shalt  }
0x6f: {  	_ =	shalt  }
0x70: {  	_ =	shalt  }
0x71: {  	_ =	shalt  }
0x72: {  	_ =	shalt  }
0x73: {  	_ =	shalt  }
0x74: {  	_ =	shalt  }
0x75: {  	_ =	shalt  }
0x76: {  	_ =	shalt  }
0x77: {  	_ =	shalt  }
0x78: {  	_ =	shalt  }
0x79: {  	_ =	shalt  }
0x7a: {  	_ =	shalt  }
0x7b: {  	_ =	shalt  }
0x7c: {  	_ =	shalt  }
0x7d: {  	_ =	shalt  }
0x7e: {  	_ =	shalt  }
0x7f: {  	_ =	shalt  }
0x80: {  	_ =	shalt  }
0x81: {  	_ =	shalt  }
0x82: {  	_ =	shalt  }
0x83: {  	_ =	shalt  }
0x84: {  	_ =	shalt  }
0x85: {  	_ =	shalt  }
0x86: {  	_ =	shalt  }
0x87: {  	_ =	shalt  }
.Lfunc_end0:
.L_simem_size_0:
called_computation_lowered:
.L_overlay_start_0:
0x88: {  	s2 =	sld [smem:$0x3FD9]  }
0x89: {  	s3 =	sld [smem:$0x3FFE];
	_ =	sdelay $0x1  }
0x8a: {  	s1 =	srdreg.scid  }
0x8b: {  	s0 =	sand.u32 $0x1, s1  }
0x8c: {  	s18 =	sshll.u32 s0, $0xA;
	s2 =	sadd.s32 s3, s2  }
0x8d: {  	s2 =	sadd.s32 s2, s18  }
0x8e: {  	[smem:$0x3FC6] =	sst s2  }
0x8f: {  	_ = 	snop  }
0x90: {  	s2 =	sld [smem:$0x3FC9]  }
0x91: {  	s19 =	sld [smem:$0x3FC8]  }
0x92: {  	s4 =	sld [smem:$0x3FD0];
	(tm) =	ssettm $0x1  }
0x93: {  	s5 =	sld [smem:$0x3FFB];
	_ =	sdelay $0x3  }
0x94: {  	_ =	strace s5  }
0x95: {  	s5 =	sld [smem:$0x3FFC];
	_ =	sdelay $0x3  }
0x96: {  	_ =	strace s5  }
0x97: {  	s5 =	sld [smem:$0x3FFD];
	_ =	sdelay $0x3  }
0x98: {  	_ =	strace s5  }
0x99: {  	_ =	strace $0x8FFFFFFF  }
0x9a: {  	s20 =	sld [smem:$0x3FDB];
	_ =	sdelay $0x1  }
0x9b: {  	s6 =	simm.s32 $_scs_section_size  }
0x9c: {  	s7 =	simm.s32 $_size__tile_overlayer_lowered;
	s8 =	simm.s32 $_tile_overlayer_lowered  }
0x9d: {  	s23 =	simm.s32 $0x1BFF;
	s22 =	sshll.u32 s8, $0x1;
	s5 =	sadd.s32 s6, s20  }
0x9e: {  	s9 =	simm.s32 $0x0;
	s21 =	sshll.u32 s7, $0x1;
	s7 =	sadd.s32 s22, s5  }
0x9f: {  	[timem:s9], [sflag:s23] =	dma.local [hbm:s7], s21  }
0xa0: {  	_ =	swait.ge [sflag:s23], s21  }
0xa1: {  	s6 =	ssub.s32 $0x0, s21;
	[sflag:s23] =	ssyncset.done $0x0  }
0xa2: {  	[sflag:s23] =	ssyncadd.s32 s6;
	_ =	sdelay $0x1  }
0xa3: {  	s24 =	simm.s32 $0x1B8B  }
0xa4: {  	_ =	swait.ge [sflag:s24], $0x1  }
0xa5: {  	[sflag:s24] =	ssyncset.done $0x0  }
0xa6: {  	s25 =	simm.s32 $0x1B8E;
	[sflag:s24] =	ssyncadd.s32 $0xFFFFFFFF  }
0xa7: {  	s26 =	simm.s32 $execute0_lowered;
	[smem:$0x3FD2] =	sst s25  }
0xa8: {  	s6 =	sshll.u32 s26, $0x1;
	_ =	strace $0x80000046;
	[dreg:$0x1] =	wrdreg $0xFFFFFFFF  }
0xa9: {  	s28 =	simm.s32 $_size_execute0_lowered;
	s5 =	sadd.s32 s5, s6;
	[dreg:$0x0] =	wrdreg $0x0  }
0xaa: {  	s6 =	sshll.u32 s28, $0x1;
	[dreg:$0x2] =	wrdreg s5  }
0xab: {  	[dreg:$0x3] =	wrdreg s6  }
0xac: {  	[dreg:$0x4] =	wrdreg $0xC0  }
0xad: {  	_ =	task [dreg:s9], $0x5FFFF  }
0xae: {  	[dreg:$0x1] =	wrdreg $0xFFFFFFFF  }
0xaf: {  	[dreg:$0x0] =	wrdreg $0x60  }
0xb0: {  	[dreg:$0x2] =	wrdreg s2  }
0xb1: {  	[dreg:$0x3] =	wrdreg s19  }
0xb2: {  	[dreg:$0x4] =	wrdreg s4  }
0xb3: {  	[dreg:$0x5] =	wrdreg $0x9  }
0xb4: {  	_ =	task.clear_ibuf [dreg:s9], $0x6FFFF;
	_ =	strace $0x90000046  }
0xb5: {  	s29 =	simm.s32 $0x9;
	_ =	strace $0x80000048  }
0xb6: {  	_ =	swait.ge [sflag:s29], $0x1  }
0xb7: {  	[sflag:s29] =	ssyncadd.s32 $0xFFFFFFFF  }
0xb8: {  	_ =	strace $0x90000048  }
0xb9: {  	_ =	sfence  }
0xba: {  	s30 =	sld [smem:$0x0];
	_ =	sdelay $0x2  }
0xbb: {  	s31 =	sshll.u32 s1, $0xD;
	s1 =	sshrl.u32 s1, $0x2  }
0xbc: {  	s3 =	sand.u32 $0x4000, s31;
	s1 =	sadd.s32 s1, s30  }
0xbd: {  	s0 =	sor.u32 s3, s0;
	s1 =	sshll.u32 s1, $0x11  }
0xbe: {  	s0 =	sor.u32 s1, s0  }
0xbf: {  	s0 =	sadd.s32 $0x8F2B, s0  }
0xc0: {  	[sflag:s0] =	ssyncadd.remote.s32 $0x1  }
0xc1: {  	_ =	sfence.sel $0xFFFF  }
0xc2: {  	[dreg:$0x0] =	wrdreg $0xFFFFFFFF;
	(pc) =	sbr.abs _section_cstart, $3  }
0xc3: {  	[dreg:$0x1] =	wrdreg $0xFFFFFFFF  }
0xc4: {  	_ =	task.clear_ibuf [dreg:s9], $0x2FFFF;
	_ =	strace $0x9FFFFFFF  }
0xc5: {  	(tm) =	ssettm $0x7FFFFFFF  }
tec
execute0_lowered:
.L_overlay_start_1:
0x0: {  	(tag) =	ssettag $0x1  }
0x1: {  	v0 =	vlaneseq.u32  }
0x2: {  	v1 =	vimm.s32 $0x1380;
	vm14 =	vcmask $0x300;
	v2 =	vimm.s32 $0x1FF0  }
0x3: {  	vm13 =	vcmask $0x704;
	vm12 =	vcmask $0xB08;
	vm11 =	vcmask $0xF0C  }
0x4: {  	vm10 =	vcmask $0x1310;
	vm9 =	vcmask $0x1714;
	vm8 =	vcmask $0x1B18  }
0x5: {  	vm7 =	vcmask $0x1F1C;
	vm6 =	vcmask $0x2320;
	vm5 =	vcmask $0x2724  }
0x6: {  	vm4 =	vcmask $0x2B28;
	vm3 =	vcmask $0x2F2C;
	vm2 =	vcmask $0x3330  }
0x7: {  	vm1 =	vcmask $0x3734;
	vm0 =	vcmask $0x3B38;
	v3 =	vimm.s32 $0x1FF1  }
0x8: {  	v4 =	vimm.s32 $0x1FF2;
	v5 =	vimm.s32 $0x1FF3;
	v6 =	vimm.s32 $0x1FF4  }
0x9: {  	v7 =	vimm.s32 $0x1FF5;
	v8 =	vimm.s32 $0x1FF6;
	v9 =	vimm.s32 $0x1FF7  }
0xa: {  	v10 =	vimm.s32 $0x1FF8;
	v11 =	vimm.s32 $0x1FF9;
	v12 =	vimm.s32 $0x1FFA  }
0xb: {  	v13 =	vimm.s32 $0x1FFB;
	v14 =	vimm.s32 $0x1FFC;
	v15 =	vimm.s32 $0x1FFD  }
0xc: {  	v16 =	vimm.s32 $0x1FFE;
	v17 =	vimm.s32 $0x1FFF;
	v1 =	vsel vm14, $0x0, v1  }
0xd: {  	v2 =	vsel vm14, $0xC70, v2;
	v0 =	vmul.u32 $0x80, v0;
	v3 =	vsel vm14, $0xC71, v3  }
0xe: {  	v4 =	vsel vm14, $0xC72, v4;
	v5 =	vsel vm14, $0xC73, v5;
	v6 =	vsel vm14, $0xC74, v6  }
0xf: {  	v7 =	vsel vm14, $0xC75, v7;
	v8 =	vsel vm14, $0xC76, v8;
	v9 =	vsel vm14, $0xC77, v9  }
0x10: {  	v10 =	vsel vm14, $0xC78, v10;
	v11 =	vsel vm14, $0xC79, v11;
	v12 =	vsel vm14, $0xC7A, v12  }
0x11: {  	v13 =	vsel vm14, $0xC7B, v13;
	v14 =	vsel vm14, $0xC7C, v14;
	v15 =	vsel vm14, $0xC7D, v15  }
0x12: {  	v16 =	vsel vm14, $0xC7E, v16;
	v17 =	vsel vm14, $0xC7F, v17;
	v1 =	vsel vm13, $0x80, v1  }
0x13: {  	v2 =	vsel vm13, $0xCF0, v2;
	v3 =	vsel vm13, $0xCF1, v3;
	v4 =	vsel vm13, $0xCF2, v4  }
0x14: {  	v5 =	vsel vm13, $0xCF3, v5;
	v6 =	vsel vm13, $0xCF4, v6;
	v7 =	vsel vm13, $0xCF5, v7  }
0x15: {  	v8 =	vsel vm13, $0xCF6, v8;
	v9 =	vsel vm13, $0xCF7, v9;
	v10 =	vsel vm13, $0xCF8, v10  }
0x16: {  	v11 =	vsel vm13, $0xCF9, v11;
	v12 =	vsel vm13, $0xCFA, v12;
	v13 =	vsel vm13, $0xCFB, v13  }
0x17: {  	v14 =	vsel vm13, $0xCFC, v14;
	v15 =	vsel vm13, $0xCFD, v15;
	v16 =	vsel vm13, $0xCFE, v16  }
0x18: {  	v17 =	vsel vm13, $0xCFF, v17;
	v1 =	vsel vm12, $0x100, v1;
	v2 =	vsel vm12, $0xD70, v2  }
0x19: {  	v3 =	vsel vm12, $0xD71, v3;
	v4 =	vsel vm12, $0xD72, v4;
	v5 =	vsel vm12, $0xD73, v5  }
0x1a: {  	v6 =	vsel vm12, $0xD74, v6;
	v7 =	vsel vm12, $0xD75, v7;
	v8 =	vsel vm12, $0xD76, v8  }
0x1b: {  	v9 =	vsel vm12, $0xD77, v9;
	v10 =	vsel vm12, $0xD78, v10;
	v11 =	vsel vm12, $0xD79, v11  }
0x1c: {  	v12 =	vsel vm12, $0xD7A, v12;
	v13 =	vsel vm12, $0xD7B, v13;
	v14 =	vsel vm12, $0xD7C, v14  }
0x1d: {  	v15 =	vsel vm12, $0xD7D, v15;
	v16 =	vsel vm12, $0xD7E, v16;
	v17 =	vsel vm12, $0xD7F, v17  }
0x1e: {  	v1 =	vsel vm11, $0x180, v1;
	v2 =	vsel vm11, $0xDF0, v2;
	v3 =	vsel vm11, $0xDF1, v3  }
0x1f: {  	v4 =	vsel vm11, $0xDF2, v4;
	v5 =	vsel vm11, $0xDF3, v5;
	v6 =	vsel vm11, $0xDF4, v6  }
0x20: {  	v7 =	vsel vm11, $0xDF5, v7;
	v8 =	vsel vm11, $0xDF6, v8;
	v9 =	vsel vm11, $0xDF7, v9  }
0x21: {  	v10 =	vsel vm11, $0xDF8, v10;
	v11 =	vsel vm11, $0xDF9, v11;
	v12 =	vsel vm11, $0xDFA, v12  }
0x22: {  	v13 =	vsel vm11, $0xDFB, v13;
	v14 =	vsel vm11, $0xDFC, v14;
	v15 =	vsel vm11, $0xDFD, v15  }
0x23: {  	v16 =	vsel vm11, $0xDFE, v16;
	v17 =	vsel vm11, $0xDFF, v17;
	v1 =	vsel vm10, $0x200, v1  }
0x24: {  	v2 =	vsel vm10, $0xE70, v2;
	v3 =	vsel vm10, $0xE71, v3;
	v4 =	vsel vm10, $0xE72, v4  }
0x25: {  	v5 =	vsel vm10, $0xE73, v5;
	v6 =	vsel vm10, $0xE74, v6;
	v7 =	vsel vm10, $0xE75, v7  }
0x26: {  	v8 =	vsel vm10, $0xE76, v8;
	v9 =	vsel vm10, $0xE77, v9;
	v10 =	vsel vm10, $0xE78, v10  }
0x27: {  	v11 =	vsel vm10, $0xE79, v11;
	v12 =	vsel vm10, $0xE7A, v12;
	v13 =	vsel vm10, $0xE7B, v13  }
0x28: {  	v14 =	vsel vm10, $0xE7C, v14;
	v15 =	vsel vm10, $0xE7D, v15;
	v16 =	vsel vm10, $0xE7E, v16  }
0x29: {  	v17 =	vsel vm10, $0xE7F, v17;
	v1 =	vsel vm9, $0x280, v1;
	v2 =	vsel vm9, $0xEF0, v2  }
0x2a: {  	v3 =	vsel vm9, $0xEF1, v3;
	v4 =	vsel vm9, $0xEF2, v4;
	v5 =	vsel vm9, $0xEF3, v5  }
0x2b: {  	v6 =	vsel vm9, $0xEF4, v6;
	v7 =	vsel vm9, $0xEF5, v7;
	v8 =	vsel vm9, $0xEF6, v8  }
0x2c: {  	v9 =	vsel vm9, $0xEF7, v9;
	v10 =	vsel vm9, $0xEF8, v10;
	v11 =	vsel vm9, $0xEF9, v11  }
0x2d: {  	v12 =	vsel vm9, $0xEFA, v12;
	v13 =	vsel vm9, $0xEFB, v13;
	v14 =	vsel vm9, $0xEFC, v14  }
0x2e: {  	v15 =	vsel vm9, $0xEFD, v15;
	v16 =	vsel vm9, $0xEFE, v16;
	v17 =	vsel vm9, $0xEFF, v17  }
0x2f: {  	v1 =	vsel vm8, $0x300, v1;
	v2 =	vsel vm8, $0xF70, v2;
	v3 =	vsel vm8, $0xF71, v3  }
0x30: {  	v4 =	vsel vm8, $0xF72, v4;
	v5 =	vsel vm8, $0xF73, v5;
	v6 =	vsel vm8, $0xF74, v6  }
0x31: {  	v7 =	vsel vm8, $0xF75, v7;
	v8 =	vsel vm8, $0xF76, v8;
	v9 =	vsel vm8, $0xF77, v9  }
0x32: {  	v10 =	vsel vm8, $0xF78, v10;
	v11 =	vsel vm8, $0xF79, v11;
	v12 =	vsel vm8, $0xF7A, v12  }
0x33: {  	v13 =	vsel vm8, $0xF7B, v13;
	v14 =	vsel vm8, $0xF7C, v14;
	v15 =	vsel vm8, $0xF7D, v15  }
0x34: {  	v16 =	vsel vm8, $0xF7E, v16;
	v17 =	vsel vm8, $0xF7F, v17;
	v1 =	vsel vm7, $0x380, v1  }
0x35: {  	v2 =	vsel vm7, $0xFF0, v2;
	v3 =	vsel vm7, $0xFF1, v3;
	v4 =	vsel vm7, $0xFF2, v4  }
0x36: {  	v5 =	vsel vm7, $0xFF3, v5;
	v6 =	vsel vm7, $0xFF4, v6;
	v7 =	vsel vm7, $0xFF5, v7  }
0x37: {  	v8 =	vsel vm7, $0xFF6, v8;
	v9 =	vsel vm7, $0xFF7, v9;
	v10 =	vsel vm7, $0xFF8, v10  }
0x38: {  	v11 =	vsel vm7, $0xFF9, v11;
	v12 =	vsel vm7, $0xFFA, v12;
	v13 =	vsel vm7, $0xFFB, v13  }
0x39: {  	v14 =	vsel vm7, $0xFFC, v14;
	v15 =	vsel vm7, $0xFFD, v15;
	v16 =	vsel vm7, $0xFFE, v16  }
0x3a: {  	v17 =	vsel vm7, $0xFFF, v17;
	v1 =	vsel vm6, $0x1000, v1;
	v2 =	vsel vm6, $0x1C70, v2  }
0x3b: {  	v3 =	vsel vm6, $0x1C71, v3;
	v4 =	vsel vm6, $0x1C72, v4;
	v5 =	vsel vm6, $0x1C73, v5  }
0x3c: {  	v6 =	vsel vm6, $0x1C74, v6;
	v7 =	vsel vm6, $0x1C75, v7;
	v8 =	vsel vm6, $0x1C76, v8  }
0x3d: {  	v9 =	vsel vm6, $0x1C77, v9;
	v10 =	vsel vm6, $0x1C78, v10;
	v11 =	vsel vm6, $0x1C79, v11  }
0x3e: {  	v12 =	vsel vm6, $0x1C7A, v12;
	v13 =	vsel vm6, $0x1C7B, v13;
	v14 =	vsel vm6, $0x1C7C, v14  }
0x3f: {  	v15 =	vsel vm6, $0x1C7D, v15;
	v16 =	vsel vm6, $0x1C7E, v16;
	v17 =	vsel vm6, $0x1C7F, v17  }
0x40: {  	v1 =	vsel vm5, $0x1080, v1;
	v2 =	vsel vm5, $0x1CF0, v2;
	v3 =	vsel vm5, $0x1CF1, v3  }
0x41: {  	v4 =	vsel vm5, $0x1CF2, v4;
	v5 =	vsel vm5, $0x1CF3, v5;
	v6 =	vsel vm5, $0x1CF4, v6  }
0x42: {  	v7 =	vsel vm5, $0x1CF5, v7;
	v8 =	vsel vm5, $0x1CF6, v8;
	v9 =	vsel vm5, $0x1CF7, v9  }
0x43: {  	v10 =	vsel vm5, $0x1CF8, v10;
	v11 =	vsel vm5, $0x1CF9, v11;
	v12 =	vsel vm5, $0x1CFA, v12  }
0x44: {  	v13 =	vsel vm5, $0x1CFB, v13;
	v14 =	vsel vm5, $0x1CFC, v14;
	v15 =	vsel vm5, $0x1CFD, v15  }
0x45: {  	v16 =	vsel vm5, $0x1CFE, v16;
	v17 =	vsel vm5, $0x1CFF, v17;
	v1 =	vsel vm4, $0x1100, v1  }
0x46: {  	v2 =	vsel vm4, $0x1D70, v2;
	v3 =	vsel vm4, $0x1D71, v3;
	v4 =	vsel vm4, $0x1D72, v4  }
0x47: {  	v5 =	vsel vm4, $0x1D73, v5;
	v6 =	vsel vm4, $0x1D74, v6;
	v7 =	vsel vm4, $0x1D75, v7  }
0x48: {  	v8 =	vsel vm4, $0x1D76, v8;
	v9 =	vsel vm4, $0x1D77, v9;
	v10 =	vsel vm4, $0x1D78, v10  }
0x49: {  	v11 =	vsel vm4, $0x1D79, v11;
	v12 =	vsel vm4, $0x1D7A, v12;
	v13 =	vsel vm4, $0x1D7B, v13  }
0x4a: {  	v14 =	vsel vm4, $0x1D7C, v14;
	v15 =	vsel vm4, $0x1D7D, v15;
	v16 =	vsel vm4, $0x1D7E, v16  }
0x4b: {  	v17 =	vsel vm4, $0x1D7F, v17;
	v1 =	vsel vm3, $0x1180, v1;
	v2 =	vsel vm3, $0x1DF0, v2  }
0x4c: {  	v3 =	vsel vm3, $0x1DF1, v3;
	v4 =	vsel vm3, $0x1DF2, v4;
	v5 =	vsel vm3, $0x1DF3, v5  }
0x4d: {  	v6 =	vsel vm3, $0x1DF4, v6;
	v7 =	vsel vm3, $0x1DF5, v7;
	v8 =	vsel vm3, $0x1DF6, v8  }
0x4e: {  	v9 =	vsel vm3, $0x1DF7, v9;
	v10 =	vsel vm3, $0x1DF8, v10;
	v11 =	vsel vm3, $0x1DF9, v11  }
0x4f: {  	v12 =	vsel vm3, $0x1DFA, v12;
	v13 =	vsel vm3, $0x1DFB, v13;
	v14 =	vsel vm3, $0x1DFC, v14  }
0x50: {  	v15 =	vsel vm3, $0x1DFD, v15;
	v16 =	vsel vm3, $0x1DFE, v16;
	v17 =	vsel vm3, $0x1DFF, v17  }
0x51: {  	s1 =	rddreg [dreg:$0x0];
	v1 =	vsel vm2, $0x1200, v1;
	v2 =	vsel vm2, $0x1E70, v2;
	v3 =	vsel vm2, $0x1E71, v3  }
0x52: {  	s0 =	rddreg [dreg:$0x1];
	v4 =	vsel vm2, $0x1E72, v4;
	v5 =	vsel vm2, $0x1E73, v5;
	v6 =	vsel vm2, $0x1E74, v6  }
0x53: {  	s2 =	rddreg [dreg:$0x2];
	v7 =	vsel vm2, $0x1E75, v7;
	v8 =	vsel vm2, $0x1E76, v8;
	v9 =	vsel vm2, $0x1E77, v9  }
0x54: {  	s3 =	srdreg.scid;
	s4 =	stileid.u32;
	s6 =	simm.s32 $0x0;
	v10 =	vsel vm2, $0x1E78, v10;
	v11 =	vsel vm2, $0x1E79, v11;
	v12 =	vsel vm2, $0x1E7A, v12  }
0x55: {  	s19 =	simm.s32 $0x3;
	s8 =	simm.s32 $0x7A1400;
	s9 =	simm.s32 $0x400;
	v13 =	vsel vm2, $0x1E7B, v13;
	v14 =	vsel vm2, $0x1E7C, v14;
	v15 =	vsel vm2, $0x1E7D, v15  }
0x56: {  	s28 =	simm.s32 $0x8A00;
	s29 =	simm.s32 $0x9200;
	s30 =	simm.s32 $0x9A00;
	v16 =	vsel vm2, $0x1E7E, v16;
	v17 =	vsel vm2, $0x1E7F, v17;
	v1 =	vsel vm1, $0x1280, v1  }
0x57: {  	s31 =	simm.s32 $0xA200;
	s7 =	simm.s32 $0xDA00;
	s10 =	simm.s32 $0xE200;
	v2 =	vsel vm1, $0x1EF0, v2;
	v3 =	vsel vm1, $0x1EF1, v3;
	v4 =	vsel vm1, $0x1EF2, v4  }
0x58: {  	s11 =	simm.s32 $0xEA00;
	s12 =	simm.s32 $0xF200;
	s13 =	simm.s32 $0xFA00;
	v5 =	vsel vm1, $0x1EF3, v5;
	v6 =	vsel vm1, $0x1EF4, v6;
	v7 =	vsel vm1, $0x1EF5, v7  }
0x59: {  	s14 =	simm.s32 $0x1;
	s15 =	simm.s32 $0x10200;
	s16 =	simm.s32 $0x2;
	v8 =	vsel vm1, $0x1EF6, v8;
	v9 =	vsel vm1, $0x1EF7, v9;
	v10 =	vsel vm1, $0x1EF8, v10  }
0x5a: {  	s18 =	simm.s32 $0x0;
	s3 =	sand.u32 $0x1, s3;
	s4 =	sshll.u32 s4, $0xA;
	v11 =	vsel vm1, $0x1EF9, v11;
	v12 =	vsel vm1, $0x1EFA, v12;
	v13 =	vsel vm1, $0x1EFB, v13  }
0x5b: {  	[smem:$0x7FF] =	sst s6;
	s6 =	simm.s32 $0xD200;
	s5 =	sshll.u32 s3, $0x9;
	v14 =	vsel vm1, $0x1EFC, v14;
	v15 =	vsel vm1, $0x1EFD, v15;
	v16 =	vsel vm1, $0x1EFE, v16  }
0x5c: {  	s3 =	ssub.s32 $0x2, s3;
	_ =	strace $0x80000047;
	s4 =	sor.u32 s5, s4;
	v17 =	vsel vm1, $0x1EFF, v17;
	v1 =	vsel vm0, $0x1300, v1;
	v2 =	vsel vm0, $0x1F70, v2  }
.Ltmp0:
0x5d: {  	s23 =	sshrl.u32 s3, $0x1;
	s5 =	simm.s32 $0xCA00;
	v3 =	vsel vm0, $0x1F71, v3;
	v4 =	vsel vm0, $0x1F72, v4;
	v5 =	vsel vm0, $0x1F73, v5;
	(pc) =	sbr.rel .LBB2_1-.Ltmp0, $4  }
0x5e: {  	s24 =	sshrl.u32 s4, $0x3;
	s3 =	ssub.s32 s3, s23;
	s25 =	sadd.s32 s2, s4;
	v6 =	vsel vm0, $0x1F74, v6;
	v7 =	vsel vm0, $0x1F75, v7;
	v8 =	vsel vm0, $0x1F76, v8  }
0x5f: {  	s2 =	simm.s32 $0xB200;
	s1 =	sadd.s32 s1, s24;
	[dreg:$0x5] =	wrdreg s25;
	v9 =	vsel vm0, $0x1F77, v9;
	v10 =	vsel vm0, $0x1F78, v10;
	v11 =	vsel vm0, $0x1F79, v11  }
0x60: {  	s4 =	simm.s32 $0xC200;
	s26 =	smax.u32 s3, $0x1;
	[dreg:$0x4] =	wrdreg s1;
	v12 =	vsel vm0, $0x1F7A, v12;
	v13 =	vsel vm0, $0x1F7B, v13;
	v14 =	vsel vm0, $0x1F7C, v14  }
0x61: {  	s3 =	simm.s32 $0xBA00;
	[dreg:$0x6] =	wrdreg s26;
	s1 =	simm.s32 $0xAA00;
	v15 =	vsel vm0, $0x1F7D, v15;
	v16 =	vsel vm0, $0x1F7E, v16;
	v17 =	vsel vm0, $0x1F7F, v17  }
.LBB2_6:
0x62: {  	_ =	swait.ge [sflag:s16], $0x800  }
0x63: {  	[sflag:s16] =	ssyncset.done $0x0  }
0x64: {  	[sflag:s16] =	ssyncadd.s32 $0xFFFFF800  }
0x65: {  	_ =	swait.ge [sflag:s16], $0x800  }
0x66: {  	[sflag:s16] =	ssyncset.done $0x0  }
0x67: {  	[sflag:s16] =	ssyncadd.s32 $0xFFFFF800  }
0x68: {  	_ =	swait.ge [sflag:s16], $0x800  }
0x69: {  	[sflag:s16] =	ssyncset.done $0x0  }
0x6a: {  	[sflag:s16] =	ssyncadd.s32 $0xFFFFF800  }
0x6b: {  	_ =	swait.ge [sflag:s16], $0x800  }
0x6c: {  	[sflag:s16] =	ssyncset.done $0x0  }
0x6d: {  	[sflag:s16] =	ssyncadd.s32 $0xFFFFF800  }
0x6e: {  	_ =	swait.ge [sflag:s16], $0x800  }
0x6f: {  	[sflag:s16] =	ssyncset.done $0x0  }
0x70: {  	[sflag:s16] =	ssyncadd.s32 $0xFFFFF800  }
0x71: {  	_ =	swait.ge [sflag:s16], $0x800  }
0x72: {  	[sflag:s16] =	ssyncset.done $0x0  }
0x73: {  	[sflag:s16] =	ssyncadd.s32 $0xFFFFF800  }
0x74: {  	_ =	swait.ge [sflag:s16], $0x800  }
0x75: {  	[sflag:s16] =	ssyncset.done $0x0  }
0x76: {  	[sflag:s16] =	ssyncadd.s32 $0xFFFFF800  }
0x77: {  	_ =	swait.ge [sflag:s16], $0x800  }
0x78: {  	[sflag:s16] =	ssyncset.done $0x0  }
0x79: {  	[sflag:s16] =	ssyncadd.s32 $0xFFFFF800  }
0x7a: {  	_ =	swait.ge [sflag:s16], $0x800  }
0x7b: {  	[sflag:s16] =	ssyncset.done $0x0  }
0x7c: {  	[sflag:s16] =	ssyncadd.s32 $0xFFFFF800  }
0x7d: {  	_ =	swait.ge [sflag:s16], $0x800  }
0x7e: {  	[sflag:s16] =	ssyncset.done $0x0  }
0x7f: {  	[sflag:s16] =	ssyncadd.s32 $0xFFFFF800  }
0x80: {  	_ =	swait.ge [sflag:s16], $0x800  }
0x81: {  	[sflag:s16] =	ssyncset.done $0x0  }
0x82: {  	[sflag:s16] =	ssyncadd.s32 $0xFFFFF800  }
0x83: {  	_ =	swait.ge [sflag:s16], $0x800  }
0x84: {  	[sflag:s16] =	ssyncset.done $0x0  }
0x85: {  	[sflag:s16] =	ssyncadd.s32 $0xFFFFF800  }
0x86: {  	_ =	swait.ge [sflag:s16], $0x800  }
0x87: {  	[sflag:s16] =	ssyncset.done $0x0  }
0x88: {  	[sflag:s16] =	ssyncadd.s32 $0xFFFFF800  }
0x89: {  	_ =	swait.ge [sflag:s16], $0x800  }
0x8a: {  	[sflag:s16] =	ssyncset.done $0x0  }
0x8b: {  	[sflag:s16] =	ssyncadd.s32 $0xFFFFF800  }
0x8c: {  	_ =	swait.ge [sflag:s16], $0x800  }
0x8d: {  	[sflag:s16] =	ssyncset.done $0x0  }
0x8e: {  	[sflag:s16] =	ssyncadd.s32 $0xFFFFF800  }
0x8f: {  	_ =	swait.ge [sflag:s16], $0x800  }
0x90: {  	[sflag:s16] =	ssyncset.done $0x0  }
0x91: {  	[sflag:s16] =	ssyncadd.s32 $0xFFFFF800  }
0x92: {  	v18 =	vld [tilespmem:$0x1F0];
	_ =	sdelay $0x4  }
0x93: {  	(v2sf) =	vpush v18, $0x0;
	_ =	sdelay $0x5  }
0x94: {  	(v2sf) =	vpush v18, $0x1;
	_ =	sdelay $0x5  }
0x95: {  	(v2sf) =	vpush v18, $0x2;
	_ =	sdelay $0x2  }
0x96: {  	s17 =	spop (v2sf)  }
0x97: {  	s17 =	sand.u32 $0x7F, s17  }
0x98: {  	v19 =	vor.u32 s17, v0  }
0x99: {  	(v2sf) =	vpush v18, $0x3;
	_ =	sdelay $0x2  }
0x9a: {  	s18 =	simm.s32 $0x8200;
	s26 =	spop (v2sf)  }
0x9b: {  	s17 =	sand.u32 $0x7F, s26;
	v19 =	vld.idx.msk [tilespmem:v19+s18+$0x0], $0xffff  }
0x9c: {  	v20 =	vor.u32 s17, v0  }
0x9d: {  	(v2sf) =	vpush v18, $0x4;
	_ =	sdelay $0x2  }
0x9e: {  	s18 =	spop (v2sf);
	[tilespmem:v2+s15+$0x0] =	vst.idx.msk $0xffff, v19  }
0x9f: {  	s17 =	sand.u32 $0x7F, s18;
	v19 =	vld.idx.msk [tilespmem:v20+s28+$0x0], $0xffff  }
0xa0: {  	v53 =	vor.u32 s17, v0  }
0xa1: {  	(v2sf) =	vpush v18, $0x5;
	_ =	sdelay $0x2  }
0xa2: {  	s19 =	spop (v2sf);
	[tilespmem:v3+s15+$0x0] =	vst.idx.msk $0xffff, v19  }
0xa3: {  	s17 =	sand.u32 $0x7F, s19;
	v19 =	vld.idx.msk [tilespmem:v53+s29+$0x0], $0xffff  }
0xa4: {  	v54 =	vor.u32 s17, v0  }
0xa5: {  	(v2sf) =	vpush v18, $0x6;
	_ =	sdelay $0x2  }
0xa6: {  	s20 =	spop (v2sf);
	[tilespmem:v4+s15+$0x0] =	vst.idx.msk $0xffff, v19  }
0xa7: {  	s17 =	sand.u32 $0x7F, s20;
	v19 =	vld.idx.msk [tilespmem:v54+s30+$0x0], $0xffff  }
0xa8: {  	v55 =	vor.u32 s17, v0  }
0xa9: {  	(v2sf) =	vpush v18, $0x7;
	_ =	sdelay $0x2  }
0xaa: {  	s21 =	spop (v2sf);
	[tilespmem:v5+s15+$0x0] =	vst.idx.msk $0xffff, v19  }
0xab: {  	s17 =	sand.u32 $0x7F, s21;
	v19 =	vld.idx.msk [tilespmem:v55+s31+$0x0], $0xffff  }
0xac: {  	v56 =	vor.u32 s17, v0  }
0xad: {  	(v2sf) =	vpush v18, $0x8;
	_ =	sdelay $0x2  }
0xae: {  	s22 =	spop (v2sf);
	[tilespmem:v6+s15+$0x0] =	vst.idx.msk $0xffff, v19  }
0xaf: {  	s17 =	sand.u32 $0x7F, s22;
	v19 =	vld.idx.msk [tilespmem:v56+s1+$0x0], $0xffff  }
0xb0: {  	v57 =	vor.u32 s17, v0  }
0xb1: {  	(v2sf) =	vpush v18, $0x9;
	_ =	sdelay $0x2  }
0xb2: {  	s23 =	spop (v2sf);
	[tilespmem:v7+s15+$0x0] =	vst.idx.msk $0xffff, v19  }
0xb3: {  	s17 =	sand.u32 $0x7F, s23;
	v19 =	vld.idx.msk [tilespmem:v57+s2+$0x0], $0xffff  }
0xb4: {  	v58 =	vor.u32 s17, v0  }
0xb5: {  	(v2sf) =	vpush v18, $0xA;
	_ =	sdelay $0x2  }
0xb6: {  	s24 =	spop (v2sf);
	[tilespmem:v8+s15+$0x0] =	vst.idx.msk $0xffff, v19  }
0xb7: {  	s17 =	sand.u32 $0x7F, s24;
	v19 =	vld.idx.msk [tilespmem:v58+s3+$0x0], $0xffff  }
0xb8: {  	v59 =	vor.u32 s17, v0  }
0xb9: {  	(v2sf) =	vpush v18, $0xB;
	_ =	sdelay $0x2  }
0xba: {  	s25 =	spop (v2sf);
	[tilespmem:v9+s15+$0x0] =	vst.idx.msk $0xffff, v19  }
0xbb: {  	s17 =	sand.u32 $0x7F, s25;
	v19 =	vld.idx.msk [tilespmem:v59+s4+$0x0], $0xffff  }
0xbc: {  	v60 =	vor.u32 s17, v0  }
0xbd: {  	(v2sf) =	vpush v18, $0xC;
	_ =	sdelay $0x2  }
0xbe: {  	s26 =	spop (v2sf);
	[tilespmem:v10+s15+$0x0] =	vst.idx.msk $0xffff, v19  }
0xbf: {  	s17 =	sand.u32 $0x7F, s26;
	v19 =	vld.idx.msk [tilespmem:v60+s5+$0x0], $0xffff  }
0xc0: {  	v61 =	vor.u32 s17, v0  }
0xc1: {  	(v2sf) =	vpush v18, $0xD;
	_ =	sdelay $0x2  }
0xc2: {  	s18 =	spop (v2sf);
	[tilespmem:v11+s15+$0x0] =	vst.idx.msk $0xffff, v19  }
0xc3: {  	s17 =	sand.u32 $0x7F, s18;
	v19 =	vld.idx.msk [tilespmem:v61+s6+$0x0], $0xffff  }
0xc4: {  	v62 =	vor.u32 s17, v0  }
0xc5: {  	(v2sf) =	vpush v18, $0xE;
	_ =	sdelay $0x2  }
0xc6: {  	s19 =	spop (v2sf);
	[tilespmem:v12+s15+$0x0] =	vst.idx.msk $0xffff, v19  }
0xc7: {  	s17 =	sand.u32 $0x7F, s19;
	v19 =	vld.idx.msk [tilespmem:v62+s7+$0x0], $0xffff  }
0xc8: {  	v63 =	vor.u32 s17, v0  }
0xc9: {  	(v2sf) =	vpush v18, $0xF;
	_ =	sdelay $0x2  }
0xca: {  	s20 =	spop (v2sf);
	[tilespmem:v13+s15+$0x0] =	vst.idx.msk $0xffff, v19  }
0xcb: {  	s17 =	sand.u32 $0x7F, s20;
	v18 =	vld.idx.msk [tilespmem:v63+s10+$0x0], $0xffff  }
0xcc: {  	v19 =	vor.u32 s17, v0;
	_ =	sdelay $0x3  }
0xcd: {  	s21 =	spop (v2sf);
	[tilespmem:v14+s15+$0x0] =	vst.idx.msk $0xffff, v18  }
0xce: {  	s17 =	sand.u32 $0x7F, s21;
	v18 =	vld.idx.msk [tilespmem:v19+s11+$0x0], $0xffff  }
0xcf: {  	v19 =	vor.u32 s17, v0;
	_ =	sdelay $0x3  }
0xd0: {  	s22 =	spop (v2sf);
	[tilespmem:v15+s15+$0x0] =	vst.idx.msk $0xffff, v18  }
0xd1: {  	s17 =	sand.u32 $0x7F, s22;
	v18 =	vld.idx.msk [tilespmem:v19+s12+$0x0], $0xffff  }
0xd2: {  	v19 =	vor.u32 s17, v0;
	_ =	sdelay $0x3  }
0xd3: {  	[tilespmem:v16+s15+$0x0] =	vst.idx.msk $0xffff, v18  }
0xd4: {  	v18 =	vld.idx.msk [tilespmem:v19+s13+$0x0], $0xffff;
	_ =	sdelay $0x4  }
0xd5: {  	s23 =	rddreg [dreg:$0x5];
	s24 =	simm.s32 $0x1000;
	s19 =	simm.s32 $0x20000;
	[tilespmem:v17+s15+$0x0] =	vst.idx.msk $0xffff, v18  }
0xd6: {  	[hbm4b:s23+s24] =	stream.strided.scatter [tilespmem:s15], [sflag:$0x3], $0x2000, s19, s24, $0x38;
	[tilespmem:$0x12200] =	vst v63  }
0xd7: {  	s19 =	simm.s32 $0x3  }
0xd8: {  	_ =	swait.ge [sflag:s19], $0x2000  }
0xd9: {  	s25 =	rddreg [dreg:$0x7]  }
0xda: {  	s26 =	rddreg [dreg:$0x6];
	s18 =	sadd.s32 $0x1, s25  }
0xdb: {  	p0 =	sne.s32 s18, s26  }
.Ltmp1:
0xdc: {  	_ = 	snop;
	(pc) =	sbr.rel @!p0 .LBB2_7-.Ltmp1, $3  }
0xdd: {  	_ =	sdelay $0x1  }
0xde: {  	[sflag:s19] =	ssyncset.done $0x0  }
0xdf: {  	[sflag:s19] =	ssyncadd.s32 $0xFFFFE000  }
.LBB2_1:
0xe0: {  	[dreg:$0x7] =	wrdreg s18  }
0xe1: {  	s17 =	simm.s32 $0x0;
	s20 =	rddreg [dreg:$0x4]  }
0xe2: {  	[tilespmem:s17], [sflag:$0x3] =	stream.linear.gather [hbm4b:s20+s17], $0x200, $0x38;
	[tilespmem:$0x12200] =	vst v63  }
0xe3: {  	_ =	swait.ge [sflag:s19], $0x200  }
0xe4: {  	[sflag:s19] =	ssyncset.done $0x0  }
0xe5: {  	[sflag:s19] =	ssyncadd.s32 $0xFFFFFE00  }
0xe6: {  	v18 =	vld [tilespmem:$0x0];
	_ =	sdelay $0x4  }
0xe7: {  	(v2sf) =	vpush v18, $0x0  }
0xe8: {  	(v2sf) =	vpush v18, $0x1;
	_ =	sdelay $0x5  }
0xe9: {  	(v2sf) =	vpush v18, $0x2;
	_ =	sdelay $0x1  }
0xea: {  	(v2sf) =	vpush v18, $0x3;
	_ =	sdelay $0x5  }
0xeb: {  	s21 =	spop (v2sf);
	(v2sf) =	vpush v18, $0x4  }
0xec: {  	s23 =	spop (v2sf);
	(v2sf) =	vpush v18, $0x5;
	_ =	sdelay $0x4  }
0xed: {  	s17 =	sand.u32 $0xFFFFF80, s21  }
0xee: {  	s22 =	simm.s32 $0x200;
	s17 =	sadd.s32 s0, s17;
	s25 =	spop (v2sf);
	(v2sf) =	vpush v18, $0x6  }
0xef: {  	[tilespmem:s22], [sflag:$0x1] =	stream.strided.gather [hbm4b:s17+s9], $0x800, s8, s9, $0x38;
	[tilespmem:$0x12200] =	vst v63  }
0xf0: {  	s17 =	sand.u32 $0xFFFFF80, s23;
	s19 =	spop (v2sf);
	(v2sf) =	vpush v18, $0x7  }
0xf1: {  	s24 =	simm.s32 $0xA00;
	s17 =	sadd.s32 s0, s17  }
0xf2: {  	[tilespmem:s24], [sflag:$0x1] =	stream.strided.gather [hbm4b:s17+s9], $0x800, s8, s9, $0x38;
	[tilespmem:$0x12200] =	vst v63  }
0xf3: {  	s17 =	sand.u32 $0xFFFFF80, s25  }
0xf4: {  	s26 =	simm.s32 $0x1200;
	s17 =	sadd.s32 s0, s17  }
0xf5: {  	[tilespmem:s26], [sflag:$0x1] =	stream.strided.gather [hbm4b:s17+s9], $0x800, s8, s9, $0x38;
	[tilespmem:$0x12200] =	vst v63  }
0xf6: {  	s17 =	sand.u32 $0xFFFFF80, s19;
	s21 =	spop (v2sf);
	(v2sf) =	vpush v18, $0x8  }
0xf7: {  	s20 =	simm.s32 $0x1A00;
	s17 =	sadd.s32 s0, s17;
	s23 =	spop (v2sf);
	(v2sf) =	vpush v18, $0x9  }
0xf8: {  	[tilespmem:s20], [sflag:$0x1] =	stream.strided.gather [hbm4b:s17+s9], $0x800, s8, s9, $0x38;
	[tilespmem:$0x12200] =	vst v63  }
0xf9: {  	s17 =	sand.u32 $0xFFFFF80, s21  }
0xfa: {  	s22 =	simm.s32 $0x2200;
	s17 =	sadd.s32 s0, s17  }
0xfb: {  	[tilespmem:s22], [sflag:$0x1] =	stream.strided.gather [hbm4b:s17+s9], $0x800, s8, s9, $0x38;
	[tilespmem:$0x12200] =	vst v63  }
0xfc: {  	(v2sf) =	vpush v18, $0xA;
	s17 =	sand.u32 $0xFFFFF80, s23  }
0xfd: {  	s24 =	simm.s32 $0x2A00;
	s25 =	spop (v2sf);
	s17 =	sadd.s32 s0, s17  }
0xfe: {  	(v2sf) =	vpush v18, $0xB;
	[tilespmem:s24], [sflag:$0x1] =	stream.strided.gather [hbm4b:s17+s9], $0x800, s8, s9, $0x38;
	[tilespmem:$0x12200] =	vst v63  }
0xff: {  	s19 =	spop (v2sf);
	(v2sf) =	vpush v18, $0xC;
	s17 =	sand.u32 $0xFFFFF80, s25  }
0x100: {  	s26 =	simm.s32 $0x3200;
	s17 =	sadd.s32 s0, s17  }
0x101: {  	[tilespmem:s26], [sflag:$0x1] =	stream.strided.gather [hbm4b:s17+s9], $0x800, s8, s9, $0x38;
	[tilespmem:$0x12200] =	vst v63  }
0x102: {  	s17 =	sand.u32 $0xFFFFF80, s19  }
0x103: {  	s20 =	simm.s32 $0x3A00;
	s17 =	sadd.s32 s0, s17  }
0x104: {  	[tilespmem:s20], [sflag:$0x1] =	stream.strided.gather [hbm4b:s17+s9], $0x800, s8, s9, $0x38;
	[tilespmem:$0x12200] =	vst v63  }
0x105: {  	s21 =	spop (v2sf);
	(v2sf) =	vpush v18, $0xD  }
0x106: {  	s23 =	spop (v2sf);
	(v2sf) =	vpush v18, $0xE  }
0x107: {  	s17 =	sand.u32 $0xFFFFF80, s21  }
0x108: {  	s22 =	simm.s32 $0x4200;
	s17 =	sadd.s32 s0, s17  }
0x109: {  	[tilespmem:s22], [sflag:$0x1] =	stream.strided.gather [hbm4b:s17+s9], $0x800, s8, s9, $0x38;
	[tilespmem:$0x12200] =	vst v63  }
0x10a: {  	s17 =	sand.u32 $0xFFFFF80, s23  }
0x10b: {  	s24 =	simm.s32 $0x4A00;
	s25 =	spop (v2sf);
	(v2sf) =	vpush v18, $0xF;
	s17 =	sadd.s32 s0, s17  }
0x10c: {  	[tilespmem:s24], [sflag:$0x1] =	stream.strided.gather [hbm4b:s17+s9], $0x800, s8, s9, $0x38;
	[tilespmem:$0x12200] =	vst v63  }
0x10d: {  	s20 =	simm.s32 $0x5200;
	s26 =	spop (v2sf);
	s17 =	sand.u32 $0xFFFFF80, s25  }
0x10e: {  	s21 =	sand.u32 $0xFFFFF80, s26;
	s22 =	spop (v2sf);
	s17 =	sadd.s32 s0, s17  }
0x10f: {  	[tilespmem:s20], [sflag:$0x1] =	stream.strided.gather [hbm4b:s17+s9], $0x800, s8, s9, $0x38;
	[tilespmem:$0x12200] =	vst v63  }
0x110: {  	s23 =	simm.s32 $0x5A00;
	s24 =	sand.u32 $0xFFFFF80, s22;
	s17 =	sadd.s32 s0, s21  }
0x111: {  	[tilespmem:s23], [sflag:$0x1] =	stream.strided.gather [hbm4b:s17+s9], $0x800, s8, s9, $0x38;
	[tilespmem:$0x12200] =	vst v63  }
0x112: {  	s26 =	simm.s32 $0x6200;
	s17 =	sadd.s32 s0, s24  }
0x113: {  	[tilespmem:s26], [sflag:$0x1] =	stream.strided.gather [hbm4b:s17+s9], $0x800, s8, s9, $0x38;
	[tilespmem:$0x12200] =	vst v63  }
0x114: {  	s25 =	spop (v2sf)  }
0x115: {  	s20 =	sand.u32 $0xFFFFF80, s25;
	s21 =	spop (v2sf)  }
0x116: {  	s22 =	simm.s32 $0x6A00;
	s17 =	sadd.s32 s0, s20;
	s23 =	sand.u32 $0xFFFFF80, s21  }
0x117: {  	[tilespmem:s22], [sflag:$0x1] =	stream.strided.gather [hbm4b:s17+s9], $0x800, s8, s9, $0x38;
	[tilespmem:$0x12200] =	vst v63  }
0x118: {  	s24 =	simm.s32 $0x7200;
	s17 =	sadd.s32 s0, s23  }
0x119: {  	[tilespmem:s24], [sflag:$0x1] =	stream.strided.gather [hbm4b:s17+s9], $0x800, s8, s9, $0x38;
	[tilespmem:$0x12200] =	vst v63  }
.Ltmp2:
0x11a: {  	s25 =	spop (v2sf);
	(pc) =	sbr.rel .LBB2_2-.Ltmp2, $4  }
0x11b: {  	s17 =	sand.u32 $0xFFFFF80, s25  }
0x11c: {  	s26 =	simm.s32 $0x7A00;
	s17 =	sadd.s32 s0, s17  }
0x11d: {  	[tilespmem:s26], [sflag:$0x1] =	stream.strided.gather [hbm4b:s17+s9], $0x800, s8, s9, $0x38;
	[tilespmem:$0x12200] =	vst v63  }
0x11e: {  	s18 =	simm.s32 $0x0;
	s19 =	simm.s32 $0x1;
	s17 =	simm.s32 $0xF  }
.LBB2_4:
0x11f: {  	(v2sf) =	vpush v18, $0x6;
	_ =	sdelay $0x1  }
0x120: {  	(v2sf) =	vpush v18, $0x7;
	_ =	sdelay $0x2  }
0x121: {  	s26 =	simm.s32 $0x8200  }
0x122: {  	[tilespmem:s26], [sflag:$0x2] =	stream.strided.gather [hbm4b:s25+s9], $0x800, s8, s9, $0x38;
	(v2sf) =	vpush v18, $0x8;
	[tilespmem:$0x12200] =	vst v63  }
0x123: {  	_ = 	snop  }
0x124: {  	[tilespmem:s28], [sflag:$0x2] =	stream.strided.gather [hbm4b:s23+s9], $0x800, s8, s9, $0x38;
	[tilespmem:$0x12200] =	vst v63  }
0x125: {  	(v2sf) =	vpush v18, $0x9  }
0x126: {  	[tilespmem:s29], [sflag:$0x2] =	stream.strided.gather [hbm4b:s21+s9], $0x800, s8, s9, $0x38;
	[tilespmem:$0x12200] =	vst v63  }
0x127: {  	_ = 	snop  }
0x128: {  	[tilespmem:s30], [sflag:$0x2] =	stream.strided.gather [hbm4b:s24+s9], $0x800, s8, s9, $0x38;
	[tilespmem:$0x12200] =	vst v63  }
0x129: {  	_ = 	snop  }
0x12a: {  	[tilespmem:s31], [sflag:$0x2] =	stream.strided.gather [hbm4b:s22+s9], $0x800, s8, s9, $0x38;
	[tilespmem:$0x12200] =	vst v63  }
0x12b: {  	s22 =	spop (v2sf);
	(v2sf) =	vpush v18, $0xA;
	_ =	sdelay $0x1  }
0x12c: {  	s23 =	spop (v2sf);
	(v2sf) =	vpush v18, $0xB;
	_ =	sdelay $0x1  }
0x12d: {  	[tilespmem:s1], [sflag:$0x2] =	stream.strided.gather [hbm4b:s20+s9], $0x800, s8, s9, $0x38;
	[tilespmem:$0x12200] =	vst v63  }
0x12e: {  	s20 =	sand.u32 $0xFFFFF80, s22  }
0x12f: {  	s20 =	sadd.s32 s0, s20;
	s24 =	spop (v2sf)  }
0x130: {  	(v2sf) =	vpush v18, $0xC;
	[tilespmem:s2], [sflag:$0x2] =	stream.strided.gather [hbm4b:s20+s9], $0x800, s8, s9, $0x38;
	[tilespmem:$0x12200] =	vst v63  }
0x131: {  	s20 =	sand.u32 $0xFFFFF80, s23  }
0x132: {  	s25 =	spop (v2sf);
	s20 =	sadd.s32 s0, s20  }
0x133: {  	(v2sf) =	vpush v18, $0xD;
	[tilespmem:s3], [sflag:$0x2] =	stream.strided.gather [hbm4b:s20+s9], $0x800, s8, s9, $0x38;
	[tilespmem:$0x12200] =	vst v63  }
0x134: {  	s20 =	sand.u32 $0xFFFFF80, s24  }
0x135: {  	s20 =	sadd.s32 s0, s20  }
0x136: {  	[tilespmem:s4], [sflag:$0x2] =	stream.strided.gather [hbm4b:s20+s9], $0x800, s8, s9, $0x38;
	[tilespmem:$0x12200] =	vst v63  }
0x137: {  	s20 =	sand.u32 $0xFFFFF80, s25  }
0x138: {  	s20 =	sadd.s32 s0, s20;
	s26 =	spop (v2sf);
	(v2sf) =	vpush v18, $0xE  }
0x139: {  	[tilespmem:s5], [sflag:$0x2] =	stream.strided.gather [hbm4b:s20+s9], $0x800, s8, s9, $0x38;
	[tilespmem:$0x12200] =	vst v63  }
0x13a: {  	s21 =	spop (v2sf);
	(v2sf) =	vpush v18, $0xF  }
0x13b: {  	s20 =	sand.u32 $0xFFFFF80, s26  }
0x13c: {  	s20 =	sadd.s32 s0, s20  }
0x13d: {  	[tilespmem:s6], [sflag:$0x2] =	stream.strided.gather [hbm4b:s20+s9], $0x800, s8, s9, $0x38;
	[tilespmem:$0x12200] =	vst v63  }
0x13e: {  	s20 =	sand.u32 $0xFFFFF80, s21  }
0x13f: {  	s22 =	spop (v2sf);
	s20 =	sadd.s32 s0, s20  }
0x140: {  	[tilespmem:s7], [sflag:$0x2] =	stream.strided.gather [hbm4b:s20+s9], $0x800, s8, s9, $0x38;
	[tilespmem:$0x12200] =	vst v63  }
0x141: {  	s20 =	sand.u32 $0xFFFFF80, s22  }
0x142: {  	s23 =	spop (v2sf);
	s20 =	sadd.s32 s0, s20  }
0x143: {  	[tilespmem:s10], [sflag:$0x2] =	stream.strided.gather [hbm4b:s20+s9], $0x800, s8, s9, $0x38;
	[tilespmem:$0x12200] =	vst v63  }
0x144: {  	s20 =	sand.u32 $0xFFFFF80, s23  }
0x145: {  	s20 =	sadd.s32 s0, s20  }
0x146: {  	[tilespmem:s11], [sflag:$0x2] =	stream.strided.gather [hbm4b:s20+s9], $0x800, s8, s9, $0x38;
	[tilespmem:$0x12200] =	vst v63  }
0x147: {  	s24 =	spop (v2sf)  }
0x148: {  	s20 =	sand.u32 $0xFFFFF80, s24  }
0x149: {  	s25 =	spop (v2sf);
	s20 =	sadd.s32 s0, s20  }
0x14a: {  	[tilespmem:s12], [sflag:$0x2] =	stream.strided.gather [hbm4b:s20+s9], $0x800, s8, s9, $0x38;
	[tilespmem:$0x12200] =	vst v63  }
0x14b: {  	s20 =	sand.u32 $0xFFFFF80, s25  }
0x14c: {  	s20 =	sadd.s32 s0, s20  }
0x14d: {  	[tilespmem:s13], [sflag:$0x2] =	stream.strided.gather [hbm4b:s20+s9], $0x800, s8, s9, $0x38;
	[tilespmem:$0x12200] =	vst v63  }
0x14e: {  	_ =	swait.ge [sflag:s14], $0x800  }
0x14f: {  	[sflag:s14] =	ssyncset.done $0x0  }
0x150: {  	[sflag:s14] =	ssyncadd.s32 $0xFFFFF800  }
0x151: {  	_ =	swait.ge [sflag:s14], $0x800  }
0x152: {  	[sflag:s14] =	ssyncset.done $0x0  }
0x153: {  	[sflag:s14] =	ssyncadd.s32 $0xFFFFF800  }
0x154: {  	_ =	swait.ge [sflag:s14], $0x800  }
0x155: {  	[sflag:s14] =	ssyncset.done $0x0  }
0x156: {  	[sflag:s14] =	ssyncadd.s32 $0xFFFFF800  }
0x157: {  	_ =	swait.ge [sflag:s14], $0x800  }
0x158: {  	[sflag:s14] =	ssyncset.done $0x0  }
0x159: {  	[sflag:s14] =	ssyncadd.s32 $0xFFFFF800  }
0x15a: {  	_ =	swait.ge [sflag:s14], $0x800  }
0x15b: {  	[sflag:s14] =	ssyncset.done $0x0  }
0x15c: {  	[sflag:s14] =	ssyncadd.s32 $0xFFFFF800  }
0x15d: {  	_ =	swait.ge [sflag:s14], $0x800  }
0x15e: {  	[sflag:s14] =	ssyncset.done $0x0  }
0x15f: {  	[sflag:s14] =	ssyncadd.s32 $0xFFFFF800  }
0x160: {  	_ =	swait.ge [sflag:s14], $0x800  }
0x161: {  	[sflag:s14] =	ssyncset.done $0x0  }
0x162: {  	[sflag:s14] =	ssyncadd.s32 $0xFFFFF800  }
0x163: {  	_ =	swait.ge [sflag:s14], $0x800  }
0x164: {  	[sflag:s14] =	ssyncset.done $0x0  }
0x165: {  	[sflag:s14] =	ssyncadd.s32 $0xFFFFF800  }
0x166: {  	_ =	swait.ge [sflag:s14], $0x800  }
0x167: {  	[sflag:s14] =	ssyncset.done $0x0  }
0x168: {  	[sflag:s14] =	ssyncadd.s32 $0xFFFFF800  }
0x169: {  	_ =	swait.ge [sflag:s14], $0x800  }
0x16a: {  	[sflag:s14] =	ssyncset.done $0x0  }
0x16b: {  	[sflag:s14] =	ssyncadd.s32 $0xFFFFF800  }
0x16c: {  	_ =	swait.ge [sflag:s14], $0x800  }
0x16d: {  	[sflag:s14] =	ssyncset.done $0x0  }
0x16e: {  	[sflag:s14] =	ssyncadd.s32 $0xFFFFF800  }
0x16f: {  	_ =	swait.ge [sflag:s14], $0x800  }
0x170: {  	[sflag:s14] =	ssyncset.done $0x0  }
0x171: {  	[sflag:s14] =	ssyncadd.s32 $0xFFFFF800  }
0x172: {  	_ =	swait.ge [sflag:s14], $0x800  }
0x173: {  	[sflag:s14] =	ssyncset.done $0x0  }
0x174: {  	[sflag:s14] =	ssyncadd.s32 $0xFFFFF800  }
0x175: {  	_ =	swait.ge [sflag:s14], $0x800  }
0x176: {  	[sflag:s14] =	ssyncset.done $0x0  }
0x177: {  	[sflag:s14] =	ssyncadd.s32 $0xFFFFF800  }
0x178: {  	_ =	swait.ge [sflag:s14], $0x800  }
0x179: {  	[sflag:s14] =	ssyncset.done $0x0  }
0x17a: {  	[sflag:s14] =	ssyncadd.s32 $0xFFFFF800  }
0x17b: {  	_ =	swait.ge [sflag:s14], $0x800  }
0x17c: {  	[sflag:s14] =	ssyncset.done $0x0  }
0x17d: {  	[sflag:s14] =	ssyncadd.s32 $0xFFFFF800  }
0x17e: {  	v18 =	vld [tilespmem:s18+$0x0];
	_ =	sdelay $0x4  }
0x17f: {  	(v2sf) =	vpush v18, $0x0;
	_ =	sdelay $0x5  }
0x180: {  	(v2sf) =	vpush v18, $0x1;
	_ =	sdelay $0x5  }
0x181: {  	(v2sf) =	vpush v18, $0x2;
	_ =	sdelay $0x2  }
0x182: {  	s26 =	spop (v2sf)  }
0x183: {  	s20 =	sand.u32 $0x7F, s26  }
0x184: {  	s21 =	sadd.s32 $0xFFFFFFF1, s17;
	v19 =	vor.u32 s20, v0  }
0x185: {  	v20 =	vmov s21;
	(v2sf) =	vpush v18, $0x3  }
0x186: {  	v21 =	vshll.u32 v20, $0x3  }
0x187: {  	v20 =	vand.u32 $0x60, v20;
	v21 =	vand.u32 $0xC00, v21  }
0x188: {  	v20 =	vor.u32 v21, v20;
	s23 =	simm.s32 $0x200;
	s22 =	spop (v2sf)  }
0x189: {  	v20 =	vor.u32 v1, v20;
	s20 =	sand.u32 $0x7F, s22;
	v19 =	vld.idx.msk [tilespmem:v19+s23+$0x0], $0xffff  }
0x18a: {  	s24 =	sadd.s32 $0xFFFFFFF2, s17;
	v62 =	vor.u32 s20, v0  }
0x18b: {  	v22 =	vmov s24;
	(v2sf) =	vpush v18, $0x4  }
0x18c: {  	v23 =	vshll.u32 v22, $0x3  }
0x18d: {  	v22 =	vand.u32 $0x61, v22;
	v23 =	vand.u32 $0xC00, v23  }
0x18e: {  	s26 =	simm.s32 $0xA00;
	s25 =	spop (v2sf);
	[tilespmem:v20+s15+$0x0] =	vst.idx.msk $0xffff, v19;
	v19 =	vor.u32 v23, v22  }
0x18f: {  	s20 =	sand.u32 $0x7F, s25;
	v20 =	vld.idx.msk [tilespmem:v62+s26+$0x0], $0xffff;
	v19 =	vor.u32 v1, v19  }
0x190: {  	s21 =	sadd.s32 $0xFFFFFFF3, s17;
	v63 =	vor.u32 s20, v0  }
0x191: {  	v24 =	vmov s21;
	(v2sf) =	vpush v18, $0x5  }
0x192: {  	v25 =	vshll.u32 v24, $0x3  }
0x193: {  	v22 =	vand.u32 $0x62, v24;
	v23 =	vand.u32 $0xC00, v25  }
0x194: {  	s23 =	simm.s32 $0x1200;
	s22 =	spop (v2sf);
	[tilespmem:v19+s15+$0x0] =	vst.idx.msk $0xffff, v20;
	v19 =	vor.u32 v23, v22  }
0x195: {  	s20 =	sand.u32 $0x7F, s22;
	v20 =	vld.idx.msk [tilespmem:v63+s23+$0x0], $0xffff;
	v19 =	vor.u32 v1, v19  }
0x196: {  	s24 =	sadd.s32 $0xFFFFFFF4, s17;
	v26 =	vor.u32 s20, v0  }
0x197: {  	v27 =	vmov s24;
	(v2sf) =	vpush v18, $0x6  }
0x198: {  	v28 =	vshll.u32 v27, $0x3  }
0x199: {  	v22 =	vand.u32 $0x63, v27;
	v23 =	vand.u32 $0xC00, v28  }
0x19a: {  	s26 =	simm.s32 $0x1A00;
	s25 =	spop (v2sf);
	[tilespmem:v19+s15+$0x0] =	vst.idx.msk $0xffff, v20;
	v19 =	vor.u32 v23, v22  }
0x19b: {  	s20 =	sand.u32 $0x7F, s25;
	v20 =	vld.idx.msk [tilespmem:v26+s26+$0x0], $0xffff;
	v19 =	vor.u32 v1, v19  }
0x19c: {  	s21 =	sadd.s32 $0xFFFFFFF5, s17;
	v29 =	vor.u32 s20, v0  }
0x19d: {  	v30 =	vmov s21;
	(v2sf) =	vpush v18, $0x7  }
0x19e: {  	v31 =	vshll.u32 v30, $0x3  }
0x19f: {  	v22 =	vand.u32 $0x64, v30;
	v23 =	vand.u32 $0xC00, v31  }
0x1a0: {  	s22 =	spop (v2sf);
	s23 =	simm.s32 $0x2200;
	[tilespmem:v19+s15+$0x0] =	vst.idx.msk $0xffff, v20;
	v19 =	vor.u32 v23, v22  }
0x1a1: {  	s20 =	sand.u32 $0x7F, s22;
	v20 =	vld.idx.msk [tilespmem:v29+s23+$0x0], $0xffff;
	v19 =	vor.u32 v1, v19  }
0x1a2: {  	s24 =	sadd.s32 $0xFFFFFFF6, s17;
	v32 =	vor.u32 s20, v0  }
0x1a3: {  	v33 =	vmov s24;
	(v2sf) =	vpush v18, $0x8  }
0x1a4: {  	v34 =	vshll.u32 v33, $0x3  }
0x1a5: {  	v22 =	vand.u32 $0x65, v33;
	v23 =	vand.u32 $0xC00, v34  }
0x1a6: {  	s26 =	simm.s32 $0x2A00;
	s25 =	spop (v2sf);
	[tilespmem:v19+s15+$0x0] =	vst.idx.msk $0xffff, v20;
	v19 =	vor.u32 v23, v22  }
0x1a7: {  	s20 =	sand.u32 $0x7F, s25;
	v20 =	vld.idx.msk [tilespmem:v32+s26+$0x0], $0xffff;
	v19 =	vor.u32 v1, v19  }
0x1a8: {  	s21 =	sadd.s32 $0xFFFFFFF7, s17;
	v35 =	vor.u32 s20, v0  }
0x1a9: {  	v36 =	vmov s21;
	(v2sf) =	vpush v18, $0x9  }
0x1aa: {  	v37 =	vshll.u32 v36, $0x3  }
0x1ab: {  	v22 =	vand.u32 $0x66, v36;
	v23 =	vand.u32 $0xC00, v37  }
0x1ac: {  	s22 =	spop (v2sf);
	s23 =	simm.s32 $0x3200;
	[tilespmem:v19+s15+$0x0] =	vst.idx.msk $0xffff, v20;
	v19 =	vor.u32 v23, v22  }
0x1ad: {  	s20 =	sand.u32 $0x7F, s22;
	v20 =	vld.idx.msk [tilespmem:v35+s23+$0x0], $0xffff;
	v19 =	vor.u32 v1, v19  }
0x1ae: {  	s24 =	sadd.s32 $0xFFFFFFF8, s17;
	v38 =	vor.u32 s20, v0  }
0x1af: {  	v39 =	vmov s24;
	(v2sf) =	vpush v18, $0xA  }
0x1b0: {  	v40 =	vshll.u32 v39, $0x3  }
0x1b1: {  	v22 =	vand.u32 $0x67, v39;
	v23 =	vand.u32 $0xC00, v40  }
0x1b2: {  	s25 =	spop (v2sf);
	s26 =	simm.s32 $0x3A00;
	[tilespmem:v19+s15+$0x0] =	vst.idx.msk $0xffff, v20;
	v19 =	vor.u32 v23, v22  }
0x1b3: {  	s20 =	sand.u32 $0x7F, s25;
	v20 =	vld.idx.msk [tilespmem:v38+s26+$0x0], $0xffff;
	v19 =	vor.u32 v1, v19  }
0x1b4: {  	s21 =	sadd.s32 $0xFFFFFFF9, s17;
	v41 =	vor.u32 s20, v0  }
0x1b5: {  	v42 =	vmov s21;
	(v2sf) =	vpush v18, $0xB  }
0x1b6: {  	v43 =	vshll.u32 v42, $0x3  }
0x1b7: {  	v22 =	vand.u32 $0x68, v42;
	v23 =	vand.u32 $0xC00, v43  }
0x1b8: {  	s23 =	simm.s32 $0x4200;
	s22 =	spop (v2sf);
	[tilespmem:v19+s15+$0x0] =	vst.idx.msk $0xffff, v20;
	v19 =	vor.u32 v23, v22  }
0x1b9: {  	s20 =	sand.u32 $0x7F, s22;
	v20 =	vld.idx.msk [tilespmem:v41+s23+$0x0], $0xffff;
	v19 =	vor.u32 v1, v19  }
0x1ba: {  	s24 =	sadd.s32 $0xFFFFFFFA, s17;
	v44 =	vor.u32 s20, v0  }
0x1bb: {  	v45 =	vmov s24;
	(v2sf) =	vpush v18, $0xC  }
0x1bc: {  	v46 =	vshll.u32 v45, $0x3  }
0x1bd: {  	v22 =	vand.u32 $0x69, v45;
	v23 =	vand.u32 $0xC00, v46  }
0x1be: {  	s25 =	spop (v2sf);
	s26 =	simm.s32 $0x4A00;
	[tilespmem:v19+s15+$0x0] =	vst.idx.msk $0xffff, v20;
	v19 =	vor.u32 v23, v22  }
0x1bf: {  	s20 =	sand.u32 $0x7F, s25;
	v20 =	vld.idx.msk [tilespmem:v44+s26+$0x0], $0xffff;
	v19 =	vor.u32 v1, v19  }
0x1c0: {  	s21 =	sadd.s32 $0xFFFFFFFB, s17;
	v47 =	vor.u32 s20, v0  }
0x1c1: {  	v48 =	vmov s21;
	(v2sf) =	vpush v18, $0xD  }
0x1c2: {  	v49 =	vshll.u32 v48, $0x3  }
0x1c3: {  	v22 =	vand.u32 $0x6A, v48;
	v23 =	vand.u32 $0xC00, v49  }
0x1c4: {  	s22 =	spop (v2sf);
	s23 =	simm.s32 $0x5200;
	[tilespmem:v19+s15+$0x0] =	vst.idx.msk $0xffff, v20;
	v19 =	vor.u32 v23, v22  }
0x1c5: {  	s20 =	sand.u32 $0x7F, s22;
	v20 =	vld.idx.msk [tilespmem:v47+s23+$0x0], $0xffff;
	v19 =	vor.u32 v1, v19  }
0x1c6: {  	s24 =	sadd.s32 $0xFFFFFFFC, s17;
	v50 =	vor.u32 s20, v0  }
0x1c7: {  	v51 =	vmov s24;
	(v2sf) =	vpush v18, $0xE  }
0x1c8: {  	v52 =	vshll.u32 v51, $0x3  }
0x1c9: {  	v22 =	vand.u32 $0x6B, v51;
	v23 =	vand.u32 $0xC00, v52  }
0x1ca: {  	s25 =	spop (v2sf);
	s26 =	simm.s32 $0x5A00;
	[tilespmem:v19+s15+$0x0] =	vst.idx.msk $0xffff, v20;
	v19 =	vor.u32 v23, v22  }
0x1cb: {  	s20 =	sand.u32 $0x7F, s25;
	v20 =	vld.idx.msk [tilespmem:v50+s26+$0x0], $0xffff;
	v19 =	vor.u32 v1, v19  }
0x1cc: {  	s22 =	sadd.s32 $0xFFFFFFFD, s17;
	v53 =	vor.u32 s20, v0  }
0x1cd: {  	v54 =	vmov s22;
	(v2sf) =	vpush v18, $0xF  }
0x1ce: {  	v18 =	vshll.u32 v54, $0x3  }
0x1cf: {  	v18 =	vand.u32 $0xC00, v18;
	v22 =	vand.u32 $0x6C, v54  }
0x1d0: {  	s24 =	simm.s32 $0x6200;
	s23 =	spop (v2sf);
	v18 =	vor.u32 v18, v22;
	[tilespmem:v19+s15+$0x0] =	vst.idx.msk $0xffff, v20  }
0x1d1: {  	s20 =	sand.u32 $0x7F, s23;
	v18 =	vor.u32 v1, v18;
	v19 =	vld.idx.msk [tilespmem:v53+s24+$0x0], $0xffff  }
0x1d2: {  	s25 =	sadd.s32 $0xFFFFFFFE, s17;
	v55 =	vor.u32 s20, v0  }
0x1d3: {  	v56 =	vmov s25  }
0x1d4: {  	v57 =	vshll.u32 v56, $0x3  }
0x1d5: {  	v21 =	vand.u32 $0x6D, v56;
	v22 =	vand.u32 $0xC00, v57  }
0x1d6: {  	s22 =	simm.s32 $0x6A00;
	s26 =	spop (v2sf);
	[tilespmem:v18+s15+$0x0] =	vst.idx.msk $0xffff, v19;
	v18 =	vor.u32 v22, v21  }
0x1d7: {  	s20 =	sand.u32 $0x7F, s26;
	v19 =	vld.idx.msk [tilespmem:v55+s22+$0x0], $0xffff;
	v18 =	vor.u32 v1, v18  }
0x1d8: {  	s23 =	sadd.s32 $0xFFFFFFFF, s17;
	v58 =	vor.u32 s20, v0  }
0x1d9: {  	v59 =	vmov s23  }
0x1da: {  	v60 =	vshll.u32 v59, $0x3  }
0x1db: {  	v21 =	vand.u32 $0x6E, v59;
	v22 =	vand.u32 $0xC00, v60  }
0x1dc: {  	s25 =	simm.s32 $0x7200;
	s24 =	spop (v2sf);
	[tilespmem:v18+s15+$0x0] =	vst.idx.msk $0xffff, v19;
	v18 =	vor.u32 v22, v21  }
0x1dd: {  	s20 =	sand.u32 $0x7F, s24;
	v19 =	vld.idx.msk [tilespmem:v58+s25+$0x0], $0xffff;
	v18 =	vor.u32 v1, v18  }
0x1de: {  	v61 =	vor.u32 s20, v0  }
0x1df: {  	v62 =	vmov s17  }
0x1e0: {  	v63 =	vshll.u32 v62, $0x3  }
0x1e1: {  	v21 =	vand.u32 $0x6F, v62;
	v22 =	vand.u32 $0xC00, v63  }
0x1e2: {  	s26 =	simm.s32 $0x7A00;
	[tilespmem:v18+s15+$0x0] =	vst.idx.msk $0xffff, v19;
	v18 =	vor.u32 v22, v21  }
0x1e3: {  	v19 =	vld.idx.msk [tilespmem:v61+s26+$0x0], $0xffff;
	v18 =	vor.u32 v1, v18;
	_ =	sdelay $0x4  }
0x1e4: {  	[tilespmem:v18+s15+$0x0] =	vst.idx.msk $0xffff, v19  }
.LBB2_5:
0x1e5: {  	s17 =	sadd.s32 $0x10, s17  }
0x1e6: {  	p0 =	sne.s32 s17, $0x1FF  }
.Ltmp3:
0x1e7: {  	_ = 	snop;
	(pc) =	sbr.rel @!p0 .LBB2_6-.Ltmp3, $2  }
0x1e8: {  	_ =	sdelay $0x2  }
0x1e9: {  	s19 =	sadd.s32 $0x1, s19;
	s18 =	sadd.s32 $0x10, s18  }
.LBB2_2:
0x1ea: {  	v18 =	vld [tilespmem:s18+$0x10];
	_ =	sdelay $0x4  }
0x1eb: {  	(v2sf) =	vpush v18, $0x0  }
0x1ec: {  	(v2sf) =	vpush v18, $0x1  }
0x1ed: {  	(v2sf) =	vpush v18, $0x2  }
0x1ee: {  	(v2sf) =	vpush v18, $0x3  }
0x1ef: {  	(v2sf) =	vpush v18, $0x4  }
0x1f0: {  	(v2sf) =	vpush v18, $0x5;
	_ =	sdelay $0x9  }
0x1f1: {  	s20 =	spop (v2sf)  }
0x1f2: {  	s23 =	sand.u32 $0x1, s19;
	s21 =	spop (v2sf)  }
0x1f3: {  	p0 =	seq.s32 s23, $0x1;
	s20 =	sand.u32 $0xFFFFF80, s20;
	s22 =	spop (v2sf)  }
.Ltmp4:
0x1f4: {  	s25 =	sadd.s32 s0, s20;
	s24 =	spop (v2sf);
	(pc) =	sbr.rel @p0 .LBB2_4-.Ltmp4, $4  }
0x1f5: {  	s21 =	sand.u32 $0xFFFFF80, s21;
	s22 =	sand.u32 $0xFFFFF80, s22;
	s26 =	spop (v2sf)  }
0x1f6: {  	s23 =	sadd.s32 s0, s21;
	s21 =	sadd.s32 s0, s22;
	s22 =	spop (v2sf)  }
0x1f7: {  	s24 =	sand.u32 $0xFFFFF80, s24;
	s26 =	sand.u32 $0xFFFFF80, s26;
	s20 =	sand.u32 $0xFFFFF80, s22  }
0x1f8: {  	s24 =	sadd.s32 s0, s24;
	s22 =	sadd.s32 s0, s26;
	s20 =	sadd.s32 s0, s20  }
0x1f9: {  	(v2sf) =	vpush v18, $0x6;
	_ =	sdelay $0x1  }
0x1fa: {  	(v2sf) =	vpush v18, $0x7;
	_ =	sdelay $0x3  }
0x1fb: {  	(v2sf) =	vpush v18, $0x8  }
0x1fc: {  	s26 =	simm.s32 $0x200  }
0x1fd: {  	[tilespmem:s26], [sflag:$0x1] =	stream.strided.gather [hbm4b:s25+s9], $0x800, s8, s9, $0x38;
	[tilespmem:$0x12200] =	vst v63  }
0x1fe: {  	s26 =	simm.s32 $0xA00;
	(v2sf) =	vpush v18, $0x9  }
0x1ff: {  	[tilespmem:s26], [sflag:$0x1] =	stream.strided.gather [hbm4b:s23+s9], $0x800, s8, s9, $0x38;
	[tilespmem:$0x12200] =	vst v63  }
0x200: {  	s26 =	simm.s32 $0x1200  }
0x201: {  	[tilespmem:s26], [sflag:$0x1] =	stream.strided.gather [hbm4b:s21+s9], $0x800, s8, s9, $0x38;
	[tilespmem:$0x12200] =	vst v63  }
0x202: {  	s23 =	simm.s32 $0x1A00  }
0x203: {  	[tilespmem:s23], [sflag:$0x1] =	stream.strided.gather [hbm4b:s24+s9], $0x800, s8, s9, $0x38;
	[tilespmem:$0x12200] =	vst v63  }
0x204: {  	s25 =	simm.s32 $0x2200;
	s21 =	spop (v2sf);
	(v2sf) =	vpush v18, $0xA  }
0x205: {  	[tilespmem:s25], [sflag:$0x1] =	stream.strided.gather [hbm4b:s22+s9], $0x800, s8, s9, $0x38;
	[tilespmem:$0x12200] =	vst v63  }
0x206: {  	s23 =	spop (v2sf);
	(v2sf) =	vpush v18, $0xB  }
0x207: {  	s26 =	simm.s32 $0x2A00  }
0x208: {  	[tilespmem:s26], [sflag:$0x1] =	stream.strided.gather [hbm4b:s20+s9], $0x800, s8, s9, $0x38;
	[tilespmem:$0x12200] =	vst v63  }
0x209: {  	s20 =	sand.u32 $0xFFFFF80, s21  }
0x20a: {  	s22 =	simm.s32 $0x3200;
	s20 =	sadd.s32 s0, s20;
	s25 =	spop (v2sf)  }
0x20b: {  	(v2sf) =	vpush v18, $0xC;
	[tilespmem:s22], [sflag:$0x1] =	stream.strided.gather [hbm4b:s20+s9], $0x800, s8, s9, $0x38;
	[tilespmem:$0x12200] =	vst v63  }
0x20c: {  	s20 =	sand.u32 $0xFFFFF80, s23  }
0x20d: {  	s24 =	simm.s32 $0x3A00;
	s21 =	spop (v2sf);
	s20 =	sadd.s32 s0, s20  }
0x20e: {  	(v2sf) =	vpush v18, $0xD;
	[tilespmem:s24], [sflag:$0x1] =	stream.strided.gather [hbm4b:s20+s9], $0x800, s8, s9, $0x38;
	[tilespmem:$0x12200] =	vst v63  }
0x20f: {  	s20 =	sand.u32 $0xFFFFF80, s25  }
0x210: {  	s26 =	simm.s32 $0x4200;
	s20 =	sadd.s32 s0, s20  }
0x211: {  	[tilespmem:s26], [sflag:$0x1] =	stream.strided.gather [hbm4b:s20+s9], $0x800, s8, s9, $0x38;
	[tilespmem:$0x12200] =	vst v63  }
0x212: {  	s20 =	sand.u32 $0xFFFFF80, s21  }
0x213: {  	s22 =	simm.s32 $0x4A00;
	s20 =	sadd.s32 s0, s20;
	s23 =	spop (v2sf);
	(v2sf) =	vpush v18, $0xE  }
0x214: {  	[tilespmem:s22], [sflag:$0x1] =	stream.strided.gather [hbm4b:s20+s9], $0x800, s8, s9, $0x38;
	[tilespmem:$0x12200] =	vst v63  }
0x215: {  	s25 =	spop (v2sf);
	(v2sf) =	vpush v18, $0xF  }
0x216: {  	s20 =	sand.u32 $0xFFFFF80, s23  }
0x217: {  	s24 =	simm.s32 $0x5200;
	s20 =	sadd.s32 s0, s20  }
0x218: {  	[tilespmem:s24], [sflag:$0x1] =	stream.strided.gather [hbm4b:s20+s9], $0x800, s8, s9, $0x38;
	[tilespmem:$0x12200] =	vst v63  }
0x219: {  	s20 =	sand.u32 $0xFFFFF80, s25  }
0x21a: {  	s26 =	simm.s32 $0x5A00;
	s21 =	spop (v2sf);
	s20 =	sadd.s32 s0, s20  }
0x21b: {  	[tilespmem:s26], [sflag:$0x1] =	stream.strided.gather [hbm4b:s20+s9], $0x800, s8, s9, $0x38;
	[tilespmem:$0x12200] =	vst v63  }
0x21c: {  	s20 =	sand.u32 $0xFFFFF80, s21  }
0x21d: {  	s22 =	simm.s32 $0x6200;
	s23 =	spop (v2sf);
	s20 =	sadd.s32 s0, s20  }
0x21e: {  	[tilespmem:s22], [sflag:$0x1] =	stream.strided.gather [hbm4b:s20+s9], $0x800, s8, s9, $0x38;
	[tilespmem:$0x12200] =	vst v63  }
0x21f: {  	s20 =	sand.u32 $0xFFFFF80, s23  }
0x220: {  	s24 =	simm.s32 $0x6A00;
	s20 =	sadd.s32 s0, s20  }
0x221: {  	[tilespmem:s24], [sflag:$0x1] =	stream.strided.gather [hbm4b:s20+s9], $0x800, s8, s9, $0x38;
	[tilespmem:$0x12200] =	vst v63  }
0x222: {  	s25 =	spop (v2sf)  }
0x223: {  	s20 =	sand.u32 $0xFFFFF80, s25  }
0x224: {  	s26 =	simm.s32 $0x7200;
	s22 =	spop (v2sf);
	s20 =	sadd.s32 s0, s20  }
0x225: {  	[tilespmem:s26], [sflag:$0x1] =	stream.strided.gather [hbm4b:s20+s9], $0x800, s8, s9, $0x38;
	[tilespmem:$0x12200] =	vst v63  }
0x226: {  	s20 =	sand.u32 $0xFFFFF80, s22  }
0x227: {  	s23 =	simm.s32 $0x7A00;
	s20 =	sadd.s32 s0, s20  }
0x228: {  	[tilespmem:s23], [sflag:$0x1] =	stream.strided.gather [hbm4b:s20+s9], $0x800, s8, s9, $0x38;
	[tilespmem:$0x12200] =	vst v63  }
0x229: {  	_ =	swait.ge [sflag:s16], $0x800  }
0x22a: {  	[sflag:s16] =	ssyncset.done $0x0  }
0x22b: {  	[sflag:s16] =	ssyncadd.s32 $0xFFFFF800  }
0x22c: {  	_ =	swait.ge [sflag:s16], $0x800  }
0x22d: {  	[sflag:s16] =	ssyncset.done $0x0  }
0x22e: {  	[sflag:s16] =	ssyncadd.s32 $0xFFFFF800  }
0x22f: {  	_ =	swait.ge [sflag:s16], $0x800  }
0x230: {  	[sflag:s16] =	ssyncset.done $0x0  }
0x231: {  	[sflag:s16] =	ssyncadd.s32 $0xFFFFF800  }
0x232: {  	_ =	swait.ge [sflag:s16], $0x800  }
0x233: {  	[sflag:s16] =	ssyncset.done $0x0  }
0x234: {  	[sflag:s16] =	ssyncadd.s32 $0xFFFFF800  }
0x235: {  	_ =	swait.ge [sflag:s16], $0x800  }
0x236: {  	[sflag:s16] =	ssyncset.done $0x0  }
0x237: {  	[sflag:s16] =	ssyncadd.s32 $0xFFFFF800  }
0x238: {  	_ =	swait.ge [sflag:s16], $0x800  }
0x239: {  	[sflag:s16] =	ssyncset.done $0x0  }
0x23a: {  	[sflag:s16] =	ssyncadd.s32 $0xFFFFF800  }
0x23b: {  	_ =	swait.ge [sflag:s16], $0x800  }
0x23c: {  	[sflag:s16] =	ssyncset.done $0x0  }
0x23d: {  	[sflag:s16] =	ssyncadd.s32 $0xFFFFF800  }
0x23e: {  	_ =	swait.ge [sflag:s16], $0x800  }
0x23f: {  	[sflag:s16] =	ssyncset.done $0x0  }
0x240: {  	[sflag:s16] =	ssyncadd.s32 $0xFFFFF800  }
0x241: {  	_ =	swait.ge [sflag:s16], $0x800  }
0x242: {  	[sflag:s16] =	ssyncset.done $0x0  }
0x243: {  	[sflag:s16] =	ssyncadd.s32 $0xFFFFF800  }
0x244: {  	_ =	swait.ge [sflag:s16], $0x800  }
0x245: {  	[sflag:s16] =	ssyncset.done $0x0  }
0x246: {  	[sflag:s16] =	ssyncadd.s32 $0xFFFFF800  }
0x247: {  	_ =	swait.ge [sflag:s16], $0x800  }
0x248: {  	[sflag:s16] =	ssyncset.done $0x0  }
0x249: {  	[sflag:s16] =	ssyncadd.s32 $0xFFFFF800  }
0x24a: {  	_ =	swait.ge [sflag:s16], $0x800  }
0x24b: {  	[sflag:s16] =	ssyncset.done $0x0  }
0x24c: {  	[sflag:s16] =	ssyncadd.s32 $0xFFFFF800  }
0x24d: {  	_ =	swait.ge [sflag:s16], $0x800  }
0x24e: {  	[sflag:s16] =	ssyncset.done $0x0  }
0x24f: {  	[sflag:s16] =	ssyncadd.s32 $0xFFFFF800  }
0x250: {  	_ =	swait.ge [sflag:s16], $0x800  }
0x251: {  	[sflag:s16] =	ssyncset.done $0x0  }
0x252: {  	[sflag:s16] =	ssyncadd.s32 $0xFFFFF800  }
0x253: {  	_ =	swait.ge [sflag:s16], $0x800  }
0x254: {  	[sflag:s16] =	ssyncset.done $0x0  }
0x255: {  	[sflag:s16] =	ssyncadd.s32 $0xFFFFF800  }
0x256: {  	_ =	swait.ge [sflag:s16], $0x800  }
0x257: {  	[sflag:s16] =	ssyncset.done $0x0  }
0x258: {  	[sflag:s16] =	ssyncadd.s32 $0xFFFFF800  }
0x259: {  	v18 =	vld [tilespmem:s18+$0x0];
	_ =	sdelay $0x4  }
0x25a: {  	(v2sf) =	vpush v18, $0x0;
	_ =	sdelay $0x5  }
0x25b: {  	(v2sf) =	vpush v18, $0x1;
	_ =	sdelay $0x5  }
0x25c: {  	(v2sf) =	vpush v18, $0x2;
	_ =	sdelay $0x2  }
0x25d: {  	s24 =	spop (v2sf)  }
0x25e: {  	s20 =	sand.u32 $0x7F, s24  }
0x25f: {  	s25 =	sadd.s32 $0xFFFFFFF1, s17;
	v19 =	vor.u32 s20, v0  }
0x260: {  	v20 =	vmov s25;
	(v2sf) =	vpush v18, $0x3  }
0x261: {  	v21 =	vshll.u32 v20, $0x3  }
0x262: {  	v20 =	vand.u32 $0x70, v20;
	v21 =	vand.u32 $0xFFFFFC00, v21  }
0x263: {  	s22 =	simm.s32 $0x8200;
	v20 =	vor.u32 v20, v21;
	s26 =	spop (v2sf)  }
0x264: {  	v20 =	vadd.s32 v1, v20;
	s20 =	sand.u32 $0x7F, s26;
	v19 =	vld.idx.msk [tilespmem:v19+s22+$0x0], $0xffff  }
0x265: {  	s23 =	sadd.s32 $0xFFFFFFF2, s17;
	v62 =	vor.u32 s20, v0  }
0x266: {  	v22 =	vmov s23;
	(v2sf) =	vpush v18, $0x4  }
0x267: {  	v23 =	vshll.u32 v22, $0x3  }
0x268: {  	v22 =	vand.u32 $0x71, v22;
	v23 =	vand.u32 $0xFFFFFC00, v23  }
0x269: {  	s24 =	spop (v2sf);
	[tilespmem:v20+s15+$0x0] =	vst.idx.msk $0xffff, v19;
	v19 =	vor.u32 v22, v23  }
0x26a: {  	s20 =	sand.u32 $0x7F, s24;
	v20 =	vld.idx.msk [tilespmem:v62+s28+$0x0], $0xffff;
	v19 =	vadd.s32 v1, v19  }
0x26b: {  	s25 =	sadd.s32 $0xFFFFFFF3, s17;
	v63 =	vor.u32 s20, v0  }
0x26c: {  	v24 =	vmov s25;
	(v2sf) =	vpush v18, $0x5  }
0x26d: {  	v25 =	vshll.u32 v24, $0x3  }
0x26e: {  	v22 =	vand.u32 $0x72, v24;
	v23 =	vand.u32 $0xFFFFFC00, v25  }
0x26f: {  	s26 =	spop (v2sf);
	[tilespmem:v19+s15+$0x0] =	vst.idx.msk $0xffff, v20;
	v19 =	vor.u32 v22, v23  }
0x270: {  	s20 =	sand.u32 $0x7F, s26;
	v20 =	vld.idx.msk [tilespmem:v63+s29+$0x0], $0xffff;
	v19 =	vadd.s32 v1, v19  }
0x271: {  	s21 =	sadd.s32 $0xFFFFFFF4, s17;
	v26 =	vor.u32 s20, v0  }
0x272: {  	v27 =	vmov s21;
	(v2sf) =	vpush v18, $0x6  }
0x273: {  	v28 =	vshll.u32 v27, $0x3  }
0x274: {  	v22 =	vand.u32 $0x73, v27;
	v23 =	vand.u32 $0xFFFFFC00, v28  }
0x275: {  	s22 =	spop (v2sf);
	[tilespmem:v19+s15+$0x0] =	vst.idx.msk $0xffff, v20;
	v19 =	vor.u32 v22, v23  }
0x276: {  	s20 =	sand.u32 $0x7F, s22;
	v20 =	vld.idx.msk [tilespmem:v26+s30+$0x0], $0xffff;
	v19 =	vadd.s32 v1, v19  }
0x277: {  	s23 =	sadd.s32 $0xFFFFFFF5, s17;
	v29 =	vor.u32 s20, v0  }
0x278: {  	v30 =	vmov s23;
	(v2sf) =	vpush v18, $0x7  }
0x279: {  	v31 =	vshll.u32 v30, $0x3  }
0x27a: {  	v22 =	vand.u32 $0x74, v30;
	v23 =	vand.u32 $0xFFFFFC00, v31  }
0x27b: {  	s24 =	spop (v2sf);
	[tilespmem:v19+s15+$0x0] =	vst.idx.msk $0xffff, v20;
	v19 =	vor.u32 v22, v23  }
0x27c: {  	s20 =	sand.u32 $0x7F, s24;
	v20 =	vld.idx.msk [tilespmem:v29+s31+$0x0], $0xffff;
	v19 =	vadd.s32 v1, v19  }
0x27d: {  	s25 =	sadd.s32 $0xFFFFFFF6, s17;
	v32 =	vor.u32 s20, v0  }
0x27e: {  	v33 =	vmov s25;
	(v2sf) =	vpush v18, $0x8  }
0x27f: {  	v34 =	vshll.u32 v33, $0x3  }
0x280: {  	v22 =	vand.u32 $0x75, v33;
	v23 =	vand.u32 $0xFFFFFC00, v34  }
0x281: {  	s26 =	spop (v2sf);
	[tilespmem:v19+s15+$0x0] =	vst.idx.msk $0xffff, v20;
	v19 =	vor.u32 v22, v23  }
0x282: {  	s20 =	sand.u32 $0x7F, s26;
	v20 =	vld.idx.msk [tilespmem:v32+s1+$0x0], $0xffff;
	v19 =	vadd.s32 v1, v19  }
0x283: {  	s21 =	sadd.s32 $0xFFFFFFF7, s17;
	v35 =	vor.u32 s20, v0  }
0x284: {  	v36 =	vmov s21;
	(v2sf) =	vpush v18, $0x9  }
0x285: {  	v37 =	vshll.u32 v36, $0x3  }
0x286: {  	v22 =	vand.u32 $0x76, v36;
	v23 =	vand.u32 $0xFFFFFC00, v37  }
0x287: {  	s22 =	spop (v2sf);
	[tilespmem:v19+s15+$0x0] =	vst.idx.msk $0xffff, v20;
	v19 =	vor.u32 v22, v23  }
0x288: {  	s20 =	sand.u32 $0x7F, s22;
	v20 =	vld.idx.msk [tilespmem:v35+s2+$0x0], $0xffff;
	v19 =	vadd.s32 v1, v19  }
0x289: {  	s23 =	sadd.s32 $0xFFFFFFF8, s17;
	v38 =	vor.u32 s20, v0  }
0x28a: {  	v39 =	vmov s23;
	(v2sf) =	vpush v18, $0xA  }
0x28b: {  	v40 =	vshll.u32 v39, $0x3  }
0x28c: {  	v22 =	vand.u32 $0x77, v39;
	v23 =	vand.u32 $0xFFFFFC00, v40  }
0x28d: {  	s24 =	spop (v2sf);
	[tilespmem:v19+s15+$0x0] =	vst.idx.msk $0xffff, v20;
	v19 =	vor.u32 v22, v23  }
0x28e: {  	s20 =	sand.u32 $0x7F, s24;
	v20 =	vld.idx.msk [tilespmem:v38+s3+$0x0], $0xffff;
	v19 =	vadd.s32 v1, v19  }
0x28f: {  	s25 =	sadd.s32 $0xFFFFFFF9, s17;
	v41 =	vor.u32 s20, v0  }
0x290: {  	v42 =	vmov s25;
	(v2sf) =	vpush v18, $0xB  }
0x291: {  	v43 =	vshll.u32 v42, $0x3  }
0x292: {  	v22 =	vand.u32 $0x78, v42;
	v23 =	vand.u32 $0xFFFFFC00, v43  }
0x293: {  	s26 =	spop (v2sf);
	[tilespmem:v19+s15+$0x0] =	vst.idx.msk $0xffff, v20;
	v19 =	vor.u32 v22, v23  }
0x294: {  	s20 =	sand.u32 $0x7F, s26;
	v20 =	vld.idx.msk [tilespmem:v41+s4+$0x0], $0xffff;
	v19 =	vadd.s32 v1, v19  }
0x295: {  	s21 =	sadd.s32 $0xFFFFFFFA, s17;
	v44 =	vor.u32 s20, v0  }
0x296: {  	v45 =	vmov s21;
	(v2sf) =	vpush v18, $0xC  }
0x297: {  	v46 =	vshll.u32 v45, $0x3  }
0x298: {  	v22 =	vand.u32 $0x79, v45;
	v23 =	vand.u32 $0xFFFFFC00, v46  }
0x299: {  	s22 =	spop (v2sf);
	[tilespmem:v19+s15+$0x0] =	vst.idx.msk $0xffff, v20;
	v19 =	vor.u32 v22, v23  }
0x29a: {  	s20 =	sand.u32 $0x7F, s22;
	v20 =	vld.idx.msk [tilespmem:v44+s5+$0x0], $0xffff;
	v19 =	vadd.s32 v1, v19  }
0x29b: {  	s23 =	sadd.s32 $0xFFFFFFFB, s17;
	v47 =	vor.u32 s20, v0  }
0x29c: {  	v48 =	vmov s23;
	(v2sf) =	vpush v18, $0xD  }
0x29d: {  	v49 =	vshll.u32 v48, $0x3  }
0x29e: {  	v22 =	vand.u32 $0x7A, v48;
	v23 =	vand.u32 $0xFFFFFC00, v49  }
0x29f: {  	s24 =	spop (v2sf);
	[tilespmem:v19+s15+$0x0] =	vst.idx.msk $0xffff, v20;
	v19 =	vor.u32 v22, v23  }
0x2a0: {  	s20 =	sand.u32 $0x7F, s24;
	v20 =	vld.idx.msk [tilespmem:v47+s6+$0x0], $0xffff;
	v19 =	vadd.s32 v1, v19  }
0x2a1: {  	s25 =	sadd.s32 $0xFFFFFFFC, s17;
	v50 =	vor.u32 s20, v0  }
0x2a2: {  	v51 =	vmov s25;
	(v2sf) =	vpush v18, $0xE  }
0x2a3: {  	v52 =	vshll.u32 v51, $0x3  }
0x2a4: {  	v22 =	vand.u32 $0x7B, v51;
	v23 =	vand.u32 $0xFFFFFC00, v52  }
0x2a5: {  	s26 =	spop (v2sf);
	[tilespmem:v19+s15+$0x0] =	vst.idx.msk $0xffff, v20;
	v19 =	vor.u32 v22, v23  }
0x2a6: {  	s20 =	sand.u32 $0x7F, s26;
	v20 =	vld.idx.msk [tilespmem:v50+s7+$0x0], $0xffff;
	v19 =	vadd.s32 v1, v19  }
0x2a7: {  	s21 =	sadd.s32 $0xFFFFFFFD, s17;
	v53 =	vor.u32 s20, v0  }
0x2a8: {  	v54 =	vmov s21;
	(v2sf) =	vpush v18, $0xF  }
0x2a9: {  	v18 =	vshll.u32 v54, $0x3  }
0x2aa: {  	v18 =	vand.u32 $0xFFFFFC00, v18;
	v22 =	vand.u32 $0x7C, v54  }
0x2ab: {  	s22 =	spop (v2sf);
	v18 =	vor.u32 v22, v18;
	[tilespmem:v19+s15+$0x0] =	vst.idx.msk $0xffff, v20  }
0x2ac: {  	s20 =	sand.u32 $0x7F, s22;
	v18 =	vadd.s32 v1, v18;
	v19 =	vld.idx.msk [tilespmem:v53+s10+$0x0], $0xffff  }
0x2ad: {  	s23 =	sadd.s32 $0xFFFFFFFE, s17;
	v55 =	vor.u32 s20, v0  }
0x2ae: {  	v56 =	vmov s23  }
0x2af: {  	v57 =	vshll.u32 v56, $0x3  }
0x2b0: {  	v21 =	vand.u32 $0x7D, v56;
	v22 =	vand.u32 $0xFFFFFC00, v57  }
0x2b1: {  	s24 =	spop (v2sf);
	[tilespmem:v18+s15+$0x0] =	vst.idx.msk $0xffff, v19;
	v18 =	vor.u32 v21, v22  }
0x2b2: {  	s20 =	sand.u32 $0x7F, s24;
	v19 =	vld.idx.msk [tilespmem:v55+s11+$0x0], $0xffff;
	v18 =	vadd.s32 v1, v18  }
0x2b3: {  	s25 =	sadd.s32 $0xFFFFFFFF, s17;
	v58 =	vor.u32 s20, v0  }
0x2b4: {  	v59 =	vmov s25  }
0x2b5: {  	v60 =	vshll.u32 v59, $0x3  }
0x2b6: {  	v21 =	vand.u32 $0x7E, v59;
	v22 =	vand.u32 $0xFFFFFC00, v60  }
0x2b7: {  	s26 =	spop (v2sf);
	[tilespmem:v18+s15+$0x0] =	vst.idx.msk $0xffff, v19;
	v18 =	vor.u32 v21, v22  }
0x2b8: {  	s20 =	sand.u32 $0x7F, s26;
	v19 =	vld.idx.msk [tilespmem:v58+s12+$0x0], $0xffff;
	v18 =	vadd.s32 v1, v18  }
0x2b9: {  	v61 =	vor.u32 s20, v0  }
0x2ba: {  	v62 =	vmov s17  }
0x2bb: {  	v63 =	vshll.u32 v62, $0x3  }
0x2bc: {  	v21 =	vand.u32 $0x7F, v62;
	v22 =	vand.u32 $0xFFFFFC00, v63  }
0x2bd: {  	[tilespmem:v18+s15+$0x0] =	vst.idx.msk $0xffff, v19;
	v18 =	vor.u32 v21, v22  }
0x2be: {  	v19 =	vld.idx.msk [tilespmem:v61+s13+$0x0], $0xffff;
	v18 =	vadd.s32 v1, v18  }
.Ltmp5:
0x2bf: {  	_ = 	snop;
	(pc) =	sbr.rel .LBB2_5-.Ltmp5, $2  }
0x2c0: {  	_ =	sdelay $0x2  }
0x2c1: {  	[tilespmem:v18+s15+$0x0] =	vst.idx.msk $0xffff, v19  }
.LBB2_7:
0x2c2: {  	_ =	sfence.sel $0x180000  }
0x2c3: {  	[bflag:$0x0] =	sbarrier.arrive $0xFFFF  }
0x2c4: {  	_ =	strace $0x90000047  }
0x2c5: {  	s0 =	stileid.u32;
	[bflag:$0x2] =	sbarrier.arrive $0xFFFF  }
0x2c6: {  	p0 =	sne.s32 s0, $0x0;
	s0 =	rddreg [dreg:$0x3]  }
0x2c7: {  	s0 =	sadd.s32 @!p0 $0x100000, s0  }
0x2c8: {  	[sflag:s0] =	ssyncadd.tile.s32 @!p0 $0x1;
	_ =	shalt  }
.Lfunc_end2:
_tile_overlayer_lowered:
.L_overlay_start_2:
0x2c9: {  	(tag) =	ssettag $0x2  }
0x2ca: {  	s0 =	rddreg [dreg:$0x0];
	s2 =	stileid.u32  }
0x2cb: {  	s1 =	rddreg [dreg:$0x1];
	p0 =	sne.s32 s2, $0x0  }
0x2cc: {  	s3 =	rddreg [dreg:$0x2];
	[bflag:$0x3] =	sbarrier.arrive $0xFFFF;
	s2 =	simm.s32 @!p0 $0x1C03  }
0x2cd: {  	[timem:s3], [sflag:s2] =	dma.local @!p0 [hbm:s0], s1  }
0x2ce: {  	s0 =	simm.s32 @!p0 $0x3  }
0x2cf: {  	_ =	swait.ge @!p0 [sflag:s0], s1  }
0x2d0: {  	s1 =	ssub.s32 @!p0 $0x0, s1;
	[sflag:s0] =	ssyncset.done @!p0 $0x0  }
0x2d1: {  	[sflag:s0] =	ssyncadd.s32 @!p0 s1  }
0x2d2: {  	[bflag:$0x3] =	sbarrier.arrive $0xFFFF  }
0x2d3: {  	_ =	shalt  }

</sc_bundles>
